<compile_context>
chip_gen: v7x
topology: tpu7x:2x2x1
jax: 0.10.2.dev20260603
libtpu: 0.0.44.dev20260713+nightly
codegen_flags: <defaults>
</compile_context>

<pallas_src>
import functools

import jax
import jax.numpy as jnp
from jax import lax
from jax.experimental import pallas as pl
from jax.experimental.pallas import tpu as pltpu
from jax.experimental.pallas import tpu_sc as plsc

N = 10000
E = 320000
DIN = 128
DE = 16
H = 64
G = 512

NW = 32
EPW = 10240
NCHUNK = 80
E_EFF = NW * EPW
EBLK = 2048
NBLK = 1000
NACC = 10016
NPW = 313
NCHT = E // 128
NPADD = 10240
MAXROWS = 520

_f32 = jnp.float32



def _mm_bias_relu_k(x_ref, w_ref, b_ref, o_ref):
    o_ref[...] = jax.nn.relu(
        jnp.dot(x_ref[...], w_ref[...], preferred_element_type=_f32)
        + b_ref[...])


def _mm_k(x_ref, w_ref, o_ref):
    o_ref[...] = jnp.dot(x_ref[...], w_ref[...], preferred_element_type=_f32)


def _edge_k(xgs_ref, xgd_ref, ea_ref, we_ref, bw0_ref, bw1_ref, lw_ref,
            lb_ref, o_ref):
    xs = xgs_ref[...]
    xd = xgd_ref[...]
    bf = jnp.bfloat16
    xd16 = xd.astype(bf)
    ew = jnp.dot(ea_ref[...], we_ref[...], preferred_element_type=_f32)
    t0 = jnp.dot(xd16, bw0_ref[...].astype(bf), preferred_element_type=_f32)
    t1 = jnp.dot(xd16, bw1_ref[...].astype(bf), preferred_element_type=_f32)
    s0 = jnp.sum(t0 * xs, axis=1, keepdims=True)
    s1 = jnp.sum(t1 * xs, axis=1, keepdims=True)
    b_i = jnp.dot(xd16, lw_ref[0:H].astype(bf), preferred_element_type=_f32)
    b_e = jnp.dot(ew, lw_ref[H:2 * H], preferred_element_type=_f32)
    b_j = jnp.dot(xs, lw_ref[2 * H:3 * H], preferred_element_type=_f32)
    blk = ((b_i + b_e) + b_j) + lb_ref[...]
    a0 = jnp.tanh(s0 + blk[:, 0:1])
    a1 = jnp.tanh(s1 + blk[:, 1:2])
    col = lax.broadcasted_iota(jnp.int32, (EBLK, H), 1)
    o_ref[...] = jnp.maximum(xs, ew) * jnp.where(col < H // 2, a0, a1)


def _gate_k(x_ref, h_ref, wg_ref, bg_ref, o_ref):
    h = jax.nn.relu(h_ref[...])
    x = x_ref[...]
    u = ((jnp.dot(x, wg_ref[0:H], preferred_element_type=_f32)
          + jnp.dot(h, wg_ref[H:2 * H], preferred_element_type=_f32))
         + jnp.dot(x - h, wg_ref[2 * H:3 * H], preferred_element_type=_f32)
         + bg_ref[...])
    beta = jax.nn.sigmoid(u)
    o_ref[...] = beta * x + (1.0 - beta) * h


def _segsum_k(b_ref, x_ref, o_ref):
    @pl.when(pl.program_id(0) == 0)
    def _():
        o_ref[...] = jnp.zeros_like(o_ref)
    gids = lax.broadcasted_iota(jnp.int32, (G, NBLK), 0)
    maskt = jnp.where(gids == b_ref[0], 1.0, 0.0).astype(_f32)
    o_ref[...] += jnp.dot(maskt, x_ref[...], preferred_element_type=_f32,
                          precision=lax.Precision.HIGHEST)


def _att_k(mp_ref, sm_ref, f1_ref, f2_ref, o_ref):
    mx = mp_ref[0]
    for i in range(1, NW):
        mx = jnp.maximum(mx, mp_ref[i])
    mx = jnp.where(jnp.isfinite(mx), mx, 0.0)
    sm = sm_ref[...]
    f1 = f1_ref[...]
    f2 = f2_ref[...]
    y = jax.nn.sigmoid(
        jnp.dot(jax.nn.relu(jnp.dot(mx, f1, preferred_element_type=_f32)),
                f2, preferred_element_type=_f32)
        + jnp.dot(jax.nn.relu(jnp.dot(sm, f1, preferred_element_type=_f32)),
                  f2, preferred_element_type=_f32))
    o_ref[...] = y


def _apply_k(b_ref, x_ref, y_ref, o_ref):
    gids = lax.broadcasted_iota(jnp.int32, (NBLK, G), 1)
    mask = jnp.where(gids == b_ref[0], 1.0, 0.0).astype(_f32)
    o_ref[...] = x_ref[...] * jnp.dot(mask, y_ref[...],
                                      preferred_element_type=_f32,
                                      precision=lax.Precision.HIGHEST)


def _out_k(p_ref, wo_ref, bo_ref, o_ref):
    o_ref[...] = (jnp.dot(jax.nn.relu(p_ref[...]), wo_ref[...],
                          preferred_element_type=_f32) + bo_ref[...])


def _tc_call(body, grid, in_specs, out_specs, out_shape, par=True):
    return pl.pallas_call(
        body,
        grid=grid,
        in_specs=in_specs,
        out_specs=out_specs,
        out_shape=out_shape,
        compiler_params=pltpu.CompilerParams(
            dimension_semantics=(("parallel",) if par else ("arbitrary",))),
    )



@functools.lru_cache(maxsize=None)
def _sc_kernels():
    mesh = plsc.VectorSubcoreMesh(core_axis_name="c", subcore_axis_name="s",
                                  num_cores=2, num_subcores=16)

    @functools.partial(
        pl.kernel,
        out_type=(jax.ShapeDtypeStruct((E_EFF, H), _f32),
                  jax.ShapeDtypeStruct((E_EFF, H), _f32)),
        mesh=mesh,
        compiler_params=pltpu.CompilerParams(use_tc_tiling_on_sc=False, needs_layout_passes=False),
        scratch_types=[
            pltpu.VMEM((NCHUNK, 128), jnp.int32),
            pltpu.VMEM((NCHUNK, 128), jnp.int32),
            pltpu.VMEM((128, H), _f32),
            pltpu.VMEM((128, H), _f32),
            pltpu.SemaphoreType.DMA,
            pltpu.SemaphoreType.DMA,
        ],
    )
    def sc_gather(xw_hbm, srcg_hbm, dstg_hbm, ogs_hbm, ogd_hbm,
                  idx_s, idx_d, buf_s, buf_d, sem_s, sem_d):
        wid = lax.axis_index("s") * 2 + lax.axis_index("c")
        pltpu.sync_copy(srcg_hbm.at[wid], idx_s)
        pltpu.sync_copy(dstg_hbm.at[wid], idx_d)

        def body(j, carry):
            cs = pltpu.async_copy(xw_hbm.at[idx_s.at[j]], buf_s, sem_s)
            cd = pltpu.async_copy(xw_hbm.at[idx_d.at[j]], buf_d, sem_d)
            cs.wait()
            cd.wait()
            off = wid * EPW + j * 128
            pltpu.sync_copy(buf_s, ogs_hbm.at[pl.ds(off, 128)])
            pltpu.sync_copy(buf_d, ogd_hbm.at[pl.ds(off, 128)])
            return carry

        lax.fori_loop(0, NCHUNK, body, 0)

    @functools.partial(
        pl.kernel,
        out_type=jax.ShapeDtypeStruct((NACC, H), _f32),
        mesh=mesh,
        compiler_params=pltpu.CompilerParams(use_tc_tiling_on_sc=False, needs_layout_passes=False),
        scratch_types=[
            pltpu.VMEM((128,), jnp.int32),
            pltpu.VMEM((NW,), jnp.int32),
            pltpu.VMEM((NW,), jnp.int32),
            pltpu.VMEM((128, H), _f32),
            pltpu.VMEM((320, H), _f32),
        ],
    )
    def sc_scatter(msg_hbm, ds2d_hbm, a0s_hbm, kws_hbm, hp_hbm,
                   dsbuf, a0v, kwv, buf, macc):
        cid = lax.axis_index("c")
        sid = lax.axis_index("s")
        wid = sid * 2 + cid

        z16 = jnp.zeros((16,), _f32)

        def zero_row(r, carry):
            for c in range(H // 16):
                macc[r, pl.ds(c * 16, 16)] = z16
            return carry

        lax.fori_loop(0, 320, zero_row, 0)

        pltpu.sync_copy(a0s_hbm, a0v)
        pltpu.sync_copy(kws_hbm, kwv)
        widv = jnp.zeros((16,), jnp.int32) + wid
        a0 = jnp.max(plsc.load_gather(a0v, [widv]))
        kw = jnp.max(plsc.load_gather(kwv, [widv]))
        lo = wid * NPW
        hi = jnp.minimum(lo + NPW, N)
        iota16 = lax.iota(jnp.int32, 16)

        def body(j, carry):
            g = a0 + j
            pltpu.sync_copy(ds2d_hbm.at[g], dsbuf)
            pltpu.sync_copy(msg_hbm.at[pl.ds(g * 128, 128)], buf)

            def row(r, carry2):
                gv = plsc.load_gather(dsbuf, [jnp.zeros((16,), jnp.int32) + r])
                ok = (gv >= lo) & (gv < hi)
                li = jnp.where(ok, gv - lo, 316)
                for c in range(H // 16):
                    xv = buf[r, pl.ds(c * 16, 16)]
                    colc = iota16 + c * 16
                    cur = plsc.load_gather(macc, [li, colc])
                    plsc.store_scatter(macc, [li, colc], cur + xv)
                return carry2

            lax.fori_loop(0, 128, row, 0)
            return carry

        lax.fori_loop(0, kw, body, 0)
        pltpu.sync_copy(macc.at[pl.ds(0, NPW)], hp_hbm.at[pl.ds(lo, NPW)])

    @functools.partial(
        pl.kernel,
        out_type=jax.ShapeDtypeStruct((E_EFF, DE), _f32),
        mesh=mesh,
        compiler_params=pltpu.CompilerParams(use_tc_tiling_on_sc=False, needs_layout_passes=False),
        scratch_types=[
            pltpu.VMEM((NCHUNK, 128), jnp.int32),
            pltpu.VMEM((128, DE), _f32),
            pltpu.SemaphoreType.DMA,
        ],
    )
    def sc_gather16(tab_hbm, idx_hbm, og_hbm, idx_v, buf, sem):
        wid = lax.axis_index("s") * 2 + lax.axis_index("c")
        pltpu.sync_copy(idx_hbm.at[wid], idx_v)

        def body(j, carry):
            pltpu.async_copy(tab_hbm.at[idx_v.at[j]], buf, sem).wait()
            off = wid * EPW + j * 128
            pltpu.sync_copy(buf, og_hbm.at[pl.ds(off, 128)])
            return carry

        lax.fori_loop(0, NCHUNK, body, 0)

    @functools.partial(
        pl.kernel,
        out_type=jax.ShapeDtypeStruct((NW, G, H), _f32),
        mesh=mesh,
        compiler_params=pltpu.CompilerParams(use_tc_tiling_on_sc=False, needs_layout_passes=False),
        scratch_types=[
            pltpu.VMEM((320, H), _f32),
            pltpu.VMEM((320,), jnp.int32),
            pltpu.VMEM((MAXROWS, H), _f32),
        ],
    )
    def sc_segmax(xg_hbm, batch_hbm, out_hbm, xbuf, bbuf, macc):
        cid = lax.axis_index("c")
        sid = lax.axis_index("s")
        wid = sid * 2 + cid
        lo = wid * 320
        pltpu.sync_copy(xg_hbm.at[pl.ds(lo, 320)], xbuf)
        pltpu.sync_copy(batch_hbm.at[pl.ds(lo, 320)], bbuf)

        ninf = jnp.full((16,), -jnp.inf, _f32)

        def init_row(r, carry):
            for c in range(H // 16):
                macc[r, pl.ds(c * 16, 16)] = ninf
            return carry

        lax.fori_loop(0, MAXROWS, init_row, 0)

        iota16 = lax.iota(jnp.int32, 16)

        def body(i, carry):
            gv = plsc.load_gather(bbuf, [jnp.zeros((16,), jnp.int32) + i])
            for c in range(H // 16):
                xv = xbuf[i, pl.ds(c * 16, 16)]
                idxc = iota16 + c * 16
                cur = plsc.load_gather(macc, [gv, idxc])
                plsc.store_scatter(macc, [gv, idxc], jnp.maximum(cur, xv))
            return carry

        lax.fori_loop(0, 320, body, 0)
        pltpu.sync_copy(macc.at[pl.ds(0, G)], out_hbm.at[wid])

    return sc_gather, sc_scatter, sc_gather16, sc_segmax


def _sc_gather(xw, srcg, dstg):
    return _sc_kernels()[0](xw, srcg, dstg)


def _sc_scatter(msg, ds2d, a0s, kws):
    return _sc_kernels()[1](msg, ds2d, a0s, kws)


def _sc_gather16(tab, idx):
    return _sc_kernels()[2](tab, idx)


def _sc_segmax(xg_pad, batch_pad):
    return _sc_kernels()[3](xg_pad, batch_pad)



def _full(shape):
    return pl.BlockSpec(shape, lambda i: tuple(0 for _ in shape))


def kernel(x, edge_index, edge_attr, batch, params):
    src = edge_index[0]
    dst = edge_index[1]
    pad = E_EFF - E
    zpad = jnp.zeros((pad,), jnp.int32)
    se = jnp.argsort(dst, stable=True).astype(jnp.int32)
    ds = jnp.take(dst, se)
    ss = jnp.take(src, se)
    srcg = jnp.concatenate([ss, zpad]).reshape(NW, NCHUNK, 128)
    dstg = jnp.concatenate([ds, zpad]).reshape(NW, NCHUNK, 128)
    seg = jnp.concatenate([se, zpad]).reshape(NW, NCHUNK, 128)
    ds2d = ds.reshape(NCHT, 128)
    bounds = jnp.searchsorted(
        ds, (jnp.arange(NW + 1) * NPW).clip(0, N).astype(jnp.int32)
    ).astype(jnp.int32)
    a0s = bounds[:NW] // 128
    kws = (bounds[1:] + 127) // 128 - a0s
    ea_in = _sc_gather16(edge_attr, seg)
    batch_pad = jnp.pad(batch, (0, NPADD - N), constant_values=G)
    batch_r = batch.reshape(N // NBLK, 1, NBLK)
    batch_c = batch.reshape(N // NBLK, NBLK, 1)

    p = params
    ng = N // NBLK
    eg = E_EFF // EBLK

    nblk_spec = pl.BlockSpec((NBLK, H), lambda i: (i, 0))
    eblk_spec = pl.BlockSpec((EBLK, H), lambda i: (i, 0))

    x1 = _tc_call(
        _mm_bias_relu_k, (ng,),
        [pl.BlockSpec((NBLK, DIN), lambda i: (i, 0)), _full((DIN, H)),
         _full((1, H))],
        nblk_spec, jax.ShapeDtypeStruct((N, H), _f32),
    )(x, p["Wa"], p["ba"].reshape(1, H))

    ea = _tc_call(
        _mm_bias_relu_k, (eg,),
        [pl.BlockSpec((EBLK, DE), lambda i: (i, 0)), _full((DE, H)),
         _full((1, H))],
        eblk_spec, jax.ShapeDtypeStruct((E_EFF, H), _f32),
    )(ea_in, p["Wb"], p["bb"].reshape(1, H))

    xcur = x1
    for lp in p["layers"]:
        xw = _tc_call(
            _mm_k, (ng,), [nblk_spec, _full((H, H))],
            nblk_spec, jax.ShapeDtypeStruct((N, H), _f32),
        )(xcur, lp["wn"])

        xgs, xgd = _sc_gather(xw, srcg, dstg)

        msg = _tc_call(
            _edge_k, (eg,),
            [eblk_spec, eblk_spec, eblk_spec, _full((H, H)), _full((H, H)),
             _full((H, H)), _full((3 * H, 2)), _full((1, 2))],
            eblk_spec, jax.ShapeDtypeStruct((E_EFF, H), _f32),
        )(xgs, xgd, ea, lp["we"], lp["bw"][0], lp["bw"][1], lp["lw"],
          lp["lb"].reshape(1, 2))

        hp = _sc_scatter(msg, ds2d, a0s, kws)

        xg = _tc_call(
            _gate_k, (ng,),
            [nblk_spec, pl.BlockSpec((NBLK, H), lambda i: (i, 0)),
             _full((3 * H, H)), _full((1, H))],
            nblk_spec, jax.ShapeDtypeStruct((N, H), _f32),
        )(xcur, hp, p["Wg"], p["bg"].reshape(1, H))

        xg_pad = jnp.pad(xg, ((0, NPADD - N), (0, 0)))
        mp = _sc_segmax(xg_pad, batch_pad)

        sm = _tc_call(
            _segsum_k, (ng,),
            [pl.BlockSpec((1, 1, NBLK), lambda i: (i, 0, 0)), nblk_spec],
            _full((G, H)), jax.ShapeDtypeStruct((G, H), _f32), par=False,
        )(batch_r, xg)

        y = _tc_call(
            _att_k, (1,),
            [_full((NW, G, H)), _full((G, H)), _full((H, H // 4)),
             _full((H // 4, H))],
            _full((G, H)), jax.ShapeDtypeStruct((G, H), _f32),
        )(mp, sm, p["F1"], p["F2"])

        xcur = _tc_call(
            _apply_k, (ng,),
            [pl.BlockSpec((1, NBLK, 1), lambda i: (i, 0, 0)), nblk_spec,
             _full((G, H))],
            nblk_spec, jax.ShapeDtypeStruct((N, H), _f32),
        )(batch_c, xg, y)

    pool = _tc_call(
        _segsum_k, (ng,),
        [pl.BlockSpec((1, 1, NBLK), lambda i: (i, 0, 0)), nblk_spec],
        _full((G, H)), jax.ShapeDtypeStruct((G, H), _f32), par=False,
    )(batch_r, xcur)

    out = _tc_call(
        _out_k, (1,),
        [_full((G, H)), _full((H, 1)), _full((1, 1))],
        _full((G, 1)), jax.ShapeDtypeStruct((G, 1), _f32),
    )(pool, p["Wo"], p["bo"].reshape(1, 1))
    return out

# --- scband reference (transcript-rebuilt; emitter-appended) ---
"""Pipeline reference for scband-hi-gnn-48979807043681 (READ-ONLY COPY).

The authoritative reference and input builder live on the scoring server;
editing this copy changes nothing except your own understanding.
"""

import jax, jax.numpy as jnp
import numpy as np

N = 10000; E = 320000; DIN = 128; DE = 16; H = 64; S = 2; NL = 3; G = 512; DOUT = 1


def _glorot(key, shape):
    fan_in = shape[-2] if len(shape) >= 2 else shape[0]
    fan_out = shape[-1]
    limit = (6.0 / (fan_in + fan_out)) ** 0.5
    return jax.random.uniform(key, shape, jnp.float32, -limit, limit)


def setup_inputs(seed: int = 0) -> dict:
    key = jax.random.key(seed)
    ks = iter(jax.random.split(key, 64))
    x = jax.random.normal(next(ks), (N, DIN), dtype=jnp.float32)
    edge_index = jax.random.randint(next(ks), (2, E), 0, N, dtype=jnp.int32)
    edge_attr = jax.random.normal(next(ks), (E, DE), dtype=jnp.float32)
    batch = jnp.sort(jax.random.randint(next(ks), (N,), 0, G, dtype=jnp.int32))
    params = {
        "Wa": _glorot(next(ks), (DIN, H)), "ba": jnp.zeros((H,), jnp.float32),
        "Wb": _glorot(next(ks), (DE, H)), "bb": jnp.zeros((H,), jnp.float32),
        "layers": [
            {"wn": _glorot(next(ks), (H, H)),
             "we": _glorot(next(ks), (H, H)),
             "bw": _glorot(next(ks), (S, H, H)),
             "lw": _glorot(next(ks), (3 * H, S)),
             "lb": jnp.zeros((S,), jnp.float32)} for _ in range(NL)
        ],
        "Wg": _glorot(next(ks), (3 * H, H)), "bg": jnp.zeros((H,), jnp.float32),
        "F1": _glorot(next(ks), (H, H // 4)), "F2": _glorot(next(ks), (H // 4, H)),
        "Wo": _glorot(next(ks), (H, DOUT)), "bo": jnp.zeros((DOUT,), jnp.float32),
    }
    return {"x": x, "edge_index": edge_index, "edge_attr": edge_attr, "batch": batch, "params": params}


def _ntn_conv(x, edge_index, ea, p):
    # NTNConv: x' = x @ weight_node ; e' = e @ weight_edge
    xw = x @ p["wn"]
    ew = ea @ p["we"]
    src = edge_index[0]
    dst = edge_index[1]
    x_j = jnp.take(xw, src, axis=0)   # source/neighbor features (gather)
    x_i = jnp.take(xw, dst, axis=0)   # destination features (gather)
    # torch.nn.Bilinear(out,in1,in2) -> out[e,s] = sum_ij x_i[e,i] W[s,i,j] x_j[e,j]
    score = jnp.einsum('ed,sdf,ef->es', x_i, p["bw"], x_j)
    vec = jnp.concatenate([x_i, ew, x_j], axis=1)
    block = vec @ p["lw"] + p["lb"]
    alpha = jnp.tanh(score + block)   # dropout p=0.0 / eval mode -> identity
    m = jnp.maximum(x_j, ew).reshape(-1, S, H // S)
    msg = (m * alpha[:, :, None]).reshape(-1, H)
    # aggr='add' over destination nodes (scatter-add)
    return jax.ops.segment_sum(msg, dst, num_segments=x.shape[0])


def _feature_att(x, batch, F1, F2):
    mx = jax.ops.segment_max(x, batch, num_segments=G)
    mx = jnp.where(jnp.isfinite(mx), mx, 0.0)  # empty segments -> 0 (torch_scatter fills 0)
    sm = jax.ops.segment_sum(x, batch, num_segments=G)
    y = jax.nn.sigmoid(jax.nn.relu(mx @ F1) @ F2 + jax.nn.relu(sm @ F1) @ F2)
    return x * jnp.take(y, batch, axis=0)


def _forward(x, edge_attr, params, edge_index, batch):
    x = jax.nn.relu(x @ params["Wa"] + params["ba"])
    ea = jax.nn.relu(edge_attr @ params["Wb"] + params["bb"])
    for p in params["layers"]:
        h = jax.nn.relu(_ntn_conv(x, edge_index, ea, p))
        beta = jax.nn.sigmoid(jnp.concatenate([x, h, x - h], axis=1) @ params["Wg"] + params["bg"])
        x = beta * x + (1.0 - beta) * h
        x = _feature_att(x, batch, params["F1"], params["F2"])  # f_att=True
    mol = jax.nn.relu(jax.ops.segment_sum(x, batch, num_segments=G))  # global_add_pool
    # brics=False, cl=False branch; dropout p=0.0 -> identity
    return mol @ params["Wo"] + params["bo"]


def reference(x, edge_index, edge_attr, batch, params):
    return _forward(x, edge_attr, params, edge_index, batch)

if __name__ == "__main__":
    import jax
    _d = setup_inputs()
    print(jax.jit(kernel)(*tuple(_d.values())))

</pallas_src>

<mosaic_0001>
#map = affine_map<(d0, d1) -> (0, 0)>
#map1 = affine_map<(d0, d1) -> (0, 0, 0)>
module attributes {stable_mosaic.version = 14 : i64} {
  func.func @sc_gather(%arg0: i32, %arg1: i32, %arg2: memref<10000x64xf32, #tpu.memory_space<hbm>>, %arg3: memref<32x80x128xi32, #tpu.memory_space<hbm>>, %arg4: memref<32x80x128xi32, #tpu.memory_space<hbm>>, %arg5: memref<327680x64xf32, #tpu.memory_space<hbm>>, %arg6: memref<327680x64xf32, #tpu.memory_space<hbm>>, %arg7: memref<80x128xi32, #tpu.memory_space<vmem>>, %arg8: memref<80x128xi32, #tpu.memory_space<vmem>>, %arg9: memref<128x64xf32, #tpu.memory_space<vmem>>, %arg10: memref<128x64xf32, #tpu.memory_space<vmem>>, %arg11: memref<!tpu.dma_semaphore, #tpu.memory_space<semaphore_mem>>, %arg12: memref<!tpu.dma_semaphore, #tpu.memory_space<semaphore_mem>>) attributes {dimension_semantics = [#tpu.dimension_semantics<core_parallel>, #tpu.dimension_semantics<subcore_parallel>], iteration_bounds = array<i64: 2, 16>, scalar_prefetch = 0 : i64, scratch_operands = 6 : i64, tpu.core_type = #tpu.core_type<sc_vector_subcore>, window_params = [{transform_indices = #map}, {transform_indices = #map1}, {transform_indices = #map1}, {transform_indices = #map}, {transform_indices = #map}]} {
    %mul3A = arith.constant 2 : i32
    %mul3A_0 = arith.muli %arg1, %mul3A : i32
    %add3A = arith.addi %mul3A_0, %arg0 : i32
    "tpu.region"() ({
      %run_scoped3A = tpu.sem_alloc : memref<!tpu.dma_semaphore, #tpu.memory_space<semaphore_mem>>
      %dma_start3A = arith.constant 0 : i32
      %dma_start3A_6 = arith.constant 0 : i32
      %dma_start3A_7 = tpu.memref_slice %arg3[%add3A, %dma_start3A, %dma_start3A_6] : memref<32x80x128xi32, #tpu.memory_space<hbm>> -> memref<1x80x128xi32, #tpu.memory_space<hbm>>
      %dma_start3A_8 = tpu.memref_squeeze %dma_start3A_7 : memref<1x80x128xi32, #tpu.memory_space<hbm>> -> memref<80x128xi32, #tpu.memory_space<hbm>>
      %dma_start3A_9 = arith.constant 0 : i32
      %dma_start3A_10 = arith.constant 0 : i32
      %dma_start3A_11 = tpu.memref_slice %arg3[%add3A, %dma_start3A_9, %dma_start3A_10] : memref<32x80x128xi32, #tpu.memory_space<hbm>> -> memref<1x80x128xi32, #tpu.memory_space<hbm>>
      %dma_start3A_12 = tpu.memref_squeeze %dma_start3A_11 : memref<1x80x128xi32, #tpu.memory_space<hbm>> -> memref<80x128xi32, #tpu.memory_space<hbm>>
      tpu.enqueue_dma source(%dma_start3A_12 : memref<80x128xi32, #tpu.memory_space<hbm>>) target(%arg7 : memref<80x128xi32, #tpu.memory_space<vmem>>) target_semaphore(%run_scoped3A : memref<!tpu.dma_semaphore, #tpu.memory_space<semaphore_mem>>)
      %dma_wait3A = arith.constant 0 : i32
      %dma_wait3A_13 = arith.constant 0 : i32
      %dma_wait3A_14 = tpu.memref_slice %arg3[%add3A, %dma_wait3A, %dma_wait3A_13] : memref<32x80x128xi32, #tpu.memory_space<hbm>> -> memref<1x80x128xi32, #tpu.memory_space<hbm>>
      %dma_wait3A_15 = tpu.memref_squeeze %dma_wait3A_14 : memref<1x80x128xi32, #tpu.memory_space<hbm>> -> memref<80x128xi32, #tpu.memory_space<hbm>>
      %dma_wait3A_16 = arith.constant 0 : i32
      %dma_wait3A_17 = arith.constant 0 : i32
      %dma_wait3A_18 = tpu.memref_slice %arg3[%add3A, %dma_wait3A_16, %dma_wait3A_17] : memref<32x80x128xi32, #tpu.memory_space<hbm>> -> memref<1x80x128xi32, #tpu.memory_space<hbm>>
      %dma_wait3A_19 = tpu.memref_squeeze %dma_wait3A_18 : memref<1x80x128xi32, #tpu.memory_space<hbm>> -> memref<80x128xi32, #tpu.memory_space<hbm>>
      tpu.wait_dma2 semaphore(%run_scoped3A : memref<!tpu.dma_semaphore, #tpu.memory_space<semaphore_mem>>) src(%dma_wait3A_19 : memref<80x128xi32, #tpu.memory_space<hbm>>) dst(%arg7 : memref<80x128xi32, #tpu.memory_space<vmem>>)
      tpu.yield
    }) : () -> ()
    "tpu.region"() ({
      %run_scoped3A = tpu.sem_alloc : memref<!tpu.dma_semaphore, #tpu.memory_space<semaphore_mem>>
      %dma_start3A = arith.constant 0 : i32
      %dma_start3A_6 = arith.constant 0 : i32
      %dma_start3A_7 = tpu.memref_slice %arg4[%add3A, %dma_start3A, %dma_start3A_6] : memref<32x80x128xi32, #tpu.memory_space<hbm>> -> memref<1x80x128xi32, #tpu.memory_space<hbm>>
      %dma_start3A_8 = tpu.memref_squeeze %dma_start3A_7 : memref<1x80x128xi32, #tpu.memory_space<hbm>> -> memref<80x128xi32, #tpu.memory_space<hbm>>
      %dma_start3A_9 = arith.constant 0 : i32
      %dma_start3A_10 = arith.constant 0 : i32
      %dma_start3A_11 = tpu.memref_slice %arg4[%add3A, %dma_start3A_9, %dma_start3A_10] : memref<32x80x128xi32, #tpu.memory_space<hbm>> -> memref<1x80x128xi32, #tpu.memory_space<hbm>>
      %dma_start3A_12 = tpu.memref_squeeze %dma_start3A_11 : memref<1x80x128xi32, #tpu.memory_space<hbm>> -> memref<80x128xi32, #tpu.memory_space<hbm>>
      tpu.enqueue_dma source(%dma_start3A_12 : memref<80x128xi32, #tpu.memory_space<hbm>>) target(%arg8 : memref<80x128xi32, #tpu.memory_space<vmem>>) target_semaphore(%run_scoped3A : memref<!tpu.dma_semaphore, #tpu.memory_space<semaphore_mem>>)
      %dma_wait3A = arith.constant 0 : i32
      %dma_wait3A_13 = arith.constant 0 : i32
      %dma_wait3A_14 = tpu.memref_slice %arg4[%add3A, %dma_wait3A, %dma_wait3A_13] : memref<32x80x128xi32, #tpu.memory_space<hbm>> -> memref<1x80x128xi32, #tpu.memory_space<hbm>>
      %dma_wait3A_15 = tpu.memref_squeeze %dma_wait3A_14 : memref<1x80x128xi32, #tpu.memory_space<hbm>> -> memref<80x128xi32, #tpu.memory_space<hbm>>
      %dma_wait3A_16 = arith.constant 0 : i32
      %dma_wait3A_17 = arith.constant 0 : i32
      %dma_wait3A_18 = tpu.memref_slice %arg4[%add3A, %dma_wait3A_16, %dma_wait3A_17] : memref<32x80x128xi32, #tpu.memory_space<hbm>> -> memref<1x80x128xi32, #tpu.memory_space<hbm>>
      %dma_wait3A_19 = tpu.memref_squeeze %dma_wait3A_18 : memref<1x80x128xi32, #tpu.memory_space<hbm>> -> memref<80x128xi32, #tpu.memory_space<hbm>>
      tpu.wait_dma2 semaphore(%run_scoped3A : memref<!tpu.dma_semaphore, #tpu.memory_space<semaphore_mem>>) src(%dma_wait3A_19 : memref<80x128xi32, #tpu.memory_space<hbm>>) dst(%arg8 : memref<80x128xi32, #tpu.memory_space<vmem>>)
      tpu.yield
    }) : () -> ()
    %scan3A = arith.constant 0 : i32
    %scan3A_1 = arith.constant 0 : i32
    %scan3A_2 = arith.constant 80 : i32
    %scan3A_3 = arith.addi %scan3A_1, %scan3A_2 : i32
    %scan3A_4 = arith.constant 1 : i32
    scf.for %scan3A_6 = %scan3A_1 to %scan3A_3 step %scan3A_4  : i32 {
      %dma_start3A = arith.constant 0 : i32
      %dma_start3A_7 = tpu.memref_slice %arg7[%scan3A_6, %dma_start3A] : memref<80x128xi32, #tpu.memory_space<vmem>> -> memref<1x128xi32, #tpu.memory_space<vmem>>
      %dma_start3A_8 = tpu.memref_squeeze %dma_start3A_7 : memref<1x128xi32, #tpu.memory_space<vmem>> -> memref<128xi32, #tpu.memory_space<vmem>>
      %dma_start3A_9 = arith.constant 0 : i32
      %dma_start3A_10 = arith.constant 0 : i32
      %dma_start3A_11 = tpu.memref_slice %arg2[%dma_start3A_9, %dma_start3A_10] : memref<10000x64xf32, #tpu.memory_space<hbm>> -> memref<10000x64xf32, #tpu.memory_space<hbm>>
      tpu.enqueue_indirect_dma source(%dma_start3A_11 : memref<10000x64xf32, #tpu.memory_space<hbm>>) target(%arg9 : memref<128x64xf32, #tpu.memory_space<vmem>>) offsets(%dma_start3A_8 : memref<128xi32, #tpu.memory_space<vmem>>) semaphore(%arg11 : memref<!tpu.dma_semaphore, #tpu.memory_space<semaphore_mem>>)
      %dma_start3A_12 = arith.constant 0 : i32
      %dma_start3A_13 = tpu.memref_slice %arg8[%scan3A_6, %dma_start3A_12] : memref<80x128xi32, #tpu.memory_space<vmem>> -> memref<1x128xi32, #tpu.memory_space<vmem>>
      %dma_start3A_14 = tpu.memref_squeeze %dma_start3A_13 : memref<1x128xi32, #tpu.memory_space<vmem>> -> memref<128xi32, #tpu.memory_space<vmem>>
      %dma_start3A_15 = arith.constant 0 : i32
      %dma_start3A_16 = arith.constant 0 : i32
      %dma_start3A_17 = tpu.memref_slice %arg2[%dma_start3A_15, %dma_start3A_16] : memref<10000x64xf32, #tpu.memory_space<hbm>> -> memref<10000x64xf32, #tpu.memory_space<hbm>>
      tpu.enqueue_indirect_dma source(%dma_start3A_17 : memref<10000x64xf32, #tpu.memory_space<hbm>>) target(%arg10 : memref<128x64xf32, #tpu.memory_space<vmem>>) offsets(%dma_start3A_14 : memref<128xi32, #tpu.memory_space<vmem>>) semaphore(%arg12 : memref<!tpu.dma_semaphore, #tpu.memory_space<semaphore_mem>>)
      %dma_wait3A = arith.constant 0 : i32
      %dma_wait3A_18 = tpu.memref_slice %arg7[%scan3A_6, %dma_wait3A] : memref<80x128xi32, #tpu.memory_space<vmem>> -> memref<1x128xi32, #tpu.memory_space<vmem>>
      %dma_wait3A_19 = tpu.memref_squeeze %dma_wait3A_18 : memref<1x128xi32, #tpu.memory_space<vmem>> -> memref<128xi32, #tpu.memory_space<vmem>>
      %dma_wait3A_20 = arith.constant 0 : i32
      %dma_wait3A_21 = arith.constant 0 : i32
      %dma_wait3A_22 = tpu.memref_slice %arg2[%dma_wait3A_20, %dma_wait3A_21] : memref<10000x64xf32, #tpu.memory_space<hbm>> -> memref<10000x64xf32, #tpu.memory_space<hbm>>
      tpu.wait_indirect_dma semaphore(%arg11 : memref<!tpu.dma_semaphore, #tpu.memory_space<semaphore_mem>>) src(%dma_wait3A_22 : memref<10000x64xf32, #tpu.memory_space<hbm>>) dst(%arg9 : memref<128x64xf32, #tpu.memory_space<vmem>>)
      %dma_wait3A_23 = arith.constant 0 : i32
      %dma_wait3A_24 = tpu.memref_slice %arg8[%scan3A_6, %dma_wait3A_23] : memref<80x128xi32, #tpu.memory_space<vmem>> -> memref<1x128xi32, #tpu.memory_space<vmem>>
      %dma_wait3A_25 = tpu.memref_squeeze %dma_wait3A_24 : memref<1x128xi32, #tpu.memory_space<vmem>> -> memref<128xi32, #tpu.memory_space<vmem>>
      %dma_wait3A_26 = arith.constant 0 : i32
      %dma_wait3A_27 = arith.constant 0 : i32
      %dma_wait3A_28 = tpu.memref_slice %arg2[%dma_wait3A_26, %dma_wait3A_27] : memref<10000x64xf32, #tpu.memory_space<hbm>> -> memref<10000x64xf32, #tpu.memory_space<hbm>>
      tpu.wait_indirect_dma semaphore(%arg12 : memref<!tpu.dma_semaphore, #tpu.memory_space<semaphore_mem>>) src(%dma_wait3A_28 : memref<10000x64xf32, #tpu.memory_space<hbm>>) dst(%arg10 : memref<128x64xf32, #tpu.memory_space<vmem>>)
      %mul3A_29 = arith.constant 10240 : i32
      %mul3A_30 = arith.muli %add3A, %mul3A_29 : i32
      %mul3A_31 = arith.constant 128 : i32
      %mul3A_32 = arith.muli %scan3A_6, %mul3A_31 : i32
      %add3A_33 = arith.addi %mul3A_30, %mul3A_32 : i32
      "tpu.region"() ({
        %run_scoped3A = tpu.sem_alloc : memref<!tpu.dma_semaphore, #tpu.memory_space<semaphore_mem>>
        %dma_start3A_34 = arith.constant 0 : i32
        %dma_start3A_35 = tpu.memref_slice %arg5[%add3A_33, %dma_start3A_34] : memref<327680x64xf32, #tpu.memory_space<hbm>> -> memref<128x64xf32, #tpu.memory_space<hbm>>
        %dma_start3A_36 = arith.constant 0 : i32
        %dma_start3A_37 = tpu.memref_slice %arg5[%add3A_33, %dma_start3A_36] : memref<327680x64xf32, #tpu.memory_space<hbm>> -> memref<128x64xf32, #tpu.memory_space<hbm>>
        tpu.enqueue_dma source(%arg9 : memref<128x64xf32, #tpu.memory_space<vmem>>) target(%dma_start3A_37 : memref<128x64xf32, #tpu.memory_space<hbm>>) target_semaphore(%run_scoped3A : memref<!tpu.dma_semaphore, #tpu.memory_space<semaphore_mem>>)
        %dma_wait3A_38 = arith.constant 0 : i32
        %dma_wait3A_39 = tpu.memref_slice %arg5[%add3A_33, %dma_wait3A_38] : memref<327680x64xf32, #tpu.memory_space<hbm>> -> memref<128x64xf32, #tpu.memory_space<hbm>>
        %dma_wait3A_40 = arith.constant 0 : i32
        %dma_wait3A_41 = tpu.memref_slice %arg5[%add3A_33, %dma_wait3A_40] : memref<327680x64xf32, #tpu.memory_space<hbm>> -> memref<128x64xf32, #tpu.memory_space<hbm>>
        tpu.wait_dma2 semaphore(%run_scoped3A : memref<!tpu.dma_semaphore, #tpu.memory_space<semaphore_mem>>) src(%arg9 : memref<128x64xf32, #tpu.memory_space<vmem>>) dst(%dma_wait3A_41 : memref<128x64xf32, #tpu.memory_space<hbm>>)
        tpu.yield
      }) : () -> ()
      "tpu.region"() ({
        %run_scoped3A = tpu.sem_alloc : memref<!tpu.dma_semaphore, #tpu.memory_space<semaphore_mem>>
        %dma_start3A_34 = arith.constant 0 : i32
        %dma_start3A_35 = tpu.memref_slice %arg6[%add3A_33, %dma_start3A_34] : memref<327680x64xf32, #tpu.memory_space<hbm>> -> memref<128x64xf32, #tpu.memory_space<hbm>>
        %dma_start3A_36 = arith.constant 0 : i32
        %dma_start3A_37 = tpu.memref_slice %arg6[%add3A_33, %dma_start3A_36] : memref<327680x64xf32, #tpu.memory_space<hbm>> -> memref<128x64xf32, #tpu.memory_space<hbm>>
        tpu.enqueue_dma source(%arg10 : memref<128x64xf32, #tpu.memory_space<vmem>>) target(%dma_start3A_37 : memref<128x64xf32, #tpu.memory_space<hbm>>) target_semaphore(%run_scoped3A : memref<!tpu.dma_semaphore, #tpu.memory_space<semaphore_mem>>)
        %dma_wait3A_38 = arith.constant 0 : i32
        %dma_wait3A_39 = tpu.memref_slice %arg6[%add3A_33, %dma_wait3A_38] : memref<327680x64xf32, #tpu.memory_space<hbm>> -> memref<128x64xf32, #tpu.memory_space<hbm>>
        %dma_wait3A_40 = arith.constant 0 : i32
        %dma_wait3A_41 = tpu.memref_slice %arg6[%add3A_33, %dma_wait3A_40] : memref<327680x64xf32, #tpu.memory_space<hbm>> -> memref<128x64xf32, #tpu.memory_space<hbm>>
        tpu.wait_dma2 semaphore(%run_scoped3A : memref<!tpu.dma_semaphore, #tpu.memory_space<semaphore_mem>>) src(%arg10 : memref<128x64xf32, #tpu.memory_space<vmem>>) dst(%dma_wait3A_41 : memref<128x64xf32, #tpu.memory_space<hbm>>)
        tpu.yield
      }) : () -> ()
    }
    %scan3A_5 = arith.constant 80 : i32
    return
  }
}

#map = affine_map<(d0, d1) -> (0, 0)>
#map1 = affine_map<(d0, d1) -> (0, 0, 0)>
module attributes {stable_mosaic.version = 14 : i64} {
  func.func @sc_gather16(%arg0: i32, %arg1: i32, %arg2: memref<320000x16xf32, #tpu.memory_space<hbm>>, %arg3: memref<32x80x128xi32, #tpu.memory_space<hbm>>, %arg4: memref<327680x16xf32, #tpu.memory_space<hbm>>, %arg5: memref<80x128xi32, #tpu.memory_space<vmem>>, %arg6: memref<128x16xf32, #tpu.memory_space<vmem>>, %arg7: memref<!tpu.dma_semaphore, #tpu.memory_space<semaphore_mem>>) attributes {dimension_semantics = [#tpu.dimension_semantics<core_parallel>, #tpu.dimension_semantics<subcore_parallel>], iteration_bounds = array<i64: 2, 16>, scalar_prefetch = 0 : i64, scratch_operands = 3 : i64, tpu.core_type = #tpu.core_type<sc_vector_subcore>, window_params = [{transform_indices = #map}, {transform_indices = #map1}, {transform_indices = #map}]} {
    %mul3A = arith.constant 2 : i32
    %mul3A_0 = arith.muli %arg1, %mul3A : i32
    %add3A = arith.addi %mul3A_0, %arg0 : i32
    "tpu.region"() ({
      %run_scoped3A = tpu.sem_alloc : memref<!tpu.dma_semaphore, #tpu.memory_space<semaphore_mem>>
      %dma_start3A = arith.constant 0 : i32
      %dma_start3A_6 = arith.constant 0 : i32
      %dma_start3A_7 = tpu.memref_slice %arg3[%add3A, %dma_start3A, %dma_start3A_6] : memref<32x80x128xi32, #tpu.memory_space<hbm>> -> memref<1x80x128xi32, #tpu.memory_space<hbm>>
      %dma_start3A_8 = tpu.memref_squeeze %dma_start3A_7 : memref<1x80x128xi32, #tpu.memory_space<hbm>> -> memref<80x128xi32, #tpu.memory_space<hbm>>
      %dma_start3A_9 = arith.constant 0 : i32
      %dma_start3A_10 = arith.constant 0 : i32
      %dma_start3A_11 = tpu.memref_slice %arg3[%add3A, %dma_start3A_9, %dma_start3A_10] : memref<32x80x128xi32, #tpu.memory_space<hbm>> -> memref<1x80x128xi32, #tpu.memory_space<hbm>>
      %dma_start3A_12 = tpu.memref_squeeze %dma_start3A_11 : memref<1x80x128xi32, #tpu.memory_space<hbm>> -> memref<80x128xi32, #tpu.memory_space<hbm>>
      tpu.enqueue_dma source(%dma_start3A_12 : memref<80x128xi32, #tpu.memory_space<hbm>>) target(%arg5 : memref<80x128xi32, #tpu.memory_space<vmem>>) target_semaphore(%run_scoped3A : memref<!tpu.dma_semaphore, #tpu.memory_space<semaphore_mem>>)
      %dma_wait3A = arith.constant 0 : i32
      %dma_wait3A_13 = arith.constant 0 : i32
      %dma_wait3A_14 = tpu.memref_slice %arg3[%add3A, %dma_wait3A, %dma_wait3A_13] : memref<32x80x128xi32, #tpu.memory_space<hbm>> -> memref<1x80x128xi32, #tpu.memory_space<hbm>>
      %dma_wait3A_15 = tpu.memref_squeeze %dma_wait3A_14 : memref<1x80x128xi32, #tpu.memory_space<hbm>> -> memref<80x128xi32, #tpu.memory_space<hbm>>
      %dma_wait3A_16 = arith.constant 0 : i32
      %dma_wait3A_17 = arith.constant 0 : i32
      %dma_wait3A_18 = tpu.memref_slice %arg3[%add3A, %dma_wait3A_16, %dma_wait3A_17] : memref<32x80x128xi32, #tpu.memory_space<hbm>> -> memref<1x80x128xi32, #tpu.memory_space<hbm>>
      %dma_wait3A_19 = tpu.memref_squeeze %dma_wait3A_18 : memref<1x80x128xi32, #tpu.memory_space<hbm>> -> memref<80x128xi32, #tpu.memory_space<hbm>>
      tpu.wait_dma2 semaphore(%run_scoped3A : memref<!tpu.dma_semaphore, #tpu.memory_space<semaphore_mem>>) src(%dma_wait3A_19 : memref<80x128xi32, #tpu.memory_space<hbm>>) dst(%arg5 : memref<80x128xi32, #tpu.memory_space<vmem>>)
      tpu.yield
    }) : () -> ()
    %scan3A = arith.constant 0 : i32
    %scan3A_1 = arith.constant 0 : i32
    %scan3A_2 = arith.constant 80 : i32
    %scan3A_3 = arith.addi %scan3A_1, %scan3A_2 : i32
    %scan3A_4 = arith.constant 1 : i32
    scf.for %scan3A_6 = %scan3A_1 to %scan3A_3 step %scan3A_4  : i32 {
      %dma_start3A = arith.constant 0 : i32
      %dma_start3A_7 = tpu.memref_slice %arg5[%scan3A_6, %dma_start3A] : memref<80x128xi32, #tpu.memory_space<vmem>> -> memref<1x128xi32, #tpu.memory_space<vmem>>
      %dma_start3A_8 = tpu.memref_squeeze %dma_start3A_7 : memref<1x128xi32, #tpu.memory_space<vmem>> -> memref<128xi32, #tpu.memory_space<vmem>>
      %dma_start3A_9 = arith.constant 0 : i32
      %dma_start3A_10 = arith.constant 0 : i32
      %dma_start3A_11 = tpu.memref_slice %arg2[%dma_start3A_9, %dma_start3A_10] : memref<320000x16xf32, #tpu.memory_space<hbm>> -> memref<320000x16xf32, #tpu.memory_space<hbm>>
      tpu.enqueue_indirect_dma source(%dma_start3A_11 : memref<320000x16xf32, #tpu.memory_space<hbm>>) target(%arg6 : memref<128x16xf32, #tpu.memory_space<vmem>>) offsets(%dma_start3A_8 : memref<128xi32, #tpu.memory_space<vmem>>) semaphore(%arg7 : memref<!tpu.dma_semaphore, #tpu.memory_space<semaphore_mem>>)
      %dma_wait3A = arith.constant 0 : i32
      %dma_wait3A_12 = tpu.memref_slice %arg5[%scan3A_6, %dma_wait3A] : memref<80x128xi32, #tpu.memory_space<vmem>> -> memref<1x128xi32, #tpu.memory_space<vmem>>
      %dma_wait3A_13 = tpu.memref_squeeze %dma_wait3A_12 : memref<1x128xi32, #tpu.memory_space<vmem>> -> memref<128xi32, #tpu.memory_space<vmem>>
      %dma_wait3A_14 = arith.constant 0 : i32
      %dma_wait3A_15 = arith.constant 0 : i32
      %dma_wait3A_16 = tpu.memref_slice %arg2[%dma_wait3A_14, %dma_wait3A_15] : memref<320000x16xf32, #tpu.memory_space<hbm>> -> memref<320000x16xf32, #tpu.memory_space<hbm>>
      tpu.wait_indirect_dma semaphore(%arg7 : memref<!tpu.dma_semaphore, #tpu.memory_space<semaphore_mem>>) src(%dma_wait3A_16 : memref<320000x16xf32, #tpu.memory_space<hbm>>) dst(%arg6 : memref<128x16xf32, #tpu.memory_space<vmem>>)
      %mul3A_17 = arith.constant 10240 : i32
      %mul3A_18 = arith.muli %add3A, %mul3A_17 : i32
      %mul3A_19 = arith.constant 128 : i32
      %mul3A_20 = arith.muli %scan3A_6, %mul3A_19 : i32
      %add3A_21 = arith.addi %mul3A_18, %mul3A_20 : i32
      "tpu.region"() ({
        %run_scoped3A = tpu.sem_alloc : memref<!tpu.dma_semaphore, #tpu.memory_space<semaphore_mem>>
        %dma_start3A_22 = arith.constant 0 : i32
        %dma_start3A_23 = tpu.memref_slice %arg4[%add3A_21, %dma_start3A_22] : memref<327680x16xf32, #tpu.memory_space<hbm>> -> memref<128x16xf32, #tpu.memory_space<hbm>>
        %dma_start3A_24 = arith.constant 0 : i32
        %dma_start3A_25 = tpu.memref_slice %arg4[%add3A_21, %dma_start3A_24] : memref<327680x16xf32, #tpu.memory_space<hbm>> -> memref<128x16xf32, #tpu.memory_space<hbm>>
        tpu.enqueue_dma source(%arg6 : memref<128x16xf32, #tpu.memory_space<vmem>>) target(%dma_start3A_25 : memref<128x16xf32, #tpu.memory_space<hbm>>) target_semaphore(%run_scoped3A : memref<!tpu.dma_semaphore, #tpu.memory_space<semaphore_mem>>)
        %dma_wait3A_26 = arith.constant 0 : i32
        %dma_wait3A_27 = tpu.memref_slice %arg4[%add3A_21, %dma_wait3A_26] : memref<327680x16xf32, #tpu.memory_space<hbm>> -> memref<128x16xf32, #tpu.memory_space<hbm>>
        %dma_wait3A_28 = arith.constant 0 : i32
        %dma_wait3A_29 = tpu.memref_slice %arg4[%add3A_21, %dma_wait3A_28] : memref<327680x16xf32, #tpu.memory_space<hbm>> -> memref<128x16xf32, #tpu.memory_space<hbm>>
        tpu.wait_dma2 semaphore(%run_scoped3A : memref<!tpu.dma_semaphore, #tpu.memory_space<semaphore_mem>>) src(%arg6 : memref<128x16xf32, #tpu.memory_space<vmem>>) dst(%dma_wait3A_29 : memref<128x16xf32, #tpu.memory_space<hbm>>)
        tpu.yield
      }) : () -> ()
    }
    %scan3A_5 = arith.constant 80 : i32
    return
  }
}

#map = affine_map<(d0, d1) -> (0, 0)>
#map1 = affine_map<(d0, d1) -> (0)>
module attributes {stable_mosaic.version = 14 : i64} {
  func.func @sc_scatter(%arg0: i32, %arg1: i32, %arg2: memref<327680x64xf32, #tpu.memory_space<hbm>>, %arg3: memref<2500x128xi32, #tpu.memory_space<hbm>>, %arg4: memref<32xi32, #tpu.memory_space<hbm>>, %arg5: memref<32xi32, #tpu.memory_space<hbm>>, %arg6: memref<10016x64xf32, #tpu.memory_space<hbm>>, %arg7: memref<128xi32, #tpu.memory_space<vmem>>, %arg8: memref<32xi32, #tpu.memory_space<vmem>>, %arg9: memref<32xi32, #tpu.memory_space<vmem>>, %arg10: memref<128x64xf32, #tpu.memory_space<vmem>>, %arg11: memref<320x64xf32, #tpu.memory_space<vmem>>) attributes {dimension_semantics = [#tpu.dimension_semantics<core_parallel>, #tpu.dimension_semantics<subcore_parallel>], iteration_bounds = array<i64: 2, 16>, scalar_prefetch = 0 : i64, scratch_operands = 5 : i64, tpu.core_type = #tpu.core_type<sc_vector_subcore>, window_params = [{transform_indices = #map}, {transform_indices = #map}, {transform_indices = #map1}, {transform_indices = #map1}, {transform_indices = #map}]} {
    %mul3A = arith.constant 2 : i32
    %mul3A_0 = arith.muli %arg1, %mul3A : i32
    %add3A = arith.addi %mul3A_0, %arg0 : i32
    %broadcast_in_dim3A = arith.constant 0.000000e+00 : f32
    %broadcast_in_dim3A_1 = vector.broadcast %broadcast_in_dim3A : f32 to vector<16xf32>
    %scan3A = arith.constant 0 : i32
    %scan3A_2 = arith.constant 0 : i32
    %scan3A_3 = arith.constant 320 : i32
    %scan3A_4 = arith.addi %scan3A_2, %scan3A_3 : i32
    %scan3A_5 = arith.constant 1 : i32
    scf.for %scan3A_41 = %scan3A_2 to %scan3A_4 step %scan3A_5  : i32 {
      %swap3A = arith.index_cast %scan3A_41 : i32 to index
      %swap3A_42 = arith.constant 0 : index
      %swap3A_43 = tpu.vector_load %arg11[%swap3A, %swap3A_42] {strides = array<i32>} : memref<320x64xf32, #tpu.memory_space<vmem>>, vector<16xf32>,
      tpu.vector_store %arg11[%swap3A, %swap3A_42], %broadcast_in_dim3A_1 {strides = array<i32>} : memref<320x64xf32, #tpu.memory_space<vmem>>, vector<16xf32>,
      %swap3A_44 = arith.index_cast %scan3A_41 : i32 to index
      %swap3A_45 = arith.constant 16 : index
      %swap3A_46 = tpu.vector_load %arg11[%swap3A_44, %swap3A_45] {strides = array<i32>} : memref<320x64xf32, #tpu.memory_space<vmem>>, vector<16xf32>,
      tpu.vector_store %arg11[%swap3A_44, %swap3A_45], %broadcast_in_dim3A_1 {strides = array<i32>} : memref<320x64xf32, #tpu.memory_space<vmem>>, vector<16xf32>,
      %swap3A_47 = arith.index_cast %scan3A_41 : i32 to index
      %swap3A_48 = arith.constant 32 : index
      %swap3A_49 = tpu.vector_load %arg11[%swap3A_47, %swap3A_48] {strides = array<i32>} : memref<320x64xf32, #tpu.memory_space<vmem>>, vector<16xf32>,
      tpu.vector_store %arg11[%swap3A_47, %swap3A_48], %broadcast_in_dim3A_1 {strides = array<i32>} : memref<320x64xf32, #tpu.memory_space<vmem>>, vector<16xf32>,
      %swap3A_50 = arith.index_cast %scan3A_41 : i32 to index
      %swap3A_51 = arith.constant 48 : index
      %swap3A_52 = tpu.vector_load %arg11[%swap3A_50, %swap3A_51] {strides = array<i32>} : memref<320x64xf32, #tpu.memory_space<vmem>>, vector<16xf32>,
      tpu.vector_store %arg11[%swap3A_50, %swap3A_51], %broadcast_in_dim3A_1 {strides = array<i32>} : memref<320x64xf32, #tpu.memory_space<vmem>>, vector<16xf32>,
    }
    %scan3A_6 = arith.constant 320 : i32
    "tpu.region"() ({
      %run_scoped3A = tpu.sem_alloc : memref<!tpu.dma_semaphore, #tpu.memory_space<semaphore_mem>>
      tpu.enqueue_dma source(%arg4 : memref<32xi32, #tpu.memory_space<hbm>>) target(%arg8 : memref<32xi32, #tpu.memory_space<vmem>>) target_semaphore(%run_scoped3A : memref<!tpu.dma_semaphore, #tpu.memory_space<semaphore_mem>>)
      tpu.wait_dma2 semaphore(%run_scoped3A : memref<!tpu.dma_semaphore, #tpu.memory_space<semaphore_mem>>) src(%arg4 : memref<32xi32, #tpu.memory_space<hbm>>) dst(%arg8 : memref<32xi32, #tpu.memory_space<vmem>>)
      tpu.yield
    }) : () -> ()
    "tpu.region"() ({
      %run_scoped3A = tpu.sem_alloc : memref<!tpu.dma_semaphore, #tpu.memory_space<semaphore_mem>>
      tpu.enqueue_dma source(%arg5 : memref<32xi32, #tpu.memory_space<hbm>>) target(%arg9 : memref<32xi32, #tpu.memory_space<vmem>>) target_semaphore(%run_scoped3A : memref<!tpu.dma_semaphore, #tpu.memory_space<semaphore_mem>>)
      tpu.wait_dma2 semaphore(%run_scoped3A : memref<!tpu.dma_semaphore, #tpu.memory_space<semaphore_mem>>) src(%arg5 : memref<32xi32, #tpu.memory_space<hbm>>) dst(%arg9 : memref<32xi32, #tpu.memory_space<vmem>>)
      tpu.yield
    }) : () -> ()
    %broadcast_in_dim3A_7 = arith.constant 0 : i32
    %broadcast_in_dim3A_8 = vector.broadcast %broadcast_in_dim3A_7 : i32 to vector<16xi32>
    %add3A_9 = vector.broadcast %add3A : i32 to vector<16xi32>
    %add3A_10 = arith.addi %broadcast_in_dim3A_8, %add3A_9 : vector<16xi32>
    %gather3A = tpu.vector_load_idx %arg8[%add3A_10] : memref<32xi32, #tpu.memory_space<vmem>>[vector<16xi32>], vector<16xi32>,
    %reduce_max3A = arith.constant true
    %reduce_max3A_11 = vector.broadcast %reduce_max3A : i1 to vector<16xi1>
    %reduce_max3A_12 = arith.constant -2147483648 : i32
    %reduce_max3A_13 = vector.broadcast %reduce_max3A_12 : i32 to vector<16xi32>
    %reduce_max3A_14 = arith.xori %gather3A, %reduce_max3A_13 : vector<16xi32>
    %reduce_max3A_15 = tpu.scan <max>, %reduce_max3A_14 masked %reduce_max3A_11 : vector<16xi32>, vector<16xi1> -> vector<16xi32>
    %reduce_max3A_16 = arith.xori %reduce_max3A_15, %reduce_max3A_13 : vector<16xi32>
    %reduce_max3A_17 = vector.extract %reduce_max3A_16[15] : i32 from vector<16xi32>
    %gather3A_18 = tpu.vector_load_idx %arg9[%add3A_10] : memref<32xi32, #tpu.memory_space<vmem>>[vector<16xi32>], vector<16xi32>,
    %reduce_max3A_19 = arith.constant true
    %reduce_max3A_20 = vector.broadcast %reduce_max3A_19 : i1 to vector<16xi1>
    %reduce_max3A_21 = arith.constant -2147483648 : i32
    %reduce_max3A_22 = vector.broadcast %reduce_max3A_21 : i32 to vector<16xi32>
    %reduce_max3A_23 = arith.xori %gather3A_18, %reduce_max3A_22 : vector<16xi32>
    %reduce_max3A_24 = tpu.scan <max>, %reduce_max3A_23 masked %reduce_max3A_20 : vector<16xi32>, vector<16xi1> -> vector<16xi32>
    %reduce_max3A_25 = arith.xori %reduce_max3A_24, %reduce_max3A_22 : vector<16xi32>
    %reduce_max3A_26 = vector.extract %reduce_max3A_25[15] : i32 from vector<16xi32>
    %mul3A_27 = arith.constant 313 : i32
    %mul3A_28 = arith.muli %add3A, %mul3A_27 : i32
    %add3A_29 = arith.constant 313 : i32
    %add3A_30 = arith.addi %mul3A_28, %add3A_29 : i32
    %min3A = arith.constant 10000 : i32
    %min3A_31 = arith.minsi %add3A_30, %min3A : i32
    %iota3A = tpu.iota {dimensions = array<i32: 0>} : vector<16xi32>
    %while3A = arith.constant 0 : i32
    %while3A_32 = arith.constant 0 : i32
    %while3A_33 = arith.subi %reduce_max3A_26, %while3A_32 : i32
    %while3A_34 = arith.addi %while3A_32, %while3A_33 : i32
    %while3A_35 = arith.constant 1 : i32
    %while3A_36 = arith.divsi %while3A_33, %while3A_35 : i32
    %while3A_37 = arith.muli %while3A_36, %while3A_35 : i32
    %while3A_38 = arith.addi %while3A_32, %while3A_37 : i32
    %while3A_39 = arith.constant 1 : i32
    scf.for %while3A_41 = %while3A_32 to %while3A_38 step %while3A_39  : i32 {
      %add3A_42 = arith.addi %reduce_max3A_17, %while3A_41 : i32
      "tpu.region"() ({
        %run_scoped3A = tpu.sem_alloc : memref<!tpu.dma_semaphore, #tpu.memory_space<semaphore_mem>>
        %dma_start3A = arith.constant 0 : i32
        %dma_start3A_51 = tpu.memref_slice %arg3[%add3A_42, %dma_start3A] : memref<2500x128xi32, #tpu.memory_space<hbm>> -> memref<1x128xi32, #tpu.memory_space<hbm>>
        %dma_start3A_52 = tpu.memref_squeeze %dma_start3A_51 : memref<1x128xi32, #tpu.memory_space<hbm>> -> memref<128xi32, #tpu.memory_space<hbm>>
        %dma_start3A_53 = arith.constant 0 : i32
        %dma_start3A_54 = tpu.memref_slice %arg3[%add3A_42, %dma_start3A_53] : memref<2500x128xi32, #tpu.memory_space<hbm>> -> memref<1x128xi32, #tpu.memory_space<hbm>>
        %dma_start3A_55 = tpu.memref_squeeze %dma_start3A_54 : memref<1x128xi32, #tpu.memory_space<hbm>> -> memref<128xi32, #tpu.memory_space<hbm>>
        tpu.enqueue_dma source(%dma_start3A_55 : memref<128xi32, #tpu.memory_space<hbm>>) target(%arg7 : memref<128xi32, #tpu.memory_space<vmem>>) target_semaphore(%run_scoped3A : memref<!tpu.dma_semaphore, #tpu.memory_space<semaphore_mem>>)
        %dma_wait3A = arith.constant 0 : i32
        %dma_wait3A_56 = tpu.memref_slice %arg3[%add3A_42, %dma_wait3A] : memref<2500x128xi32, #tpu.memory_space<hbm>> -> memref<1x128xi32, #tpu.memory_space<hbm>>
        %dma_wait3A_57 = tpu.memref_squeeze %dma_wait3A_56 : memref<1x128xi32, #tpu.memory_space<hbm>> -> memref<128xi32, #tpu.memory_space<hbm>>
        %dma_wait3A_58 = arith.constant 0 : i32
        %dma_wait3A_59 = tpu.memref_slice %arg3[%add3A_42, %dma_wait3A_58] : memref<2500x128xi32, #tpu.memory_space<hbm>> -> memref<1x128xi32, #tpu.memory_space<hbm>>
        %dma_wait3A_60 = tpu.memref_squeeze %dma_wait3A_59 : memref<1x128xi32, #tpu.memory_space<hbm>> -> memref<128xi32, #tpu.memory_space<hbm>>
        tpu.wait_dma2 semaphore(%run_scoped3A : memref<!tpu.dma_semaphore, #tpu.memory_space<semaphore_mem>>) src(%dma_wait3A_60 : memref<128xi32, #tpu.memory_space<hbm>>) dst(%arg7 : memref<128xi32, #tpu.memory_space<vmem>>)
        tpu.yield
      }) : () -> ()
      %mul3A_43 = arith.constant 128 : i32
      %mul3A_44 = arith.muli %add3A_42, %mul3A_43 : i32
      "tpu.region"() ({
        %run_scoped3A = tpu.sem_alloc : memref<!tpu.dma_semaphore, #tpu.memory_space<semaphore_mem>>
        %dma_start3A = arith.constant 0 : i32
        %dma_start3A_51 = tpu.memref_slice %arg2[%mul3A_44, %dma_start3A] : memref<327680x64xf32, #tpu.memory_space<hbm>> -> memref<128x64xf32, #tpu.memory_space<hbm>>
        %dma_start3A_52 = arith.constant 0 : i32
        %dma_start3A_53 = tpu.memref_slice %arg2[%mul3A_44, %dma_start3A_52] : memref<327680x64xf32, #tpu.memory_space<hbm>> -> memref<128x64xf32, #tpu.memory_space<hbm>>
        tpu.enqueue_dma source(%dma_start3A_53 : memref<128x64xf32, #tpu.memory_space<hbm>>) target(%arg10 : memref<128x64xf32, #tpu.memory_space<vmem>>) target_semaphore(%run_scoped3A : memref<!tpu.dma_semaphore, #tpu.memory_space<semaphore_mem>>)
        %dma_wait3A = arith.constant 0 : i32
        %dma_wait3A_54 = tpu.memref_slice %arg2[%mul3A_44, %dma_wait3A] : memref<327680x64xf32, #tpu.memory_space<hbm>> -> memref<128x64xf32, #tpu.memory_space<hbm>>
        %dma_wait3A_55 = arith.constant 0 : i32
        %dma_wait3A_56 = tpu.memref_slice %arg2[%mul3A_44, %dma_wait3A_55] : memref<327680x64xf32, #tpu.memory_space<hbm>> -> memref<128x64xf32, #tpu.memory_space<hbm>>
        tpu.wait_dma2 semaphore(%run_scoped3A : memref<!tpu.dma_semaphore, #tpu.memory_space<semaphore_mem>>) src(%dma_wait3A_56 : memref<128x64xf32, #tpu.memory_space<hbm>>) dst(%arg10 : memref<128x64xf32, #tpu.memory_space<vmem>>)
        tpu.yield
      }) : () -> ()
      %scan3A_45 = arith.constant 0 : i32
      %scan3A_46 = arith.constant 0 : i32
      %scan3A_47 = arith.constant 128 : i32
      %scan3A_48 = arith.addi %scan3A_46, %scan3A_47 : i32
      %scan3A_49 = arith.constant 1 : i32
      scf.for %scan3A_51 = %scan3A_46 to %scan3A_48 step %scan3A_49  : i32 {
        %broadcast_in_dim3A_52 = arith.constant 0 : i32
        %broadcast_in_dim3A_53 = vector.broadcast %broadcast_in_dim3A_52 : i32 to vector<16xi32>
        %add3A_54 = vector.broadcast %scan3A_51 : i32 to vector<16xi32>
        %add3A_55 = arith.addi %broadcast_in_dim3A_53, %add3A_54 : vector<16xi32>
        %gather3A_56 = tpu.vector_load_idx %arg7[%add3A_55] : memref<128xi32, #tpu.memory_space<vmem>>[vector<16xi32>], vector<16xi32>,
        %ge3A = vector.broadcast %mul3A_28 : i32 to vector<16xi32>
        %ge3A_57 = arith.cmpi sge, %gather3A_56, %ge3A : vector<16xi32>
        %lt3A = vector.broadcast %min3A_31 : i32 to vector<16xi32>
        %lt3A_58 = arith.cmpi slt, %gather3A_56, %lt3A : vector<16xi32>
        %and3A = arith.andi %ge3A_57, %lt3A_58 : vector<16xi1>
        %sub3A = vector.broadcast %mul3A_28 : i32 to vector<16xi32>
        %sub3A_59 = arith.subi %gather3A_56, %sub3A : vector<16xi32>
        %jit3A = arith.constant 316 : i32
        %broadcast_in_dim3A_60 = vector.broadcast %jit3A : i32 to vector<16xi32>
        %select_n3A = arith.select %and3A, %sub3A_59, %broadcast_in_dim3A_60 : vector<16xi1>, vector<16xi32>
        %get3A = arith.index_cast %scan3A_51 : i32 to index
        %get3A_61 = arith.constant 0 : index
        %get3A_62 = tpu.vector_load %arg10[%get3A, %get3A_61] {strides = array<i32>} : memref<128x64xf32, #tpu.memory_space<vmem>>, vector<16xf32>,
        %add3A_63 = arith.constant 0 : i32
        %add3A_64 = vector.broadcast %add3A_63 : i32 to vector<16xi32>
        %add3A_65 = arith.addi %iota3A, %add3A_64 : vector<16xi32>
        %gather3A_66 = tpu.vector_load_idx %arg11[%select_n3A, %add3A_65] : memref<320x64xf32, #tpu.memory_space<vmem>>[vector<16xi32>, vector<16xi32>], vector<16xf32>,
        %add3A_67 = arith.addf %gather3A_66, %get3A_62 : vector<16xf32>
        tpu.vector_store_idx %arg11[%select_n3A, %add3A_65], %add3A_67 : memref<320x64xf32, #tpu.memory_space<vmem>>[vector<16xi32>, vector<16xi32>], vector<16xf32>,
        %get3A_68 = arith.index_cast %scan3A_51 : i32 to index
        %get3A_69 = arith.constant 16 : index
        %get3A_70 = tpu.vector_load %arg10[%get3A_68, %get3A_69] {strides = array<i32>} : memref<128x64xf32, #tpu.memory_space<vmem>>, vector<16xf32>,
        %add3A_71 = arith.constant 16 : i32
        %add3A_72 = vector.broadcast %add3A_71 : i32 to vector<16xi32>
        %add3A_73 = arith.addi %iota3A, %add3A_72 : vector<16xi32>
        %gather3A_74 = tpu.vector_load_idx %arg11[%select_n3A, %add3A_73] : memref<320x64xf32, #tpu.memory_space<vmem>>[vector<16xi32>, vector<16xi32>], vector<16xf32>,
        %add3A_75 = arith.addf %gather3A_74, %get3A_70 : vector<16xf32>
        tpu.vector_store_idx %arg11[%select_n3A, %add3A_73], %add3A_75 : memref<320x64xf32, #tpu.memory_space<vmem>>[vector<16xi32>, vector<16xi32>], vector<16xf32>,
        %get3A_76 = arith.index_cast %scan3A_51 : i32 to index
        %get3A_77 = arith.constant 32 : index
        %get3A_78 = tpu.vector_load %arg10[%get3A_76, %get3A_77] {strides = array<i32>} : memref<128x64xf32, #tpu.memory_space<vmem>>, vector<16xf32>,
        %add3A_79 = arith.constant 32 : i32
        %add3A_80 = vector.broadcast %add3A_79 : i32 to vector<16xi32>
        %add3A_81 = arith.addi %iota3A, %add3A_80 : vector<16xi32>
        %gather3A_82 = tpu.vector_load_idx %arg11[%select_n3A, %add3A_81] : memref<320x64xf32, #tpu.memory_space<vmem>>[vector<16xi32>, vector<16xi32>], vector<16xf32>,
        %add3A_83 = arith.addf %gather3A_82, %get3A_78 : vector<16xf32>
        tpu.vector_store_idx %arg11[%select_n3A, %add3A_81], %add3A_83 : memref<320x64xf32, #tpu.memory_space<vmem>>[vector<16xi32>, vector<16xi32>], vector<16xf32>,
        %get3A_84 = arith.index_cast %scan3A_51 : i32 to index
        %get3A_85 = arith.constant 48 : index
        %get3A_86 = tpu.vector_load %arg10[%get3A_84, %get3A_85] {strides = array<i32>} : memref<128x64xf32, #tpu.memory_space<vmem>>, vector<16xf32>,
        %add3A_87 = arith.constant 48 : i32
        %add3A_88 = vector.broadcast %add3A_87 : i32 to vector<16xi32>
        %add3A_89 = arith.addi %iota3A, %add3A_88 : vector<16xi32>
        %gather3A_90 = tpu.vector_load_idx %arg11[%select_n3A, %add3A_89] : memref<320x64xf32, #tpu.memory_space<vmem>>[vector<16xi32>, vector<16xi32>], vector<16xf32>,
        %add3A_91 = arith.addf %gather3A_90, %get3A_86 : vector<16xf32>
        tpu.vector_store_idx %arg11[%select_n3A, %add3A_89], %add3A_91 : memref<320x64xf32, #tpu.memory_space<vmem>>[vector<16xi32>, vector<16xi32>], vector<16xf32>,
      }
      %scan3A_50 = arith.constant 128 : i32
    }
    %while3A_40 = arith.constant 1 : i32
    scf.for %while3A_41 = %while3A_38 to %while3A_34 step %while3A_40  : i32 {
      %add3A_42 = arith.addi %reduce_max3A_17, %while3A_41 : i32
      "tpu.region"() ({
        %run_scoped3A = tpu.sem_alloc : memref<!tpu.dma_semaphore, #tpu.memory_space<semaphore_mem>>
        %dma_start3A = arith.constant 0 : i32
        %dma_start3A_51 = tpu.memref_slice %arg3[%add3A_42, %dma_start3A] : memref<2500x128xi32, #tpu.memory_space<hbm>> -> memref<1x128xi32, #tpu.memory_space<hbm>>
        %dma_start3A_52 = tpu.memref_squeeze %dma_start3A_51 : memref<1x128xi32, #tpu.memory_space<hbm>> -> memref<128xi32, #tpu.memory_space<hbm>>
        %dma_start3A_53 = arith.constant 0 : i32
        %dma_start3A_54 = tpu.memref_slice %arg3[%add3A_42, %dma_start3A_53] : memref<2500x128xi32, #tpu.memory_space<hbm>> -> memref<1x128xi32, #tpu.memory_space<hbm>>
        %dma_start3A_55 = tpu.memref_squeeze %dma_start3A_54 : memref<1x128xi32, #tpu.memory_space<hbm>> -> memref<128xi32, #tpu.memory_space<hbm>>
        tpu.enqueue_dma source(%dma_start3A_55 : memref<128xi32, #tpu.memory_space<hbm>>) target(%arg7 : memref<128xi32, #tpu.memory_space<vmem>>) target_semaphore(%run_scoped3A : memref<!tpu.dma_semaphore, #tpu.memory_space<semaphore_mem>>)
        %dma_wait3A = arith.constant 0 : i32
        %dma_wait3A_56 = tpu.memref_slice %arg3[%add3A_42, %dma_wait3A] : memref<2500x128xi32, #tpu.memory_space<hbm>> -> memref<1x128xi32, #tpu.memory_space<hbm>>
        %dma_wait3A_57 = tpu.memref_squeeze %dma_wait3A_56 : memref<1x128xi32, #tpu.memory_space<hbm>> -> memref<128xi32, #tpu.memory_space<hbm>>
        %dma_wait3A_58 = arith.constant 0 : i32
        %dma_wait3A_59 = tpu.memref_slice %arg3[%add3A_42, %dma_wait3A_58] : memref<2500x128xi32, #tpu.memory_space<hbm>> -> memref<1x128xi32, #tpu.memory_space<hbm>>
        %dma_wait3A_60 = tpu.memref_squeeze %dma_wait3A_59 : memref<1x128xi32, #tpu.memory_space<hbm>> -> memref<128xi32, #tpu.memory_space<hbm>>
        tpu.wait_dma2 semaphore(%run_scoped3A : memref<!tpu.dma_semaphore, #tpu.memory_space<semaphore_mem>>) src(%dma_wait3A_60 : memref<128xi32, #tpu.memory_space<hbm>>) dst(%arg7 : memref<128xi32, #tpu.memory_space<vmem>>)
        tpu.yield
      }) : () -> ()
      %mul3A_43 = arith.constant 128 : i32
      %mul3A_44 = arith.muli %add3A_42, %mul3A_43 : i32
      "tpu.region"() ({
        %run_scoped3A = tpu.sem_alloc : memref<!tpu.dma_semaphore, #tpu.memory_space<semaphore_mem>>
        %dma_start3A = arith.constant 0 : i32
        %dma_start3A_51 = tpu.memref_slice %arg2[%mul3A_44, %dma_start3A] : memref<327680x64xf32, #tpu.memory_space<hbm>> -> memref<128x64xf32, #tpu.memory_space<hbm>>
        %dma_start3A_52 = arith.constant 0 : i32
        %dma_start3A_53 = tpu.memref_slice %arg2[%mul3A_44, %dma_start3A_52] : memref<327680x64xf32, #tpu.memory_space<hbm>> -> memref<128x64xf32, #tpu.memory_space<hbm>>
        tpu.enqueue_dma source(%dma_start3A_53 : memref<128x64xf32, #tpu.memory_space<hbm>>) target(%arg10 : memref<128x64xf32, #tpu.memory_space<vmem>>) target_semaphore(%run_scoped3A : memref<!tpu.dma_semaphore, #tpu.memory_space<semaphore_mem>>)
        %dma_wait3A = arith.constant 0 : i32
        %dma_wait3A_54 = tpu.memref_slice %arg2[%mul3A_44, %dma_wait3A] : memref<327680x64xf32, #tpu.memory_space<hbm>> -> memref<128x64xf32, #tpu.memory_space<hbm>>
        %dma_wait3A_55 = arith.constant 0 : i32
        %dma_wait3A_56 = tpu.memref_slice %arg2[%mul3A_44, %dma_wait3A_55] : memref<327680x64xf32, #tpu.memory_space<hbm>> -> memref<128x64xf32, #tpu.memory_space<hbm>>
        tpu.wait_dma2 semaphore(%run_scoped3A : memref<!tpu.dma_semaphore, #tpu.memory_space<semaphore_mem>>) src(%dma_wait3A_56 : memref<128x64xf32, #tpu.memory_space<hbm>>) dst(%arg10 : memref<128x64xf32, #tpu.memory_space<vmem>>)
        tpu.yield
      }) : () -> ()
      %scan3A_45 = arith.constant 0 : i32
      %scan3A_46 = arith.constant 0 : i32
      %scan3A_47 = arith.constant 128 : i32
      %scan3A_48 = arith.addi %scan3A_46, %scan3A_47 : i32
      %scan3A_49 = arith.constant 1 : i32
      scf.for %scan3A_51 = %scan3A_46 to %scan3A_48 step %scan3A_49  : i32 {
        %broadcast_in_dim3A_52 = arith.constant 0 : i32
        %broadcast_in_dim3A_53 = vector.broadcast %broadcast_in_dim3A_52 : i32 to vector<16xi32>
        %add3A_54 = vector.broadcast %scan3A_51 : i32 to vector<16xi32>
        %add3A_55 = arith.addi %broadcast_in_dim3A_53, %add3A_54 : vector<16xi32>
        %gather3A_56 = tpu.vector_load_idx %arg7[%add3A_55] : memref<128xi32, #tpu.memory_space<vmem>>[vector<16xi32>], vector<16xi32>,
        %ge3A = vector.broadcast %mul3A_28 : i32 to vector<16xi32>
        %ge3A_57 = arith.cmpi sge, %gather3A_56, %ge3A : vector<16xi32>
        %lt3A = vector.broadcast %min3A_31 : i32 to vector<16xi32>
        %lt3A_58 = arith.cmpi slt, %gather3A_56, %lt3A : vector<16xi32>
        %and3A = arith.andi %ge3A_57, %lt3A_58 : vector<16xi1>
        %sub3A = vector.broadcast %mul3A_28 : i32 to vector<16xi32>
        %sub3A_59 = arith.subi %gather3A_56, %sub3A : vector<16xi32>
        %jit3A = arith.constant 316 : i32
        %broadcast_in_dim3A_60 = vector.broadcast %jit3A : i32 to vector<16xi32>
        %select_n3A = arith.select %and3A, %sub3A_59, %broadcast_in_dim3A_60 : vector<16xi1>, vector<16xi32>
        %get3A = arith.index_cast %scan3A_51 : i32 to index
        %get3A_61 = arith.constant 0 : index
        %get3A_62 = tpu.vector_load %arg10[%get3A, %get3A_61] {strides = array<i32>} : memref<128x64xf32, #tpu.memory_space<vmem>>, vector<16xf32>,
        %add3A_63 = arith.constant 0 : i32
        %add3A_64 = vector.broadcast %add3A_63 : i32 to vector<16xi32>
        %add3A_65 = arith.addi %iota3A, %add3A_64 : vector<16xi32>
        %gather3A_66 = tpu.vector_load_idx %arg11[%select_n3A, %add3A_65] : memref<320x64xf32, #tpu.memory_space<vmem>>[vector<16xi32>, vector<16xi32>], vector<16xf32>,
        %add3A_67 = arith.addf %gather3A_66, %get3A_62 : vector<16xf32>
        tpu.vector_store_idx %arg11[%select_n3A, %add3A_65], %add3A_67 : memref<320x64xf32, #tpu.memory_space<vmem>>[vector<16xi32>, vector<16xi32>], vector<16xf32>,
        %get3A_68 = arith.index_cast %scan3A_51 : i32 to index
        %get3A_69 = arith.constant 16 : index
        %get3A_70 = tpu.vector_load %arg10[%get3A_68, %get3A_69] {strides = array<i32>} : memref<128x64xf32, #tpu.memory_space<vmem>>, vector<16xf32>,
        %add3A_71 = arith.constant 16 : i32
        %add3A_72 = vector.broadcast %add3A_71 : i32 to vector<16xi32>
        %add3A_73 = arith.addi %iota3A, %add3A_72 : vector<16xi32>
        %gather3A_74 = tpu.vector_load_idx %arg11[%select_n3A, %add3A_73] : memref<320x64xf32, #tpu.memory_space<vmem>>[vector<16xi32>, vector<16xi32>], vector<16xf32>,
        %add3A_75 = arith.addf %gather3A_74, %get3A_70 : vector<16xf32>
        tpu.vector_store_idx %arg11[%select_n3A, %add3A_73], %add3A_75 : memref<320x64xf32, #tpu.memory_space<vmem>>[vector<16xi32>, vector<16xi32>], vector<16xf32>,
        %get3A_76 = arith.index_cast %scan3A_51 : i32 to index
        %get3A_77 = arith.constant 32 : index
        %get3A_78 = tpu.vector_load %arg10[%get3A_76, %get3A_77] {strides = array<i32>} : memref<128x64xf32, #tpu.memory_space<vmem>>, vector<16xf32>,
        %add3A_79 = arith.constant 32 : i32
        %add3A_80 = vector.broadcast %add3A_79 : i32 to vector<16xi32>
        %add3A_81 = arith.addi %iota3A, %add3A_80 : vector<16xi32>
        %gather3A_82 = tpu.vector_load_idx %arg11[%select_n3A, %add3A_81] : memref<320x64xf32, #tpu.memory_space<vmem>>[vector<16xi32>, vector<16xi32>], vector<16xf32>,
        %add3A_83 = arith.addf %gather3A_82, %get3A_78 : vector<16xf32>
        tpu.vector_store_idx %arg11[%select_n3A, %add3A_81], %add3A_83 : memref<320x64xf32, #tpu.memory_space<vmem>>[vector<16xi32>, vector<16xi32>], vector<16xf32>,
        %get3A_84 = arith.index_cast %scan3A_51 : i32 to index
        %get3A_85 = arith.constant 48 : index
        %get3A_86 = tpu.vector_load %arg10[%get3A_84, %get3A_85] {strides = array<i32>} : memref<128x64xf32, #tpu.memory_space<vmem>>, vector<16xf32>,
        %add3A_87 = arith.constant 48 : i32
        %add3A_88 = vector.broadcast %add3A_87 : i32 to vector<16xi32>
        %add3A_89 = arith.addi %iota3A, %add3A_88 : vector<16xi32>
        %gather3A_90 = tpu.vector_load_idx %arg11[%select_n3A, %add3A_89] : memref<320x64xf32, #tpu.memory_space<vmem>>[vector<16xi32>, vector<16xi32>], vector<16xf32>,
        %add3A_91 = arith.addf %gather3A_90, %get3A_86 : vector<16xf32>
        tpu.vector_store_idx %arg11[%select_n3A, %add3A_89], %add3A_91 : memref<320x64xf32, #tpu.memory_space<vmem>>[vector<16xi32>, vector<16xi32>], vector<16xf32>,
      }
      %scan3A_50 = arith.constant 128 : i32
    }
    "tpu.region"() ({
      %run_scoped3A = tpu.sem_alloc : memref<!tpu.dma_semaphore, #tpu.memory_space<semaphore_mem>>
      %dma_start3A = arith.constant 0 : i32
      %dma_start3A_41 = arith.constant 0 : i32
      %dma_start3A_42 = tpu.memref_slice %arg11[%dma_start3A, %dma_start3A_41] : memref<320x64xf32, #tpu.memory_space<vmem>> -> memref<313x64xf32, #tpu.memory_space<vmem>>
      %dma_start3A_43 = arith.constant 0 : i32
      %dma_start3A_44 = tpu.memref_slice %arg6[%mul3A_28, %dma_start3A_43] : memref<10016x64xf32, #tpu.memory_space<hbm>> -> memref<313x64xf32, #tpu.memory_space<hbm>>
      %dma_start3A_45 = arith.constant 0 : i32
      %dma_start3A_46 = tpu.memref_slice %arg6[%mul3A_28, %dma_start3A_45] : memref<10016x64xf32, #tpu.memory_space<hbm>> -> memref<313x64xf32, #tpu.memory_space<hbm>>
      %dma_start3A_47 = arith.constant 0 : i32
      %dma_start3A_48 = arith.constant 0 : i32
      %dma_start3A_49 = tpu.memref_slice %arg11[%dma_start3A_47, %dma_start3A_48] : memref<320x64xf32, #tpu.memory_space<vmem>> -> memref<313x64xf32, #tpu.memory_space<vmem>>
      tpu.enqueue_dma source(%dma_start3A_49 : memref<313x64xf32, #tpu.memory_space<vmem>>) target(%dma_start3A_46 : memref<313x64xf32, #tpu.memory_space<hbm>>) target_semaphore(%run_scoped3A : memref<!tpu.dma_semaphore, #tpu.memory_space<semaphore_mem>>)
      %dma_wait3A = arith.constant 0 : i32
      %dma_wait3A_50 = arith.constant 0 : i32
      %dma_wait3A_51 = tpu.memref_slice %arg11[%dma_wait3A, %dma_wait3A_50] : memref<320x64xf32, #tpu.memory_space<vmem>> -> memref<313x64xf32, #tpu.memory_space<vmem>>
      %dma_wait3A_52 = arith.constant 0 : i32
      %dma_wait3A_53 = tpu.memref_slice %arg6[%mul3A_28, %dma_wait3A_52] : memref<10016x64xf32, #tpu.memory_space<hbm>> -> memref<313x64xf32, #tpu.memory_space<hbm>>
      %dma_wait3A_54 = arith.constant 0 : i32
      %dma_wait3A_55 = tpu.memref_slice %arg6[%mul3A_28, %dma_wait3A_54] : memref<10016x64xf32, #tpu.memory_space<hbm>> -> memref<313x64xf32, #tpu.memory_space<hbm>>
      %dma_wait3A_56 = arith.constant 0 : i32
      %dma_wait3A_57 = arith.constant 0 : i32
      %dma_wait3A_58 = tpu.memref_slice %arg11[%dma_wait3A_56, %dma_wait3A_57] : memref<320x64xf32, #tpu.memory_space<vmem>> -> memref<313x64xf32, #tpu.memory_space<vmem>>
      tpu.wait_dma2 semaphore(%run_scoped3A : memref<!tpu.dma_semaphore, #tpu.memory_space<semaphore_mem>>) src(%dma_wait3A_58 : memref<313x64xf32, #tpu.memory_space<vmem>>) dst(%dma_wait3A_55 : memref<313x64xf32, #tpu.memory_space<hbm>>)
      tpu.yield
    }) : () -> ()
    return
  }
}

#map = affine_map<(d0, d1) -> (0, 0)>
#map1 = affine_map<(d0, d1) -> (0)>
#map2 = affine_map<(d0, d1) -> (0, 0, 0)>
module attributes {stable_mosaic.version = 14 : i64} {
  func.func @sc_segmax(%arg0: i32, %arg1: i32, %arg2: memref<10240x64xf32, #tpu.memory_space<hbm>>, %arg3: memref<10240xi32, #tpu.memory_space<hbm>>, %arg4: memref<32x512x64xf32, #tpu.memory_space<hbm>>, %arg5: memref<320x64xf32, #tpu.memory_space<vmem>>, %arg6: memref<320xi32, #tpu.memory_space<vmem>>, %arg7: memref<520x64xf32, #tpu.memory_space<vmem>>) attributes {dimension_semantics = [#tpu.dimension_semantics<core_parallel>, #tpu.dimension_semantics<subcore_parallel>], iteration_bounds = array<i64: 2, 16>, scalar_prefetch = 0 : i64, scratch_operands = 3 : i64, tpu.core_type = #tpu.core_type<sc_vector_subcore>, window_params = [{transform_indices = #map}, {transform_indices = #map1}, {transform_indices = #map2}]} {
    %mul3A = arith.constant 2 : i32
    %mul3A_0 = arith.muli %arg1, %mul3A : i32
    %add3A = arith.addi %mul3A_0, %arg0 : i32
    %mul3A_1 = arith.constant 320 : i32
    %mul3A_2 = arith.muli %add3A, %mul3A_1 : i32
    "tpu.region"() ({
      %run_scoped3A = tpu.sem_alloc : memref<!tpu.dma_semaphore, #tpu.memory_space<semaphore_mem>>
      %dma_start3A = arith.constant 0 : i32
      %dma_start3A_15 = tpu.memref_slice %arg2[%mul3A_2, %dma_start3A] : memref<10240x64xf32, #tpu.memory_space<hbm>> -> memref<320x64xf32, #tpu.memory_space<hbm>>
      %dma_start3A_16 = arith.constant 0 : i32
      %dma_start3A_17 = tpu.memref_slice %arg2[%mul3A_2, %dma_start3A_16] : memref<10240x64xf32, #tpu.memory_space<hbm>> -> memref<320x64xf32, #tpu.memory_space<hbm>>
      tpu.enqueue_dma source(%dma_start3A_17 : memref<320x64xf32, #tpu.memory_space<hbm>>) target(%arg5 : memref<320x64xf32, #tpu.memory_space<vmem>>) target_semaphore(%run_scoped3A : memref<!tpu.dma_semaphore, #tpu.memory_space<semaphore_mem>>)
      %dma_wait3A = arith.constant 0 : i32
      %dma_wait3A_18 = tpu.memref_slice %arg2[%mul3A_2, %dma_wait3A] : memref<10240x64xf32, #tpu.memory_space<hbm>> -> memref<320x64xf32, #tpu.memory_space<hbm>>
      %dma_wait3A_19 = arith.constant 0 : i32
      %dma_wait3A_20 = tpu.memref_slice %arg2[%mul3A_2, %dma_wait3A_19] : memref<10240x64xf32, #tpu.memory_space<hbm>> -> memref<320x64xf32, #tpu.memory_space<hbm>>
      tpu.wait_dma2 semaphore(%run_scoped3A : memref<!tpu.dma_semaphore, #tpu.memory_space<semaphore_mem>>) src(%dma_wait3A_20 : memref<320x64xf32, #tpu.memory_space<hbm>>) dst(%arg5 : memref<320x64xf32, #tpu.memory_space<vmem>>)
      tpu.yield
    }) : () -> ()
    "tpu.region"() ({
      %run_scoped3A = tpu.sem_alloc : memref<!tpu.dma_semaphore, #tpu.memory_space<semaphore_mem>>
      %dma_start3A = tpu.memref_slice %arg3[%mul3A_2] : memref<10240xi32, #tpu.memory_space<hbm>> -> memref<320xi32, #tpu.memory_space<hbm>>
      %dma_start3A_15 = tpu.memref_slice %arg3[%mul3A_2] : memref<10240xi32, #tpu.memory_space<hbm>> -> memref<320xi32, #tpu.memory_space<hbm>>
      tpu.enqueue_dma source(%dma_start3A_15 : memref<320xi32, #tpu.memory_space<hbm>>) target(%arg6 : memref<320xi32, #tpu.memory_space<vmem>>) target_semaphore(%run_scoped3A : memref<!tpu.dma_semaphore, #tpu.memory_space<semaphore_mem>>)
      %dma_wait3A = tpu.memref_slice %arg3[%mul3A_2] : memref<10240xi32, #tpu.memory_space<hbm>> -> memref<320xi32, #tpu.memory_space<hbm>>
      %dma_wait3A_16 = tpu.memref_slice %arg3[%mul3A_2] : memref<10240xi32, #tpu.memory_space<hbm>> -> memref<320xi32, #tpu.memory_space<hbm>>
      tpu.wait_dma2 semaphore(%run_scoped3A : memref<!tpu.dma_semaphore, #tpu.memory_space<semaphore_mem>>) src(%dma_wait3A_16 : memref<320xi32, #tpu.memory_space<hbm>>) dst(%arg6 : memref<320xi32, #tpu.memory_space<vmem>>)
      tpu.yield
    }) : () -> ()
    %broadcast_in_dim3A = arith.constant 0xFF800000 : f32
    %broadcast_in_dim3A_3 = vector.broadcast %broadcast_in_dim3A : f32 to vector<16xf32>
    %scan3A = arith.constant 0 : i32
    %scan3A_4 = arith.constant 0 : i32
    %scan3A_5 = arith.constant 520 : i32
    %scan3A_6 = arith.addi %scan3A_4, %scan3A_5 : i32
    %scan3A_7 = arith.constant 1 : i32
    scf.for %scan3A_15 = %scan3A_4 to %scan3A_6 step %scan3A_7  : i32 {
      %swap3A = arith.index_cast %scan3A_15 : i32 to index
      %swap3A_16 = arith.constant 0 : index
      %swap3A_17 = tpu.vector_load %arg7[%swap3A, %swap3A_16] {strides = array<i32>} : memref<520x64xf32, #tpu.memory_space<vmem>>, vector<16xf32>,
      tpu.vector_store %arg7[%swap3A, %swap3A_16], %broadcast_in_dim3A_3 {strides = array<i32>} : memref<520x64xf32, #tpu.memory_space<vmem>>, vector<16xf32>,
      %swap3A_18 = arith.index_cast %scan3A_15 : i32 to index
      %swap3A_19 = arith.constant 16 : index
      %swap3A_20 = tpu.vector_load %arg7[%swap3A_18, %swap3A_19] {strides = array<i32>} : memref<520x64xf32, #tpu.memory_space<vmem>>, vector<16xf32>,
      tpu.vector_store %arg7[%swap3A_18, %swap3A_19], %broadcast_in_dim3A_3 {strides = array<i32>} : memref<520x64xf32, #tpu.memory_space<vmem>>, vector<16xf32>,
      %swap3A_21 = arith.index_cast %scan3A_15 : i32 to index
      %swap3A_22 = arith.constant 32 : index
      %swap3A_23 = tpu.vector_load %arg7[%swap3A_21, %swap3A_22] {strides = array<i32>} : memref<520x64xf32, #tpu.memory_space<vmem>>, vector<16xf32>,
      tpu.vector_store %arg7[%swap3A_21, %swap3A_22], %broadcast_in_dim3A_3 {strides = array<i32>} : memref<520x64xf32, #tpu.memory_space<vmem>>, vector<16xf32>,
      %swap3A_24 = arith.index_cast %scan3A_15 : i32 to index
      %swap3A_25 = arith.constant 48 : index
      %swap3A_26 = tpu.vector_load %arg7[%swap3A_24, %swap3A_25] {strides = array<i32>} : memref<520x64xf32, #tpu.memory_space<vmem>>, vector<16xf32>,
      tpu.vector_store %arg7[%swap3A_24, %swap3A_25], %broadcast_in_dim3A_3 {strides = array<i32>} : memref<520x64xf32, #tpu.memory_space<vmem>>, vector<16xf32>,
    }
    %scan3A_8 = arith.constant 520 : i32
    %iota3A = tpu.iota {dimensions = array<i32: 0>} : vector<16xi32>
    %scan3A_9 = arith.constant 0 : i32
    %scan3A_10 = arith.constant 0 : i32
    %scan3A_11 = arith.constant 320 : i32
    %scan3A_12 = arith.addi %scan3A_10, %scan3A_11 : i32
    %scan3A_13 = arith.constant 1 : i32
    scf.for %scan3A_15 = %scan3A_10 to %scan3A_12 step %scan3A_13  : i32 {
      %broadcast_in_dim3A_16 = arith.constant 0 : i32
      %broadcast_in_dim3A_17 = vector.broadcast %broadcast_in_dim3A_16 : i32 to vector<16xi32>
      %add3A_18 = vector.broadcast %scan3A_15 : i32 to vector<16xi32>
      %add3A_19 = arith.addi %broadcast_in_dim3A_17, %add3A_18 : vector<16xi32>
      %gather3A = tpu.vector_load_idx %arg6[%add3A_19] : memref<320xi32, #tpu.memory_space<vmem>>[vector<16xi32>], vector<16xi32>,
      %get3A = arith.index_cast %scan3A_15 : i32 to index
      %get3A_20 = arith.constant 0 : index
      %get3A_21 = tpu.vector_load %arg5[%get3A, %get3A_20] {strides = array<i32>} : memref<320x64xf32, #tpu.memory_space<vmem>>, vector<16xf32>,
      %add3A_22 = arith.constant 0 : i32
      %add3A_23 = vector.broadcast %add3A_22 : i32 to vector<16xi32>
      %add3A_24 = arith.addi %iota3A, %add3A_23 : vector<16xi32>
      %gather3A_25 = tpu.vector_load_idx %arg7[%gather3A, %add3A_24] : memref<520x64xf32, #tpu.memory_space<vmem>>[vector<16xi32>, vector<16xi32>], vector<16xf32>,
      %max3A = arith.maximumf %gather3A_25, %get3A_21 : vector<16xf32>
      tpu.vector_store_idx %arg7[%gather3A, %add3A_24], %max3A : memref<520x64xf32, #tpu.memory_space<vmem>>[vector<16xi32>, vector<16xi32>], vector<16xf32>,
      %get3A_26 = arith.index_cast %scan3A_15 : i32 to index
      %get3A_27 = arith.constant 16 : index
      %get3A_28 = tpu.vector_load %arg5[%get3A_26, %get3A_27] {strides = array<i32>} : memref<320x64xf32, #tpu.memory_space<vmem>>, vector<16xf32>,
      %add3A_29 = arith.constant 16 : i32
      %add3A_30 = vector.broadcast %add3A_29 : i32 to vector<16xi32>
      %add3A_31 = arith.addi %iota3A, %add3A_30 : vector<16xi32>
      %gather3A_32 = tpu.vector_load_idx %arg7[%gather3A, %add3A_31] : memref<520x64xf32, #tpu.memory_space<vmem>>[vector<16xi32>, vector<16xi32>], vector<16xf32>,
      %max3A_33 = arith.maximumf %gather3A_32, %get3A_28 : vector<16xf32>
      tpu.vector_store_idx %arg7[%gather3A, %add3A_31], %max3A_33 : memref<520x64xf32, #tpu.memory_space<vmem>>[vector<16xi32>, vector<16xi32>], vector<16xf32>,
      %get3A_34 = arith.index_cast %scan3A_15 : i32 to index
      %get3A_35 = arith.constant 32 : index
      %get3A_36 = tpu.vector_load %arg5[%get3A_34, %get3A_35] {strides = array<i32>} : memref<320x64xf32, #tpu.memory_space<vmem>>, vector<16xf32>,
      %add3A_37 = arith.constant 32 : i32
      %add3A_38 = vector.broadcast %add3A_37 : i32 to vector<16xi32>
      %add3A_39 = arith.addi %iota3A, %add3A_38 : vector<16xi32>
      %gather3A_40 = tpu.vector_load_idx %arg7[%gather3A, %add3A_39] : memref<520x64xf32, #tpu.memory_space<vmem>>[vector<16xi32>, vector<16xi32>], vector<16xf32>,
      %max3A_41 = arith.maximumf %gather3A_40, %get3A_36 : vector<16xf32>
      tpu.vector_store_idx %arg7[%gather3A, %add3A_39], %max3A_41 : memref<520x64xf32, #tpu.memory_space<vmem>>[vector<16xi32>, vector<16xi32>], vector<16xf32>,
      %get3A_42 = arith.index_cast %scan3A_15 : i32 to index
      %get3A_43 = arith.constant 48 : index
      %get3A_44 = tpu.vector_load %arg5[%get3A_42, %get3A_43] {strides = array<i32>} : memref<320x64xf32, #tpu.memory_space<vmem>>, vector<16xf32>,
      %add3A_45 = arith.constant 48 : i32
      %add3A_46 = vector.broadcast %add3A_45 : i32 to vector<16xi32>
      %add3A_47 = arith.addi %iota3A, %add3A_46 : vector<16xi32>
      %gather3A_48 = tpu.vector_load_idx %arg7[%gather3A, %add3A_47] : memref<520x64xf32, #tpu.memory_space<vmem>>[vector<16xi32>, vector<16xi32>], vector<16xf32>,
      %max3A_49 = arith.maximumf %gather3A_48, %get3A_44 : vector<16xf32>
      tpu.vector_store_idx %arg7[%gather3A, %add3A_47], %max3A_49 : memref<520x64xf32, #tpu.memory_space<vmem>>[vector<16xi32>, vector<16xi32>], vector<16xf32>,
    }
    %scan3A_14 = arith.constant 320 : i32
    "tpu.region"() ({
      %run_scoped3A = tpu.sem_alloc : memref<!tpu.dma_semaphore, #tpu.memory_space<semaphore_mem>>
      %dma_start3A = arith.constant 0 : i32
      %dma_start3A_15 = arith.constant 0 : i32
      %dma_start3A_16 = tpu.memref_slice %arg7[%dma_start3A, %dma_start3A_15] : memref<520x64xf32, #tpu.memory_space<vmem>> -> memref<512x64xf32, #tpu.memory_space<vmem>>
      %dma_start3A_17 = arith.constant 0 : i32
      %dma_start3A_18 = arith.constant 0 : i32
      %dma_start3A_19 = tpu.memref_slice %arg4[%add3A, %dma_start3A_17, %dma_start3A_18] : memref<32x512x64xf32, #tpu.memory_space<hbm>> -> memref<1x512x64xf32, #tpu.memory_space<hbm>>
      %dma_start3A_20 = tpu.memref_squeeze %dma_start3A_19 : memref<1x512x64xf32, #tpu.memory_space<hbm>> -> memref<512x64xf32, #tpu.memory_space<hbm>>
      %dma_start3A_21 = arith.constant 0 : i32
      %dma_start3A_22 = arith.constant 0 : i32
      %dma_start3A_23 = tpu.memref_slice %arg4[%add3A, %dma_start3A_21, %dma_start3A_22] : memref<32x512x64xf32, #tpu.memory_space<hbm>> -> memref<1x512x64xf32, #tpu.memory_space<hbm>>
      %dma_start3A_24 = tpu.memref_squeeze %dma_start3A_23 : memref<1x512x64xf32, #tpu.memory_space<hbm>> -> memref<512x64xf32, #tpu.memory_space<hbm>>
      %dma_start3A_25 = arith.constant 0 : i32
      %dma_start3A_26 = arith.constant 0 : i32
      %dma_start3A_27 = tpu.memref_slice %arg7[%dma_start3A_25, %dma_start3A_26] : memref<520x64xf32, #tpu.memory_space<vmem>> -> memref<512x64xf32, #tpu.memory_space<vmem>>
      tpu.enqueue_dma source(%dma_start3A_27 : memref<512x64xf32, #tpu.memory_space<vmem>>) target(%dma_start3A_24 : memref<512x64xf32, #tpu.memory_space<hbm>>) target_semaphore(%run_scoped3A : memref<!tpu.dma_semaphore, #tpu.memory_space<semaphore_mem>>)
      %dma_wait3A = arith.constant 0 : i32
      %dma_wait3A_28 = arith.constant 0 : i32
      %dma_wait3A_29 = tpu.memref_slice %arg7[%dma_wait3A, %dma_wait3A_28] : memref<520x64xf32, #tpu.memory_space<vmem>> -> memref<512x64xf32, #tpu.memory_space<vmem>>
      %dma_wait3A_30 = arith.constant 0 : i32
      %dma_wait3A_31 = arith.constant 0 : i32
      %dma_wait3A_32 = tpu.memref_slice %arg4[%add3A, %dma_wait3A_30, %dma_wait3A_31] : memref<32x512x64xf32, #tpu.memory_space<hbm>> -> memref<1x512x64xf32, #tpu.memory_space<hbm>>
      %dma_wait3A_33 = tpu.memref_squeeze %dma_wait3A_32 : memref<1x512x64xf32, #tpu.memory_space<hbm>> -> memref<512x64xf32, #tpu.memory_space<hbm>>
      %dma_wait3A_34 = arith.constant 0 : i32
      %dma_wait3A_35 = arith.constant 0 : i32
      %dma_wait3A_36 = tpu.memref_slice %arg4[%add3A, %dma_wait3A_34, %dma_wait3A_35] : memref<32x512x64xf32, #tpu.memory_space<hbm>> -> memref<1x512x64xf32, #tpu.memory_space<hbm>>
      %dma_wait3A_37 = tpu.memref_squeeze %dma_wait3A_36 : memref<1x512x64xf32, #tpu.memory_space<hbm>> -> memref<512x64xf32, #tpu.memory_space<hbm>>
      %dma_wait3A_38 = arith.constant 0 : i32
      %dma_wait3A_39 = arith.constant 0 : i32
      %dma_wait3A_40 = tpu.memref_slice %arg7[%dma_wait3A_38, %dma_wait3A_39] : memref<520x64xf32, #tpu.memory_space<vmem>> -> memref<512x64xf32, #tpu.memory_space<vmem>>
      tpu.wait_dma2 semaphore(%run_scoped3A : memref<!tpu.dma_semaphore, #tpu.memory_space<semaphore_mem>>) src(%dma_wait3A_40 : memref<512x64xf32, #tpu.memory_space<vmem>>) dst(%dma_wait3A_37 : memref<512x64xf32, #tpu.memory_space<hbm>>)
      tpu.yield
    }) : () -> ()
    return
  }
}

#map = affine_map<(d0, d1) -> (0, 0)>
#map1 = affine_map<(d0, d1) -> (0, 0, 0)>
module attributes {stable_mosaic.version = 14 : i64} {
  func.func @sc_gather(%arg0: i32, %arg1: i32, %arg2: memref<10000x64xf32, #tpu.memory_space<hbm>>, %arg3: memref<32x80x128xi32, #tpu.memory_space<hbm>>, %arg4: memref<32x80x128xi32, #tpu.memory_space<hbm>>, %arg5: memref<327680x64xf32, #tpu.memory_space<hbm>>, %arg6: memref<327680x64xf32, #tpu.memory_space<hbm>>, %arg7: memref<80x128xi32, #tpu.memory_space<vmem>>, %arg8: memref<80x128xi32, #tpu.memory_space<vmem>>, %arg9: memref<128x64xf32, #tpu.memory_space<vmem>>, %arg10: memref<128x64xf32, #tpu.memory_space<vmem>>, %arg11: memref<!tpu.dma_semaphore, #tpu.memory_space<semaphore_mem>>, %arg12: memref<!tpu.dma_semaphore, #tpu.memory_space<semaphore_mem>>) attributes {dimension_semantics = [#tpu.dimension_semantics<core_parallel>, #tpu.dimension_semantics<subcore_parallel>], iteration_bounds = array<i64: 2, 16>, scalar_prefetch = 0 : i64, scratch_operands = 6 : i64, tpu.core_type = #tpu.core_type<sc_vector_subcore>, window_params = [{transform_indices = #map}, {transform_indices = #map1}, {transform_indices = #map1}, {transform_indices = #map}, {transform_indices = #map}]} {
    %mul3A = arith.constant 2 : i32
    %mul3A_0 = arith.muli %arg1, %mul3A : i32
    %add3A = arith.addi %mul3A_0, %arg0 : i32
    "tpu.region"() ({
      %run_scoped3A = tpu.sem_alloc : memref<!tpu.dma_semaphore, #tpu.memory_space<semaphore_mem>>
      %dma_start3A = arith.constant 0 : i32
      %dma_start3A_6 = arith.constant 0 : i32
      %dma_start3A_7 = tpu.memref_slice %arg3[%add3A, %dma_start3A, %dma_start3A_6] : memref<32x80x128xi32, #tpu.memory_space<hbm>> -> memref<1x80x128xi32, #tpu.memory_space<hbm>>
      %dma_start3A_8 = tpu.memref_squeeze %dma_start3A_7 : memref<1x80x128xi32, #tpu.memory_space<hbm>> -> memref<80x128xi32, #tpu.memory_space<hbm>>
      %dma_start3A_9 = arith.constant 0 : i32
      %dma_start3A_10 = arith.constant 0 : i32
      %dma_start3A_11 = tpu.memref_slice %arg3[%add3A, %dma_start3A_9, %dma_start3A_10] : memref<32x80x128xi32, #tpu.memory_space<hbm>> -> memref<1x80x128xi32, #tpu.memory_space<hbm>>
      %dma_start3A_12 = tpu.memref_squeeze %dma_start3A_11 : memref<1x80x128xi32, #tpu.memory_space<hbm>> -> memref<80x128xi32, #tpu.memory_space<hbm>>
      tpu.enqueue_dma source(%dma_start3A_12 : memref<80x128xi32, #tpu.memory_space<hbm>>) target(%arg7 : memref<80x128xi32, #tpu.memory_space<vmem>>) target_semaphore(%run_scoped3A : memref<!tpu.dma_semaphore, #tpu.memory_space<semaphore_mem>>)
      %dma_wait3A = arith.constant 0 : i32
      %dma_wait3A_13 = arith.constant 0 : i32
      %dma_wait3A_14 = tpu.memref_slice %arg3[%add3A, %dma_wait3A, %dma_wait3A_13] : memref<32x80x128xi32, #tpu.memory_space<hbm>> -> memref<1x80x128xi32, #tpu.memory_space<hbm>>
      %dma_wait3A_15 = tpu.memref_squeeze %dma_wait3A_14 : memref<1x80x128xi32, #tpu.memory_space<hbm>> -> memref<80x128xi32, #tpu.memory_space<hbm>>
      %dma_wait3A_16 = arith.constant 0 : i32
      %dma_wait3A_17 = arith.constant 0 : i32
      %dma_wait3A_18 = tpu.memref_slice %arg3[%add3A, %dma_wait3A_16, %dma_wait3A_17] : memref<32x80x128xi32, #tpu.memory_space<hbm>> -> memref<1x80x128xi32, #tpu.memory_space<hbm>>
      %dma_wait3A_19 = tpu.memref_squeeze %dma_wait3A_18 : memref<1x80x128xi32, #tpu.memory_space<hbm>> -> memref<80x128xi32, #tpu.memory_space<hbm>>
      tpu.wait_dma2 semaphore(%run_scoped3A : memref<!tpu.dma_semaphore, #tpu.memory_space<semaphore_mem>>) src(%dma_wait3A_19 : memref<80x128xi32, #tpu.memory_space<hbm>>) dst(%arg7 : memref<80x128xi32, #tpu.memory_space<vmem>>)
      tpu.yield
    }) : () -> ()
    "tpu.region"() ({
      %run_scoped3A = tpu.sem_alloc : memref<!tpu.dma_semaphore, #tpu.memory_space<semaphore_mem>>
      %dma_start3A = arith.constant 0 : i32
      %dma_start3A_6 = arith.constant 0 : i32
      %dma_start3A_7 = tpu.memref_slice %arg4[%add3A, %dma_start3A, %dma_start3A_6] : memref<32x80x128xi32, #tpu.memory_space<hbm>> -> memref<1x80x128xi32, #tpu.memory_space<hbm>>
      %dma_start3A_8 = tpu.memref_squeeze %dma_start3A_7 : memref<1x80x128xi32, #tpu.memory_space<hbm>> -> memref<80x128xi32, #tpu.memory_space<hbm>>
      %dma_start3A_9 = arith.constant 0 : i32
      %dma_start3A_10 = arith.constant 0 : i32
      %dma_start3A_11 = tpu.memref_slice %arg4[%add3A, %dma_start3A_9, %dma_start3A_10] : memref<32x80x128xi32, #tpu.memory_space<hbm>> -> memref<1x80x128xi32, #tpu.memory_space<hbm>>
      %dma_start3A_12 = tpu.memref_squeeze %dma_start3A_11 : memref<1x80x128xi32, #tpu.memory_space<hbm>> -> memref<80x128xi32, #tpu.memory_space<hbm>>
      tpu.enqueue_dma source(%dma_start3A_12 : memref<80x128xi32, #tpu.memory_space<hbm>>) target(%arg8 : memref<80x128xi32, #tpu.memory_space<vmem>>) target_semaphore(%run_scoped3A : memref<!tpu.dma_semaphore, #tpu.memory_space<semaphore_mem>>)
      %dma_wait3A = arith.constant 0 : i32
      %dma_wait3A_13 = arith.constant 0 : i32
      %dma_wait3A_14 = tpu.memref_slice %arg4[%add3A, %dma_wait3A, %dma_wait3A_13] : memref<32x80x128xi32, #tpu.memory_space<hbm>> -> memref<1x80x128xi32, #tpu.memory_space<hbm>>
      %dma_wait3A_15 = tpu.memref_squeeze %dma_wait3A_14 : memref<1x80x128xi32, #tpu.memory_space<hbm>> -> memref<80x128xi32, #tpu.memory_space<hbm>>
      %dma_wait3A_16 = arith.constant 0 : i32
      %dma_wait3A_17 = arith.constant 0 : i32
      %dma_wait3A_18 = tpu.memref_slice %arg4[%add3A, %dma_wait3A_16, %dma_wait3A_17] : memref<32x80x128xi32, #tpu.memory_space<hbm>> -> memref<1x80x128xi32, #tpu.memory_space<hbm>>
      %dma_wait3A_19 = tpu.memref_squeeze %dma_wait3A_18 : memref<1x80x128xi32, #tpu.memory_space<hbm>> -> memref<80x128xi32, #tpu.memory_space<hbm>>
      tpu.wait_dma2 semaphore(%run_scoped3A : memref<!tpu.dma_semaphore, #tpu.memory_space<semaphore_mem>>) src(%dma_wait3A_19 : memref<80x128xi32, #tpu.memory_space<hbm>>) dst(%arg8 : memref<80x128xi32, #tpu.memory_space<vmem>>)
      tpu.yield
    }) : () -> ()
    %scan3A = arith.constant 0 : i32
    %scan3A_1 = arith.constant 0 : i32
    %scan3A_2 = arith.constant 80 : i32
    %scan3A_3 = arith.addi %scan3A_1, %scan3A_2 : i32
    %scan3A_4 = arith.constant 1 : i32
    scf.for %scan3A_6 = %scan3A_1 to %scan3A_3 step %scan3A_4  : i32 {
      %dma_start3A = arith.constant 0 : i32
      %dma_start3A_7 = tpu.memref_slice %arg7[%scan3A_6, %dma_start3A] : memref<80x128xi32, #tpu.memory_space<vmem>> -> memref<1x128xi32, #tpu.memory_space<vmem>>
      %dma_start3A_8 = tpu.memref_squeeze %dma_start3A_7 : memref<1x128xi32, #tpu.memory_space<vmem>> -> memref<128xi32, #tpu.memory_space<vmem>>
      %dma_start3A_9 = arith.constant 0 : i32
      %dma_start3A_10 = arith.constant 0 : i32
      %dma_start3A_11 = tpu.memref_slice %arg2[%dma_start3A_9, %dma_start3A_10] : memref<10000x64xf32, #tpu.memory_space<hbm>> -> memref<10000x64xf32, #tpu.memory_space<hbm>>
      tpu.enqueue_indirect_dma source(%dma_start3A_11 : memref<10000x64xf32, #tpu.memory_space<hbm>>) target(%arg9 : memref<128x64xf32, #tpu.memory_space<vmem>>) offsets(%dma_start3A_8 : memref<128xi32, #tpu.memory_space<vmem>>) semaphore(%arg11 : memref<!tpu.dma_semaphore, #tpu.memory_space<semaphore_mem>>)
      %dma_start3A_12 = arith.constant 0 : i32
      %dma_start3A_13 = tpu.memref_slice %arg8[%scan3A_6, %dma_start3A_12] : memref<80x128xi32, #tpu.memory_space<vmem>> -> memref<1x128xi32, #tpu.memory_space<vmem>>
      %dma_start3A_14 = tpu.memref_squeeze %dma_start3A_13 : memref<1x128xi32, #tpu.memory_space<vmem>> -> memref<128xi32, #tpu.memory_space<vmem>>
      %dma_start3A_15 = arith.constant 0 : i32
      %dma_start3A_16 = arith.constant 0 : i32
      %dma_start3A_17 = tpu.memref_slice %arg2[%dma_start3A_15, %dma_start3A_16] : memref<10000x64xf32, #tpu.memory_space<hbm>> -> memref<10000x64xf32, #tpu.memory_space<hbm>>
      tpu.enqueue_indirect_dma source(%dma_start3A_17 : memref<10000x64xf32, #tpu.memory_space<hbm>>) target(%arg10 : memref<128x64xf32, #tpu.memory_space<vmem>>) offsets(%dma_start3A_14 : memref<128xi32, #tpu.memory_space<vmem>>) semaphore(%arg12 : memref<!tpu.dma_semaphore, #tpu.memory_space<semaphore_mem>>)
      %dma_wait3A = arith.constant 0 : i32
      %dma_wait3A_18 = tpu.memref_slice %arg7[%scan3A_6, %dma_wait3A] : memref<80x128xi32, #tpu.memory_space<vmem>> -> memref<1x128xi32, #tpu.memory_space<vmem>>
      %dma_wait3A_19 = tpu.memref_squeeze %dma_wait3A_18 : memref<1x128xi32, #tpu.memory_space<vmem>> -> memref<128xi32, #tpu.memory_space<vmem>>
      %dma_wait3A_20 = arith.constant 0 : i32
      %dma_wait3A_21 = arith.constant 0 : i32
      %dma_wait3A_22 = tpu.memref_slice %arg2[%dma_wait3A_20, %dma_wait3A_21] : memref<10000x64xf32, #tpu.memory_space<hbm>> -> memref<10000x64xf32, #tpu.memory_space<hbm>>
      tpu.wait_indirect_dma semaphore(%arg11 : memref<!tpu.dma_semaphore, #tpu.memory_space<semaphore_mem>>) src(%dma_wait3A_22 : memref<10000x64xf32, #tpu.memory_space<hbm>>) dst(%arg9 : memref<128x64xf32, #tpu.memory_space<vmem>>)
      %dma_wait3A_23 = arith.constant 0 : i32
      %dma_wait3A_24 = tpu.memref_slice %arg8[%scan3A_6, %dma_wait3A_23] : memref<80x128xi32, #tpu.memory_space<vmem>> -> memref<1x128xi32, #tpu.memory_space<vmem>>
      %dma_wait3A_25 = tpu.memref_squeeze %dma_wait3A_24 : memref<1x128xi32, #tpu.memory_space<vmem>> -> memref<128xi32, #tpu.memory_space<vmem>>
      %dma_wait3A_26 = arith.constant 0 : i32
      %dma_wait3A_27 = arith.constant 0 : i32
      %dma_wait3A_28 = tpu.memref_slice %arg2[%dma_wait3A_26, %dma_wait3A_27] : memref<10000x64xf32, #tpu.memory_space<hbm>> -> memref<10000x64xf32, #tpu.memory_space<hbm>>
      tpu.wait_indirect_dma semaphore(%arg12 : memref<!tpu.dma_semaphore, #tpu.memory_space<semaphore_mem>>) src(%dma_wait3A_28 : memref<10000x64xf32, #tpu.memory_space<hbm>>) dst(%arg10 : memref<128x64xf32, #tpu.memory_space<vmem>>)
      %mul3A_29 = arith.constant 10240 : i32
      %mul3A_30 = arith.muli %add3A, %mul3A_29 : i32
      %mul3A_31 = arith.constant 128 : i32
      %mul3A_32 = arith.muli %scan3A_6, %mul3A_31 : i32
      %add3A_33 = arith.addi %mul3A_30, %mul3A_32 : i32
      "tpu.region"() ({
        %run_scoped3A = tpu.sem_alloc : memref<!tpu.dma_semaphore, #tpu.memory_space<semaphore_mem>>
        %dma_start3A_34 = arith.constant 0 : i32
        %dma_start3A_35 = tpu.memref_slice %arg5[%add3A_33, %dma_start3A_34] : memref<327680x64xf32, #tpu.memory_space<hbm>> -> memref<128x64xf32, #tpu.memory_space<hbm>>
        %dma_start3A_36 = arith.constant 0 : i32
        %dma_start3A_37 = tpu.memref_slice %arg5[%add3A_33, %dma_start3A_36] : memref<327680x64xf32, #tpu.memory_space<hbm>> -> memref<128x64xf32, #tpu.memory_space<hbm>>
        tpu.enqueue_dma source(%arg9 : memref<128x64xf32, #tpu.memory_space<vmem>>) target(%dma_start3A_37 : memref<128x64xf32, #tpu.memory_space<hbm>>) target_semaphore(%run_scoped3A : memref<!tpu.dma_semaphore, #tpu.memory_space<semaphore_mem>>)
        %dma_wait3A_38 = arith.constant 0 : i32
        %dma_wait3A_39 = tpu.memref_slice %arg5[%add3A_33, %dma_wait3A_38] : memref<327680x64xf32, #tpu.memory_space<hbm>> -> memref<128x64xf32, #tpu.memory_space<hbm>>
        %dma_wait3A_40 = arith.constant 0 : i32
        %dma_wait3A_41 = tpu.memref_slice %arg5[%add3A_33, %dma_wait3A_40] : memref<327680x64xf32, #tpu.memory_space<hbm>> -> memref<128x64xf32, #tpu.memory_space<hbm>>
        tpu.wait_dma2 semaphore(%run_scoped3A : memref<!tpu.dma_semaphore, #tpu.memory_space<semaphore_mem>>) src(%arg9 : memref<128x64xf32, #tpu.memory_space<vmem>>) dst(%dma_wait3A_41 : memref<128x64xf32, #tpu.memory_space<hbm>>)
        tpu.yield
      }) : () -> ()
      "tpu.region"() ({
        %run_scoped3A = tpu.sem_alloc : memref<!tpu.dma_semaphore, #tpu.memory_space<semaphore_mem>>
        %dma_start3A_34 = arith.constant 0 : i32
        %dma_start3A_35 = tpu.memref_slice %arg6[%add3A_33, %dma_start3A_34] : memref<327680x64xf32, #tpu.memory_space<hbm>> -> memref<128x64xf32, #tpu.memory_space<hbm>>
        %dma_start3A_36 = arith.constant 0 : i32
        %dma_start3A_37 = tpu.memref_slice %arg6[%add3A_33, %dma_start3A_36] : memref<327680x64xf32, #tpu.memory_space<hbm>> -> memref<128x64xf32, #tpu.memory_space<hbm>>
        tpu.enqueue_dma source(%arg10 : memref<128x64xf32, #tpu.memory_space<vmem>>) target(%dma_start3A_37 : memref<128x64xf32, #tpu.memory_space<hbm>>) target_semaphore(%run_scoped3A : memref<!tpu.dma_semaphore, #tpu.memory_space<semaphore_mem>>)
        %dma_wait3A_38 = arith.constant 0 : i32
        %dma_wait3A_39 = tpu.memref_slice %arg6[%add3A_33, %dma_wait3A_38] : memref<327680x64xf32, #tpu.memory_space<hbm>> -> memref<128x64xf32, #tpu.memory_space<hbm>>
        %dma_wait3A_40 = arith.constant 0 : i32
        %dma_wait3A_41 = tpu.memref_slice %arg6[%add3A_33, %dma_wait3A_40] : memref<327680x64xf32, #tpu.memory_space<hbm>> -> memref<128x64xf32, #tpu.memory_space<hbm>>
        tpu.wait_dma2 semaphore(%run_scoped3A : memref<!tpu.dma_semaphore, #tpu.memory_space<semaphore_mem>>) src(%arg10 : memref<128x64xf32, #tpu.memory_space<vmem>>) dst(%dma_wait3A_41 : memref<128x64xf32, #tpu.memory_space<hbm>>)
        tpu.yield
      }) : () -> ()
    }
    %scan3A_5 = arith.constant 80 : i32
    return
  }
}

#map = affine_map<(d0, d1) -> (0, 0)>
#map1 = affine_map<(d0, d1) -> (0)>
module attributes {stable_mosaic.version = 14 : i64} {
  func.func @sc_scatter(%arg0: i32, %arg1: i32, %arg2: memref<327680x64xf32, #tpu.memory_space<hbm>>, %arg3: memref<2500x128xi32, #tpu.memory_space<hbm>>, %arg4: memref<32xi32, #tpu.memory_space<hbm>>, %arg5: memref<32xi32, #tpu.memory_space<hbm>>, %arg6: memref<10016x64xf32, #tpu.memory_space<hbm>>, %arg7: memref<128xi32, #tpu.memory_space<vmem>>, %arg8: memref<32xi32, #tpu.memory_space<vmem>>, %arg9: memref<32xi32, #tpu.memory_space<vmem>>, %arg10: memref<128x64xf32, #tpu.memory_space<vmem>>, %arg11: memref<320x64xf32, #tpu.memory_space<vmem>>) attributes {dimension_semantics = [#tpu.dimension_semantics<core_parallel>, #tpu.dimension_semantics<subcore_parallel>], iteration_bounds = array<i64: 2, 16>, scalar_prefetch = 0 : i64, scratch_operands = 5 : i64, tpu.core_type = #tpu.core_type<sc_vector_subcore>, window_params = [{transform_indices = #map}, {transform_indices = #map}, {transform_indices = #map1}, {transform_indices = #map1}, {transform_indices = #map}]} {
    %mul3A = arith.constant 2 : i32
    %mul3A_0 = arith.muli %arg1, %mul3A : i32
    %add3A = arith.addi %mul3A_0, %arg0 : i32
    %broadcast_in_dim3A = arith.constant 0.000000e+00 : f32
    %broadcast_in_dim3A_1 = vector.broadcast %broadcast_in_dim3A : f32 to vector<16xf32>
    %scan3A = arith.constant 0 : i32
    %scan3A_2 = arith.constant 0 : i32
    %scan3A_3 = arith.constant 320 : i32
    %scan3A_4 = arith.addi %scan3A_2, %scan3A_3 : i32
    %scan3A_5 = arith.constant 1 : i32
    scf.for %scan3A_41 = %scan3A_2 to %scan3A_4 step %scan3A_5  : i32 {
      %swap3A = arith.index_cast %scan3A_41 : i32 to index
      %swap3A_42 = arith.constant 0 : index
      %swap3A_43 = tpu.vector_load %arg11[%swap3A, %swap3A_42] {strides = array<i32>} : memref<320x64xf32, #tpu.memory_space<vmem>>, vector<16xf32>,
      tpu.vector_store %arg11[%swap3A, %swap3A_42], %broadcast_in_dim3A_1 {strides = array<i32>} : memref<320x64xf32, #tpu.memory_space<vmem>>, vector<16xf32>,
      %swap3A_44 = arith.index_cast %scan3A_41 : i32 to index
      %swap3A_45 = arith.constant 16 : index
      %swap3A_46 = tpu.vector_load %arg11[%swap3A_44, %swap3A_45] {strides = array<i32>} : memref<320x64xf32, #tpu.memory_space<vmem>>, vector<16xf32>,
      tpu.vector_store %arg11[%swap3A_44, %swap3A_45], %broadcast_in_dim3A_1 {strides = array<i32>} : memref<320x64xf32, #tpu.memory_space<vmem>>, vector<16xf32>,
      %swap3A_47 = arith.index_cast %scan3A_41 : i32 to index
      %swap3A_48 = arith.constant 32 : index
      %swap3A_49 = tpu.vector_load %arg11[%swap3A_47, %swap3A_48] {strides = array<i32>} : memref<320x64xf32, #tpu.memory_space<vmem>>, vector<16xf32>,
      tpu.vector_store %arg11[%swap3A_47, %swap3A_48], %broadcast_in_dim3A_1 {strides = array<i32>} : memref<320x64xf32, #tpu.memory_space<vmem>>, vector<16xf32>,
      %swap3A_50 = arith.index_cast %scan3A_41 : i32 to index
      %swap3A_51 = arith.constant 48 : index
      %swap3A_52 = tpu.vector_load %arg11[%swap3A_50, %swap3A_51] {strides = array<i32>} : memref<320x64xf32, #tpu.memory_space<vmem>>, vector<16xf32>,
      tpu.vector_store %arg11[%swap3A_50, %swap3A_51], %broadcast_in_dim3A_1 {strides = array<i32>} : memref<320x64xf32, #tpu.memory_space<vmem>>, vector<16xf32>,
    }
    %scan3A_6 = arith.constant 320 : i32
    "tpu.region"() ({
      %run_scoped3A = tpu.sem_alloc : memref<!tpu.dma_semaphore, #tpu.memory_space<semaphore_mem>>
      tpu.enqueue_dma source(%arg4 : memref<32xi32, #tpu.memory_space<hbm>>) target(%arg8 : memref<32xi32, #tpu.memory_space<vmem>>) target_semaphore(%run_scoped3A : memref<!tpu.dma_semaphore, #tpu.memory_space<semaphore_mem>>)
      tpu.wait_dma2 semaphore(%run_scoped3A : memref<!tpu.dma_semaphore, #tpu.memory_space<semaphore_mem>>) src(%arg4 : memref<32xi32, #tpu.memory_space<hbm>>) dst(%arg8 : memref<32xi32, #tpu.memory_space<vmem>>)
      tpu.yield
    }) : () -> ()
    "tpu.region"() ({
      %run_scoped3A = tpu.sem_alloc : memref<!tpu.dma_semaphore, #tpu.memory_space<semaphore_mem>>
      tpu.enqueue_dma source(%arg5 : memref<32xi32, #tpu.memory_space<hbm>>) target(%arg9 : memref<32xi32, #tpu.memory_space<vmem>>) target_semaphore(%run_scoped3A : memref<!tpu.dma_semaphore, #tpu.memory_space<semaphore_mem>>)
      tpu.wait_dma2 semaphore(%run_scoped3A : memref<!tpu.dma_semaphore, #tpu.memory_space<semaphore_mem>>) src(%arg5 : memref<32xi32, #tpu.memory_space<hbm>>) dst(%arg9 : memref<32xi32, #tpu.memory_space<vmem>>)
      tpu.yield
    }) : () -> ()
    %broadcast_in_dim3A_7 = arith.constant 0 : i32
    %broadcast_in_dim3A_8 = vector.broadcast %broadcast_in_dim3A_7 : i32 to vector<16xi32>
    %add3A_9 = vector.broadcast %add3A : i32 to vector<16xi32>
    %add3A_10 = arith.addi %broadcast_in_dim3A_8, %add3A_9 : vector<16xi32>
    %gather3A = tpu.vector_load_idx %arg8[%add3A_10] : memref<32xi32, #tpu.memory_space<vmem>>[vector<16xi32>], vector<16xi32>,
    %reduce_max3A = arith.constant true
    %reduce_max3A_11 = vector.broadcast %reduce_max3A : i1 to vector<16xi1>
    %reduce_max3A_12 = arith.constant -2147483648 : i32
    %reduce_max3A_13 = vector.broadcast %reduce_max3A_12 : i32 to vector<16xi32>
    %reduce_max3A_14 = arith.xori %gather3A, %reduce_max3A_13 : vector<16xi32>
    %reduce_max3A_15 = tpu.scan <max>, %reduce_max3A_14 masked %reduce_max3A_11 : vector<16xi32>, vector<16xi1> -> vector<16xi32>
    %reduce_max3A_16 = arith.xori %reduce_max3A_15, %reduce_max3A_13 : vector<16xi32>
    %reduce_max3A_17 = vector.extract %reduce_max3A_16[15] : i32 from vector<16xi32>
    %gather3A_18 = tpu.vector_load_idx %arg9[%add3A_10] : memref<32xi32, #tpu.memory_space<vmem>>[vector<16xi32>], vector<16xi32>,
    %reduce_max3A_19 = arith.constant true
    %reduce_max3A_20 = vector.broadcast %reduce_max3A_19 : i1 to vector<16xi1>
    %reduce_max3A_21 = arith.constant -2147483648 : i32
    %reduce_max3A_22 = vector.broadcast %reduce_max3A_21 : i32 to vector<16xi32>
    %reduce_max3A_23 = arith.xori %gather3A_18, %reduce_max3A_22 : vector<16xi32>
    %reduce_max3A_24 = tpu.scan <max>, %reduce_max3A_23 masked %reduce_max3A_20 : vector<16xi32>, vector<16xi1> -> vector<16xi32>
    %reduce_max3A_25 = arith.xori %reduce_max3A_24, %reduce_max3A_22 : vector<16xi32>
    %reduce_max3A_26 = vector.extract %reduce_max3A_25[15] : i32 from vector<16xi32>
    %mul3A_27 = arith.constant 313 : i32
    %mul3A_28 = arith.muli %add3A, %mul3A_27 : i32
    %add3A_29 = arith.constant 313 : i32
    %add3A_30 = arith.addi %mul3A_28, %add3A_29 : i32
    %min3A = arith.constant 10000 : i32
    %min3A_31 = arith.minsi %add3A_30, %min3A : i32
    %iota3A = tpu.iota {dimensions = array<i32: 0>} : vector<16xi32>
    %while3A = arith.constant 0 : i32
    %while3A_32 = arith.constant 0 : i32
    %while3A_33 = arith.subi %reduce_max3A_26, %while3A_32 : i32
    %while3A_34 = arith.addi %while3A_32, %while3A_33 : i32
    %while3A_35 = arith.constant 1 : i32
    %while3A_36 = arith.divsi %while3A_33, %while3A_35 : i32
    %while3A_37 = arith.muli %while3A_36, %while3A_35 : i32
    %while3A_38 = arith.addi %while3A_32, %while3A_37 : i32
    %while3A_39 = arith.constant 1 : i32
    scf.for %while3A_41 = %while3A_32 to %while3A_38 step %while3A_39  : i32 {
      %add3A_42 = arith.addi %reduce_max3A_17, %while3A_41 : i32
      "tpu.region"() ({
        %run_scoped3A = tpu.sem_alloc : memref<!tpu.dma_semaphore, #tpu.memory_space<semaphore_mem>>
        %dma_start3A = arith.constant 0 : i32
        %dma_start3A_51 = tpu.memref_slice %arg3[%add3A_42, %dma_start3A] : memref<2500x128xi32, #tpu.memory_space<hbm>> -> memref<1x128xi32, #tpu.memory_space<hbm>>
        %dma_start3A_52 = tpu.memref_squeeze %dma_start3A_51 : memref<1x128xi32, #tpu.memory_space<hbm>> -> memref<128xi32, #tpu.memory_space<hbm>>
        %dma_start3A_53 = arith.constant 0 : i32
        %dma_start3A_54 = tpu.memref_slice %arg3[%add3A_42, %dma_start3A_53] : memref<2500x128xi32, #tpu.memory_space<hbm>> -> memref<1x128xi32, #tpu.memory_space<hbm>>
        %dma_start3A_55 = tpu.memref_squeeze %dma_start3A_54 : memref<1x128xi32, #tpu.memory_space<hbm>> -> memref<128xi32, #tpu.memory_space<hbm>>
        tpu.enqueue_dma source(%dma_start3A_55 : memref<128xi32, #tpu.memory_space<hbm>>) target(%arg7 : memref<128xi32, #tpu.memory_space<vmem>>) target_semaphore(%run_scoped3A : memref<!tpu.dma_semaphore, #tpu.memory_space<semaphore_mem>>)
        %dma_wait3A = arith.constant 0 : i32
        %dma_wait3A_56 = tpu.memref_slice %arg3[%add3A_42, %dma_wait3A] : memref<2500x128xi32, #tpu.memory_space<hbm>> -> memref<1x128xi32, #tpu.memory_space<hbm>>
        %dma_wait3A_57 = tpu.memref_squeeze %dma_wait3A_56 : memref<1x128xi32, #tpu.memory_space<hbm>> -> memref<128xi32, #tpu.memory_space<hbm>>
        %dma_wait3A_58 = arith.constant 0 : i32
        %dma_wait3A_59 = tpu.memref_slice %arg3[%add3A_42, %dma_wait3A_58] : memref<2500x128xi32, #tpu.memory_space<hbm>> -> memref<1x128xi32, #tpu.memory_space<hbm>>
        %dma_wait3A_60 = tpu.memref_squeeze %dma_wait3A_59 : memref<1x128xi32, #tpu.memory_space<hbm>> -> memref<128xi32, #tpu.memory_space<hbm>>
        tpu.wait_dma2 semaphore(%run_scoped3A : memref<!tpu.dma_semaphore, #tpu.memory_space<semaphore_mem>>) src(%dma_wait3A_60 : memref<128xi32, #tpu.memory_space<hbm>>) dst(%arg7 : memref<128xi32, #tpu.memory_space<vmem>>)
        tpu.yield
      }) : () -> ()
      %mul3A_43 = arith.constant 128 : i32
      %mul3A_44 = arith.muli %add3A_42, %mul3A_43 : i32
      "tpu.region"() ({
        %run_scoped3A = tpu.sem_alloc : memref<!tpu.dma_semaphore, #tpu.memory_space<semaphore_mem>>
        %dma_start3A = arith.constant 0 : i32
        %dma_start3A_51 = tpu.memref_slice %arg2[%mul3A_44, %dma_start3A] : memref<327680x64xf32, #tpu.memory_space<hbm>> -> memref<128x64xf32, #tpu.memory_space<hbm>>
        %dma_start3A_52 = arith.constant 0 : i32
        %dma_start3A_53 = tpu.memref_slice %arg2[%mul3A_44, %dma_start3A_52] : memref<327680x64xf32, #tpu.memory_space<hbm>> -> memref<128x64xf32, #tpu.memory_space<hbm>>
        tpu.enqueue_dma source(%dma_start3A_53 : memref<128x64xf32, #tpu.memory_space<hbm>>) target(%arg10 : memref<128x64xf32, #tpu.memory_space<vmem>>) target_semaphore(%run_scoped3A : memref<!tpu.dma_semaphore, #tpu.memory_space<semaphore_mem>>)
        %dma_wait3A = arith.constant 0 : i32
        %dma_wait3A_54 = tpu.memref_slice %arg2[%mul3A_44, %dma_wait3A] : memref<327680x64xf32, #tpu.memory_space<hbm>> -> memref<128x64xf32, #tpu.memory_space<hbm>>
        %dma_wait3A_55 = arith.constant 0 : i32
        %dma_wait3A_56 = tpu.memref_slice %arg2[%mul3A_44, %dma_wait3A_55] : memref<327680x64xf32, #tpu.memory_space<hbm>> -> memref<128x64xf32, #tpu.memory_space<hbm>>
        tpu.wait_dma2 semaphore(%run_scoped3A : memref<!tpu.dma_semaphore, #tpu.memory_space<semaphore_mem>>) src(%dma_wait3A_56 : memref<128x64xf32, #tpu.memory_space<hbm>>) dst(%arg10 : memref<128x64xf32, #tpu.memory_space<vmem>>)
        tpu.yield
      }) : () -> ()
      %scan3A_45 = arith.constant 0 : i32
      %scan3A_46 = arith.constant 0 : i32
      %scan3A_47 = arith.constant 128 : i32
      %scan3A_48 = arith.addi %scan3A_46, %scan3A_47 : i32
      %scan3A_49 = arith.constant 1 : i32
      scf.for %scan3A_51 = %scan3A_46 to %scan3A_48 step %scan3A_49  : i32 {
        %broadcast_in_dim3A_52 = arith.constant 0 : i32
        %broadcast_in_dim3A_53 = vector.broadcast %broadcast_in_dim3A_52 : i32 to vector<16xi32>
        %add3A_54 = vector.broadcast %scan3A_51 : i32 to vector<16xi32>
        %add3A_55 = arith.addi %broadcast_in_dim3A_53, %add3A_54 : vector<16xi32>
        %gather3A_56 = tpu.vector_load_idx %arg7[%add3A_55] : memref<128xi32, #tpu.memory_space<vmem>>[vector<16xi32>], vector<16xi32>,
        %ge3A = vector.broadcast %mul3A_28 : i32 to vector<16xi32>
        %ge3A_57 = arith.cmpi sge, %gather3A_56, %ge3A : vector<16xi32>
        %lt3A = vector.broadcast %min3A_31 : i32 to vector<16xi32>
        %lt3A_58 = arith.cmpi slt, %gather3A_56, %lt3A : vector<16xi32>
        %and3A = arith.andi %ge3A_57, %lt3A_58 : vector<16xi1>
        %sub3A = vector.broadcast %mul3A_28 : i32 to vector<16xi32>
        %sub3A_59 = arith.subi %gather3A_56, %sub3A : vector<16xi32>
        %jit3A = arith.constant 316 : i32
        %broadcast_in_dim3A_60 = vector.broadcast %jit3A : i32 to vector<16xi32>
        %select_n3A = arith.select %and3A, %sub3A_59, %broadcast_in_dim3A_60 : vector<16xi1>, vector<16xi32>
        %get3A = arith.index_cast %scan3A_51 : i32 to index
        %get3A_61 = arith.constant 0 : index
        %get3A_62 = tpu.vector_load %arg10[%get3A, %get3A_61] {strides = array<i32>} : memref<128x64xf32, #tpu.memory_space<vmem>>, vector<16xf32>,
        %add3A_63 = arith.constant 0 : i32
        %add3A_64 = vector.broadcast %add3A_63 : i32 to vector<16xi32>
        %add3A_65 = arith.addi %iota3A, %add3A_64 : vector<16xi32>
        %gather3A_66 = tpu.vector_load_idx %arg11[%select_n3A, %add3A_65] : memref<320x64xf32, #tpu.memory_space<vmem>>[vector<16xi32>, vector<16xi32>], vector<16xf32>,
        %add3A_67 = arith.addf %gather3A_66, %get3A_62 : vector<16xf32>
        tpu.vector_store_idx %arg11[%select_n3A, %add3A_65], %add3A_67 : memref<320x64xf32, #tpu.memory_space<vmem>>[vector<16xi32>, vector<16xi32>], vector<16xf32>,
        %get3A_68 = arith.index_cast %scan3A_51 : i32 to index
        %get3A_69 = arith.constant 16 : index
        %get3A_70 = tpu.vector_load %arg10[%get3A_68, %get3A_69] {strides = array<i32>} : memref<128x64xf32, #tpu.memory_space<vmem>>, vector<16xf32>,
        %add3A_71 = arith.constant 16 : i32
        %add3A_72 = vector.broadcast %add3A_71 : i32 to vector<16xi32>
        %add3A_73 = arith.addi %iota3A, %add3A_72 : vector<16xi32>
        %gather3A_74 = tpu.vector_load_idx %arg11[%select_n3A, %add3A_73] : memref<320x64xf32, #tpu.memory_space<vmem>>[vector<16xi32>, vector<16xi32>], vector<16xf32>,
        %add3A_75 = arith.addf %gather3A_74, %get3A_70 : vector<16xf32>
        tpu.vector_store_idx %arg11[%select_n3A, %add3A_73], %add3A_75 : memref<320x64xf32, #tpu.memory_space<vmem>>[vector<16xi32>, vector<16xi32>], vector<16xf32>,
        %get3A_76 = arith.index_cast %scan3A_51 : i32 to index
        %get3A_77 = arith.constant 32 : index
        %get3A_78 = tpu.vector_load %arg10[%get3A_76, %get3A_77] {strides = array<i32>} : memref<128x64xf32, #tpu.memory_space<vmem>>, vector<16xf32>,
        %add3A_79 = arith.constant 32 : i32
        %add3A_80 = vector.broadcast %add3A_79 : i32 to vector<16xi32>
        %add3A_81 = arith.addi %iota3A, %add3A_80 : vector<16xi32>
        %gather3A_82 = tpu.vector_load_idx %arg11[%select_n3A, %add3A_81] : memref<320x64xf32, #tpu.memory_space<vmem>>[vector<16xi32>, vector<16xi32>], vector<16xf32>,
        %add3A_83 = arith.addf %gather3A_82, %get3A_78 : vector<16xf32>
        tpu.vector_store_idx %arg11[%select_n3A, %add3A_81], %add3A_83 : memref<320x64xf32, #tpu.memory_space<vmem>>[vector<16xi32>, vector<16xi32>], vector<16xf32>,
        %get3A_84 = arith.index_cast %scan3A_51 : i32 to index
        %get3A_85 = arith.constant 48 : index
        %get3A_86 = tpu.vector_load %arg10[%get3A_84, %get3A_85] {strides = array<i32>} : memref<128x64xf32, #tpu.memory_space<vmem>>, vector<16xf32>,
        %add3A_87 = arith.constant 48 : i32
        %add3A_88 = vector.broadcast %add3A_87 : i32 to vector<16xi32>
        %add3A_89 = arith.addi %iota3A, %add3A_88 : vector<16xi32>
        %gather3A_90 = tpu.vector_load_idx %arg11[%select_n3A, %add3A_89] : memref<320x64xf32, #tpu.memory_space<vmem>>[vector<16xi32>, vector<16xi32>], vector<16xf32>,
        %add3A_91 = arith.addf %gather3A_90, %get3A_86 : vector<16xf32>
        tpu.vector_store_idx %arg11[%select_n3A, %add3A_89], %add3A_91 : memref<320x64xf32, #tpu.memory_space<vmem>>[vector<16xi32>, vector<16xi32>], vector<16xf32>,
      }
      %scan3A_50 = arith.constant 128 : i32
    }
    %while3A_40 = arith.constant 1 : i32
    scf.for %while3A_41 = %while3A_38 to %while3A_34 step %while3A_40  : i32 {
      %add3A_42 = arith.addi %reduce_max3A_17, %while3A_41 : i32
      "tpu.region"() ({
        %run_scoped3A = tpu.sem_alloc : memref<!tpu.dma_semaphore, #tpu.memory_space<semaphore_mem>>
        %dma_start3A = arith.constant 0 : i32
        %dma_start3A_51 = tpu.memref_slice %arg3[%add3A_42, %dma_start3A] : memref<2500x128xi32, #tpu.memory_space<hbm>> -> memref<1x128xi32, #tpu.memory_space<hbm>>
        %dma_start3A_52 = tpu.memref_squeeze %dma_start3A_51 : memref<1x128xi32, #tpu.memory_space<hbm>> -> memref<128xi32, #tpu.memory_space<hbm>>
        %dma_start3A_53 = arith.constant 0 : i32
        %dma_start3A_54 = tpu.memref_slice %arg3[%add3A_42, %dma_start3A_53] : memref<2500x128xi32, #tpu.memory_space<hbm>> -> memref<1x128xi32, #tpu.memory_space<hbm>>
        %dma_start3A_55 = tpu.memref_squeeze %dma_start3A_54 : memref<1x128xi32, #tpu.memory_space<hbm>> -> memref<128xi32, #tpu.memory_space<hbm>>
        tpu.enqueue_dma source(%dma_start3A_55 : memref<128xi32, #tpu.memory_space<hbm>>) target(%arg7 : memref<128xi32, #tpu.memory_space<vmem>>) target_semaphore(%run_scoped3A : memref<!tpu.dma_semaphore, #tpu.memory_space<semaphore_mem>>)
        %dma_wait3A = arith.constant 0 : i32
        %dma_wait3A_56 = tpu.memref_slice %arg3[%add3A_42, %dma_wait3A] : memref<2500x128xi32, #tpu.memory_space<hbm>> -> memref<1x128xi32, #tpu.memory_space<hbm>>
        %dma_wait3A_57 = tpu.memref_squeeze %dma_wait3A_56 : memref<1x128xi32, #tpu.memory_space<hbm>> -> memref<128xi32, #tpu.memory_space<hbm>>
        %dma_wait3A_58 = arith.constant 0 : i32
        %dma_wait3A_59 = tpu.memref_slice %arg3[%add3A_42, %dma_wait3A_58] : memref<2500x128xi32, #tpu.memory_space<hbm>> -> memref<1x128xi32, #tpu.memory_space<hbm>>
        %dma_wait3A_60 = tpu.memref_squeeze %dma_wait3A_59 : memref<1x128xi32, #tpu.memory_space<hbm>> -> memref<128xi32, #tpu.memory_space<hbm>>
        tpu.wait_dma2 semaphore(%run_scoped3A : memref<!tpu.dma_semaphore, #tpu.memory_space<semaphore_mem>>) src(%dma_wait3A_60 : memref<128xi32, #tpu.memory_space<hbm>>) dst(%arg7 : memref<128xi32, #tpu.memory_space<vmem>>)
        tpu.yield
      }) : () -> ()
      %mul3A_43 = arith.constant 128 : i32
      %mul3A_44 = arith.muli %add3A_42, %mul3A_43 : i32
      "tpu.region"() ({
        %run_scoped3A = tpu.sem_alloc : memref<!tpu.dma_semaphore, #tpu.memory_space<semaphore_mem>>
        %dma_start3A = arith.constant 0 : i32
        %dma_start3A_51 = tpu.memref_slice %arg2[%mul3A_44, %dma_start3A] : memref<327680x64xf32, #tpu.memory_space<hbm>> -> memref<128x64xf32, #tpu.memory_space<hbm>>
        %dma_start3A_52 = arith.constant 0 : i32
        %dma_start3A_53 = tpu.memref_slice %arg2[%mul3A_44, %dma_start3A_52] : memref<327680x64xf32, #tpu.memory_space<hbm>> -> memref<128x64xf32, #tpu.memory_space<hbm>>
        tpu.enqueue_dma source(%dma_start3A_53 : memref<128x64xf32, #tpu.memory_space<hbm>>) target(%arg10 : memref<128x64xf32, #tpu.memory_space<vmem>>) target_semaphore(%run_scoped3A : memref<!tpu.dma_semaphore, #tpu.memory_space<semaphore_mem>>)
        %dma_wait3A = arith.constant 0 : i32
        %dma_wait3A_54 = tpu.memref_slice %arg2[%mul3A_44, %dma_wait3A] : memref<327680x64xf32, #tpu.memory_space<hbm>> -> memref<128x64xf32, #tpu.memory_space<hbm>>
        %dma_wait3A_55 = arith.constant 0 : i32
        %dma_wait3A_56 = tpu.memref_slice %arg2[%mul3A_44, %dma_wait3A_55] : memref<327680x64xf32, #tpu.memory_space<hbm>> -> memref<128x64xf32, #tpu.memory_space<hbm>>
        tpu.wait_dma2 semaphore(%run_scoped3A : memref<!tpu.dma_semaphore, #tpu.memory_space<semaphore_mem>>) src(%dma_wait3A_56 : memref<128x64xf32, #tpu.memory_space<hbm>>) dst(%arg10 : memref<128x64xf32, #tpu.memory_space<vmem>>)
        tpu.yield
      }) : () -> ()
      %scan3A_45 = arith.constant 0 : i32
      %scan3A_46 = arith.constant 0 : i32
      %scan3A_47 = arith.constant 128 : i32
      %scan3A_48 = arith.addi %scan3A_46, %scan3A_47 : i32
      %scan3A_49 = arith.constant 1 : i32
      scf.for %scan3A_51 = %scan3A_46 to %scan3A_48 step %scan3A_49  : i32 {
        %broadcast_in_dim3A_52 = arith.constant 0 : i32
        %broadcast_in_dim3A_53 = vector.broadcast %broadcast_in_dim3A_52 : i32 to vector<16xi32>
        %add3A_54 = vector.broadcast %scan3A_51 : i32 to vector<16xi32>
        %add3A_55 = arith.addi %broadcast_in_dim3A_53, %add3A_54 : vector<16xi32>
        %gather3A_56 = tpu.vector_load_idx %arg7[%add3A_55] : memref<128xi32, #tpu.memory_space<vmem>>[vector<16xi32>], vector<16xi32>,
        %ge3A = vector.broadcast %mul3A_28 : i32 to vector<16xi32>
        %ge3A_57 = arith.cmpi sge, %gather3A_56, %ge3A : vector<16xi32>
        %lt3A = vector.broadcast %min3A_31 : i32 to vector<16xi32>
        %lt3A_58 = arith.cmpi slt, %gather3A_56, %lt3A : vector<16xi32>
        %and3A = arith.andi %ge3A_57, %lt3A_58 : vector<16xi1>
        %sub3A = vector.broadcast %mul3A_28 : i32 to vector<16xi32>
        %sub3A_59 = arith.subi %gather3A_56, %sub3A : vector<16xi32>
        %jit3A = arith.constant 316 : i32
        %broadcast_in_dim3A_60 = vector.broadcast %jit3A : i32 to vector<16xi32>
        %select_n3A = arith.select %and3A, %sub3A_59, %broadcast_in_dim3A_60 : vector<16xi1>, vector<16xi32>
        %get3A = arith.index_cast %scan3A_51 : i32 to index
        %get3A_61 = arith.constant 0 : index
        %get3A_62 = tpu.vector_load %arg10[%get3A, %get3A_61] {strides = array<i32>} : memref<128x64xf32, #tpu.memory_space<vmem>>, vector<16xf32>,
        %add3A_63 = arith.constant 0 : i32
        %add3A_64 = vector.broadcast %add3A_63 : i32 to vector<16xi32>
        %add3A_65 = arith.addi %iota3A, %add3A_64 : vector<16xi32>
        %gather3A_66 = tpu.vector_load_idx %arg11[%select_n3A, %add3A_65] : memref<320x64xf32, #tpu.memory_space<vmem>>[vector<16xi32>, vector<16xi32>], vector<16xf32>,
        %add3A_67 = arith.addf %gather3A_66, %get3A_62 : vector<16xf32>
        tpu.vector_store_idx %arg11[%select_n3A, %add3A_65], %add3A_67 : memref<320x64xf32, #tpu.memory_space<vmem>>[vector<16xi32>, vector<16xi32>], vector<16xf32>,
        %get3A_68 = arith.index_cast %scan3A_51 : i32 to index
        %get3A_69 = arith.constant 16 : index
        %get3A_70 = tpu.vector_load %arg10[%get3A_68, %get3A_69] {strides = array<i32>} : memref<128x64xf32, #tpu.memory_space<vmem>>, vector<16xf32>,
        %add3A_71 = arith.constant 16 : i32
        %add3A_72 = vector.broadcast %add3A_71 : i32 to vector<16xi32>
        %add3A_73 = arith.addi %iota3A, %add3A_72 : vector<16xi32>
        %gather3A_74 = tpu.vector_load_idx %arg11[%select_n3A, %add3A_73] : memref<320x64xf32, #tpu.memory_space<vmem>>[vector<16xi32>, vector<16xi32>], vector<16xf32>,
        %add3A_75 = arith.addf %gather3A_74, %get3A_70 : vector<16xf32>
        tpu.vector_store_idx %arg11[%select_n3A, %add3A_73], %add3A_75 : memref<320x64xf32, #tpu.memory_space<vmem>>[vector<16xi32>, vector<16xi32>], vector<16xf32>,
        %get3A_76 = arith.index_cast %scan3A_51 : i32 to index
        %get3A_77 = arith.constant 32 : index
        %get3A_78 = tpu.vector_load %arg10[%get3A_76, %get3A_77] {strides = array<i32>} : memref<128x64xf32, #tpu.memory_space<vmem>>, vector<16xf32>,
        %add3A_79 = arith.constant 32 : i32
        %add3A_80 = vector.broadcast %add3A_79 : i32 to vector<16xi32>
        %add3A_81 = arith.addi %iota3A, %add3A_80 : vector<16xi32>
        %gather3A_82 = tpu.vector_load_idx %arg11[%select_n3A, %add3A_81] : memref<320x64xf32, #tpu.memory_space<vmem>>[vector<16xi32>, vector<16xi32>], vector<16xf32>,
        %add3A_83 = arith.addf %gather3A_82, %get3A_78 : vector<16xf32>
        tpu.vector_store_idx %arg11[%select_n3A, %add3A_81], %add3A_83 : memref<320x64xf32, #tpu.memory_space<vmem>>[vector<16xi32>, vector<16xi32>], vector<16xf32>,
        %get3A_84 = arith.index_cast %scan3A_51 : i32 to index
        %get3A_85 = arith.constant 48 : index
        %get3A_86 = tpu.vector_load %arg10[%get3A_84, %get3A_85] {strides = array<i32>} : memref<128x64xf32, #tpu.memory_space<vmem>>, vector<16xf32>,
        %add3A_87 = arith.constant 48 : i32
        %add3A_88 = vector.broadcast %add3A_87 : i32 to vector<16xi32>
        %add3A_89 = arith.addi %iota3A, %add3A_88 : vector<16xi32>
        %gather3A_90 = tpu.vector_load_idx %arg11[%select_n3A, %add3A_89] : memref<320x64xf32, #tpu.memory_space<vmem>>[vector<16xi32>, vector<16xi32>], vector<16xf32>,
        %add3A_91 = arith.addf %gather3A_90, %get3A_86 : vector<16xf32>
        tpu.vector_store_idx %arg11[%select_n3A, %add3A_89], %add3A_91 : memref<320x64xf32, #tpu.memory_space<vmem>>[vector<16xi32>, vector<16xi32>], vector<16xf32>,
      }
      %scan3A_50 = arith.constant 128 : i32
    }
    "tpu.region"() ({
      %run_scoped3A = tpu.sem_alloc : memref<!tpu.dma_semaphore, #tpu.memory_space<semaphore_mem>>
      %dma_start3A = arith.constant 0 : i32
      %dma_start3A_41 = arith.constant 0 : i32
      %dma_start3A_42 = tpu.memref_slice %arg11[%dma_start3A, %dma_start3A_41] : memref<320x64xf32, #tpu.memory_space<vmem>> -> memref<313x64xf32, #tpu.memory_space<vmem>>
      %dma_start3A_43 = arith.constant 0 : i32
      %dma_start3A_44 = tpu.memref_slice %arg6[%mul3A_28, %dma_start3A_43] : memref<10016x64xf32, #tpu.memory_space<hbm>> -> memref<313x64xf32, #tpu.memory_space<hbm>>
      %dma_start3A_45 = arith.constant 0 : i32
      %dma_start3A_46 = tpu.memref_slice %arg6[%mul3A_28, %dma_start3A_45] : memref<10016x64xf32, #tpu.memory_space<hbm>> -> memref<313x64xf32, #tpu.memory_space<hbm>>
      %dma_start3A_47 = arith.constant 0 : i32
      %dma_start3A_48 = arith.constant 0 : i32
      %dma_start3A_49 = tpu.memref_slice %arg11[%dma_start3A_47, %dma_start3A_48] : memref<320x64xf32, #tpu.memory_space<vmem>> -> memref<313x64xf32, #tpu.memory_space<vmem>>
      tpu.enqueue_dma source(%dma_start3A_49 : memref<313x64xf32, #tpu.memory_space<vmem>>) target(%dma_start3A_46 : memref<313x64xf32, #tpu.memory_space<hbm>>) target_semaphore(%run_scoped3A : memref<!tpu.dma_semaphore, #tpu.memory_space<semaphore_mem>>)
      %dma_wait3A = arith.constant 0 : i32
      %dma_wait3A_50 = arith.constant 0 : i32
      %dma_wait3A_51 = tpu.memref_slice %arg11[%dma_wait3A, %dma_wait3A_50] : memref<320x64xf32, #tpu.memory_space<vmem>> -> memref<313x64xf32, #tpu.memory_space<vmem>>
      %dma_wait3A_52 = arith.constant 0 : i32
      %dma_wait3A_53 = tpu.memref_slice %arg6[%mul3A_28, %dma_wait3A_52] : memref<10016x64xf32, #tpu.memory_space<hbm>> -> memref<313x64xf32, #tpu.memory_space<hbm>>
      %dma_wait3A_54 = arith.constant 0 : i32
      %dma_wait3A_55 = tpu.memref_slice %arg6[%mul3A_28, %dma_wait3A_54] : memref<10016x64xf32, #tpu.memory_space<hbm>> -> memref<313x64xf32, #tpu.memory_space<hbm>>
      %dma_wait3A_56 = arith.constant 0 : i32
      %dma_wait3A_57 = arith.constant 0 : i32
      %dma_wait3A_58 = tpu.memref_slice %arg11[%dma_wait3A_56, %dma_wait3A_57] : memref<320x64xf32, #tpu.memory_space<vmem>> -> memref<313x64xf32, #tpu.memory_space<vmem>>
      tpu.wait_dma2 semaphore(%run_scoped3A : memref<!tpu.dma_semaphore, #tpu.memory_space<semaphore_mem>>) src(%dma_wait3A_58 : memref<313x64xf32, #tpu.memory_space<vmem>>) dst(%dma_wait3A_55 : memref<313x64xf32, #tpu.memory_space<hbm>>)
      tpu.yield
    }) : () -> ()
    return
  }
}

#map = affine_map<(d0, d1) -> (0, 0)>
#map1 = affine_map<(d0, d1) -> (0)>
#map2 = affine_map<(d0, d1) -> (0, 0, 0)>
module attributes {stable_mosaic.version = 14 : i64} {
  func.func @sc_segmax(%arg0: i32, %arg1: i32, %arg2: memref<10240x64xf32, #tpu.memory_space<hbm>>, %arg3: memref<10240xi32, #tpu.memory_space<hbm>>, %arg4: memref<32x512x64xf32, #tpu.memory_space<hbm>>, %arg5: memref<320x64xf32, #tpu.memory_space<vmem>>, %arg6: memref<320xi32, #tpu.memory_space<vmem>>, %arg7: memref<520x64xf32, #tpu.memory_space<vmem>>) attributes {dimension_semantics = [#tpu.dimension_semantics<core_parallel>, #tpu.dimension_semantics<subcore_parallel>], iteration_bounds = array<i64: 2, 16>, scalar_prefetch = 0 : i64, scratch_operands = 3 : i64, tpu.core_type = #tpu.core_type<sc_vector_subcore>, window_params = [{transform_indices = #map}, {transform_indices = #map1}, {transform_indices = #map2}]} {
    %mul3A = arith.constant 2 : i32
    %mul3A_0 = arith.muli %arg1, %mul3A : i32
    %add3A = arith.addi %mul3A_0, %arg0 : i32
    %mul3A_1 = arith.constant 320 : i32
    %mul3A_2 = arith.muli %add3A, %mul3A_1 : i32
    "tpu.region"() ({
      %run_scoped3A = tpu.sem_alloc : memref<!tpu.dma_semaphore, #tpu.memory_space<semaphore_mem>>
      %dma_start3A = arith.constant 0 : i32
      %dma_start3A_15 = tpu.memref_slice %arg2[%mul3A_2, %dma_start3A] : memref<10240x64xf32, #tpu.memory_space<hbm>> -> memref<320x64xf32, #tpu.memory_space<hbm>>
      %dma_start3A_16 = arith.constant 0 : i32
      %dma_start3A_17 = tpu.memref_slice %arg2[%mul3A_2, %dma_start3A_16] : memref<10240x64xf32, #tpu.memory_space<hbm>> -> memref<320x64xf32, #tpu.memory_space<hbm>>
      tpu.enqueue_dma source(%dma_start3A_17 : memref<320x64xf32, #tpu.memory_space<hbm>>) target(%arg5 : memref<320x64xf32, #tpu.memory_space<vmem>>) target_semaphore(%run_scoped3A : memref<!tpu.dma_semaphore, #tpu.memory_space<semaphore_mem>>)
      %dma_wait3A = arith.constant 0 : i32
      %dma_wait3A_18 = tpu.memref_slice %arg2[%mul3A_2, %dma_wait3A] : memref<10240x64xf32, #tpu.memory_space<hbm>> -> memref<320x64xf32, #tpu.memory_space<hbm>>
      %dma_wait3A_19 = arith.constant 0 : i32
      %dma_wait3A_20 = tpu.memref_slice %arg2[%mul3A_2, %dma_wait3A_19] : memref<10240x64xf32, #tpu.memory_space<hbm>> -> memref<320x64xf32, #tpu.memory_space<hbm>>
      tpu.wait_dma2 semaphore(%run_scoped3A : memref<!tpu.dma_semaphore, #tpu.memory_space<semaphore_mem>>) src(%dma_wait3A_20 : memref<320x64xf32, #tpu.memory_space<hbm>>) dst(%arg5 : memref<320x64xf32, #tpu.memory_space<vmem>>)
      tpu.yield
    }) : () -> ()
    "tpu.region"() ({
      %run_scoped3A = tpu.sem_alloc : memref<!tpu.dma_semaphore, #tpu.memory_space<semaphore_mem>>
      %dma_start3A = tpu.memref_slice %arg3[%mul3A_2] : memref<10240xi32, #tpu.memory_space<hbm>> -> memref<320xi32, #tpu.memory_space<hbm>>
      %dma_start3A_15 = tpu.memref_slice %arg3[%mul3A_2] : memref<10240xi32, #tpu.memory_space<hbm>> -> memref<320xi32, #tpu.memory_space<hbm>>
      tpu.enqueue_dma source(%dma_start3A_15 : memref<320xi32, #tpu.memory_space<hbm>>) target(%arg6 : memref<320xi32, #tpu.memory_space<vmem>>) target_semaphore(%run_scoped3A : memref<!tpu.dma_semaphore, #tpu.memory_space<semaphore_mem>>)
      %dma_wait3A = tpu.memref_slice %arg3[%mul3A_2] : memref<10240xi32, #tpu.memory_space<hbm>> -> memref<320xi32, #tpu.memory_space<hbm>>
      %dma_wait3A_16 = tpu.memref_slice %arg3[%mul3A_2] : memref<10240xi32, #tpu.memory_space<hbm>> -> memref<320xi32, #tpu.memory_space<hbm>>
      tpu.wait_dma2 semaphore(%run_scoped3A : memref<!tpu.dma_semaphore, #tpu.memory_space<semaphore_mem>>) src(%dma_wait3A_16 : memref<320xi32, #tpu.memory_space<hbm>>) dst(%arg6 : memref<320xi32, #tpu.memory_space<vmem>>)
      tpu.yield
    }) : () -> ()
    %broadcast_in_dim3A = arith.constant 0xFF800000 : f32
    %broadcast_in_dim3A_3 = vector.broadcast %broadcast_in_dim3A : f32 to vector<16xf32>
    %scan3A = arith.constant 0 : i32
    %scan3A_4 = arith.constant 0 : i32
    %scan3A_5 = arith.constant 520 : i32
    %scan3A_6 = arith.addi %scan3A_4, %scan3A_5 : i32
    %scan3A_7 = arith.constant 1 : i32
    scf.for %scan3A_15 = %scan3A_4 to %scan3A_6 step %scan3A_7  : i32 {
      %swap3A = arith.index_cast %scan3A_15 : i32 to index
      %swap3A_16 = arith.constant 0 : index
      %swap3A_17 = tpu.vector_load %arg7[%swap3A, %swap3A_16] {strides = array<i32>} : memref<520x64xf32, #tpu.memory_space<vmem>>, vector<16xf32>,
      tpu.vector_store %arg7[%swap3A, %swap3A_16], %broadcast_in_dim3A_3 {strides = array<i32>} : memref<520x64xf32, #tpu.memory_space<vmem>>, vector<16xf32>,
      %swap3A_18 = arith.index_cast %scan3A_15 : i32 to index
      %swap3A_19 = arith.constant 16 : index
      %swap3A_20 = tpu.vector_load %arg7[%swap3A_18, %swap3A_19] {strides = array<i32>} : memref<520x64xf32, #tpu.memory_space<vmem>>, vector<16xf32>,
      tpu.vector_store %arg7[%swap3A_18, %swap3A_19], %broadcast_in_dim3A_3 {strides = array<i32>} : memref<520x64xf32, #tpu.memory_space<vmem>>, vector<16xf32>,
      %swap3A_21 = arith.index_cast %scan3A_15 : i32 to index
      %swap3A_22 = arith.constant 32 : index
      %swap3A_23 = tpu.vector_load %arg7[%swap3A_21, %swap3A_22] {strides = array<i32>} : memref<520x64xf32, #tpu.memory_space<vmem>>, vector<16xf32>,
      tpu.vector_store %arg7[%swap3A_21, %swap3A_22], %broadcast_in_dim3A_3 {strides = array<i32>} : memref<520x64xf32, #tpu.memory_space<vmem>>, vector<16xf32>,
      %swap3A_24 = arith.index_cast %scan3A_15 : i32 to index
      %swap3A_25 = arith.constant 48 : index
      %swap3A_26 = tpu.vector_load %arg7[%swap3A_24, %swap3A_25] {strides = array<i32>} : memref<520x64xf32, #tpu.memory_space<vmem>>, vector<16xf32>,
      tpu.vector_store %arg7[%swap3A_24, %swap3A_25], %broadcast_in_dim3A_3 {strides = array<i32>} : memref<520x64xf32, #tpu.memory_space<vmem>>, vector<16xf32>,
    }
    %scan3A_8 = arith.constant 520 : i32
    %iota3A = tpu.iota {dimensions = array<i32: 0>} : vector<16xi32>
    %scan3A_9 = arith.constant 0 : i32
    %scan3A_10 = arith.constant 0 : i32
    %scan3A_11 = arith.constant 320 : i32
    %scan3A_12 = arith.addi %scan3A_10, %scan3A_11 : i32
    %scan3A_13 = arith.constant 1 : i32
    scf.for %scan3A_15 = %scan3A_10 to %scan3A_12 step %scan3A_13  : i32 {
      %broadcast_in_dim3A_16 = arith.constant 0 : i32
      %broadcast_in_dim3A_17 = vector.broadcast %broadcast_in_dim3A_16 : i32 to vector<16xi32>
      %add3A_18 = vector.broadcast %scan3A_15 : i32 to vector<16xi32>
      %add3A_19 = arith.addi %broadcast_in_dim3A_17, %add3A_18 : vector<16xi32>
      %gather3A = tpu.vector_load_idx %arg6[%add3A_19] : memref<320xi32, #tpu.memory_space<vmem>>[vector<16xi32>], vector<16xi32>,
      %get3A = arith.index_cast %scan3A_15 : i32 to index
      %get3A_20 = arith.constant 0 : index
      %get3A_21 = tpu.vector_load %arg5[%get3A, %get3A_20] {strides = array<i32>} : memref<320x64xf32, #tpu.memory_space<vmem>>, vector<16xf32>,
      %add3A_22 = arith.constant 0 : i32
      %add3A_23 = vector.broadcast %add3A_22 : i32 to vector<16xi32>
      %add3A_24 = arith.addi %iota3A, %add3A_23 : vector<16xi32>
      %gather3A_25 = tpu.vector_load_idx %arg7[%gather3A, %add3A_24] : memref<520x64xf32, #tpu.memory_space<vmem>>[vector<16xi32>, vector<16xi32>], vector<16xf32>,
      %max3A = arith.maximumf %gather3A_25, %get3A_21 : vector<16xf32>
      tpu.vector_store_idx %arg7[%gather3A, %add3A_24], %max3A : memref<520x64xf32, #tpu.memory_space<vmem>>[vector<16xi32>, vector<16xi32>], vector<16xf32>,
      %get3A_26 = arith.index_cast %scan3A_15 : i32 to index
      %get3A_27 = arith.constant 16 : index
      %get3A_28 = tpu.vector_load %arg5[%get3A_26, %get3A_27] {strides = array<i32>} : memref<320x64xf32, #tpu.memory_space<vmem>>, vector<16xf32>,
      %add3A_29 = arith.constant 16 : i32
      %add3A_30 = vector.broadcast %add3A_29 : i32 to vector<16xi32>
      %add3A_31 = arith.addi %iota3A, %add3A_30 : vector<16xi32>
      %gather3A_32 = tpu.vector_load_idx %arg7[%gather3A, %add3A_31] : memref<520x64xf32, #tpu.memory_space<vmem>>[vector<16xi32>, vector<16xi32>], vector<16xf32>,
      %max3A_33 = arith.maximumf %gather3A_32, %get3A_28 : vector<16xf32>
      tpu.vector_store_idx %arg7[%gather3A, %add3A_31], %max3A_33 : memref<520x64xf32, #tpu.memory_space<vmem>>[vector<16xi32>, vector<16xi32>], vector<16xf32>,
      %get3A_34 = arith.index_cast %scan3A_15 : i32 to index
      %get3A_35 = arith.constant 32 : index
      %get3A_36 = tpu.vector_load %arg5[%get3A_34, %get3A_35] {strides = array<i32>} : memref<320x64xf32, #tpu.memory_space<vmem>>, vector<16xf32>,
      %add3A_37 = arith.constant 32 : i32
      %add3A_38 = vector.broadcast %add3A_37 : i32 to vector<16xi32>
      %add3A_39 = arith.addi %iota3A, %add3A_38 : vector<16xi32>
      %gather3A_40 = tpu.vector_load_idx %arg7[%gather3A, %add3A_39] : memref<520x64xf32, #tpu.memory_space<vmem>>[vector<16xi32>, vector<16xi32>], vector<16xf32>,
      %max3A_41 = arith.maximumf %gather3A_40, %get3A_36 : vector<16xf32>
      tpu.vector_store_idx %arg7[%gather3A, %add3A_39], %max3A_41 : memref<520x64xf32, #tpu.memory_space<vmem>>[vector<16xi32>, vector<16xi32>], vector<16xf32>,
      %get3A_42 = arith.index_cast %scan3A_15 : i32 to index
      %get3A_43 = arith.constant 48 : index
      %get3A_44 = tpu.vector_load %arg5[%get3A_42, %get3A_43] {strides = array<i32>} : memref<320x64xf32, #tpu.memory_space<vmem>>, vector<16xf32>,
      %add3A_45 = arith.constant 48 : i32
      %add3A_46 = vector.broadcast %add3A_45 : i32 to vector<16xi32>
      %add3A_47 = arith.addi %iota3A, %add3A_46 : vector<16xi32>
      %gather3A_48 = tpu.vector_load_idx %arg7[%gather3A, %add3A_47] : memref<520x64xf32, #tpu.memory_space<vmem>>[vector<16xi32>, vector<16xi32>], vector<16xf32>,
      %max3A_49 = arith.maximumf %gather3A_48, %get3A_44 : vector<16xf32>
      tpu.vector_store_idx %arg7[%gather3A, %add3A_47], %max3A_49 : memref<520x64xf32, #tpu.memory_space<vmem>>[vector<16xi32>, vector<16xi32>], vector<16xf32>,
    }
    %scan3A_14 = arith.constant 320 : i32
    "tpu.region"() ({
      %run_scoped3A = tpu.sem_alloc : memref<!tpu.dma_semaphore, #tpu.memory_space<semaphore_mem>>
      %dma_start3A = arith.constant 0 : i32
      %dma_start3A_15 = arith.constant 0 : i32
      %dma_start3A_16 = tpu.memref_slice %arg7[%dma_start3A, %dma_start3A_15] : memref<520x64xf32, #tpu.memory_space<vmem>> -> memref<512x64xf32, #tpu.memory_space<vmem>>
      %dma_start3A_17 = arith.constant 0 : i32
      %dma_start3A_18 = arith.constant 0 : i32
      %dma_start3A_19 = tpu.memref_slice %arg4[%add3A, %dma_start3A_17, %dma_start3A_18] : memref<32x512x64xf32, #tpu.memory_space<hbm>> -> memref<1x512x64xf32, #tpu.memory_space<hbm>>
      %dma_start3A_20 = tpu.memref_squeeze %dma_start3A_19 : memref<1x512x64xf32, #tpu.memory_space<hbm>> -> memref<512x64xf32, #tpu.memory_space<hbm>>
      %dma_start3A_21 = arith.constant 0 : i32
      %dma_start3A_22 = arith.constant 0 : i32
      %dma_start3A_23 = tpu.memref_slice %arg4[%add3A, %dma_start3A_21, %dma_start3A_22] : memref<32x512x64xf32, #tpu.memory_space<hbm>> -> memref<1x512x64xf32, #tpu.memory_space<hbm>>
      %dma_start3A_24 = tpu.memref_squeeze %dma_start3A_23 : memref<1x512x64xf32, #tpu.memory_space<hbm>> -> memref<512x64xf32, #tpu.memory_space<hbm>>
      %dma_start3A_25 = arith.constant 0 : i32
      %dma_start3A_26 = arith.constant 0 : i32
      %dma_start3A_27 = tpu.memref_slice %arg7[%dma_start3A_25, %dma_start3A_26] : memref<520x64xf32, #tpu.memory_space<vmem>> -> memref<512x64xf32, #tpu.memory_space<vmem>>
      tpu.enqueue_dma source(%dma_start3A_27 : memref<512x64xf32, #tpu.memory_space<vmem>>) target(%dma_start3A_24 : memref<512x64xf32, #tpu.memory_space<hbm>>) target_semaphore(%run_scoped3A : memref<!tpu.dma_semaphore, #tpu.memory_space<semaphore_mem>>)
      %dma_wait3A = arith.constant 0 : i32
      %dma_wait3A_28 = arith.constant 0 : i32
      %dma_wait3A_29 = tpu.memref_slice %arg7[%dma_wait3A, %dma_wait3A_28] : memref<520x64xf32, #tpu.memory_space<vmem>> -> memref<512x64xf32, #tpu.memory_space<vmem>>
      %dma_wait3A_30 = arith.constant 0 : i32
      %dma_wait3A_31 = arith.constant 0 : i32
      %dma_wait3A_32 = tpu.memref_slice %arg4[%add3A, %dma_wait3A_30, %dma_wait3A_31] : memref<32x512x64xf32, #tpu.memory_space<hbm>> -> memref<1x512x64xf32, #tpu.memory_space<hbm>>
      %dma_wait3A_33 = tpu.memref_squeeze %dma_wait3A_32 : memref<1x512x64xf32, #tpu.memory_space<hbm>> -> memref<512x64xf32, #tpu.memory_space<hbm>>
      %dma_wait3A_34 = arith.constant 0 : i32
      %dma_wait3A_35 = arith.constant 0 : i32
      %dma_wait3A_36 = tpu.memref_slice %arg4[%add3A, %dma_wait3A_34, %dma_wait3A_35] : memref<32x512x64xf32, #tpu.memory_space<hbm>> -> memref<1x512x64xf32, #tpu.memory_space<hbm>>
      %dma_wait3A_37 = tpu.memref_squeeze %dma_wait3A_36 : memref<1x512x64xf32, #tpu.memory_space<hbm>> -> memref<512x64xf32, #tpu.memory_space<hbm>>
      %dma_wait3A_38 = arith.constant 0 : i32
      %dma_wait3A_39 = arith.constant 0 : i32
      %dma_wait3A_40 = tpu.memref_slice %arg7[%dma_wait3A_38, %dma_wait3A_39] : memref<520x64xf32, #tpu.memory_space<vmem>> -> memref<512x64xf32, #tpu.memory_space<vmem>>
      tpu.wait_dma2 semaphore(%run_scoped3A : memref<!tpu.dma_semaphore, #tpu.memory_space<semaphore_mem>>) src(%dma_wait3A_40 : memref<512x64xf32, #tpu.memory_space<vmem>>) dst(%dma_wait3A_37 : memref<512x64xf32, #tpu.memory_space<hbm>>)
      tpu.yield
    }) : () -> ()
    return
  }
}

#map = affine_map<(d0, d1) -> (0, 0)>
#map1 = affine_map<(d0, d1) -> (0, 0, 0)>
module attributes {stable_mosaic.version = 14 : i64} {
  func.func @sc_gather(%arg0: i32, %arg1: i32, %arg2: memref<10000x64xf32, #tpu.memory_space<hbm>>, %arg3: memref<32x80x128xi32, #tpu.memory_space<hbm>>, %arg4: memref<32x80x128xi32, #tpu.memory_space<hbm>>, %arg5: memref<327680x64xf32, #tpu.memory_space<hbm>>, %arg6: memref<327680x64xf32, #tpu.memory_space<hbm>>, %arg7: memref<80x128xi32, #tpu.memory_space<vmem>>, %arg8: memref<80x128xi32, #tpu.memory_space<vmem>>, %arg9: memref<128x64xf32, #tpu.memory_space<vmem>>, %arg10: memref<128x64xf32, #tpu.memory_space<vmem>>, %arg11: memref<!tpu.dma_semaphore, #tpu.memory_space<semaphore_mem>>, %arg12: memref<!tpu.dma_semaphore, #tpu.memory_space<semaphore_mem>>) attributes {dimension_semantics = [#tpu.dimension_semantics<core_parallel>, #tpu.dimension_semantics<subcore_parallel>], iteration_bounds = array<i64: 2, 16>, scalar_prefetch = 0 : i64, scratch_operands = 6 : i64, tpu.core_type = #tpu.core_type<sc_vector_subcore>, window_params = [{transform_indices = #map}, {transform_indices = #map1}, {transform_indices = #map1}, {transform_indices = #map}, {transform_indices = #map}]} {
    %mul3A = arith.constant 2 : i32
    %mul3A_0 = arith.muli %arg1, %mul3A : i32
    %add3A = arith.addi %mul3A_0, %arg0 : i32
    "tpu.region"() ({
      %run_scoped3A = tpu.sem_alloc : memref<!tpu.dma_semaphore, #tpu.memory_space<semaphore_mem>>
      %dma_start3A = arith.constant 0 : i32
      %dma_start3A_6 = arith.constant 0 : i32
      %dma_start3A_7 = tpu.memref_slice %arg3[%add3A, %dma_start3A, %dma_start3A_6] : memref<32x80x128xi32, #tpu.memory_space<hbm>> -> memref<1x80x128xi32, #tpu.memory_space<hbm>>
      %dma_start3A_8 = tpu.memref_squeeze %dma_start3A_7 : memref<1x80x128xi32, #tpu.memory_space<hbm>> -> memref<80x128xi32, #tpu.memory_space<hbm>>
      %dma_start3A_9 = arith.constant 0 : i32
      %dma_start3A_10 = arith.constant 0 : i32
      %dma_start3A_11 = tpu.memref_slice %arg3[%add3A, %dma_start3A_9, %dma_start3A_10] : memref<32x80x128xi32, #tpu.memory_space<hbm>> -> memref<1x80x128xi32, #tpu.memory_space<hbm>>
      %dma_start3A_12 = tpu.memref_squeeze %dma_start3A_11 : memref<1x80x128xi32, #tpu.memory_space<hbm>> -> memref<80x128xi32, #tpu.memory_space<hbm>>
      tpu.enqueue_dma source(%dma_start3A_12 : memref<80x128xi32, #tpu.memory_space<hbm>>) target(%arg7 : memref<80x128xi32, #tpu.memory_space<vmem>>) target_semaphore(%run_scoped3A : memref<!tpu.dma_semaphore, #tpu.memory_space<semaphore_mem>>)
      %dma_wait3A = arith.constant 0 : i32
      %dma_wait3A_13 = arith.constant 0 : i32
      %dma_wait3A_14 = tpu.memref_slice %arg3[%add3A, %dma_wait3A, %dma_wait3A_13] : memref<32x80x128xi32, #tpu.memory_space<hbm>> -> memref<1x80x128xi32, #tpu.memory_space<hbm>>
      %dma_wait3A_15 = tpu.memref_squeeze %dma_wait3A_14 : memref<1x80x128xi32, #tpu.memory_space<hbm>> -> memref<80x128xi32, #tpu.memory_space<hbm>>
      %dma_wait3A_16 = arith.constant 0 : i32
      %dma_wait3A_17 = arith.constant 0 : i32
      %dma_wait3A_18 = tpu.memref_slice %arg3[%add3A, %dma_wait3A_16, %dma_wait3A_17] : memref<32x80x128xi32, #tpu.memory_space<hbm>> -> memref<1x80x128xi32, #tpu.memory_space<hbm>>
      %dma_wait3A_19 = tpu.memref_squeeze %dma_wait3A_18 : memref<1x80x128xi32, #tpu.memory_space<hbm>> -> memref<80x128xi32, #tpu.memory_space<hbm>>
      tpu.wait_dma2 semaphore(%run_scoped3A : memref<!tpu.dma_semaphore, #tpu.memory_space<semaphore_mem>>) src(%dma_wait3A_19 : memref<80x128xi32, #tpu.memory_space<hbm>>) dst(%arg7 : memref<80x128xi32, #tpu.memory_space<vmem>>)
      tpu.yield
    }) : () -> ()
    "tpu.region"() ({
      %run_scoped3A = tpu.sem_alloc : memref<!tpu.dma_semaphore, #tpu.memory_space<semaphore_mem>>
      %dma_start3A = arith.constant 0 : i32
      %dma_start3A_6 = arith.constant 0 : i32
      %dma_start3A_7 = tpu.memref_slice %arg4[%add3A, %dma_start3A, %dma_start3A_6] : memref<32x80x128xi32, #tpu.memory_space<hbm>> -> memref<1x80x128xi32, #tpu.memory_space<hbm>>
      %dma_start3A_8 = tpu.memref_squeeze %dma_start3A_7 : memref<1x80x128xi32, #tpu.memory_space<hbm>> -> memref<80x128xi32, #tpu.memory_space<hbm>>
      %dma_start3A_9 = arith.constant 0 : i32
      %dma_start3A_10 = arith.constant 0 : i32
      %dma_start3A_11 = tpu.memref_slice %arg4[%add3A, %dma_start3A_9, %dma_start3A_10] : memref<32x80x128xi32, #tpu.memory_space<hbm>> -> memref<1x80x128xi32, #tpu.memory_space<hbm>>
      %dma_start3A_12 = tpu.memref_squeeze %dma_start3A_11 : memref<1x80x128xi32, #tpu.memory_space<hbm>> -> memref<80x128xi32, #tpu.memory_space<hbm>>
      tpu.enqueue_dma source(%dma_start3A_12 : memref<80x128xi32, #tpu.memory_space<hbm>>) target(%arg8 : memref<80x128xi32, #tpu.memory_space<vmem>>) target_semaphore(%run_scoped3A : memref<!tpu.dma_semaphore, #tpu.memory_space<semaphore_mem>>)
      %dma_wait3A = arith.constant 0 : i32
      %dma_wait3A_13 = arith.constant 0 : i32
      %dma_wait3A_14 = tpu.memref_slice %arg4[%add3A, %dma_wait3A, %dma_wait3A_13] : memref<32x80x128xi32, #tpu.memory_space<hbm>> -> memref<1x80x128xi32, #tpu.memory_space<hbm>>
      %dma_wait3A_15 = tpu.memref_squeeze %dma_wait3A_14 : memref<1x80x128xi32, #tpu.memory_space<hbm>> -> memref<80x128xi32, #tpu.memory_space<hbm>>
      %dma_wait3A_16 = arith.constant 0 : i32
      %dma_wait3A_17 = arith.constant 0 : i32
      %dma_wait3A_18 = tpu.memref_slice %arg4[%add3A, %dma_wait3A_16, %dma_wait3A_17] : memref<32x80x128xi32, #tpu.memory_space<hbm>> -> memref<1x80x128xi32, #tpu.memory_space<hbm>>
      %dma_wait3A_19 = tpu.memref_squeeze %dma_wait3A_18 : memref<1x80x128xi32, #tpu.memory_space<hbm>> -> memref<80x128xi32, #tpu.memory_space<hbm>>
      tpu.wait_dma2 semaphore(%run_scoped3A : memref<!tpu.dma_semaphore, #tpu.memory_space<semaphore_mem>>) src(%dma_wait3A_19 : memref<80x128xi32, #tpu.memory_space<hbm>>) dst(%arg8 : memref<80x128xi32, #tpu.memory_space<vmem>>)
      tpu.yield
    }) : () -> ()
    %scan3A = arith.constant 0 : i32
    %scan3A_1 = arith.constant 0 : i32
    %scan3A_2 = arith.constant 80 : i32
    %scan3A_3 = arith.addi %scan3A_1, %scan3A_2 : i32
    %scan3A_4 = arith.constant 1 : i32
    scf.for %scan3A_6 = %scan3A_1 to %scan3A_3 step %scan3A_4  : i32 {
      %dma_start3A = arith.constant 0 : i32
      %dma_start3A_7 = tpu.memref_slice %arg7[%scan3A_6, %dma_start3A] : memref<80x128xi32, #tpu.memory_space<vmem>> -> memref<1x128xi32, #tpu.memory_space<vmem>>
      %dma_start3A_8 = tpu.memref_squeeze %dma_start3A_7 : memref<1x128xi32, #tpu.memory_space<vmem>> -> memref<128xi32, #tpu.memory_space<vmem>>
      %dma_start3A_9 = arith.constant 0 : i32
      %dma_start3A_10 = arith.constant 0 : i32
      %dma_start3A_11 = tpu.memref_slice %arg2[%dma_start3A_9, %dma_start3A_10] : memref<10000x64xf32, #tpu.memory_space<hbm>> -> memref<10000x64xf32, #tpu.memory_space<hbm>>
      tpu.enqueue_indirect_dma source(%dma_start3A_11 : memref<10000x64xf32, #tpu.memory_space<hbm>>) target(%arg9 : memref<128x64xf32, #tpu.memory_space<vmem>>) offsets(%dma_start3A_8 : memref<128xi32, #tpu.memory_space<vmem>>) semaphore(%arg11 : memref<!tpu.dma_semaphore, #tpu.memory_space<semaphore_mem>>)
      %dma_start3A_12 = arith.constant 0 : i32
      %dma_start3A_13 = tpu.memref_slice %arg8[%scan3A_6, %dma_start3A_12] : memref<80x128xi32, #tpu.memory_space<vmem>> -> memref<1x128xi32, #tpu.memory_space<vmem>>
      %dma_start3A_14 = tpu.memref_squeeze %dma_start3A_13 : memref<1x128xi32, #tpu.memory_space<vmem>> -> memref<128xi32, #tpu.memory_space<vmem>>
      %dma_start3A_15 = arith.constant 0 : i32
      %dma_start3A_16 = arith.constant 0 : i32
      %dma_start3A_17 = tpu.memref_slice %arg2[%dma_start3A_15, %dma_start3A_16] : memref<10000x64xf32, #tpu.memory_space<hbm>> -> memref<10000x64xf32, #tpu.memory_space<hbm>>
      tpu.enqueue_indirect_dma source(%dma_start3A_17 : memref<10000x64xf32, #tpu.memory_space<hbm>>) target(%arg10 : memref<128x64xf32, #tpu.memory_space<vmem>>) offsets(%dma_start3A_14 : memref<128xi32, #tpu.memory_space<vmem>>) semaphore(%arg12 : memref<!tpu.dma_semaphore, #tpu.memory_space<semaphore_mem>>)
      %dma_wait3A = arith.constant 0 : i32
      %dma_wait3A_18 = tpu.memref_slice %arg7[%scan3A_6, %dma_wait3A] : memref<80x128xi32, #tpu.memory_space<vmem>> -> memref<1x128xi32, #tpu.memory_space<vmem>>
      %dma_wait3A_19 = tpu.memref_squeeze %dma_wait3A_18 : memref<1x128xi32, #tpu.memory_space<vmem>> -> memref<128xi32, #tpu.memory_space<vmem>>
      %dma_wait3A_20 = arith.constant 0 : i32
      %dma_wait3A_21 = arith.constant 0 : i32
      %dma_wait3A_22 = tpu.memref_slice %arg2[%dma_wait3A_20, %dma_wait3A_21] : memref<10000x64xf32, #tpu.memory_space<hbm>> -> memref<10000x64xf32, #tpu.memory_space<hbm>>
      tpu.wait_indirect_dma semaphore(%arg11 : memref<!tpu.dma_semaphore, #tpu.memory_space<semaphore_mem>>) src(%dma_wait3A_22 : memref<10000x64xf32, #tpu.memory_space<hbm>>) dst(%arg9 : memref<128x64xf32, #tpu.memory_space<vmem>>)
      %dma_wait3A_23 = arith.constant 0 : i32
      %dma_wait3A_24 = tpu.memref_slice %arg8[%scan3A_6, %dma_wait3A_23] : memref<80x128xi32, #tpu.memory_space<vmem>> -> memref<1x128xi32, #tpu.memory_space<vmem>>
      %dma_wait3A_25 = tpu.memref_squeeze %dma_wait3A_24 : memref<1x128xi32, #tpu.memory_space<vmem>> -> memref<128xi32, #tpu.memory_space<vmem>>
      %dma_wait3A_26 = arith.constant 0 : i32
      %dma_wait3A_27 = arith.constant 0 : i32
      %dma_wait3A_28 = tpu.memref_slice %arg2[%dma_wait3A_26, %dma_wait3A_27] : memref<10000x64xf32, #tpu.memory_space<hbm>> -> memref<10000x64xf32, #tpu.memory_space<hbm>>
      tpu.wait_indirect_dma semaphore(%arg12 : memref<!tpu.dma_semaphore, #tpu.memory_space<semaphore_mem>>) src(%dma_wait3A_28 : memref<10000x64xf32, #tpu.memory_space<hbm>>) dst(%arg10 : memref<128x64xf32, #tpu.memory_space<vmem>>)
      %mul3A_29 = arith.constant 10240 : i32
      %mul3A_30 = arith.muli %add3A, %mul3A_29 : i32
      %mul3A_31 = arith.constant 128 : i32
      %mul3A_32 = arith.muli %scan3A_6, %mul3A_31 : i32
      %add3A_33 = arith.addi %mul3A_30, %mul3A_32 : i32
      "tpu.region"() ({
        %run_scoped3A = tpu.sem_alloc : memref<!tpu.dma_semaphore, #tpu.memory_space<semaphore_mem>>
        %dma_start3A_34 = arith.constant 0 : i32
        %dma_start3A_35 = tpu.memref_slice %arg5[%add3A_33, %dma_start3A_34] : memref<327680x64xf32, #tpu.memory_space<hbm>> -> memref<128x64xf32, #tpu.memory_space<hbm>>
        %dma_start3A_36 = arith.constant 0 : i32
        %dma_start3A_37 = tpu.memref_slice %arg5[%add3A_33, %dma_start3A_36] : memref<327680x64xf32, #tpu.memory_space<hbm>> -> memref<128x64xf32, #tpu.memory_space<hbm>>
        tpu.enqueue_dma source(%arg9 : memref<128x64xf32, #tpu.memory_space<vmem>>) target(%dma_start3A_37 : memref<128x64xf32, #tpu.memory_space<hbm>>) target_semaphore(%run_scoped3A : memref<!tpu.dma_semaphore, #tpu.memory_space<semaphore_mem>>)
        %dma_wait3A_38 = arith.constant 0 : i32
        %dma_wait3A_39 = tpu.memref_slice %arg5[%add3A_33, %dma_wait3A_38] : memref<327680x64xf32, #tpu.memory_space<hbm>> -> memref<128x64xf32, #tpu.memory_space<hbm>>
        %dma_wait3A_40 = arith.constant 0 : i32
        %dma_wait3A_41 = tpu.memref_slice %arg5[%add3A_33, %dma_wait3A_40] : memref<327680x64xf32, #tpu.memory_space<hbm>> -> memref<128x64xf32, #tpu.memory_space<hbm>>
        tpu.wait_dma2 semaphore(%run_scoped3A : memref<!tpu.dma_semaphore, #tpu.memory_space<semaphore_mem>>) src(%arg9 : memref<128x64xf32, #tpu.memory_space<vmem>>) dst(%dma_wait3A_41 : memref<128x64xf32, #tpu.memory_space<hbm>>)
        tpu.yield
      }) : () -> ()
      "tpu.region"() ({
        %run_scoped3A = tpu.sem_alloc : memref<!tpu.dma_semaphore, #tpu.memory_space<semaphore_mem>>
        %dma_start3A_34 = arith.constant 0 : i32
        %dma_start3A_35 = tpu.memref_slice %arg6[%add3A_33, %dma_start3A_34] : memref<327680x64xf32, #tpu.memory_space<hbm>> -> memref<128x64xf32, #tpu.memory_space<hbm>>
        %dma_start3A_36 = arith.constant 0 : i32
        %dma_start3A_37 = tpu.memref_slice %arg6[%add3A_33, %dma_start3A_36] : memref<327680x64xf32, #tpu.memory_space<hbm>> -> memref<128x64xf32, #tpu.memory_space<hbm>>
        tpu.enqueue_dma source(%arg10 : memref<128x64xf32, #tpu.memory_space<vmem>>) target(%dma_start3A_37 : memref<128x64xf32, #tpu.memory_space<hbm>>) target_semaphore(%run_scoped3A : memref<!tpu.dma_semaphore, #tpu.memory_space<semaphore_mem>>)
        %dma_wait3A_38 = arith.constant 0 : i32
        %dma_wait3A_39 = tpu.memref_slice %arg6[%add3A_33, %dma_wait3A_38] : memref<327680x64xf32, #tpu.memory_space<hbm>> -> memref<128x64xf32, #tpu.memory_space<hbm>>
        %dma_wait3A_40 = arith.constant 0 : i32
        %dma_wait3A_41 = tpu.memref_slice %arg6[%add3A_33, %dma_wait3A_40] : memref<327680x64xf32, #tpu.memory_space<hbm>> -> memref<128x64xf32, #tpu.memory_space<hbm>>
        tpu.wait_dma2 semaphore(%run_scoped3A : memref<!tpu.dma_semaphore, #tpu.memory_space<semaphore_mem>>) src(%arg10 : memref<128x64xf32, #tpu.memory_space<vmem>>) dst(%dma_wait3A_41 : memref<128x64xf32, #tpu.memory_space<hbm>>)
        tpu.yield
      }) : () -> ()
    }
    %scan3A_5 = arith.constant 80 : i32
    return
  }
}

#map = affine_map<(d0, d1) -> (0, 0)>
#map1 = affine_map<(d0, d1) -> (0)>
module attributes {stable_mosaic.version = 14 : i64} {
  func.func @sc_scatter(%arg0: i32, %arg1: i32, %arg2: memref<327680x64xf32, #tpu.memory_space<hbm>>, %arg3: memref<2500x128xi32, #tpu.memory_space<hbm>>, %arg4: memref<32xi32, #tpu.memory_space<hbm>>, %arg5: memref<32xi32, #tpu.memory_space<hbm>>, %arg6: memref<10016x64xf32, #tpu.memory_space<hbm>>, %arg7: memref<128xi32, #tpu.memory_space<vmem>>, %arg8: memref<32xi32, #tpu.memory_space<vmem>>, %arg9: memref<32xi32, #tpu.memory_space<vmem>>, %arg10: memref<128x64xf32, #tpu.memory_space<vmem>>, %arg11: memref<320x64xf32, #tpu.memory_space<vmem>>) attributes {dimension_semantics = [#tpu.dimension_semantics<core_parallel>, #tpu.dimension_semantics<subcore_parallel>], iteration_bounds = array<i64: 2, 16>, scalar_prefetch = 0 : i64, scratch_operands = 5 : i64, tpu.core_type = #tpu.core_type<sc_vector_subcore>, window_params = [{transform_indices = #map}, {transform_indices = #map}, {transform_indices = #map1}, {transform_indices = #map1}, {transform_indices = #map}]} {
    %mul3A = arith.constant 2 : i32
    %mul3A_0 = arith.muli %arg1, %mul3A : i32
    %add3A = arith.addi %mul3A_0, %arg0 : i32
    %broadcast_in_dim3A = arith.constant 0.000000e+00 : f32
    %broadcast_in_dim3A_1 = vector.broadcast %broadcast_in_dim3A : f32 to vector<16xf32>
    %scan3A = arith.constant 0 : i32
    %scan3A_2 = arith.constant 0 : i32
    %scan3A_3 = arith.constant 320 : i32
    %scan3A_4 = arith.addi %scan3A_2, %scan3A_3 : i32
    %scan3A_5 = arith.constant 1 : i32
    scf.for %scan3A_41 = %scan3A_2 to %scan3A_4 step %scan3A_5  : i32 {
      %swap3A = arith.index_cast %scan3A_41 : i32 to index
      %swap3A_42 = arith.constant 0 : index
      %swap3A_43 = tpu.vector_load %arg11[%swap3A, %swap3A_42] {strides = array<i32>} : memref<320x64xf32, #tpu.memory_space<vmem>>, vector<16xf32>,
      tpu.vector_store %arg11[%swap3A, %swap3A_42], %broadcast_in_dim3A_1 {strides = array<i32>} : memref<320x64xf32, #tpu.memory_space<vmem>>, vector<16xf32>,
      %swap3A_44 = arith.index_cast %scan3A_41 : i32 to index
      %swap3A_45 = arith.constant 16 : index
      %swap3A_46 = tpu.vector_load %arg11[%swap3A_44, %swap3A_45] {strides = array<i32>} : memref<320x64xf32, #tpu.memory_space<vmem>>, vector<16xf32>,
      tpu.vector_store %arg11[%swap3A_44, %swap3A_45], %broadcast_in_dim3A_1 {strides = array<i32>} : memref<320x64xf32, #tpu.memory_space<vmem>>, vector<16xf32>,
      %swap3A_47 = arith.index_cast %scan3A_41 : i32 to index
      %swap3A_48 = arith.constant 32 : index
      %swap3A_49 = tpu.vector_load %arg11[%swap3A_47, %swap3A_48] {strides = array<i32>} : memref<320x64xf32, #tpu.memory_space<vmem>>, vector<16xf32>,
      tpu.vector_store %arg11[%swap3A_47, %swap3A_48], %broadcast_in_dim3A_1 {strides = array<i32>} : memref<320x64xf32, #tpu.memory_space<vmem>>, vector<16xf32>,
      %swap3A_50 = arith.index_cast %scan3A_41 : i32 to index
      %swap3A_51 = arith.constant 48 : index
      %swap3A_52 = tpu.vector_load %arg11[%swap3A_50, %swap3A_51] {strides = array<i32>} : memref<320x64xf32, #tpu.memory_space<vmem>>, vector<16xf32>,
      tpu.vector_store %arg11[%swap3A_50, %swap3A_51], %broadcast_in_dim3A_1 {strides = array<i32>} : memref<320x64xf32, #tpu.memory_space<vmem>>, vector<16xf32>,
    }
    %scan3A_6 = arith.constant 320 : i32
    "tpu.region"() ({
      %run_scoped3A = tpu.sem_alloc : memref<!tpu.dma_semaphore, #tpu.memory_space<semaphore_mem>>
      tpu.enqueue_dma source(%arg4 : memref<32xi32, #tpu.memory_space<hbm>>) target(%arg8 : memref<32xi32, #tpu.memory_space<vmem>>) target_semaphore(%run_scoped3A : memref<!tpu.dma_semaphore, #tpu.memory_space<semaphore_mem>>)
      tpu.wait_dma2 semaphore(%run_scoped3A : memref<!tpu.dma_semaphore, #tpu.memory_space<semaphore_mem>>) src(%arg4 : memref<32xi32, #tpu.memory_space<hbm>>) dst(%arg8 : memref<32xi32, #tpu.memory_space<vmem>>)
      tpu.yield
    }) : () -> ()
    "tpu.region"() ({
      %run_scoped3A = tpu.sem_alloc : memref<!tpu.dma_semaphore, #tpu.memory_space<semaphore_mem>>
      tpu.enqueue_dma source(%arg5 : memref<32xi32, #tpu.memory_space<hbm>>) target(%arg9 : memref<32xi32, #tpu.memory_space<vmem>>) target_semaphore(%run_scoped3A : memref<!tpu.dma_semaphore, #tpu.memory_space<semaphore_mem>>)
      tpu.wait_dma2 semaphore(%run_scoped3A : memref<!tpu.dma_semaphore, #tpu.memory_space<semaphore_mem>>) src(%arg5 : memref<32xi32, #tpu.memory_space<hbm>>) dst(%arg9 : memref<32xi32, #tpu.memory_space<vmem>>)
      tpu.yield
    }) : () -> ()
    %broadcast_in_dim3A_7 = arith.constant 0 : i32
    %broadcast_in_dim3A_8 = vector.broadcast %broadcast_in_dim3A_7 : i32 to vector<16xi32>
    %add3A_9 = vector.broadcast %add3A : i32 to vector<16xi32>
    %add3A_10 = arith.addi %broadcast_in_dim3A_8, %add3A_9 : vector<16xi32>
    %gather3A = tpu.vector_load_idx %arg8[%add3A_10] : memref<32xi32, #tpu.memory_space<vmem>>[vector<16xi32>], vector<16xi32>,
    %reduce_max3A = arith.constant true
    %reduce_max3A_11 = vector.broadcast %reduce_max3A : i1 to vector<16xi1>
    %reduce_max3A_12 = arith.constant -2147483648 : i32
    %reduce_max3A_13 = vector.broadcast %reduce_max3A_12 : i32 to vector<16xi32>
    %reduce_max3A_14 = arith.xori %gather3A, %reduce_max3A_13 : vector<16xi32>
    %reduce_max3A_15 = tpu.scan <max>, %reduce_max3A_14 masked %reduce_max3A_11 : vector<16xi32>, vector<16xi1> -> vector<16xi32>
    %reduce_max3A_16 = arith.xori %reduce_max3A_15, %reduce_max3A_13 : vector<16xi32>
    %reduce_max3A_17 = vector.extract %reduce_max3A_16[15] : i32 from vector<16xi32>
    %gather3A_18 = tpu.vector_load_idx %arg9[%add3A_10] : memref<32xi32, #tpu.memory_space<vmem>>[vector<16xi32>], vector<16xi32>,
    %reduce_max3A_19 = arith.constant true
    %reduce_max3A_20 = vector.broadcast %reduce_max3A_19 : i1 to vector<16xi1>
    %reduce_max3A_21 = arith.constant -2147483648 : i32
    %reduce_max3A_22 = vector.broadcast %reduce_max3A_21 : i32 to vector<16xi32>
    %reduce_max3A_23 = arith.xori %gather3A_18, %reduce_max3A_22 : vector<16xi32>
    %reduce_max3A_24 = tpu.scan <max>, %reduce_max3A_23 masked %reduce_max3A_20 : vector<16xi32>, vector<16xi1> -> vector<16xi32>
    %reduce_max3A_25 = arith.xori %reduce_max3A_24, %reduce_max3A_22 : vector<16xi32>
    %reduce_max3A_26 = vector.extract %reduce_max3A_25[15] : i32 from vector<16xi32>
    %mul3A_27 = arith.constant 313 : i32
    %mul3A_28 = arith.muli %add3A, %mul3A_27 : i32
    %add3A_29 = arith.constant 313 : i32
    %add3A_30 = arith.addi %mul3A_28, %add3A_29 : i32
    %min3A = arith.constant 10000 : i32
    %min3A_31 = arith.minsi %add3A_30, %min3A : i32
    %iota3A = tpu.iota {dimensions = array<i32: 0>} : vector<16xi32>
    %while3A = arith.constant 0 : i32
    %while3A_32 = arith.constant 0 : i32
    %while3A_33 = arith.subi %reduce_max3A_26, %while3A_32 : i32
    %while3A_34 = arith.addi %while3A_32, %while3A_33 : i32
    %while3A_35 = arith.constant 1 : i32
    %while3A_36 = arith.divsi %while3A_33, %while3A_35 : i32
    %while3A_37 = arith.muli %while3A_36, %while3A_35 : i32
    %while3A_38 = arith.addi %while3A_32, %while3A_37 : i32
    %while3A_39 = arith.constant 1 : i32
    scf.for %while3A_41 = %while3A_32 to %while3A_38 step %while3A_39  : i32 {
      %add3A_42 = arith.addi %reduce_max3A_17, %while3A_41 : i32
      "tpu.region"() ({
        %run_scoped3A = tpu.sem_alloc : memref<!tpu.dma_semaphore, #tpu.memory_space<semaphore_mem>>
        %dma_start3A = arith.constant 0 : i32
        %dma_start3A_51 = tpu.memref_slice %arg3[%add3A_42, %dma_start3A] : memref<2500x128xi32, #tpu.memory_space<hbm>> -> memref<1x128xi32, #tpu.memory_space<hbm>>
        %dma_start3A_52 = tpu.memref_squeeze %dma_start3A_51 : memref<1x128xi32, #tpu.memory_space<hbm>> -> memref<128xi32, #tpu.memory_space<hbm>>
        %dma_start3A_53 = arith.constant 0 : i32
        %dma_start3A_54 = tpu.memref_slice %arg3[%add3A_42, %dma_start3A_53] : memref<2500x128xi32, #tpu.memory_space<hbm>> -> memref<1x128xi32, #tpu.memory_space<hbm>>
        %dma_start3A_55 = tpu.memref_squeeze %dma_start3A_54 : memref<1x128xi32, #tpu.memory_space<hbm>> -> memref<128xi32, #tpu.memory_space<hbm>>
        tpu.enqueue_dma source(%dma_start3A_55 : memref<128xi32, #tpu.memory_space<hbm>>) target(%arg7 : memref<128xi32, #tpu.memory_space<vmem>>) target_semaphore(%run_scoped3A : memref<!tpu.dma_semaphore, #tpu.memory_space<semaphore_mem>>)
        %dma_wait3A = arith.constant 0 : i32
        %dma_wait3A_56 = tpu.memref_slice %arg3[%add3A_42, %dma_wait3A] : memref<2500x128xi32, #tpu.memory_space<hbm>> -> memref<1x128xi32, #tpu.memory_space<hbm>>
        %dma_wait3A_57 = tpu.memref_squeeze %dma_wait3A_56 : memref<1x128xi32, #tpu.memory_space<hbm>> -> memref<128xi32, #tpu.memory_space<hbm>>
        %dma_wait3A_58 = arith.constant 0 : i32
        %dma_wait3A_59 = tpu.memref_slice %arg3[%add3A_42, %dma_wait3A_58] : memref<2500x128xi32, #tpu.memory_space<hbm>> -> memref<1x128xi32, #tpu.memory_space<hbm>>
        %dma_wait3A_60 = tpu.memref_squeeze %dma_wait3A_59 : memref<1x128xi32, #tpu.memory_space<hbm>> -> memref<128xi32, #tpu.memory_space<hbm>>
        tpu.wait_dma2 semaphore(%run_scoped3A : memref<!tpu.dma_semaphore, #tpu.memory_space<semaphore_mem>>) src(%dma_wait3A_60 : memref<128xi32, #tpu.memory_space<hbm>>) dst(%arg7 : memref<128xi32, #tpu.memory_space<vmem>>)
        tpu.yield
      }) : () -> ()
      %mul3A_43 = arith.constant 128 : i32
      %mul3A_44 = arith.muli %add3A_42, %mul3A_43 : i32
      "tpu.region"() ({
        %run_scoped3A = tpu.sem_alloc : memref<!tpu.dma_semaphore, #tpu.memory_space<semaphore_mem>>
        %dma_start3A = arith.constant 0 : i32
        %dma_start3A_51 = tpu.memref_slice %arg2[%mul3A_44, %dma_start3A] : memref<327680x64xf32, #tpu.memory_space<hbm>> -> memref<128x64xf32, #tpu.memory_space<hbm>>
        %dma_start3A_52 = arith.constant 0 : i32
        %dma_start3A_53 = tpu.memref_slice %arg2[%mul3A_44, %dma_start3A_52] : memref<327680x64xf32, #tpu.memory_space<hbm>> -> memref<128x64xf32, #tpu.memory_space<hbm>>
        tpu.enqueue_dma source(%dma_start3A_53 : memref<128x64xf32, #tpu.memory_space<hbm>>) target(%arg10 : memref<128x64xf32, #tpu.memory_space<vmem>>) target_semaphore(%run_scoped3A : memref<!tpu.dma_semaphore, #tpu.memory_space<semaphore_mem>>)
        %dma_wait3A = arith.constant 0 : i32
        %dma_wait3A_54 = tpu.memref_slice %arg2[%mul3A_44, %dma_wait3A] : memref<327680x64xf32, #tpu.memory_space<hbm>> -> memref<128x64xf32, #tpu.memory_space<hbm>>
        %dma_wait3A_55 = arith.constant 0 : i32
        %dma_wait3A_56 = tpu.memref_slice %arg2[%mul3A_44, %dma_wait3A_55] : memref<327680x64xf32, #tpu.memory_space<hbm>> -> memref<128x64xf32, #tpu.memory_space<hbm>>
        tpu.wait_dma2 semaphore(%run_scoped3A : memref<!tpu.dma_semaphore, #tpu.memory_space<semaphore_mem>>) src(%dma_wait3A_56 : memref<128x64xf32, #tpu.memory_space<hbm>>) dst(%arg10 : memref<128x64xf32, #tpu.memory_space<vmem>>)
        tpu.yield
      }) : () -> ()
      %scan3A_45 = arith.constant 0 : i32
      %scan3A_46 = arith.constant 0 : i32
      %scan3A_47 = arith.constant 128 : i32
      %scan3A_48 = arith.addi %scan3A_46, %scan3A_47 : i32
      %scan3A_49 = arith.constant 1 : i32
      scf.for %scan3A_51 = %scan3A_46 to %scan3A_48 step %scan3A_49  : i32 {
        %broadcast_in_dim3A_52 = arith.constant 0 : i32
        %broadcast_in_dim3A_53 = vector.broadcast %broadcast_in_dim3A_52 : i32 to vector<16xi32>
        %add3A_54 = vector.broadcast %scan3A_51 : i32 to vector<16xi32>
        %add3A_55 = arith.addi %broadcast_in_dim3A_53, %add3A_54 : vector<16xi32>
        %gather3A_56 = tpu.vector_load_idx %arg7[%add3A_55] : memref<128xi32, #tpu.memory_space<vmem>>[vector<16xi32>], vector<16xi32>,
        %ge3A = vector.broadcast %mul3A_28 : i32 to vector<16xi32>
        %ge3A_57 = arith.cmpi sge, %gather3A_56, %ge3A : vector<16xi32>
        %lt3A = vector.broadcast %min3A_31 : i32 to vector<16xi32>
        %lt3A_58 = arith.cmpi slt, %gather3A_56, %lt3A : vector<16xi32>
        %and3A = arith.andi %ge3A_57, %lt3A_58 : vector<16xi1>
        %sub3A = vector.broadcast %mul3A_28 : i32 to vector<16xi32>
        %sub3A_59 = arith.subi %gather3A_56, %sub3A : vector<16xi32>
        %jit3A = arith.constant 316 : i32
        %broadcast_in_dim3A_60 = vector.broadcast %jit3A : i32 to vector<16xi32>
        %select_n3A = arith.select %and3A, %sub3A_59, %broadcast_in_dim3A_60 : vector<16xi1>, vector<16xi32>
        %get3A = arith.index_cast %scan3A_51 : i32 to index
        %get3A_61 = arith.constant 0 : index
        %get3A_62 = tpu.vector_load %arg10[%get3A, %get3A_61] {strides = array<i32>} : memref<128x64xf32, #tpu.memory_space<vmem>>, vector<16xf32>,
        %add3A_63 = arith.constant 0 : i32
        %add3A_64 = vector.broadcast %add3A_63 : i32 to vector<16xi32>
        %add3A_65 = arith.addi %iota3A, %add3A_64 : vector<16xi32>
        %gather3A_66 = tpu.vector_load_idx %arg11[%select_n3A, %add3A_65] : memref<320x64xf32, #tpu.memory_space<vmem>>[vector<16xi32>, vector<16xi32>], vector<16xf32>,
        %add3A_67 = arith.addf %gather3A_66, %get3A_62 : vector<16xf32>
        tpu.vector_store_idx %arg11[%select_n3A, %add3A_65], %add3A_67 : memref<320x64xf32, #tpu.memory_space<vmem>>[vector<16xi32>, vector<16xi32>], vector<16xf32>,
        %get3A_68 = arith.index_cast %scan3A_51 : i32 to index
        %get3A_69 = arith.constant 16 : index
        %get3A_70 = tpu.vector_load %arg10[%get3A_68, %get3A_69] {strides = array<i32>} : memref<128x64xf32, #tpu.memory_space<vmem>>, vector<16xf32>,
        %add3A_71 = arith.constant 16 : i32
        %add3A_72 = vector.broadcast %add3A_71 : i32 to vector<16xi32>
        %add3A_73 = arith.addi %iota3A, %add3A_72 : vector<16xi32>
        %gather3A_74 = tpu.vector_load_idx %arg11[%select_n3A, %add3A_73] : memref<320x64xf32, #tpu.memory_space<vmem>>[vector<16xi32>, vector<16xi32>], vector<16xf32>,
        %add3A_75 = arith.addf %gather3A_74, %get3A_70 : vector<16xf32>
        tpu.vector_store_idx %arg11[%select_n3A, %add3A_73], %add3A_75 : memref<320x64xf32, #tpu.memory_space<vmem>>[vector<16xi32>, vector<16xi32>], vector<16xf32>,
        %get3A_76 = arith.index_cast %scan3A_51 : i32 to index
        %get3A_77 = arith.constant 32 : index
        %get3A_78 = tpu.vector_load %arg10[%get3A_76, %get3A_77] {strides = array<i32>} : memref<128x64xf32, #tpu.memory_space<vmem>>, vector<16xf32>,
        %add3A_79 = arith.constant 32 : i32
        %add3A_80 = vector.broadcast %add3A_79 : i32 to vector<16xi32>
        %add3A_81 = arith.addi %iota3A, %add3A_80 : vector<16xi32>
        %gather3A_82 = tpu.vector_load_idx %arg11[%select_n3A, %add3A_81] : memref<320x64xf32, #tpu.memory_space<vmem>>[vector<16xi32>, vector<16xi32>], vector<16xf32>,
        %add3A_83 = arith.addf %gather3A_82, %get3A_78 : vector<16xf32>
        tpu.vector_store_idx %arg11[%select_n3A, %add3A_81], %add3A_83 : memref<320x64xf32, #tpu.memory_space<vmem>>[vector<16xi32>, vector<16xi32>], vector<16xf32>,
        %get3A_84 = arith.index_cast %scan3A_51 : i32 to index
        %get3A_85 = arith.constant 48 : index
        %get3A_86 = tpu.vector_load %arg10[%get3A_84, %get3A_85] {strides = array<i32>} : memref<128x64xf32, #tpu.memory_space<vmem>>, vector<16xf32>,
        %add3A_87 = arith.constant 48 : i32
        %add3A_88 = vector.broadcast %add3A_87 : i32 to vector<16xi32>
        %add3A_89 = arith.addi %iota3A, %add3A_88 : vector<16xi32>
        %gather3A_90 = tpu.vector_load_idx %arg11[%select_n3A, %add3A_89] : memref<320x64xf32, #tpu.memory_space<vmem>>[vector<16xi32>, vector<16xi32>], vector<16xf32>,
        %add3A_91 = arith.addf %gather3A_90, %get3A_86 : vector<16xf32>
        tpu.vector_store_idx %arg11[%select_n3A, %add3A_89], %add3A_91 : memref<320x64xf32, #tpu.memory_space<vmem>>[vector<16xi32>, vector<16xi32>], vector<16xf32>,
      }
      %scan3A_50 = arith.constant 128 : i32
    }
    %while3A_40 = arith.constant 1 : i32
    scf.for %while3A_41 = %while3A_38 to %while3A_34 step %while3A_40  : i32 {
      %add3A_42 = arith.addi %reduce_max3A_17, %while3A_41 : i32
      "tpu.region"() ({
        %run_scoped3A = tpu.sem_alloc : memref<!tpu.dma_semaphore, #tpu.memory_space<semaphore_mem>>
        %dma_start3A = arith.constant 0 : i32
        %dma_start3A_51 = tpu.memref_slice %arg3[%add3A_42, %dma_start3A] : memref<2500x128xi32, #tpu.memory_space<hbm>> -> memref<1x128xi32, #tpu.memory_space<hbm>>
        %dma_start3A_52 = tpu.memref_squeeze %dma_start3A_51 : memref<1x128xi32, #tpu.memory_space<hbm>> -> memref<128xi32, #tpu.memory_space<hbm>>
        %dma_start3A_53 = arith.constant 0 : i32
        %dma_start3A_54 = tpu.memref_slice %arg3[%add3A_42, %dma_start3A_53] : memref<2500x128xi32, #tpu.memory_space<hbm>> -> memref<1x128xi32, #tpu.memory_space<hbm>>
        %dma_start3A_55 = tpu.memref_squeeze %dma_start3A_54 : memref<1x128xi32, #tpu.memory_space<hbm>> -> memref<128xi32, #tpu.memory_space<hbm>>
        tpu.enqueue_dma source(%dma_start3A_55 : memref<128xi32, #tpu.memory_space<hbm>>) target(%arg7 : memref<128xi32, #tpu.memory_space<vmem>>) target_semaphore(%run_scoped3A : memref<!tpu.dma_semaphore, #tpu.memory_space<semaphore_mem>>)
        %dma_wait3A = arith.constant 0 : i32
        %dma_wait3A_56 = tpu.memref_slice %arg3[%add3A_42, %dma_wait3A] : memref<2500x128xi32, #tpu.memory_space<hbm>> -> memref<1x128xi32, #tpu.memory_space<hbm>>
        %dma_wait3A_57 = tpu.memref_squeeze %dma_wait3A_56 : memref<1x128xi32, #tpu.memory_space<hbm>> -> memref<128xi32, #tpu.memory_space<hbm>>
        %dma_wait3A_58 = arith.constant 0 : i32
        %dma_wait3A_59 = tpu.memref_slice %arg3[%add3A_42, %dma_wait3A_58] : memref<2500x128xi32, #tpu.memory_space<hbm>> -> memref<1x128xi32, #tpu.memory_space<hbm>>
        %dma_wait3A_60 = tpu.memref_squeeze %dma_wait3A_59 : memref<1x128xi32, #tpu.memory_space<hbm>> -> memref<128xi32, #tpu.memory_space<hbm>>
        tpu.wait_dma2 semaphore(%run_scoped3A : memref<!tpu.dma_semaphore, #tpu.memory_space<semaphore_mem>>) src(%dma_wait3A_60 : memref<128xi32, #tpu.memory_space<hbm>>) dst(%arg7 : memref<128xi32, #tpu.memory_space<vmem>>)
        tpu.yield
      }) : () -> ()
      %mul3A_43 = arith.constant 128 : i32
      %mul3A_44 = arith.muli %add3A_42, %mul3A_43 : i32
      "tpu.region"() ({
        %run_scoped3A = tpu.sem_alloc : memref<!tpu.dma_semaphore, #tpu.memory_space<semaphore_mem>>
        %dma_start3A = arith.constant 0 : i32
        %dma_start3A_51 = tpu.memref_slice %arg2[%mul3A_44, %dma_start3A] : memref<327680x64xf32, #tpu.memory_space<hbm>> -> memref<128x64xf32, #tpu.memory_space<hbm>>
        %dma_start3A_52 = arith.constant 0 : i32
        %dma_start3A_53 = tpu.memref_slice %arg2[%mul3A_44, %dma_start3A_52] : memref<327680x64xf32, #tpu.memory_space<hbm>> -> memref<128x64xf32, #tpu.memory_space<hbm>>
        tpu.enqueue_dma source(%dma_start3A_53 : memref<128x64xf32, #tpu.memory_space<hbm>>) target(%arg10 : memref<128x64xf32, #tpu.memory_space<vmem>>) target_semaphore(%run_scoped3A : memref<!tpu.dma_semaphore, #tpu.memory_space<semaphore_mem>>)
        %dma_wait3A = arith.constant 0 : i32
        %dma_wait3A_54 = tpu.memref_slice %arg2[%mul3A_44, %dma_wait3A] : memref<327680x64xf32, #tpu.memory_space<hbm>> -> memref<128x64xf32, #tpu.memory_space<hbm>>
        %dma_wait3A_55 = arith.constant 0 : i32
        %dma_wait3A_56 = tpu.memref_slice %arg2[%mul3A_44, %dma_wait3A_55] : memref<327680x64xf32, #tpu.memory_space<hbm>> -> memref<128x64xf32, #tpu.memory_space<hbm>>
        tpu.wait_dma2 semaphore(%run_scoped3A : memref<!tpu.dma_semaphore, #tpu.memory_space<semaphore_mem>>) src(%dma_wait3A_56 : memref<128x64xf32, #tpu.memory_space<hbm>>) dst(%arg10 : memref<128x64xf32, #tpu.memory_space<vmem>>)
        tpu.yield
      }) : () -> ()
      %scan3A_45 = arith.constant 0 : i32
      %scan3A_46 = arith.constant 0 : i32
      %scan3A_47 = arith.constant 128 : i32
      %scan3A_48 = arith.addi %scan3A_46, %scan3A_47 : i32
      %scan3A_49 = arith.constant 1 : i32
      scf.for %scan3A_51 = %scan3A_46 to %scan3A_48 step %scan3A_49  : i32 {
        %broadcast_in_dim3A_52 = arith.constant 0 : i32
        %broadcast_in_dim3A_53 = vector.broadcast %broadcast_in_dim3A_52 : i32 to vector<16xi32>
        %add3A_54 = vector.broadcast %scan3A_51 : i32 to vector<16xi32>
        %add3A_55 = arith.addi %broadcast_in_dim3A_53, %add3A_54 : vector<16xi32>
        %gather3A_56 = tpu.vector_load_idx %arg7[%add3A_55] : memref<128xi32, #tpu.memory_space<vmem>>[vector<16xi32>], vector<16xi32>,
        %ge3A = vector.broadcast %mul3A_28 : i32 to vector<16xi32>
        %ge3A_57 = arith.cmpi sge, %gather3A_56, %ge3A : vector<16xi32>
        %lt3A = vector.broadcast %min3A_31 : i32 to vector<16xi32>
        %lt3A_58 = arith.cmpi slt, %gather3A_56, %lt3A : vector<16xi32>
        %and3A = arith.andi %ge3A_57, %lt3A_58 : vector<16xi1>
        %sub3A = vector.broadcast %mul3A_28 : i32 to vector<16xi32>
        %sub3A_59 = arith.subi %gather3A_56, %sub3A : vector<16xi32>
        %jit3A = arith.constant 316 : i32
        %broadcast_in_dim3A_60 = vector.broadcast %jit3A : i32 to vector<16xi32>
        %select_n3A = arith.select %and3A, %sub3A_59, %broadcast_in_dim3A_60 : vector<16xi1>, vector<16xi32>
        %get3A = arith.index_cast %scan3A_51 : i32 to index
        %get3A_61 = arith.constant 0 : index
        %get3A_62 = tpu.vector_load %arg10[%get3A, %get3A_61] {strides = array<i32>} : memref<128x64xf32, #tpu.memory_space<vmem>>, vector<16xf32>,
        %add3A_63 = arith.constant 0 : i32
        %add3A_64 = vector.broadcast %add3A_63 : i32 to vector<16xi32>
        %add3A_65 = arith.addi %iota3A, %add3A_64 : vector<16xi32>
        %gather3A_66 = tpu.vector_load_idx %arg11[%select_n3A, %add3A_65] : memref<320x64xf32, #tpu.memory_space<vmem>>[vector<16xi32>, vector<16xi32>], vector<16xf32>,
        %add3A_67 = arith.addf %gather3A_66, %get3A_62 : vector<16xf32>
        tpu.vector_store_idx %arg11[%select_n3A, %add3A_65], %add3A_67 : memref<320x64xf32, #tpu.memory_space<vmem>>[vector<16xi32>, vector<16xi32>], vector<16xf32>,
        %get3A_68 = arith.index_cast %scan3A_51 : i32 to index
        %get3A_69 = arith.constant 16 : index
        %get3A_70 = tpu.vector_load %arg10[%get3A_68, %get3A_69] {strides = array<i32>} : memref<128x64xf32, #tpu.memory_space<vmem>>, vector<16xf32>,
        %add3A_71 = arith.constant 16 : i32
        %add3A_72 = vector.broadcast %add3A_71 : i32 to vector<16xi32>
        %add3A_73 = arith.addi %iota3A, %add3A_72 : vector<16xi32>
        %gather3A_74 = tpu.vector_load_idx %arg11[%select_n3A, %add3A_73] : memref<320x64xf32, #tpu.memory_space<vmem>>[vector<16xi32>, vector<16xi32>], vector<16xf32>,
        %add3A_75 = arith.addf %gather3A_74, %get3A_70 : vector<16xf32>
        tpu.vector_store_idx %arg11[%select_n3A, %add3A_73], %add3A_75 : memref<320x64xf32, #tpu.memory_space<vmem>>[vector<16xi32>, vector<16xi32>], vector<16xf32>,
        %get3A_76 = arith.index_cast %scan3A_51 : i32 to index
        %get3A_77 = arith.constant 32 : index
        %get3A_78 = tpu.vector_load %arg10[%get3A_76, %get3A_77] {strides = array<i32>} : memref<128x64xf32, #tpu.memory_space<vmem>>, vector<16xf32>,
        %add3A_79 = arith.constant 32 : i32
        %add3A_80 = vector.broadcast %add3A_79 : i32 to vector<16xi32>
        %add3A_81 = arith.addi %iota3A, %add3A_80 : vector<16xi32>
        %gather3A_82 = tpu.vector_load_idx %arg11[%select_n3A, %add3A_81] : memref<320x64xf32, #tpu.memory_space<vmem>>[vector<16xi32>, vector<16xi32>], vector<16xf32>,
        %add3A_83 = arith.addf %gather3A_82, %get3A_78 : vector<16xf32>
        tpu.vector_store_idx %arg11[%select_n3A, %add3A_81], %add3A_83 : memref<320x64xf32, #tpu.memory_space<vmem>>[vector<16xi32>, vector<16xi32>], vector<16xf32>,
        %get3A_84 = arith.index_cast %scan3A_51 : i32 to index
        %get3A_85 = arith.constant 48 : index
        %get3A_86 = tpu.vector_load %arg10[%get3A_84, %get3A_85] {strides = array<i32>} : memref<128x64xf32, #tpu.memory_space<vmem>>, vector<16xf32>,
        %add3A_87 = arith.constant 48 : i32
        %add3A_88 = vector.broadcast %add3A_87 : i32 to vector<16xi32>
        %add3A_89 = arith.addi %iota3A, %add3A_88 : vector<16xi32>
        %gather3A_90 = tpu.vector_load_idx %arg11[%select_n3A, %add3A_89] : memref<320x64xf32, #tpu.memory_space<vmem>>[vector<16xi32>, vector<16xi32>], vector<16xf32>,
        %add3A_91 = arith.addf %gather3A_90, %get3A_86 : vector<16xf32>
        tpu.vector_store_idx %arg11[%select_n3A, %add3A_89], %add3A_91 : memref<320x64xf32, #tpu.memory_space<vmem>>[vector<16xi32>, vector<16xi32>], vector<16xf32>,
      }
      %scan3A_50 = arith.constant 128 : i32
    }
    "tpu.region"() ({
      %run_scoped3A = tpu.sem_alloc : memref<!tpu.dma_semaphore, #tpu.memory_space<semaphore_mem>>
      %dma_start3A = arith.constant 0 : i32
      %dma_start3A_41 = arith.constant 0 : i32
      %dma_start3A_42 = tpu.memref_slice %arg11[%dma_start3A, %dma_start3A_41] : memref<320x64xf32, #tpu.memory_space<vmem>> -> memref<313x64xf32, #tpu.memory_space<vmem>>
      %dma_start3A_43 = arith.constant 0 : i32
      %dma_start3A_44 = tpu.memref_slice %arg6[%mul3A_28, %dma_start3A_43] : memref<10016x64xf32, #tpu.memory_space<hbm>> -> memref<313x64xf32, #tpu.memory_space<hbm>>
      %dma_start3A_45 = arith.constant 0 : i32
      %dma_start3A_46 = tpu.memref_slice %arg6[%mul3A_28, %dma_start3A_45] : memref<10016x64xf32, #tpu.memory_space<hbm>> -> memref<313x64xf32, #tpu.memory_space<hbm>>
      %dma_start3A_47 = arith.constant 0 : i32
      %dma_start3A_48 = arith.constant 0 : i32
      %dma_start3A_49 = tpu.memref_slice %arg11[%dma_start3A_47, %dma_start3A_48] : memref<320x64xf32, #tpu.memory_space<vmem>> -> memref<313x64xf32, #tpu.memory_space<vmem>>
      tpu.enqueue_dma source(%dma_start3A_49 : memref<313x64xf32, #tpu.memory_space<vmem>>) target(%dma_start3A_46 : memref<313x64xf32, #tpu.memory_space<hbm>>) target_semaphore(%run_scoped3A : memref<!tpu.dma_semaphore, #tpu.memory_space<semaphore_mem>>)
      %dma_wait3A = arith.constant 0 : i32
      %dma_wait3A_50 = arith.constant 0 : i32
      %dma_wait3A_51 = tpu.memref_slice %arg11[%dma_wait3A, %dma_wait3A_50] : memref<320x64xf32, #tpu.memory_space<vmem>> -> memref<313x64xf32, #tpu.memory_space<vmem>>
      %dma_wait3A_52 = arith.constant 0 : i32
      %dma_wait3A_53 = tpu.memref_slice %arg6[%mul3A_28, %dma_wait3A_52] : memref<10016x64xf32, #tpu.memory_space<hbm>> -> memref<313x64xf32, #tpu.memory_space<hbm>>
      %dma_wait3A_54 = arith.constant 0 : i32
      %dma_wait3A_55 = tpu.memref_slice %arg6[%mul3A_28, %dma_wait3A_54] : memref<10016x64xf32, #tpu.memory_space<hbm>> -> memref<313x64xf32, #tpu.memory_space<hbm>>
      %dma_wait3A_56 = arith.constant 0 : i32
      %dma_wait3A_57 = arith.constant 0 : i32
      %dma_wait3A_58 = tpu.memref_slice %arg11[%dma_wait3A_56, %dma_wait3A_57] : memref<320x64xf32, #tpu.memory_space<vmem>> -> memref<313x64xf32, #tpu.memory_space<vmem>>
      tpu.wait_dma2 semaphore(%run_scoped3A : memref<!tpu.dma_semaphore, #tpu.memory_space<semaphore_mem>>) src(%dma_wait3A_58 : memref<313x64xf32, #tpu.memory_space<vmem>>) dst(%dma_wait3A_55 : memref<313x64xf32, #tpu.memory_space<hbm>>)
      tpu.yield
    }) : () -> ()
    return
  }
}

#map = affine_map<(d0, d1) -> (0, 0)>
#map1 = affine_map<(d0, d1) -> (0)>
#map2 = affine_map<(d0, d1) -> (0, 0, 0)>
module attributes {stable_mosaic.version = 14 : i64} {
  func.func @sc_segmax(%arg0: i32, %arg1: i32, %arg2: memref<10240x64xf32, #tpu.memory_space<hbm>>, %arg3: memref<10240xi32, #tpu.memory_space<hbm>>, %arg4: memref<32x512x64xf32, #tpu.memory_space<hbm>>, %arg5: memref<320x64xf32, #tpu.memory_space<vmem>>, %arg6: memref<320xi32, #tpu.memory_space<vmem>>, %arg7: memref<520x64xf32, #tpu.memory_space<vmem>>) attributes {dimension_semantics = [#tpu.dimension_semantics<core_parallel>, #tpu.dimension_semantics<subcore_parallel>], iteration_bounds = array<i64: 2, 16>, scalar_prefetch = 0 : i64, scratch_operands = 3 : i64, tpu.core_type = #tpu.core_type<sc_vector_subcore>, window_params = [{transform_indices = #map}, {transform_indices = #map1}, {transform_indices = #map2}]} {
    %mul3A = arith.constant 2 : i32
    %mul3A_0 = arith.muli %arg1, %mul3A : i32
    %add3A = arith.addi %mul3A_0, %arg0 : i32
    %mul3A_1 = arith.constant 320 : i32
    %mul3A_2 = arith.muli %add3A, %mul3A_1 : i32
    "tpu.region"() ({
      %run_scoped3A = tpu.sem_alloc : memref<!tpu.dma_semaphore, #tpu.memory_space<semaphore_mem>>
      %dma_start3A = arith.constant 0 : i32
      %dma_start3A_15 = tpu.memref_slice %arg2[%mul3A_2, %dma_start3A] : memref<10240x64xf32, #tpu.memory_space<hbm>> -> memref<320x64xf32, #tpu.memory_space<hbm>>
      %dma_start3A_16 = arith.constant 0 : i32
      %dma_start3A_17 = tpu.memref_slice %arg2[%mul3A_2, %dma_start3A_16] : memref<10240x64xf32, #tpu.memory_space<hbm>> -> memref<320x64xf32, #tpu.memory_space<hbm>>
      tpu.enqueue_dma source(%dma_start3A_17 : memref<320x64xf32, #tpu.memory_space<hbm>>) target(%arg5 : memref<320x64xf32, #tpu.memory_space<vmem>>) target_semaphore(%run_scoped3A : memref<!tpu.dma_semaphore, #tpu.memory_space<semaphore_mem>>)
      %dma_wait3A = arith.constant 0 : i32
      %dma_wait3A_18 = tpu.memref_slice %arg2[%mul3A_2, %dma_wait3A] : memref<10240x64xf32, #tpu.memory_space<hbm>> -> memref<320x64xf32, #tpu.memory_space<hbm>>
      %dma_wait3A_19 = arith.constant 0 : i32
      %dma_wait3A_20 = tpu.memref_slice %arg2[%mul3A_2, %dma_wait3A_19] : memref<10240x64xf32, #tpu.memory_space<hbm>> -> memref<320x64xf32, #tpu.memory_space<hbm>>
      tpu.wait_dma2 semaphore(%run_scoped3A : memref<!tpu.dma_semaphore, #tpu.memory_space<semaphore_mem>>) src(%dma_wait3A_20 : memref<320x64xf32, #tpu.memory_space<hbm>>) dst(%arg5 : memref<320x64xf32, #tpu.memory_space<vmem>>)
      tpu.yield
    }) : () -> ()
    "tpu.region"() ({
      %run_scoped3A = tpu.sem_alloc : memref<!tpu.dma_semaphore, #tpu.memory_space<semaphore_mem>>
      %dma_start3A = tpu.memref_slice %arg3[%mul3A_2] : memref<10240xi32, #tpu.memory_space<hbm>> -> memref<320xi32, #tpu.memory_space<hbm>>
      %dma_start3A_15 = tpu.memref_slice %arg3[%mul3A_2] : memref<10240xi32, #tpu.memory_space<hbm>> -> memref<320xi32, #tpu.memory_space<hbm>>
      tpu.enqueue_dma source(%dma_start3A_15 : memref<320xi32, #tpu.memory_space<hbm>>) target(%arg6 : memref<320xi32, #tpu.memory_space<vmem>>) target_semaphore(%run_scoped3A : memref<!tpu.dma_semaphore, #tpu.memory_space<semaphore_mem>>)
      %dma_wait3A = tpu.memref_slice %arg3[%mul3A_2] : memref<10240xi32, #tpu.memory_space<hbm>> -> memref<320xi32, #tpu.memory_space<hbm>>
      %dma_wait3A_16 = tpu.memref_slice %arg3[%mul3A_2] : memref<10240xi32, #tpu.memory_space<hbm>> -> memref<320xi32, #tpu.memory_space<hbm>>
      tpu.wait_dma2 semaphore(%run_scoped3A : memref<!tpu.dma_semaphore, #tpu.memory_space<semaphore_mem>>) src(%dma_wait3A_16 : memref<320xi32, #tpu.memory_space<hbm>>) dst(%arg6 : memref<320xi32, #tpu.memory_space<vmem>>)
      tpu.yield
    }) : () -> ()
    %broadcast_in_dim3A = arith.constant 0xFF800000 : f32
    %broadcast_in_dim3A_3 = vector.broadcast %broadcast_in_dim3A : f32 to vector<16xf32>
    %scan3A = arith.constant 0 : i32
    %scan3A_4 = arith.constant 0 : i32
    %scan3A_5 = arith.constant 520 : i32
    %scan3A_6 = arith.addi %scan3A_4, %scan3A_5 : i32
    %scan3A_7 = arith.constant 1 : i32
    scf.for %scan3A_15 = %scan3A_4 to %scan3A_6 step %scan3A_7  : i32 {
      %swap3A = arith.index_cast %scan3A_15 : i32 to index
      %swap3A_16 = arith.constant 0 : index
      %swap3A_17 = tpu.vector_load %arg7[%swap3A, %swap3A_16] {strides = array<i32>} : memref<520x64xf32, #tpu.memory_space<vmem>>, vector<16xf32>,
      tpu.vector_store %arg7[%swap3A, %swap3A_16], %broadcast_in_dim3A_3 {strides = array<i32>} : memref<520x64xf32, #tpu.memory_space<vmem>>, vector<16xf32>,
      %swap3A_18 = arith.index_cast %scan3A_15 : i32 to index
      %swap3A_19 = arith.constant 16 : index
      %swap3A_20 = tpu.vector_load %arg7[%swap3A_18, %swap3A_19] {strides = array<i32>} : memref<520x64xf32, #tpu.memory_space<vmem>>, vector<16xf32>,
      tpu.vector_store %arg7[%swap3A_18, %swap3A_19], %broadcast_in_dim3A_3 {strides = array<i32>} : memref<520x64xf32, #tpu.memory_space<vmem>>, vector<16xf32>,
      %swap3A_21 = arith.index_cast %scan3A_15 : i32 to index
      %swap3A_22 = arith.constant 32 : index
      %swap3A_23 = tpu.vector_load %arg7[%swap3A_21, %swap3A_22] {strides = array<i32>} : memref<520x64xf32, #tpu.memory_space<vmem>>, vector<16xf32>,
      tpu.vector_store %arg7[%swap3A_21, %swap3A_22], %broadcast_in_dim3A_3 {strides = array<i32>} : memref<520x64xf32, #tpu.memory_space<vmem>>, vector<16xf32>,
      %swap3A_24 = arith.index_cast %scan3A_15 : i32 to index
      %swap3A_25 = arith.constant 48 : index
      %swap3A_26 = tpu.vector_load %arg7[%swap3A_24, %swap3A_25] {strides = array<i32>} : memref<520x64xf32, #tpu.memory_space<vmem>>, vector<16xf32>,
      tpu.vector_store %arg7[%swap3A_24, %swap3A_25], %broadcast_in_dim3A_3 {strides = array<i32>} : memref<520x64xf32, #tpu.memory_space<vmem>>, vector<16xf32>,
    }
    %scan3A_8 = arith.constant 520 : i32
    %iota3A = tpu.iota {dimensions = array<i32: 0>} : vector<16xi32>
    %scan3A_9 = arith.constant 0 : i32
    %scan3A_10 = arith.constant 0 : i32
    %scan3A_11 = arith.constant 320 : i32
    %scan3A_12 = arith.addi %scan3A_10, %scan3A_11 : i32
    %scan3A_13 = arith.constant 1 : i32
    scf.for %scan3A_15 = %scan3A_10 to %scan3A_12 step %scan3A_13  : i32 {
      %broadcast_in_dim3A_16 = arith.constant 0 : i32
      %broadcast_in_dim3A_17 = vector.broadcast %broadcast_in_dim3A_16 : i32 to vector<16xi32>
      %add3A_18 = vector.broadcast %scan3A_15 : i32 to vector<16xi32>
      %add3A_19 = arith.addi %broadcast_in_dim3A_17, %add3A_18 : vector<16xi32>
      %gather3A = tpu.vector_load_idx %arg6[%add3A_19] : memref<320xi32, #tpu.memory_space<vmem>>[vector<16xi32>], vector<16xi32>,
      %get3A = arith.index_cast %scan3A_15 : i32 to index
      %get3A_20 = arith.constant 0 : index
      %get3A_21 = tpu.vector_load %arg5[%get3A, %get3A_20] {strides = array<i32>} : memref<320x64xf32, #tpu.memory_space<vmem>>, vector<16xf32>,
      %add3A_22 = arith.constant 0 : i32
      %add3A_23 = vector.broadcast %add3A_22 : i32 to vector<16xi32>
      %add3A_24 = arith.addi %iota3A, %add3A_23 : vector<16xi32>
      %gather3A_25 = tpu.vector_load_idx %arg7[%gather3A, %add3A_24] : memref<520x64xf32, #tpu.memory_space<vmem>>[vector<16xi32>, vector<16xi32>], vector<16xf32>,
      %max3A = arith.maximumf %gather3A_25, %get3A_21 : vector<16xf32>
      tpu.vector_store_idx %arg7[%gather3A, %add3A_24], %max3A : memref<520x64xf32, #tpu.memory_space<vmem>>[vector<16xi32>, vector<16xi32>], vector<16xf32>,
      %get3A_26 = arith.index_cast %scan3A_15 : i32 to index
      %get3A_27 = arith.constant 16 : index
      %get3A_28 = tpu.vector_load %arg5[%get3A_26, %get3A_27] {strides = array<i32>} : memref<320x64xf32, #tpu.memory_space<vmem>>, vector<16xf32>,
      %add3A_29 = arith.constant 16 : i32
      %add3A_30 = vector.broadcast %add3A_29 : i32 to vector<16xi32>
      %add3A_31 = arith.addi %iota3A, %add3A_30 : vector<16xi32>
      %gather3A_32 = tpu.vector_load_idx %arg7[%gather3A, %add3A_31] : memref<520x64xf32, #tpu.memory_space<vmem>>[vector<16xi32>, vector<16xi32>], vector<16xf32>,
      %max3A_33 = arith.maximumf %gather3A_32, %get3A_28 : vector<16xf32>
      tpu.vector_store_idx %arg7[%gather3A, %add3A_31], %max3A_33 : memref<520x64xf32, #tpu.memory_space<vmem>>[vector<16xi32>, vector<16xi32>], vector<16xf32>,
      %get3A_34 = arith.index_cast %scan3A_15 : i32 to index
      %get3A_35 = arith.constant 32 : index
      %get3A_36 = tpu.vector_load %arg5[%get3A_34, %get3A_35] {strides = array<i32>} : memref<320x64xf32, #tpu.memory_space<vmem>>, vector<16xf32>,
      %add3A_37 = arith.constant 32 : i32
      %add3A_38 = vector.broadcast %add3A_37 : i32 to vector<16xi32>
      %add3A_39 = arith.addi %iota3A, %add3A_38 : vector<16xi32>
      %gather3A_40 = tpu.vector_load_idx %arg7[%gather3A, %add3A_39] : memref<520x64xf32, #tpu.memory_space<vmem>>[vector<16xi32>, vector<16xi32>], vector<16xf32>,
      %max3A_41 = arith.maximumf %gather3A_40, %get3A_36 : vector<16xf32>
      tpu.vector_store_idx %arg7[%gather3A, %add3A_39], %max3A_41 : memref<520x64xf32, #tpu.memory_space<vmem>>[vector<16xi32>, vector<16xi32>], vector<16xf32>,
      %get3A_42 = arith.index_cast %scan3A_15 : i32 to index
      %get3A_43 = arith.constant 48 : index
      %get3A_44 = tpu.vector_load %arg5[%get3A_42, %get3A_43] {strides = array<i32>} : memref<320x64xf32, #tpu.memory_space<vmem>>, vector<16xf32>,
      %add3A_45 = arith.constant 48 : i32
      %add3A_46 = vector.broadcast %add3A_45 : i32 to vector<16xi32>
      %add3A_47 = arith.addi %iota3A, %add3A_46 : vector<16xi32>
      %gather3A_48 = tpu.vector_load_idx %arg7[%gather3A, %add3A_47] : memref<520x64xf32, #tpu.memory_space<vmem>>[vector<16xi32>, vector<16xi32>], vector<16xf32>,
      %max3A_49 = arith.maximumf %gather3A_48, %get3A_44 : vector<16xf32>
      tpu.vector_store_idx %arg7[%gather3A, %add3A_47], %max3A_49 : memref<520x64xf32, #tpu.memory_space<vmem>>[vector<16xi32>, vector<16xi32>], vector<16xf32>,
    }
    %scan3A_14 = arith.constant 320 : i32
    "tpu.region"() ({
      %run_scoped3A = tpu.sem_alloc : memref<!tpu.dma_semaphore, #tpu.memory_space<semaphore_mem>>
      %dma_start3A = arith.constant 0 : i32
      %dma_start3A_15 = arith.constant 0 : i32
      %dma_start3A_16 = tpu.memref_slice %arg7[%dma_start3A, %dma_start3A_15] : memref<520x64xf32, #tpu.memory_space<vmem>> -> memref<512x64xf32, #tpu.memory_space<vmem>>
      %dma_start3A_17 = arith.constant 0 : i32
      %dma_start3A_18 = arith.constant 0 : i32
      %dma_start3A_19 = tpu.memref_slice %arg4[%add3A, %dma_start3A_17, %dma_start3A_18] : memref<32x512x64xf32, #tpu.memory_space<hbm>> -> memref<1x512x64xf32, #tpu.memory_space<hbm>>
      %dma_start3A_20 = tpu.memref_squeeze %dma_start3A_19 : memref<1x512x64xf32, #tpu.memory_space<hbm>> -> memref<512x64xf32, #tpu.memory_space<hbm>>
      %dma_start3A_21 = arith.constant 0 : i32
      %dma_start3A_22 = arith.constant 0 : i32
      %dma_start3A_23 = tpu.memref_slice %arg4[%add3A, %dma_start3A_21, %dma_start3A_22] : memref<32x512x64xf32, #tpu.memory_space<hbm>> -> memref<1x512x64xf32, #tpu.memory_space<hbm>>
      %dma_start3A_24 = tpu.memref_squeeze %dma_start3A_23 : memref<1x512x64xf32, #tpu.memory_space<hbm>> -> memref<512x64xf32, #tpu.memory_space<hbm>>
      %dma_start3A_25 = arith.constant 0 : i32
      %dma_start3A_26 = arith.constant 0 : i32
      %dma_start3A_27 = tpu.memref_slice %arg7[%dma_start3A_25, %dma_start3A_26] : memref<520x64xf32, #tpu.memory_space<vmem>> -> memref<512x64xf32, #tpu.memory_space<vmem>>
      tpu.enqueue_dma source(%dma_start3A_27 : memref<512x64xf32, #tpu.memory_space<vmem>>) target(%dma_start3A_24 : memref<512x64xf32, #tpu.memory_space<hbm>>) target_semaphore(%run_scoped3A : memref<!tpu.dma_semaphore, #tpu.memory_space<semaphore_mem>>)
      %dma_wait3A = arith.constant 0 : i32
      %dma_wait3A_28 = arith.constant 0 : i32
      %dma_wait3A_29 = tpu.memref_slice %arg7[%dma_wait3A, %dma_wait3A_28] : memref<520x64xf32, #tpu.memory_space<vmem>> -> memref<512x64xf32, #tpu.memory_space<vmem>>
      %dma_wait3A_30 = arith.constant 0 : i32
      %dma_wait3A_31 = arith.constant 0 : i32
      %dma_wait3A_32 = tpu.memref_slice %arg4[%add3A, %dma_wait3A_30, %dma_wait3A_31] : memref<32x512x64xf32, #tpu.memory_space<hbm>> -> memref<1x512x64xf32, #tpu.memory_space<hbm>>
      %dma_wait3A_33 = tpu.memref_squeeze %dma_wait3A_32 : memref<1x512x64xf32, #tpu.memory_space<hbm>> -> memref<512x64xf32, #tpu.memory_space<hbm>>
      %dma_wait3A_34 = arith.constant 0 : i32
      %dma_wait3A_35 = arith.constant 0 : i32
      %dma_wait3A_36 = tpu.memref_slice %arg4[%add3A, %dma_wait3A_34, %dma_wait3A_35] : memref<32x512x64xf32, #tpu.memory_space<hbm>> -> memref<1x512x64xf32, #tpu.memory_space<hbm>>
      %dma_wait3A_37 = tpu.memref_squeeze %dma_wait3A_36 : memref<1x512x64xf32, #tpu.memory_space<hbm>> -> memref<512x64xf32, #tpu.memory_space<hbm>>
      %dma_wait3A_38 = arith.constant 0 : i32
      %dma_wait3A_39 = arith.constant 0 : i32
      %dma_wait3A_40 = tpu.memref_slice %arg7[%dma_wait3A_38, %dma_wait3A_39] : memref<520x64xf32, #tpu.memory_space<vmem>> -> memref<512x64xf32, #tpu.memory_space<vmem>>
      tpu.wait_dma2 semaphore(%run_scoped3A : memref<!tpu.dma_semaphore, #tpu.memory_space<semaphore_mem>>) src(%dma_wait3A_40 : memref<512x64xf32, #tpu.memory_space<vmem>>) dst(%dma_wait3A_37 : memref<512x64xf32, #tpu.memory_space<hbm>>)
      tpu.yield
    }) : () -> ()
    return
  }
}

module attributes {stable_mosaic.version = 14 : i64} {
  func.func @_mm_bias_relu_k(%arg0: i32, %arg1: memref<1000x128xf32, #tpu.memory_space<vmem>>, %arg2: memref<128x64xf32, #tpu.memory_space<vmem>>, %arg3: memref<1x64xf32, #tpu.memory_space<vmem>>, %arg4: memref<1000x64xf32, #tpu.memory_space<vmem>>) attributes {dimension_semantics = [#tpu.dimension_semantics<parallel>], iteration_bounds = array<i64: 10>, scalar_prefetch = 0 : i64, scratch_operands = 0 : i64, tpu.core_type = #tpu.core_type<tc>, window_params = [{transform_indices = @transform_0, window_bounds = array<i64: 1000, 128>}, {pipeline_mode = #tpu.pipeline_mode<synchronous>, transform_indices = @transform_1, window_bounds = array<i64: 128, 64>}, {pipeline_mode = #tpu.pipeline_mode<synchronous>, transform_indices = @transform_2, window_bounds = array<i64: 1, 64>}, {transform_indices = @transform_3, window_bounds = array<i64: 1000, 64>}]} {
    %get3A = arith.constant 0 : index
    %get3A_0 = arith.constant 0 : index
    %get3A_1 = vector.load %arg1[%get3A, %get3A_0] : memref<1000x128xf32, #tpu.memory_space<vmem>>, vector<1000x128xf32>
    %get3A_2 = arith.constant 0 : index
    %get3A_3 = arith.constant 0 : index
    %get3A_4 = vector.load %arg2[%get3A_2, %get3A_3] : memref<128x64xf32, #tpu.memory_space<vmem>>, vector<128x64xf32>
    %dot_general3A = arith.constant dense<0.000000e+00> : vector<1000x64xf32>
    %dot_general3A_5 = tpu.matmul %get3A_1, %get3A_4, %dot_general3A {dimension_numbers = #tpu.dot_dimension_numbers<[1], [0], [0], [1], [0, 0, 1, 1], [], []>, transpose_lhs_hint = false} : vector<1000x128xf32>, vector<128x64xf32>, vector<1000x64xf32> -> vector<1000x64xf32>
    %get3A_6 = arith.constant 0 : index
    %get3A_7 = arith.constant 0 : index
    %get3A_8 = vector.load %arg3[%get3A_6, %get3A_7] : memref<1x64xf32, #tpu.memory_space<vmem>>, vector<1x64xf32>
    %add3A = vector.broadcast %get3A_8 : vector<1x64xf32> to vector<1000x64xf32>
    %add3A_9 = arith.addf %dot_general3A_5, %add3A : vector<1000x64xf32>
    %max3A = arith.constant 0.000000e+00 : f32
    %max3A_10 = vector.broadcast %max3A : f32 to vector<1000x64xf32>
    %max3A_11 = arith.maximumf %add3A_9, %max3A_10 : vector<1000x64xf32>
    %swap3A = arith.constant 0 : index
    %swap3A_12 = arith.constant 0 : index
    %swap3A_13 = vector.load %arg4[%swap3A, %swap3A_12] : memref<1000x64xf32, #tpu.memory_space<vmem>>, vector<1000x64xf32>
    tpu.vector_store %arg4[%swap3A, %swap3A_12], %max3A_11 {strides = array<i32>} : memref<1000x64xf32, #tpu.memory_space<vmem>>, vector<1000x64xf32>,
    return
  }
  func.func @transform_0(%arg0: i32) -> (i32, i32) {
    %c0_i32 = arith.constant 0 : i32
    %c0_i32_0 = arith.constant 0 : i32
    return %arg0, %c0_i32 : i32, i32
  }
  func.func @transform_1(%arg0: i32) -> (i32, i32) {
    %c0_i32 = arith.constant 0 : i32
    %c0_i32_0 = arith.constant 0 : i32
    %c0_i32_1 = arith.constant 0 : i32
    return %c0_i32, %c0_i32_0 : i32, i32
  }
  func.func @transform_2(%arg0: i32) -> (i32, i32) {
    %c0_i32 = arith.constant 0 : i32
    %c0_i32_0 = arith.constant 0 : i32
    %c0_i32_1 = arith.constant 0 : i32
    return %c0_i32, %c0_i32_0 : i32, i32
  }
  func.func @transform_3(%arg0: i32) -> (i32, i32) {
    %c0_i32 = arith.constant 0 : i32
    %c0_i32_0 = arith.constant 0 : i32
    return %arg0, %c0_i32 : i32, i32
  }
}

module attributes {stable_mosaic.version = 14 : i64} {
  func.func @_mm_k(%arg0: i32, %arg1: memref<1000x64xf32, #tpu.memory_space<vmem>>, %arg2: memref<64x64xf32, #tpu.memory_space<vmem>>, %arg3: memref<1000x64xf32, #tpu.memory_space<vmem>>) attributes {dimension_semantics = [#tpu.dimension_semantics<parallel>], iteration_bounds = array<i64: 10>, scalar_prefetch = 0 : i64, scratch_operands = 0 : i64, tpu.core_type = #tpu.core_type<tc>, window_params = [{transform_indices = @transform_0, window_bounds = array<i64: 1000, 64>}, {pipeline_mode = #tpu.pipeline_mode<synchronous>, transform_indices = @transform_1, window_bounds = array<i64: 64, 64>}, {transform_indices = @transform_2, window_bounds = array<i64: 1000, 64>}]} {
    %get3A = arith.constant 0 : index
    %get3A_0 = arith.constant 0 : index
    %get3A_1 = vector.load %arg1[%get3A, %get3A_0] : memref<1000x64xf32, #tpu.memory_space<vmem>>, vector<1000x64xf32>
    %get3A_2 = arith.constant 0 : index
    %get3A_3 = arith.constant 0 : index
    %get3A_4 = vector.load %arg2[%get3A_2, %get3A_3] : memref<64x64xf32, #tpu.memory_space<vmem>>, vector<64x64xf32>
    %dot_general3A = arith.constant dense<0.000000e+00> : vector<1000x64xf32>
    %dot_general3A_5 = tpu.matmul %get3A_1, %get3A_4, %dot_general3A {dimension_numbers = #tpu.dot_dimension_numbers<[1], [0], [0], [1], [0, 0, 1, 1], [], []>, transpose_lhs_hint = false} : vector<1000x64xf32>, vector<64x64xf32>, vector<1000x64xf32> -> vector<1000x64xf32>
    %swap3A = arith.constant 0 : index
    %swap3A_6 = arith.constant 0 : index
    %swap3A_7 = vector.load %arg3[%swap3A, %swap3A_6] : memref<1000x64xf32, #tpu.memory_space<vmem>>, vector<1000x64xf32>
    tpu.vector_store %arg3[%swap3A, %swap3A_6], %dot_general3A_5 {strides = array<i32>} : memref<1000x64xf32, #tpu.memory_space<vmem>>, vector<1000x64xf32>,
    return
  }
  func.func @transform_0(%arg0: i32) -> (i32, i32) {
    %c0_i32 = arith.constant 0 : i32
    %c0_i32_0 = arith.constant 0 : i32
    return %arg0, %c0_i32 : i32, i32
  }
  func.func @transform_1(%arg0: i32) -> (i32, i32) {
    %c0_i32 = arith.constant 0 : i32
    %c0_i32_0 = arith.constant 0 : i32
    %c0_i32_1 = arith.constant 0 : i32
    return %c0_i32, %c0_i32_0 : i32, i32
  }
  func.func @transform_2(%arg0: i32) -> (i32, i32) {
    %c0_i32 = arith.constant 0 : i32
    %c0_i32_0 = arith.constant 0 : i32
    return %arg0, %c0_i32 : i32, i32
  }
}

module attributes {stable_mosaic.version = 14 : i64} {
  func.func @_mm_bias_relu_k(%arg0: i32, %arg1: memref<2048x16xf32, #tpu.memory_space<vmem>>, %arg2: memref<16x64xf32, #tpu.memory_space<vmem>>, %arg3: memref<1x64xf32, #tpu.memory_space<vmem>>, %arg4: memref<2048x64xf32, #tpu.memory_space<vmem>>) attributes {dimension_semantics = [#tpu.dimension_semantics<parallel>], iteration_bounds = array<i64: 160>, scalar_prefetch = 0 : i64, scratch_operands = 0 : i64, tpu.core_type = #tpu.core_type<tc>, window_params = [{transform_indices = @transform_0, window_bounds = array<i64: 2048, 16>}, {pipeline_mode = #tpu.pipeline_mode<synchronous>, transform_indices = @transform_1, window_bounds = array<i64: 16, 64>}, {pipeline_mode = #tpu.pipeline_mode<synchronous>, transform_indices = @transform_2, window_bounds = array<i64: 1, 64>}, {transform_indices = @transform_3, window_bounds = array<i64: 2048, 64>}]} {
    %get3A = arith.constant 0 : index
    %get3A_0 = arith.constant 0 : index
    %get3A_1 = vector.load %arg1[%get3A, %get3A_0] : memref<2048x16xf32, #tpu.memory_space<vmem>>, vector<2048x16xf32>
    %get3A_2 = arith.constant 0 : index
    %get3A_3 = arith.constant 0 : index
    %get3A_4 = vector.load %arg2[%get3A_2, %get3A_3] : memref<16x64xf32, #tpu.memory_space<vmem>>, vector<16x64xf32>
    %dot_general3A = arith.constant dense<0.000000e+00> : vector<2048x64xf32>
    %dot_general3A_5 = tpu.matmul %get3A_1, %get3A_4, %dot_general3A {dimension_numbers = #tpu.dot_dimension_numbers<[1], [0], [0], [1], [0, 0, 1, 1], [], []>, transpose_lhs_hint = false} : vector<2048x16xf32>, vector<16x64xf32>, vector<2048x64xf32> -> vector<2048x64xf32>
    %get3A_6 = arith.constant 0 : index
    %get3A_7 = arith.constant 0 : index
    %get3A_8 = vector.load %arg3[%get3A_6, %get3A_7] : memref<1x64xf32, #tpu.memory_space<vmem>>, vector<1x64xf32>
    %add3A = vector.broadcast %get3A_8 : vector<1x64xf32> to vector<2048x64xf32>
    %add3A_9 = arith.addf %dot_general3A_5, %add3A : vector<2048x64xf32>
    %max3A = arith.constant 0.000000e+00 : f32
    %max3A_10 = vector.broadcast %max3A : f32 to vector<2048x64xf32>
    %max3A_11 = arith.maximumf %add3A_9, %max3A_10 : vector<2048x64xf32>
    %swap3A = arith.constant 0 : index
    %swap3A_12 = arith.constant 0 : index
    %swap3A_13 = vector.load %arg4[%swap3A, %swap3A_12] : memref<2048x64xf32, #tpu.memory_space<vmem>>, vector<2048x64xf32>
    tpu.vector_store %arg4[%swap3A, %swap3A_12], %max3A_11 {strides = array<i32>} : memref<2048x64xf32, #tpu.memory_space<vmem>>, vector<2048x64xf32>,
    return
  }
  func.func @transform_0(%arg0: i32) -> (i32, i32) {
    %c0_i32 = arith.constant 0 : i32
    %c0_i32_0 = arith.constant 0 : i32
    return %arg0, %c0_i32 : i32, i32
  }
  func.func @transform_1(%arg0: i32) -> (i32, i32) {
    %c0_i32 = arith.constant 0 : i32
    %c0_i32_0 = arith.constant 0 : i32
    %c0_i32_1 = arith.constant 0 : i32
    return %c0_i32, %c0_i32_0 : i32, i32
  }
  func.func @transform_2(%arg0: i32) -> (i32, i32) {
    %c0_i32 = arith.constant 0 : i32
    %c0_i32_0 = arith.constant 0 : i32
    %c0_i32_1 = arith.constant 0 : i32
    return %c0_i32, %c0_i32_0 : i32, i32
  }
  func.func @transform_3(%arg0: i32) -> (i32, i32) {
    %c0_i32 = arith.constant 0 : i32
    %c0_i32_0 = arith.constant 0 : i32
    return %arg0, %c0_i32 : i32, i32
  }
}

module attributes {stable_mosaic.version = 14 : i64} {
  func.func @_edge_k(%arg0: i32, %arg1: memref<2048x64xf32, #tpu.memory_space<vmem>>, %arg2: memref<2048x64xf32, #tpu.memory_space<vmem>>, %arg3: memref<2048x64xf32, #tpu.memory_space<vmem>>, %arg4: memref<64x64xf32, #tpu.memory_space<vmem>>, %arg5: memref<64x64xf32, #tpu.memory_space<vmem>>, %arg6: memref<64x64xf32, #tpu.memory_space<vmem>>, %arg7: memref<192x2xf32, #tpu.memory_space<vmem>>, %arg8: memref<1x2xf32, #tpu.memory_space<vmem>>, %arg9: memref<2048x64xf32, #tpu.memory_space<vmem>>) attributes {dimension_semantics = [#tpu.dimension_semantics<parallel>], iteration_bounds = array<i64: 160>, scalar_prefetch = 0 : i64, scratch_operands = 0 : i64, tpu.core_type = #tpu.core_type<tc>, window_params = [{transform_indices = @transform_0, window_bounds = array<i64: 2048, 64>}, {transform_indices = @transform_1, window_bounds = array<i64: 2048, 64>}, {transform_indices = @transform_2, window_bounds = array<i64: 2048, 64>}, {pipeline_mode = #tpu.pipeline_mode<synchronous>, transform_indices = @transform_3, window_bounds = array<i64: 64, 64>}, {pipeline_mode = #tpu.pipeline_mode<synchronous>, transform_indices = @transform_4, window_bounds = array<i64: 64, 64>}, {pipeline_mode = #tpu.pipeline_mode<synchronous>, transform_indices = @transform_5, window_bounds = array<i64: 64, 64>}, {pipeline_mode = #tpu.pipeline_mode<synchronous>, transform_indices = @transform_6, window_bounds = array<i64: 192, 2>}, {pipeline_mode = #tpu.pipeline_mode<synchronous>, transform_indices = @transform_7, window_bounds = array<i64: 1, 2>}, {transform_indices = @transform_8, window_bounds = array<i64: 2048, 64>}]} {
    %get3A = arith.constant 0 : index
    %get3A_0 = arith.constant 0 : index
    %get3A_1 = vector.load %arg1[%get3A, %get3A_0] : memref<2048x64xf32, #tpu.memory_space<vmem>>, vector<2048x64xf32>
    %get3A_2 = arith.constant 0 : index
    %get3A_3 = arith.constant 0 : index
    %get3A_4 = vector.load %arg2[%get3A_2, %get3A_3] : memref<2048x64xf32, #tpu.memory_space<vmem>>, vector<2048x64xf32>
    %convert_element_type3A = arith.truncf %get3A_4 : vector<2048x64xf32> to vector<2048x64xbf16>
    %get3A_5 = arith.constant 0 : index
    %get3A_6 = arith.constant 0 : index
    %get3A_7 = vector.load %arg3[%get3A_5, %get3A_6] : memref<2048x64xf32, #tpu.memory_space<vmem>>, vector<2048x64xf32>
    %get3A_8 = arith.constant 0 : index
    %get3A_9 = arith.constant 0 : index
    %get3A_10 = vector.load %arg4[%get3A_8, %get3A_9] : memref<64x64xf32, #tpu.memory_space<vmem>>, vector<64x64xf32>
    %dot_general3A = arith.constant dense<0.000000e+00> : vector<2048x64xf32>
    %dot_general3A_11 = tpu.matmul %get3A_7, %get3A_10, %dot_general3A {dimension_numbers = #tpu.dot_dimension_numbers<[1], [0], [0], [1], [0, 0, 1, 1], [], []>, transpose_lhs_hint = false} : vector<2048x64xf32>, vector<64x64xf32>, vector<2048x64xf32> -> vector<2048x64xf32>
    %get3A_12 = arith.constant 0 : index
    %get3A_13 = arith.constant 0 : index
    %get3A_14 = vector.load %arg5[%get3A_12, %get3A_13] : memref<64x64xf32, #tpu.memory_space<vmem>>, vector<64x64xf32>
    %convert_element_type3A_15 = arith.truncf %get3A_14 : vector<64x64xf32> to vector<64x64xbf16>
    %dot_general3A_16 = arith.constant dense<0.000000e+00> : vector<2048x64xf32>
    %dot_general3A_17 = tpu.matmul %convert_element_type3A, %convert_element_type3A_15, %dot_general3A_16 {dimension_numbers = #tpu.dot_dimension_numbers<[1], [0], [0], [1], [0, 0, 1, 1], [], []>, transpose_lhs_hint = false} : vector<2048x64xbf16>, vector<64x64xbf16>, vector<2048x64xf32> -> vector<2048x64xf32>
    %get3A_18 = arith.constant 0 : index
    %get3A_19 = arith.constant 0 : index
    %get3A_20 = vector.load %arg6[%get3A_18, %get3A_19] : memref<64x64xf32, #tpu.memory_space<vmem>>, vector<64x64xf32>
    %convert_element_type3A_21 = arith.truncf %get3A_20 : vector<64x64xf32> to vector<64x64xbf16>
    %dot_general3A_22 = arith.constant dense<0.000000e+00> : vector<2048x64xf32>
    %dot_general3A_23 = tpu.matmul %convert_element_type3A, %convert_element_type3A_21, %dot_general3A_22 {dimension_numbers = #tpu.dot_dimension_numbers<[1], [0], [0], [1], [0, 0, 1, 1], [], []>, transpose_lhs_hint = false} : vector<2048x64xbf16>, vector<64x64xbf16>, vector<2048x64xf32> -> vector<2048x64xf32>
    %mul3A = arith.mulf %dot_general3A_17, %get3A_1 : vector<2048x64xf32>
    %reduce_sum3A = arith.constant dense<0.000000e+00> : vector<2048xf32>
    %reduce_sum3A_24 = vector.multi_reduction <add>, %mul3A, %reduce_sum3A [1] : vector<2048x64xf32> to vector<2048xf32>
    %broadcast_in_dim3A = vector.shape_cast %reduce_sum3A_24 : vector<2048xf32> to vector<2048x1xf32>
    %mul3A_25 = arith.mulf %dot_general3A_23, %get3A_1 : vector<2048x64xf32>
    %reduce_sum3A_26 = arith.constant dense<0.000000e+00> : vector<2048xf32>
    %reduce_sum3A_27 = vector.multi_reduction <add>, %mul3A_25, %reduce_sum3A_26 [1] : vector<2048x64xf32> to vector<2048xf32>
    %broadcast_in_dim3A_28 = vector.shape_cast %reduce_sum3A_27 : vector<2048xf32> to vector<2048x1xf32>
    %get3A_29 = arith.constant 0 : index
    %get3A_30 = arith.constant 0 : index
    %get3A_31 = vector.load %arg7[%get3A_29, %get3A_30] : memref<192x2xf32, #tpu.memory_space<vmem>>, vector<64x2xf32>
    %convert_element_type3A_32 = arith.truncf %get3A_31 : vector<64x2xf32> to vector<64x2xbf16>
    %dot_general3A_33 = arith.constant dense<0.000000e+00> : vector<2048x2xf32>
    %dot_general3A_34 = tpu.matmul %convert_element_type3A, %convert_element_type3A_32, %dot_general3A_33 {dimension_numbers = #tpu.dot_dimension_numbers<[1], [0], [0], [1], [0, 0, 1, 1], [], []>, transpose_lhs_hint = false} : vector<2048x64xbf16>, vector<64x2xbf16>, vector<2048x2xf32> -> vector<2048x2xf32>
    %get3A_35 = arith.constant 64 : index
    %get3A_36 = arith.constant 0 : index
    %get3A_37 = vector.load %arg7[%get3A_35, %get3A_36] : memref<192x2xf32, #tpu.memory_space<vmem>>, vector<64x2xf32>
    %dot_general3A_38 = arith.constant dense<0.000000e+00> : vector<2048x2xf32>
    %dot_general3A_39 = tpu.matmul %dot_general3A_11, %get3A_37, %dot_general3A_38 {dimension_numbers = #tpu.dot_dimension_numbers<[1], [0], [0], [1], [0, 0, 1, 1], [], []>, transpose_lhs_hint = false} : vector<2048x64xf32>, vector<64x2xf32>, vector<2048x2xf32> -> vector<2048x2xf32>
    %get3A_40 = arith.constant 128 : index
    %get3A_41 = arith.constant 0 : index
    %get3A_42 = vector.load %arg7[%get3A_40, %get3A_41] : memref<192x2xf32, #tpu.memory_space<vmem>>, vector<64x2xf32>
    %dot_general3A_43 = arith.constant dense<0.000000e+00> : vector<2048x2xf32>
    %dot_general3A_44 = tpu.matmul %get3A_1, %get3A_42, %dot_general3A_43 {dimension_numbers = #tpu.dot_dimension_numbers<[1], [0], [0], [1], [0, 0, 1, 1], [], []>, transpose_lhs_hint = false} : vector<2048x64xf32>, vector<64x2xf32>, vector<2048x2xf32> -> vector<2048x2xf32>
    %add3A = arith.addf %dot_general3A_34, %dot_general3A_39 : vector<2048x2xf32>
    %add3A_45 = arith.addf %add3A, %dot_general3A_44 : vector<2048x2xf32>
    %get3A_46 = arith.constant 0 : index
    %get3A_47 = arith.constant 0 : index
    %get3A_48 = vector.load %arg8[%get3A_46, %get3A_47] : memref<1x2xf32, #tpu.memory_space<vmem>>, vector<1x2xf32>
    %add3A_49 = vector.broadcast %get3A_48 : vector<1x2xf32> to vector<2048x2xf32>
    %add3A_50 = arith.addf %add3A_45, %add3A_49 : vector<2048x2xf32>
    %slice3A = vector.extract_strided_slice %add3A_50 {offsets = [0, 0], sizes = [2048, 1], strides = [1, 1]} : vector<2048x2xf32> to vector<2048x1xf32>
    %add3A_51 = arith.addf %broadcast_in_dim3A, %slice3A : vector<2048x1xf32>
    %tanh3A = math.tanh %add3A_51 : vector<2048x1xf32>
    %slice3A_52 = vector.extract_strided_slice %add3A_50 {offsets = [0, 1], sizes = [2048, 1], strides = [1, 1]} : vector<2048x2xf32> to vector<2048x1xf32>
    %add3A_53 = arith.addf %broadcast_in_dim3A_28, %slice3A_52 : vector<2048x1xf32>
    %tanh3A_54 = math.tanh %add3A_53 : vector<2048x1xf32>
    %iota3A = tpu.iota {dimensions = array<i32: 1>} : vector<2048x64xi32>
    %max3A = arith.maximumf %get3A_1, %dot_general3A_11 : vector<2048x64xf32>
    %lt3A = arith.constant 32 : i32
    %lt3A_55 = vector.broadcast %lt3A : i32 to vector<2048x64xi32>
    %lt3A_56 = arith.cmpi slt, %iota3A, %lt3A_55 : vector<2048x64xi32>
    %broadcast_in_dim3A_57 = vector.shape_cast %tanh3A : vector<2048x1xf32> to vector<2048x1xf32>
    %broadcast_in_dim3A_58 = vector.broadcast %broadcast_in_dim3A_57 : vector<2048x1xf32> to vector<2048x64xf32>
    %broadcast_in_dim3A_59 = vector.shape_cast %tanh3A_54 : vector<2048x1xf32> to vector<2048x1xf32>
    %broadcast_in_dim3A_60 = vector.broadcast %broadcast_in_dim3A_59 : vector<2048x1xf32> to vector<2048x64xf32>
    %select_n3A = arith.select %lt3A_56, %broadcast_in_dim3A_58, %broadcast_in_dim3A_60 : vector<2048x64xi1>, vector<2048x64xf32>
    %mul3A_61 = arith.mulf %max3A, %select_n3A : vector<2048x64xf32>
    %swap3A = arith.constant 0 : index
    %swap3A_62 = arith.constant 0 : index
    %swap3A_63 = vector.load %arg9[%swap3A, %swap3A_62] : memref<2048x64xf32, #tpu.memory_space<vmem>>, vector<2048x64xf32>
    tpu.vector_store %arg9[%swap3A, %swap3A_62], %mul3A_61 {strides = array<i32>} : memref<2048x64xf32, #tpu.memory_space<vmem>>, vector<2048x64xf32>,
    return
  }
  func.func @transform_0(%arg0: i32) -> (i32, i32) {
    %c0_i32 = arith.constant 0 : i32
    %c0_i32_0 = arith.constant 0 : i32
    return %arg0, %c0_i32 : i32, i32
  }
  func.func @transform_1(%arg0: i32) -> (i32, i32) {
    %c0_i32 = arith.constant 0 : i32
    %c0_i32_0 = arith.constant 0 : i32
    return %arg0, %c0_i32 : i32, i32
  }
  func.func @transform_2(%arg0: i32) -> (i32, i32) {
    %c0_i32 = arith.constant 0 : i32
    %c0_i32_0 = arith.constant 0 : i32
    return %arg0, %c0_i32 : i32, i32
  }
  func.func @transform_3(%arg0: i32) -> (i32, i32) {
    %c0_i32 = arith.constant 0 : i32
    %c0_i32_0 = arith.constant 0 : i32
    %c0_i32_1 = arith.constant 0 : i32
    return %c0_i32, %c0_i32_0 : i32, i32
  }
  func.func @transform_4(%arg0: i32) -> (i32, i32) {
    %c0_i32 = arith.constant 0 : i32
    %c0_i32_0 = arith.constant 0 : i32
    %c0_i32_1 = arith.constant 0 : i32
    return %c0_i32, %c0_i32_0 : i32, i32
  }
  func.func @transform_5(%arg0: i32) -> (i32, i32) {
    %c0_i32 = arith.constant 0 : i32
    %c0_i32_0 = arith.constant 0 : i32
    %c0_i32_1 = arith.constant 0 : i32
    return %c0_i32, %c0_i32_0 : i32, i32
  }
  func.func @transform_6(%arg0: i32) -> (i32, i32) {
    %c0_i32 = arith.constant 0 : i32
    %c0_i32_0 = arith.constant 0 : i32
    %c0_i32_1 = arith.constant 0 : i32
    return %c0_i32, %c0_i32_0 : i32, i32
  }
  func.func @transform_7(%arg0: i32) -> (i32, i32) {
    %c0_i32 = arith.constant 0 : i32
    %c0_i32_0 = arith.constant 0 : i32
    %c0_i32_1 = arith.constant 0 : i32
    return %c0_i32, %c0_i32_0 : i32, i32
  }
  func.func @transform_8(%arg0: i32) -> (i32, i32) {
    %c0_i32 = arith.constant 0 : i32
    %c0_i32_0 = arith.constant 0 : i32
    return %arg0, %c0_i32 : i32, i32
  }
}

module attributes {stable_mosaic.version = 14 : i64} {
  func.func @_gate_k(%arg0: i32, %arg1: memref<1000x64xf32, #tpu.memory_space<vmem>>, %arg2: memref<1000x64xf32, #tpu.memory_space<vmem>>, %arg3: memref<192x64xf32, #tpu.memory_space<vmem>>, %arg4: memref<1x64xf32, #tpu.memory_space<vmem>>, %arg5: memref<1000x64xf32, #tpu.memory_space<vmem>>) attributes {dimension_semantics = [#tpu.dimension_semantics<parallel>], iteration_bounds = array<i64: 10>, scalar_prefetch = 0 : i64, scratch_operands = 0 : i64, tpu.core_type = #tpu.core_type<tc>, window_params = [{transform_indices = @transform_0, window_bounds = array<i64: 1000, 64>}, {transform_indices = @transform_1, window_bounds = array<i64: 1000, 64>}, {pipeline_mode = #tpu.pipeline_mode<synchronous>, transform_indices = @transform_2, window_bounds = array<i64: 192, 64>}, {pipeline_mode = #tpu.pipeline_mode<synchronous>, transform_indices = @transform_3, window_bounds = array<i64: 1, 64>}, {transform_indices = @transform_4, window_bounds = array<i64: 1000, 64>}]} {
    %get3A = arith.constant 0 : index
    %get3A_0 = arith.constant 0 : index
    %get3A_1 = vector.load %arg2[%get3A, %get3A_0] : memref<1000x64xf32, #tpu.memory_space<vmem>>, vector<1000x64xf32>
    %max3A = arith.constant 0.000000e+00 : f32
    %max3A_2 = vector.broadcast %max3A : f32 to vector<1000x64xf32>
    %max3A_3 = arith.maximumf %get3A_1, %max3A_2 : vector<1000x64xf32>
    %get3A_4 = arith.constant 0 : index
    %get3A_5 = arith.constant 0 : index
    %get3A_6 = vector.load %arg1[%get3A_4, %get3A_5] : memref<1000x64xf32, #tpu.memory_space<vmem>>, vector<1000x64xf32>
    %get3A_7 = arith.constant 0 : index
    %get3A_8 = arith.constant 0 : index
    %get3A_9 = vector.load %arg3[%get3A_7, %get3A_8] : memref<192x64xf32, #tpu.memory_space<vmem>>, vector<64x64xf32>
    %dot_general3A = arith.constant dense<0.000000e+00> : vector<1000x64xf32>
    %dot_general3A_10 = tpu.matmul %get3A_6, %get3A_9, %dot_general3A {dimension_numbers = #tpu.dot_dimension_numbers<[1], [0], [0], [1], [0, 0, 1, 1], [], []>, transpose_lhs_hint = false} : vector<1000x64xf32>, vector<64x64xf32>, vector<1000x64xf32> -> vector<1000x64xf32>
    %get3A_11 = arith.constant 64 : index
    %get3A_12 = arith.constant 0 : index
    %get3A_13 = vector.load %arg3[%get3A_11, %get3A_12] : memref<192x64xf32, #tpu.memory_space<vmem>>, vector<64x64xf32>
    %dot_general3A_14 = arith.constant dense<0.000000e+00> : vector<1000x64xf32>
    %dot_general3A_15 = tpu.matmul %max3A_3, %get3A_13, %dot_general3A_14 {dimension_numbers = #tpu.dot_dimension_numbers<[1], [0], [0], [1], [0, 0, 1, 1], [], []>, transpose_lhs_hint = false} : vector<1000x64xf32>, vector<64x64xf32>, vector<1000x64xf32> -> vector<1000x64xf32>
    %add3A = arith.addf %dot_general3A_10, %dot_general3A_15 : vector<1000x64xf32>
    %sub3A = arith.subf %get3A_6, %max3A_3 : vector<1000x64xf32>
    %get3A_16 = arith.constant 128 : index
    %get3A_17 = arith.constant 0 : index
    %get3A_18 = vector.load %arg3[%get3A_16, %get3A_17] : memref<192x64xf32, #tpu.memory_space<vmem>>, vector<64x64xf32>
    %dot_general3A_19 = arith.constant dense<0.000000e+00> : vector<1000x64xf32>
    %dot_general3A_20 = tpu.matmul %sub3A, %get3A_18, %dot_general3A_19 {dimension_numbers = #tpu.dot_dimension_numbers<[1], [0], [0], [1], [0, 0, 1, 1], [], []>, transpose_lhs_hint = false} : vector<1000x64xf32>, vector<64x64xf32>, vector<1000x64xf32> -> vector<1000x64xf32>
    %add3A_21 = arith.addf %add3A, %dot_general3A_20 : vector<1000x64xf32>
    %get3A_22 = arith.constant 0 : index
    %get3A_23 = arith.constant 0 : index
    %get3A_24 = vector.load %arg4[%get3A_22, %get3A_23] : memref<1x64xf32, #tpu.memory_space<vmem>>, vector<1x64xf32>
    %add3A_25 = vector.broadcast %get3A_24 : vector<1x64xf32> to vector<1000x64xf32>
    %add3A_26 = arith.addf %add3A_21, %add3A_25 : vector<1000x64xf32>
    %logistic3A = arith.negf %add3A_26 : vector<1000x64xf32>
    %logistic3A_27 = math.exp %logistic3A : vector<1000x64xf32>
    %logistic3A_28 = arith.constant 1.000000e+00 : f32
    %logistic3A_29 = vector.broadcast %logistic3A_28 : f32 to vector<1000x64xf32>
    %logistic3A_30 = arith.addf %logistic3A_29, %logistic3A_27 : vector<1000x64xf32>
    %logistic3A_31 = arith.divf %logistic3A_29, %logistic3A_30 : vector<1000x64xf32>
    %mul3A = arith.mulf %logistic3A_31, %get3A_6 : vector<1000x64xf32>
    %sub3A_32 = arith.constant 1.000000e+00 : f32
    %sub3A_33 = vector.broadcast %sub3A_32 : f32 to vector<1000x64xf32>
    %sub3A_34 = arith.subf %sub3A_33, %logistic3A_31 : vector<1000x64xf32>
    %mul3A_35 = arith.mulf %sub3A_34, %max3A_3 : vector<1000x64xf32>
    %add3A_36 = arith.addf %mul3A, %mul3A_35 : vector<1000x64xf32>
    %swap3A = arith.constant 0 : index
    %swap3A_37 = arith.constant 0 : index
    %swap3A_38 = vector.load %arg5[%swap3A, %swap3A_37] : memref<1000x64xf32, #tpu.memory_space<vmem>>, vector<1000x64xf32>
    tpu.vector_store %arg5[%swap3A, %swap3A_37], %add3A_36 {strides = array<i32>} : memref<1000x64xf32, #tpu.memory_space<vmem>>, vector<1000x64xf32>,
    return
  }
  func.func @transform_0(%arg0: i32) -> (i32, i32) {
    %c0_i32 = arith.constant 0 : i32
    %c0_i32_0 = arith.constant 0 : i32
    return %arg0, %c0_i32 : i32, i32
  }
  func.func @transform_1(%arg0: i32) -> (i32, i32) {
    %c0_i32 = arith.constant 0 : i32
    %c0_i32_0 = arith.constant 0 : i32
    return %arg0, %c0_i32 : i32, i32
  }
  func.func @transform_2(%arg0: i32) -> (i32, i32) {
    %c0_i32 = arith.constant 0 : i32
    %c0_i32_0 = arith.constant 0 : i32
    %c0_i32_1 = arith.constant 0 : i32
    return %c0_i32, %c0_i32_0 : i32, i32
  }
  func.func @transform_3(%arg0: i32) -> (i32, i32) {
    %c0_i32 = arith.constant 0 : i32
    %c0_i32_0 = arith.constant 0 : i32
    %c0_i32_1 = arith.constant 0 : i32
    return %c0_i32, %c0_i32_0 : i32, i32
  }
  func.func @transform_4(%arg0: i32) -> (i32, i32) {
    %c0_i32 = arith.constant 0 : i32
    %c0_i32_0 = arith.constant 0 : i32
    return %arg0, %c0_i32 : i32, i32
  }
}

module attributes {stable_mosaic.version = 14 : i64} {
  func.func @_segsum_k(%arg0: i32, %arg1: memref<1x1x1000xi32, #tpu.memory_space<vmem>>, %arg2: memref<1000x64xf32, #tpu.memory_space<vmem>>, %arg3: memref<512x64xf32, #tpu.memory_space<vmem>>) attributes {dimension_semantics = [#tpu.dimension_semantics<arbitrary>], iteration_bounds = array<i64: 10>, scalar_prefetch = 0 : i64, scratch_operands = 0 : i64, tpu.core_type = #tpu.core_type<tc>, window_params = [{transform_indices = @transform_0, window_bounds = array<i64: 1, 1, 1000>}, {transform_indices = @transform_1, window_bounds = array<i64: 1000, 64>}, {pipeline_mode = #tpu.pipeline_mode<synchronous>, transform_indices = @transform_2, window_bounds = array<i64: 512, 64>}]} {
    %eq3A = arith.constant 0 : i32
    %eq3A_0 = arith.cmpi eq, %arg0, %eq3A : i32
    %convert_element_type3A = arith.extui %eq3A_0 : i1 to i32
    %cond3A = arith.constant 0 : i32
    %cond3A_1 = arith.cmpi ne, %convert_element_type3A, %cond3A : i32
    scf.if %cond3A_1 {
      %broadcast_in_dim3A_19 = arith.constant 0.000000e+00 : f32
      %broadcast_in_dim3A_20 = vector.broadcast %broadcast_in_dim3A_19 : f32 to vector<512x64xf32>
      %swap3A_21 = arith.constant 0 : index
      %swap3A_22 = arith.constant 0 : index
      %swap3A_23 = vector.load %arg3[%swap3A_21, %swap3A_22] : memref<512x64xf32, #tpu.memory_space<vmem>>, vector<512x64xf32>
      tpu.vector_store %arg3[%swap3A_21, %swap3A_22], %broadcast_in_dim3A_20 {strides = array<i32>} : memref<512x64xf32, #tpu.memory_space<vmem>>, vector<512x64xf32>,
    } else {
    }
    %iota3A = tpu.iota {dimensions = array<i32: 0>} : vector<512x1000xi32>
    %get3A = arith.constant 0 : index
    %get3A_2 = arith.constant 0 : index
    %get3A_3 = arith.constant 0 : index
    %get3A_4 = vector.load %arg1[%get3A, %get3A_2, %get3A_3] : memref<1x1x1000xi32, #tpu.memory_space<vmem>>, vector<1x1x1000xi32>
    %get3A_5 = vector.shape_cast %get3A_4 : vector<1x1x1000xi32> to vector<1x1000xi32>
    %eq3A_6 = vector.broadcast %get3A_5 : vector<1x1000xi32> to vector<512x1000xi32>
    %eq3A_7 = arith.cmpi eq, %iota3A, %eq3A_6 : vector<512x1000xi32>
    %jit3A = arith.constant 1.000000e+00 : f32
    %jit3A_8 = arith.constant 0.000000e+00 : f32
    %broadcast_in_dim3A = vector.broadcast %jit3A : f32 to vector<512x1000xf32>
    %broadcast_in_dim3A_9 = vector.broadcast %jit3A_8 : f32 to vector<512x1000xf32>
    %select_n3A = arith.select %eq3A_7, %broadcast_in_dim3A, %broadcast_in_dim3A_9 : vector<512x1000xi1>, vector<512x1000xf32>
    %get3A_10 = arith.constant 0 : index
    %get3A_11 = arith.constant 0 : index
    %get3A_12 = vector.load %arg3[%get3A_10, %get3A_11] : memref<512x64xf32, #tpu.memory_space<vmem>>, vector<512x64xf32>
    %get3A_13 = arith.constant 0 : index
    %get3A_14 = arith.constant 0 : index
    %get3A_15 = vector.load %arg2[%get3A_13, %get3A_14] : memref<1000x64xf32, #tpu.memory_space<vmem>>, vector<1000x64xf32>
    %dot_general3A = arith.constant dense<0.000000e+00> : vector<512x64xf32>
    %dot_general3A_16 = tpu.matmul %select_n3A, %get3A_15, %dot_general3A {dimension_numbers = #tpu.dot_dimension_numbers<[1], [0], [0], [1], [0, 0, 1, 1], [], []>, precision = #tpu.contract_precision<fp32>, transpose_lhs_hint = false} : vector<512x1000xf32>, vector<1000x64xf32>, vector<512x64xf32> -> vector<512x64xf32>
    %add3A = arith.addf %get3A_12, %dot_general3A_16 : vector<512x64xf32>
    %swap3A = arith.constant 0 : index
    %swap3A_17 = arith.constant 0 : index
    %swap3A_18 = vector.load %arg3[%swap3A, %swap3A_17] : memref<512x64xf32, #tpu.memory_space<vmem>>, vector<512x64xf32>
    tpu.vector_store %arg3[%swap3A, %swap3A_17], %add3A {strides = array<i32>} : memref<512x64xf32, #tpu.memory_space<vmem>>, vector<512x64xf32>,
    return
  }
  func.func @transform_0(%arg0: i32) -> (i32, i32, i32) {
    %c0_i32 = arith.constant 0 : i32
    %c0_i32_0 = arith.constant 0 : i32
    %c0_i32_1 = arith.constant 0 : i32
    return %arg0, %c0_i32, %c0_i32_0 : i32, i32, i32
  }
  func.func @transform_1(%arg0: i32) -> (i32, i32) {
    %c0_i32 = arith.constant 0 : i32
    %c0_i32_0 = arith.constant 0 : i32
    return %arg0, %c0_i32 : i32, i32
  }
  func.func @transform_2(%arg0: i32) -> (i32, i32) {
    %c0_i32 = arith.constant 0 : i32
    %c0_i32_0 = arith.constant 0 : i32
    %c0_i32_1 = arith.constant 0 : i32
    return %c0_i32, %c0_i32_0 : i32, i32
  }
}

module attributes {stable_mosaic.version = 14 : i64} {
  func.func @_att_k(%arg0: i32, %arg1: memref<32x512x64xf32, #tpu.memory_space<vmem>>, %arg2: memref<512x64xf32, #tpu.memory_space<vmem>>, %arg3: memref<64x16xf32, #tpu.memory_space<vmem>>, %arg4: memref<16x64xf32, #tpu.memory_space<vmem>>, %arg5: memref<512x64xf32, #tpu.memory_space<vmem>>) attributes {dimension_semantics = [#tpu.dimension_semantics<parallel>], iteration_bounds = array<i64: 1>, scalar_prefetch = 0 : i64, scratch_operands = 0 : i64, tpu.core_type = #tpu.core_type<tc>, window_params = [{pipeline_mode = #tpu.pipeline_mode<synchronous>, transform_indices = @transform_0, window_bounds = array<i64: 32, 512, 64>}, {pipeline_mode = #tpu.pipeline_mode<synchronous>, transform_indices = @transform_1, window_bounds = array<i64: 512, 64>}, {pipeline_mode = #tpu.pipeline_mode<synchronous>, transform_indices = @transform_2, window_bounds = array<i64: 64, 16>}, {pipeline_mode = #tpu.pipeline_mode<synchronous>, transform_indices = @transform_3, window_bounds = array<i64: 16, 64>}, {pipeline_mode = #tpu.pipeline_mode<synchronous>, transform_indices = @transform_4, window_bounds = array<i64: 512, 64>}]} {
    %get3A = arith.constant 0 : index
    %get3A_0 = arith.constant 0 : index
    %get3A_1 = arith.constant 0 : index
    %get3A_2 = vector.load %arg1[%get3A, %get3A_0, %get3A_1] : memref<32x512x64xf32, #tpu.memory_space<vmem>>, vector<1x512x64xf32>
    %get3A_3 = vector.shape_cast %get3A_2 : vector<1x512x64xf32> to vector<512x64xf32>
    %get3A_4 = arith.constant 1 : index
    %get3A_5 = arith.constant 0 : index
    %get3A_6 = arith.constant 0 : index
    %get3A_7 = vector.load %arg1[%get3A_4, %get3A_5, %get3A_6] : memref<32x512x64xf32, #tpu.memory_space<vmem>>, vector<1x512x64xf32>
    %get3A_8 = vector.shape_cast %get3A_7 : vector<1x512x64xf32> to vector<512x64xf32>
    %max3A = arith.maximumf %get3A_3, %get3A_8 : vector<512x64xf32>
    %get3A_9 = arith.constant 2 : index
    %get3A_10 = arith.constant 0 : index
    %get3A_11 = arith.constant 0 : index
    %get3A_12 = vector.load %arg1[%get3A_9, %get3A_10, %get3A_11] : memref<32x512x64xf32, #tpu.memory_space<vmem>>, vector<1x512x64xf32>
    %get3A_13 = vector.shape_cast %get3A_12 : vector<1x512x64xf32> to vector<512x64xf32>
    %max3A_14 = arith.maximumf %max3A, %get3A_13 : vector<512x64xf32>
    %get3A_15 = arith.constant 3 : index
    %get3A_16 = arith.constant 0 : index
    %get3A_17 = arith.constant 0 : index
    %get3A_18 = vector.load %arg1[%get3A_15, %get3A_16, %get3A_17] : memref<32x512x64xf32, #tpu.memory_space<vmem>>, vector<1x512x64xf32>
    %get3A_19 = vector.shape_cast %get3A_18 : vector<1x512x64xf32> to vector<512x64xf32>
    %max3A_20 = arith.maximumf %max3A_14, %get3A_19 : vector<512x64xf32>
    %get3A_21 = arith.constant 4 : index
    %get3A_22 = arith.constant 0 : index
    %get3A_23 = arith.constant 0 : index
    %get3A_24 = vector.load %arg1[%get3A_21, %get3A_22, %get3A_23] : memref<32x512x64xf32, #tpu.memory_space<vmem>>, vector<1x512x64xf32>
    %get3A_25 = vector.shape_cast %get3A_24 : vector<1x512x64xf32> to vector<512x64xf32>
    %max3A_26 = arith.maximumf %max3A_20, %get3A_25 : vector<512x64xf32>
    %get3A_27 = arith.constant 5 : index
    %get3A_28 = arith.constant 0 : index
    %get3A_29 = arith.constant 0 : index
    %get3A_30 = vector.load %arg1[%get3A_27, %get3A_28, %get3A_29] : memref<32x512x64xf32, #tpu.memory_space<vmem>>, vector<1x512x64xf32>
    %get3A_31 = vector.shape_cast %get3A_30 : vector<1x512x64xf32> to vector<512x64xf32>
    %max3A_32 = arith.maximumf %max3A_26, %get3A_31 : vector<512x64xf32>
    %get3A_33 = arith.constant 6 : index
    %get3A_34 = arith.constant 0 : index
    %get3A_35 = arith.constant 0 : index
    %get3A_36 = vector.load %arg1[%get3A_33, %get3A_34, %get3A_35] : memref<32x512x64xf32, #tpu.memory_space<vmem>>, vector<1x512x64xf32>
    %get3A_37 = vector.shape_cast %get3A_36 : vector<1x512x64xf32> to vector<512x64xf32>
    %max3A_38 = arith.maximumf %max3A_32, %get3A_37 : vector<512x64xf32>
    %get3A_39 = arith.constant 7 : index
    %get3A_40 = arith.constant 0 : index
    %get3A_41 = arith.constant 0 : index
    %get3A_42 = vector.load %arg1[%get3A_39, %get3A_40, %get3A_41] : memref<32x512x64xf32, #tpu.memory_space<vmem>>, vector<1x512x64xf32>
    %get3A_43 = vector.shape_cast %get3A_42 : vector<1x512x64xf32> to vector<512x64xf32>
    %max3A_44 = arith.maximumf %max3A_38, %get3A_43 : vector<512x64xf32>
    %get3A_45 = arith.constant 8 : index
    %get3A_46 = arith.constant 0 : index
    %get3A_47 = arith.constant 0 : index
    %get3A_48 = vector.load %arg1[%get3A_45, %get3A_46, %get3A_47] : memref<32x512x64xf32, #tpu.memory_space<vmem>>, vector<1x512x64xf32>
    %get3A_49 = vector.shape_cast %get3A_48 : vector<1x512x64xf32> to vector<512x64xf32>
    %max3A_50 = arith.maximumf %max3A_44, %get3A_49 : vector<512x64xf32>
    %get3A_51 = arith.constant 9 : index
    %get3A_52 = arith.constant 0 : index
    %get3A_53 = arith.constant 0 : index
    %get3A_54 = vector.load %arg1[%get3A_51, %get3A_52, %get3A_53] : memref<32x512x64xf32, #tpu.memory_space<vmem>>, vector<1x512x64xf32>
    %get3A_55 = vector.shape_cast %get3A_54 : vector<1x512x64xf32> to vector<512x64xf32>
    %max3A_56 = arith.maximumf %max3A_50, %get3A_55 : vector<512x64xf32>
    %get3A_57 = arith.constant 10 : index
    %get3A_58 = arith.constant 0 : index
    %get3A_59 = arith.constant 0 : index
    %get3A_60 = vector.load %arg1[%get3A_57, %get3A_58, %get3A_59] : memref<32x512x64xf32, #tpu.memory_space<vmem>>, vector<1x512x64xf32>
    %get3A_61 = vector.shape_cast %get3A_60 : vector<1x512x64xf32> to vector<512x64xf32>
    %max3A_62 = arith.maximumf %max3A_56, %get3A_61 : vector<512x64xf32>
    %get3A_63 = arith.constant 11 : index
    %get3A_64 = arith.constant 0 : index
    %get3A_65 = arith.constant 0 : index
    %get3A_66 = vector.load %arg1[%get3A_63, %get3A_64, %get3A_65] : memref<32x512x64xf32, #tpu.memory_space<vmem>>, vector<1x512x64xf32>
    %get3A_67 = vector.shape_cast %get3A_66 : vector<1x512x64xf32> to vector<512x64xf32>
    %max3A_68 = arith.maximumf %max3A_62, %get3A_67 : vector<512x64xf32>
    %get3A_69 = arith.constant 12 : index
    %get3A_70 = arith.constant 0 : index
    %get3A_71 = arith.constant 0 : index
    %get3A_72 = vector.load %arg1[%get3A_69, %get3A_70, %get3A_71] : memref<32x512x64xf32, #tpu.memory_space<vmem>>, vector<1x512x64xf32>
    %get3A_73 = vector.shape_cast %get3A_72 : vector<1x512x64xf32> to vector<512x64xf32>
    %max3A_74 = arith.maximumf %max3A_68, %get3A_73 : vector<512x64xf32>
    %get3A_75 = arith.constant 13 : index
    %get3A_76 = arith.constant 0 : index
    %get3A_77 = arith.constant 0 : index
    %get3A_78 = vector.load %arg1[%get3A_75, %get3A_76, %get3A_77] : memref<32x512x64xf32, #tpu.memory_space<vmem>>, vector<1x512x64xf32>
    %get3A_79 = vector.shape_cast %get3A_78 : vector<1x512x64xf32> to vector<512x64xf32>
    %max3A_80 = arith.maximumf %max3A_74, %get3A_79 : vector<512x64xf32>
    %get3A_81 = arith.constant 14 : index
    %get3A_82 = arith.constant 0 : index
    %get3A_83 = arith.constant 0 : index
    %get3A_84 = vector.load %arg1[%get3A_81, %get3A_82, %get3A_83] : memref<32x512x64xf32, #tpu.memory_space<vmem>>, vector<1x512x64xf32>
    %get3A_85 = vector.shape_cast %get3A_84 : vector<1x512x64xf32> to vector<512x64xf32>
    %max3A_86 = arith.maximumf %max3A_80, %get3A_85 : vector<512x64xf32>
    %get3A_87 = arith.constant 15 : index
    %get3A_88 = arith.constant 0 : index
    %get3A_89 = arith.constant 0 : index
    %get3A_90 = vector.load %arg1[%get3A_87, %get3A_88, %get3A_89] : memref<32x512x64xf32, #tpu.memory_space<vmem>>, vector<1x512x64xf32>
    %get3A_91 = vector.shape_cast %get3A_90 : vector<1x512x64xf32> to vector<512x64xf32>
    %max3A_92 = arith.maximumf %max3A_86, %get3A_91 : vector<512x64xf32>
    %get3A_93 = arith.constant 16 : index
    %get3A_94 = arith.constant 0 : index
    %get3A_95 = arith.constant 0 : index
    %get3A_96 = vector.load %arg1[%get3A_93, %get3A_94, %get3A_95] : memref<32x512x64xf32, #tpu.memory_space<vmem>>, vector<1x512x64xf32>
    %get3A_97 = vector.shape_cast %get3A_96 : vector<1x512x64xf32> to vector<512x64xf32>
    %max3A_98 = arith.maximumf %max3A_92, %get3A_97 : vector<512x64xf32>
    %get3A_99 = arith.constant 17 : index
    %get3A_100 = arith.constant 0 : index
    %get3A_101 = arith.constant 0 : index
    %get3A_102 = vector.load %arg1[%get3A_99, %get3A_100, %get3A_101] : memref<32x512x64xf32, #tpu.memory_space<vmem>>, vector<1x512x64xf32>
    %get3A_103 = vector.shape_cast %get3A_102 : vector<1x512x64xf32> to vector<512x64xf32>
    %max3A_104 = arith.maximumf %max3A_98, %get3A_103 : vector<512x64xf32>
    %get3A_105 = arith.constant 18 : index
    %get3A_106 = arith.constant 0 : index
    %get3A_107 = arith.constant 0 : index
    %get3A_108 = vector.load %arg1[%get3A_105, %get3A_106, %get3A_107] : memref<32x512x64xf32, #tpu.memory_space<vmem>>, vector<1x512x64xf32>
    %get3A_109 = vector.shape_cast %get3A_108 : vector<1x512x64xf32> to vector<512x64xf32>
    %max3A_110 = arith.maximumf %max3A_104, %get3A_109 : vector<512x64xf32>
    %get3A_111 = arith.constant 19 : index
    %get3A_112 = arith.constant 0 : index
    %get3A_113 = arith.constant 0 : index
    %get3A_114 = vector.load %arg1[%get3A_111, %get3A_112, %get3A_113] : memref<32x512x64xf32, #tpu.memory_space<vmem>>, vector<1x512x64xf32>
    %get3A_115 = vector.shape_cast %get3A_114 : vector<1x512x64xf32> to vector<512x64xf32>
    %max3A_116 = arith.maximumf %max3A_110, %get3A_115 : vector<512x64xf32>
    %get3A_117 = arith.constant 20 : index
    %get3A_118 = arith.constant 0 : index
    %get3A_119 = arith.constant 0 : index
    %get3A_120 = vector.load %arg1[%get3A_117, %get3A_118, %get3A_119] : memref<32x512x64xf32, #tpu.memory_space<vmem>>, vector<1x512x64xf32>
    %get3A_121 = vector.shape_cast %get3A_120 : vector<1x512x64xf32> to vector<512x64xf32>
    %max3A_122 = arith.maximumf %max3A_116, %get3A_121 : vector<512x64xf32>
    %get3A_123 = arith.constant 21 : index
    %get3A_124 = arith.constant 0 : index
    %get3A_125 = arith.constant 0 : index
    %get3A_126 = vector.load %arg1[%get3A_123, %get3A_124, %get3A_125] : memref<32x512x64xf32, #tpu.memory_space<vmem>>, vector<1x512x64xf32>
    %get3A_127 = vector.shape_cast %get3A_126 : vector<1x512x64xf32> to vector<512x64xf32>
    %max3A_128 = arith.maximumf %max3A_122, %get3A_127 : vector<512x64xf32>
    %get3A_129 = arith.constant 22 : index
    %get3A_130 = arith.constant 0 : index
    %get3A_131 = arith.constant 0 : index
    %get3A_132 = vector.load %arg1[%get3A_129, %get3A_130, %get3A_131] : memref<32x512x64xf32, #tpu.memory_space<vmem>>, vector<1x512x64xf32>
    %get3A_133 = vector.shape_cast %get3A_132 : vector<1x512x64xf32> to vector<512x64xf32>
    %max3A_134 = arith.maximumf %max3A_128, %get3A_133 : vector<512x64xf32>
    %get3A_135 = arith.constant 23 : index
    %get3A_136 = arith.constant 0 : index
    %get3A_137 = arith.constant 0 : index
    %get3A_138 = vector.load %arg1[%get3A_135, %get3A_136, %get3A_137] : memref<32x512x64xf32, #tpu.memory_space<vmem>>, vector<1x512x64xf32>
    %get3A_139 = vector.shape_cast %get3A_138 : vector<1x512x64xf32> to vector<512x64xf32>
    %max3A_140 = arith.maximumf %max3A_134, %get3A_139 : vector<512x64xf32>
    %get3A_141 = arith.constant 24 : index
    %get3A_142 = arith.constant 0 : index
    %get3A_143 = arith.constant 0 : index
    %get3A_144 = vector.load %arg1[%get3A_141, %get3A_142, %get3A_143] : memref<32x512x64xf32, #tpu.memory_space<vmem>>, vector<1x512x64xf32>
    %get3A_145 = vector.shape_cast %get3A_144 : vector<1x512x64xf32> to vector<512x64xf32>
    %max3A_146 = arith.maximumf %max3A_140, %get3A_145 : vector<512x64xf32>
    %get3A_147 = arith.constant 25 : index
    %get3A_148 = arith.constant 0 : index
    %get3A_149 = arith.constant 0 : index
    %get3A_150 = vector.load %arg1[%get3A_147, %get3A_148, %get3A_149] : memref<32x512x64xf32, #tpu.memory_space<vmem>>, vector<1x512x64xf32>
    %get3A_151 = vector.shape_cast %get3A_150 : vector<1x512x64xf32> to vector<512x64xf32>
    %max3A_152 = arith.maximumf %max3A_146, %get3A_151 : vector<512x64xf32>
    %get3A_153 = arith.constant 26 : index
    %get3A_154 = arith.constant 0 : index
    %get3A_155 = arith.constant 0 : index
    %get3A_156 = vector.load %arg1[%get3A_153, %get3A_154, %get3A_155] : memref<32x512x64xf32, #tpu.memory_space<vmem>>, vector<1x512x64xf32>
    %get3A_157 = vector.shape_cast %get3A_156 : vector<1x512x64xf32> to vector<512x64xf32>
    %max3A_158 = arith.maximumf %max3A_152, %get3A_157 : vector<512x64xf32>
    %get3A_159 = arith.constant 27 : index
    %get3A_160 = arith.constant 0 : index
    %get3A_161 = arith.constant 0 : index
    %get3A_162 = vector.load %arg1[%get3A_159, %get3A_160, %get3A_161] : memref<32x512x64xf32, #tpu.memory_space<vmem>>, vector<1x512x64xf32>
    %get3A_163 = vector.shape_cast %get3A_162 : vector<1x512x64xf32> to vector<512x64xf32>
    %max3A_164 = arith.maximumf %max3A_158, %get3A_163 : vector<512x64xf32>
    %get3A_165 = arith.constant 28 : index
    %get3A_166 = arith.constant 0 : index
    %get3A_167 = arith.constant 0 : index
    %get3A_168 = vector.load %arg1[%get3A_165, %get3A_166, %get3A_167] : memref<32x512x64xf32, #tpu.memory_space<vmem>>, vector<1x512x64xf32>
    %get3A_169 = vector.shape_cast %get3A_168 : vector<1x512x64xf32> to vector<512x64xf32>
    %max3A_170 = arith.maximumf %max3A_164, %get3A_169 : vector<512x64xf32>
    %get3A_171 = arith.constant 29 : index
    %get3A_172 = arith.constant 0 : index
    %get3A_173 = arith.constant 0 : index
    %get3A_174 = vector.load %arg1[%get3A_171, %get3A_172, %get3A_173] : memref<32x512x64xf32, #tpu.memory_space<vmem>>, vector<1x512x64xf32>
    %get3A_175 = vector.shape_cast %get3A_174 : vector<1x512x64xf32> to vector<512x64xf32>
    %max3A_176 = arith.maximumf %max3A_170, %get3A_175 : vector<512x64xf32>
    %get3A_177 = arith.constant 30 : index
    %get3A_178 = arith.constant 0 : index
    %get3A_179 = arith.constant 0 : index
    %get3A_180 = vector.load %arg1[%get3A_177, %get3A_178, %get3A_179] : memref<32x512x64xf32, #tpu.memory_space<vmem>>, vector<1x512x64xf32>
    %get3A_181 = vector.shape_cast %get3A_180 : vector<1x512x64xf32> to vector<512x64xf32>
    %max3A_182 = arith.maximumf %max3A_176, %get3A_181 : vector<512x64xf32>
    %get3A_183 = arith.constant 31 : index
    %get3A_184 = arith.constant 0 : index
    %get3A_185 = arith.constant 0 : index
    %get3A_186 = vector.load %arg1[%get3A_183, %get3A_184, %get3A_185] : memref<32x512x64xf32, #tpu.memory_space<vmem>>, vector<1x512x64xf32>
    %get3A_187 = vector.shape_cast %get3A_186 : vector<1x512x64xf32> to vector<512x64xf32>
    %max3A_188 = arith.maximumf %max3A_182, %get3A_187 : vector<512x64xf32>
    %is_finite3A = tpu.weird %max3A_188 : vector<512x64xf32> -> vector<512x64xi1>
    %is_finite3A_189 = arith.constant dense<true> : vector<512x64xi1>
    %is_finite3A_190 = arith.xori %is_finite3A, %is_finite3A_189 : vector<512x64xi1>
    %jit3A = arith.constant 0.000000e+00 : f32
    %broadcast_in_dim3A = vector.broadcast %jit3A : f32 to vector<512x64xf32>
    %select_n3A = arith.select %is_finite3A_190, %max3A_188, %broadcast_in_dim3A : vector<512x64xi1>, vector<512x64xf32>
    %get3A_191 = arith.constant 0 : index
    %get3A_192 = arith.constant 0 : index
    %get3A_193 = vector.load %arg2[%get3A_191, %get3A_192] : memref<512x64xf32, #tpu.memory_space<vmem>>, vector<512x64xf32>
    %get3A_194 = arith.constant 0 : index
    %get3A_195 = arith.constant 0 : index
    %get3A_196 = vector.load %arg3[%get3A_194, %get3A_195] : memref<64x16xf32, #tpu.memory_space<vmem>>, vector<64x16xf32>
    %get3A_197 = arith.constant 0 : index
    %get3A_198 = arith.constant 0 : index
    %get3A_199 = vector.load %arg4[%get3A_197, %get3A_198] : memref<16x64xf32, #tpu.memory_space<vmem>>, vector<16x64xf32>
    %dot_general3A = arith.constant dense<0.000000e+00> : vector<512x16xf32>
    %dot_general3A_200 = tpu.matmul %select_n3A, %get3A_196, %dot_general3A {dimension_numbers = #tpu.dot_dimension_numbers<[1], [0], [0], [1], [0, 0, 1, 1], [], []>, transpose_lhs_hint = false} : vector<512x64xf32>, vector<64x16xf32>, vector<512x16xf32> -> vector<512x16xf32>
    %max3A_201 = arith.constant 0.000000e+00 : f32
    %max3A_202 = vector.broadcast %max3A_201 : f32 to vector<512x16xf32>
    %max3A_203 = arith.maximumf %dot_general3A_200, %max3A_202 : vector<512x16xf32>
    %dot_general3A_204 = arith.constant dense<0.000000e+00> : vector<512x64xf32>
    %dot_general3A_205 = tpu.matmul %max3A_203, %get3A_199, %dot_general3A_204 {dimension_numbers = #tpu.dot_dimension_numbers<[1], [0], [0], [1], [0, 0, 1, 1], [], []>, transpose_lhs_hint = false} : vector<512x16xf32>, vector<16x64xf32>, vector<512x64xf32> -> vector<512x64xf32>
    %dot_general3A_206 = arith.constant dense<0.000000e+00> : vector<512x16xf32>
    %dot_general3A_207 = tpu.matmul %get3A_193, %get3A_196, %dot_general3A_206 {dimension_numbers = #tpu.dot_dimension_numbers<[1], [0], [0], [1], [0, 0, 1, 1], [], []>, transpose_lhs_hint = false} : vector<512x64xf32>, vector<64x16xf32>, vector<512x16xf32> -> vector<512x16xf32>
    %max3A_208 = arith.constant 0.000000e+00 : f32
    %max3A_209 = vector.broadcast %max3A_208 : f32 to vector<512x16xf32>
    %max3A_210 = arith.maximumf %dot_general3A_207, %max3A_209 : vector<512x16xf32>
    %dot_general3A_211 = arith.constant dense<0.000000e+00> : vector<512x64xf32>
    %dot_general3A_212 = tpu.matmul %max3A_210, %get3A_199, %dot_general3A_211 {dimension_numbers = #tpu.dot_dimension_numbers<[1], [0], [0], [1], [0, 0, 1, 1], [], []>, transpose_lhs_hint = false} : vector<512x16xf32>, vector<16x64xf32>, vector<512x64xf32> -> vector<512x64xf32>
    %add3A = arith.addf %dot_general3A_205, %dot_general3A_212 : vector<512x64xf32>
    %logistic3A = arith.negf %add3A : vector<512x64xf32>
    %logistic3A_213 = math.exp %logistic3A : vector<512x64xf32>
    %logistic3A_214 = arith.constant 1.000000e+00 : f32
    %logistic3A_215 = vector.broadcast %logistic3A_214 : f32 to vector<512x64xf32>
    %logistic3A_216 = arith.addf %logistic3A_215, %logistic3A_213 : vector<512x64xf32>
    %logistic3A_217 = arith.divf %logistic3A_215, %logistic3A_216 : vector<512x64xf32>
    %swap3A = arith.constant 0 : index
    %swap3A_218 = arith.constant 0 : index
    %swap3A_219 = vector.load %arg5[%swap3A, %swap3A_218] : memref<512x64xf32, #tpu.memory_space<vmem>>, vector<512x64xf32>
    tpu.vector_store %arg5[%swap3A, %swap3A_218], %logistic3A_217 {strides = array<i32>} : memref<512x64xf32, #tpu.memory_space<vmem>>, vector<512x64xf32>,
    return
  }
  func.func @transform_0(%arg0: i32) -> (i32, i32, i32) {
    %c0_i32 = arith.constant 0 : i32
    %c0_i32_0 = arith.constant 0 : i32
    %c0_i32_1 = arith.constant 0 : i32
    %c0_i32_2 = arith.constant 0 : i32
    return %c0_i32, %c0_i32_0, %c0_i32_1 : i32, i32, i32
  }
  func.func @transform_1(%arg0: i32) -> (i32, i32) {
    %c0_i32 = arith.constant 0 : i32
    %c0_i32_0 = arith.constant 0 : i32
    %c0_i32_1 = arith.constant 0 : i32
    return %c0_i32, %c0_i32_0 : i32, i32
  }
  func.func @transform_2(%arg0: i32) -> (i32, i32) {
    %c0_i32 = arith.constant 0 : i32
    %c0_i32_0 = arith.constant 0 : i32
    %c0_i32_1 = arith.constant 0 : i32
    return %c0_i32, %c0_i32_0 : i32, i32
  }
  func.func @transform_3(%arg0: i32) -> (i32, i32) {
    %c0_i32 = arith.constant 0 : i32
    %c0_i32_0 = arith.constant 0 : i32
    %c0_i32_1 = arith.constant 0 : i32
    return %c0_i32, %c0_i32_0 : i32, i32
  }
  func.func @transform_4(%arg0: i32) -> (i32, i32) {
    %c0_i32 = arith.constant 0 : i32
    %c0_i32_0 = arith.constant 0 : i32
    %c0_i32_1 = arith.constant 0 : i32
    return %c0_i32, %c0_i32_0 : i32, i32
  }
}

module attributes {stable_mosaic.version = 14 : i64} {
  func.func @_apply_k(%arg0: i32, %arg1: memref<1x1000x1xi32, #tpu.memory_space<vmem>>, %arg2: memref<1000x64xf32, #tpu.memory_space<vmem>>, %arg3: memref<512x64xf32, #tpu.memory_space<vmem>>, %arg4: memref<1000x64xf32, #tpu.memory_space<vmem>>) attributes {dimension_semantics = [#tpu.dimension_semantics<parallel>], iteration_bounds = array<i64: 10>, scalar_prefetch = 0 : i64, scratch_operands = 0 : i64, tpu.core_type = #tpu.core_type<tc>, window_params = [{transform_indices = @transform_0, window_bounds = array<i64: 1, 1000, 1>}, {transform_indices = @transform_1, window_bounds = array<i64: 1000, 64>}, {pipeline_mode = #tpu.pipeline_mode<synchronous>, transform_indices = @transform_2, window_bounds = array<i64: 512, 64>}, {transform_indices = @transform_3, window_bounds = array<i64: 1000, 64>}]} {
    %iota3A = tpu.iota {dimensions = array<i32: 1>} : vector<1000x512xi32>
    %get3A = arith.constant 0 : index
    %get3A_0 = arith.constant 0 : index
    %get3A_1 = arith.constant 0 : index
    %get3A_2 = vector.load %arg1[%get3A, %get3A_0, %get3A_1] : memref<1x1000x1xi32, #tpu.memory_space<vmem>>, vector<1x1000x1xi32>
    %get3A_3 = vector.shape_cast %get3A_2 : vector<1x1000x1xi32> to vector<1000x1xi32>
    %eq3A = vector.broadcast %get3A_3 : vector<1000x1xi32> to vector<1000x512xi32>
    %eq3A_4 = arith.cmpi eq, %iota3A, %eq3A : vector<1000x512xi32>
    %jit3A = arith.constant 1.000000e+00 : f32
    %jit3A_5 = arith.constant 0.000000e+00 : f32
    %broadcast_in_dim3A = vector.broadcast %jit3A : f32 to vector<1000x512xf32>
    %broadcast_in_dim3A_6 = vector.broadcast %jit3A_5 : f32 to vector<1000x512xf32>
    %select_n3A = arith.select %eq3A_4, %broadcast_in_dim3A, %broadcast_in_dim3A_6 : vector<1000x512xi1>, vector<1000x512xf32>
    %get3A_7 = arith.constant 0 : index
    %get3A_8 = arith.constant 0 : index
    %get3A_9 = vector.load %arg2[%get3A_7, %get3A_8] : memref<1000x64xf32, #tpu.memory_space<vmem>>, vector<1000x64xf32>
    %get3A_10 = arith.constant 0 : index
    %get3A_11 = arith.constant 0 : index
    %get3A_12 = vector.load %arg3[%get3A_10, %get3A_11] : memref<512x64xf32, #tpu.memory_space<vmem>>, vector<512x64xf32>
    %dot_general3A = arith.constant dense<0.000000e+00> : vector<1000x64xf32>
    %dot_general3A_13 = tpu.matmul %select_n3A, %get3A_12, %dot_general3A {dimension_numbers = #tpu.dot_dimension_numbers<[1], [0], [0], [1], [0, 0, 1, 1], [], []>, precision = #tpu.contract_precision<fp32>, transpose_lhs_hint = false} : vector<1000x512xf32>, vector<512x64xf32>, vector<1000x64xf32> -> vector<1000x64xf32>
    %mul3A = arith.mulf %get3A_9, %dot_general3A_13 : vector<1000x64xf32>
    %swap3A = arith.constant 0 : index
    %swap3A_14 = arith.constant 0 : index
    %swap3A_15 = vector.load %arg4[%swap3A, %swap3A_14] : memref<1000x64xf32, #tpu.memory_space<vmem>>, vector<1000x64xf32>
    tpu.vector_store %arg4[%swap3A, %swap3A_14], %mul3A {strides = array<i32>} : memref<1000x64xf32, #tpu.memory_space<vmem>>, vector<1000x64xf32>,
    return
  }
  func.func @transform_0(%arg0: i32) -> (i32, i32, i32) {
    %c0_i32 = arith.constant 0 : i32
    %c0_i32_0 = arith.constant 0 : i32
    %c0_i32_1 = arith.constant 0 : i32
    return %arg0, %c0_i32, %c0_i32_0 : i32, i32, i32
  }
  func.func @transform_1(%arg0: i32) -> (i32, i32) {
    %c0_i32 = arith.constant 0 : i32
    %c0_i32_0 = arith.constant 0 : i32
    return %arg0, %c0_i32 : i32, i32
  }
  func.func @transform_2(%arg0: i32) -> (i32, i32) {
    %c0_i32 = arith.constant 0 : i32
    %c0_i32_0 = arith.constant 0 : i32
    %c0_i32_1 = arith.constant 0 : i32
    return %c0_i32, %c0_i32_0 : i32, i32
  }
  func.func @transform_3(%arg0: i32) -> (i32, i32) {
    %c0_i32 = arith.constant 0 : i32
    %c0_i32_0 = arith.constant 0 : i32
    return %arg0, %c0_i32 : i32, i32
  }
}

module attributes {stable_mosaic.version = 14 : i64} {
  func.func @_out_k(%arg0: i32, %arg1: memref<512x64xf32, #tpu.memory_space<vmem>>, %arg2: memref<64x1xf32, #tpu.memory_space<vmem>>, %arg3: memref<1x1xf32, #tpu.memory_space<vmem>>, %arg4: memref<512x1xf32, #tpu.memory_space<vmem>>) attributes {dimension_semantics = [#tpu.dimension_semantics<parallel>], iteration_bounds = array<i64: 1>, scalar_prefetch = 0 : i64, scratch_operands = 0 : i64, tpu.core_type = #tpu.core_type<tc>, window_params = [{pipeline_mode = #tpu.pipeline_mode<synchronous>, transform_indices = @transform_0, window_bounds = array<i64: 512, 64>}, {pipeline_mode = #tpu.pipeline_mode<synchronous>, transform_indices = @transform_1, window_bounds = array<i64: 64, 1>}, {pipeline_mode = #tpu.pipeline_mode<synchronous>, transform_indices = @transform_2, window_bounds = array<i64: 1, 1>}, {pipeline_mode = #tpu.pipeline_mode<synchronous>, transform_indices = @transform_3, window_bounds = array<i64: 512, 1>}]} {
    %get3A = arith.constant 0 : index
    %get3A_0 = arith.constant 0 : index
    %get3A_1 = vector.load %arg1[%get3A, %get3A_0] : memref<512x64xf32, #tpu.memory_space<vmem>>, vector<512x64xf32>
    %max3A = arith.constant 0.000000e+00 : f32
    %max3A_2 = vector.broadcast %max3A : f32 to vector<512x64xf32>
    %max3A_3 = arith.maximumf %get3A_1, %max3A_2 : vector<512x64xf32>
    %get3A_4 = arith.constant 0 : index
    %get3A_5 = arith.constant 0 : index
    %get3A_6 = vector.load %arg2[%get3A_4, %get3A_5] : memref<64x1xf32, #tpu.memory_space<vmem>>, vector<64x1xf32>
    %dot_general3A = arith.constant dense<0.000000e+00> : vector<512x1xf32>
    %dot_general3A_7 = tpu.matmul %max3A_3, %get3A_6, %dot_general3A {dimension_numbers = #tpu.dot_dimension_numbers<[1], [0], [0], [1], [0, 0, 1, 1], [], []>, transpose_lhs_hint = false} : vector<512x64xf32>, vector<64x1xf32>, vector<512x1xf32> -> vector<512x1xf32>
    %get3A_8 = arith.constant 0 : index
    %get3A_9 = arith.constant 0 : index
    %get3A_10 = vector.load %arg3[%get3A_8, %get3A_9] : memref<1x1xf32, #tpu.memory_space<vmem>>, vector<1x1xf32>
    %add3A = vector.broadcast %get3A_10 : vector<1x1xf32> to vector<512x1xf32>
    %add3A_11 = arith.addf %dot_general3A_7, %add3A : vector<512x1xf32>
    %swap3A = arith.constant 0 : index
    %swap3A_12 = arith.constant 0 : index
    %swap3A_13 = vector.load %arg4[%swap3A, %swap3A_12] : memref<512x1xf32, #tpu.memory_space<vmem>>, vector<512x1xf32>
    tpu.vector_store %arg4[%swap3A, %swap3A_12], %add3A_11 {strides = array<i32>} : memref<512x1xf32, #tpu.memory_space<vmem>>, vector<512x1xf32>,
    return
  }
  func.func @transform_0(%arg0: i32) -> (i32, i32) {
    %c0_i32 = arith.constant 0 : i32
    %c0_i32_0 = arith.constant 0 : i32
    %c0_i32_1 = arith.constant 0 : i32
    return %c0_i32, %c0_i32_0 : i32, i32
  }
  func.func @transform_1(%arg0: i32) -> (i32, i32) {
    %c0_i32 = arith.constant 0 : i32
    %c0_i32_0 = arith.constant 0 : i32
    %c0_i32_1 = arith.constant 0 : i32
    return %c0_i32, %c0_i32_0 : i32, i32
  }
  func.func @transform_2(%arg0: i32) -> (i32, i32) {
    %c0_i32 = arith.constant 0 : i32
    %c0_i32_0 = arith.constant 0 : i32
    %c0_i32_1 = arith.constant 0 : i32
    return %c0_i32, %c0_i32_0 : i32, i32
  }
  func.func @transform_3(%arg0: i32) -> (i32, i32) {
    %c0_i32 = arith.constant 0 : i32
    %c0_i32_0 = arith.constant 0 : i32
    %c0_i32_1 = arith.constant 0 : i32
    return %c0_i32, %c0_i32_0 : i32, i32
  }
}

</mosaic_0001>

<sc_bundles>
// kernel: gather_offload_async_start.1
scs
__scs_entry_jumppad:
0x0: {  	(pc) =	sbr.rel $0x88, $3  }
0x1: {  	(tag) =	ssettag $0x0;
	lr =	simm.s32 $0x1  }
0x2: {  	[smem:$0x3F84] =	sst lr;
	_ =	strace $0xD0000000  }
0x3: {  	_ = 	snop  }
0x4: {  	_ = 	snop  }
0x5: {  	_ = 	snop  }
0x6: {  	_ = 	snop  }
0x7: {  	_ = 	snop  }
__scs_overlays_trampoline_lowered:
0x8: {  	[smem:$0x3F93] =	sst s0  }
0x9: {  	[smem:$0x3F94] =	sst s1  }
0xa: {  	[smem:$0x3F95] =	sst s2  }
0xb: {  	[smem:$0x3F96] =	sst s3  }
0xc: {  	[smem:$0x3F97] =	sst s4  }
0xd: {  	[smem:$0x3F98] =	sst s5  }
0xe: {  	[smem:$0x3F99] =	sst s6  }
0xf: {  	[smem:$0x3F9A] =	sst s7  }
0x10: {  	[smem:$0x3F9B] =	sst s8  }
0x11: {  	[smem:$0x3F9C] =	sst s9;
	s0 =	simm.s32 @!p0 $0x0  }
0x12: {  	s1 =	sld [smem:$0x3F82];
	s0 =	simm.s32 @p0 $0x1  }
0x13: {  	[smem:$0x3F9D] =	sst s0;
	s0 =	simm.s32 @!p1 $0x0  }
0x14: {  	s2 =	sld [smem:$0x3F81];
	s0 =	simm.s32 @p1 $0x1  }
0x15: {  	[smem:$0x3F9E] =	sst s0;
	s0 =	simm.s32 @!p2 $0x0  }
0x16: {  	s3 =	sld [smem:$0x3FDB];
	s0 =	simm.s32 @p2 $0x1  }
0x17: {  	s4 =	simm.s32 $0x1BF5;
	[smem:$0x3FA0] =	sst s0  }
0x18: {  	s0 =	sld [smem:$0x3F83];
	_ =	swait.ge [sflag:s4], $0x0  }
0x19: {  	s7 =	sld [smem:$0x3F84]  }
0x1a: {  	s8 =	sadd.s32 $0xFFFFE003, lr  }
0x1b: {  	s9 =	sadd.s32 $0xFFFFFEF7, lr;
	s5 =	simm.s32 $0xFFFFFFFF;
	p2 =	slt.u32 s8, $0xFFFFF086  }
0x1c: {  	p1 =	slt.u32 s9, $0xF7A;
	s5 =	simm.s32 @!p2 $0x0  }
0x1d: {  	s5 =	simm.s32 @p1 $0x1;
	p0 =	seq.s32 s7, s2  }
0x1e: {  	s7 =	smul.u32 @!p0 $0xF7A, s2;
	p2 =	seq.s32 @!p0 s5, $0x0  }
0x1f: {  	s9 =	smul.u32 $0xF7A, s1;
	s8 =	simm.s32 @!p0 $0x1BF5;
	p2 =	por !p2, p0  }
0x20: {  	[sflag:s8] =	ssyncset.s32 @!p0 $0xFFFFF086;
	s6 =	sadd.s32 @!p0 s3, s7;
	s7 =	simm.s32 @!p0 $0x108  }
0x21: {  	s3 =	sadd.s32 s3, s9;
	s6 =	sadd.s32 @!p0 $0x88, s6;
	s7 =	simm.s32 @p2 $0x1082  }
0x22: {  	[simem:s7], [sflag:s8] =	dma.local @!p0 [hbm:s6], $0xF7A  }
0x23: {  	s9 =	sor.u32 $0xD0000000, s2;
	s6 =	simm.s32 $0x108;
	_ =	swait.ge @!p0 [sflag:s8], $0x0  }
0x24: {  	s3 =	sadd.s32 $0x88, s3;
	s6 =	simm.s32 @!p1 $0x1082;
	[sflag:s4] =	ssyncset.s32 $0xFFFFF086  }
0x25: {  	[simem:s6], [sflag:s4] =	dma.local [hbm:s3], $0xF7A  }
0x26: {  	[smem:$0x3F84] =	sst s1;
	(tag) =	ssettag s2;
	_ =	strace s9  }
0x27: {  	s1 =	sld [smem:$0x3F94]  }
0x28: {  	s2 =	sld [smem:$0x3F95]  }
0x29: {  	s4 =	sld [smem:$0x3F97]  }
0x2a: {  	p0 =	seq.s32 s5, $0x0;
	s5 =	sld [smem:$0x3F98]  }
0x2b: {  	s6 =	sld [smem:$0x3F99]  }
0x2c: {  	s7 =	sld [smem:$0x3F9A]  }
0x2d: {  	s3 =	simm.s32 $0x108;
	s8 =	sld [smem:$0x3F9B]  }
0x2e: {  	s3 =	simm.s32 @!p0 $0x1082;
	s9 =	sld [smem:$0x3F9C]  }
0x2f: {  	lr =	sadd.s32 s0, s3;
	s0 =	sld [smem:$0x3F93]  }
0x30: {  	s3 =	sld [smem:$0x3F96]  }
0x31: {  	[smem:$0x3F9F] =	sst s10  }
0x32: {  	s10 =	sld [smem:$0x3F9D];
	_ =	sdelay $0x3  }
0x33: {  	p0 =	seq.s32 s10, $0x1;
	s10 =	sld [smem:$0x3F9F];
	_ =	sdelay $0x3  }
0x34: {  	[smem:$0x3F9F] =	sst s10  }
0x35: {  	s10 =	sld [smem:$0x3F9E];
	_ =	sdelay $0x3  }
0x36: {  	p1 =	seq.s32 s10, $0x1;
	s10 =	sld [smem:$0x3F9F];
	_ =	sdelay $0x3  }
0x37: {  	[smem:$0x3F9F] =	sst s10  }
0x38: {  	s10 =	sld [smem:$0x3FA0]  }
0x39: {  	_ = 	snop;
	(pc) =	sbr.ind lr, $3  }
0x3a: {  	_ = 	snop  }
0x3b: {  	_ = 	snop  }
0x3c: {  	p2 =	seq.s32 s10, $0x1;
	s10 =	sld [smem:$0x3F9F]  }
0x3d: {  	_ =	shalt  }
0x3e: {  	_ =	shalt  }
0x3f: {  	_ =	shalt  }
0x40: {  	_ =	shalt  }
0x41: {  	_ =	shalt  }
0x42: {  	_ =	shalt  }
0x43: {  	_ =	shalt  }
0x44: {  	_ =	shalt  }
0x45: {  	_ =	shalt  }
0x46: {  	_ =	shalt  }
0x47: {  	_ =	shalt  }
0x48: {  	_ =	shalt  }
0x49: {  	_ =	shalt  }
0x4a: {  	_ =	shalt  }
0x4b: {  	_ =	shalt  }
0x4c: {  	_ =	shalt  }
0x4d: {  	_ =	shalt  }
0x4e: {  	_ =	shalt  }
0x4f: {  	_ =	shalt  }
0x50: {  	_ =	shalt  }
0x51: {  	_ =	shalt  }
0x52: {  	_ =	shalt  }
0x53: {  	_ =	shalt  }
0x54: {  	_ =	shalt  }
0x55: {  	_ =	shalt  }
0x56: {  	_ =	shalt  }
0x57: {  	_ =	shalt  }
0x58: {  	_ =	shalt  }
0x59: {  	_ =	shalt  }
0x5a: {  	_ =	shalt  }
0x5b: {  	_ =	shalt  }
0x5c: {  	_ =	shalt  }
0x5d: {  	_ =	shalt  }
0x5e: {  	_ =	shalt  }
0x5f: {  	_ =	shalt  }
0x60: {  	_ =	shalt  }
0x61: {  	_ =	shalt  }
0x62: {  	_ =	shalt  }
0x63: {  	_ =	shalt  }
0x64: {  	_ =	shalt  }
0x65: {  	_ =	shalt  }
0x66: {  	_ =	shalt  }
0x67: {  	_ =	shalt  }
0x68: {  	_ =	shalt  }
0x69: {  	_ =	shalt  }
0x6a: {  	_ =	shalt  }
0x6b: {  	_ =	shalt  }
0x6c: {  	_ =	shalt  }
0x6d: {  	_ =	shalt  }
0x6e: {  	_ =	shalt  }
0x6f: {  	_ =	shalt  }
0x70: {  	_ =	shalt  }
0x71: {  	_ =	shalt  }
0x72: {  	_ =	shalt  }
0x73: {  	_ =	shalt  }
0x74: {  	_ =	shalt  }
0x75: {  	_ =	shalt  }
0x76: {  	_ =	shalt  }
0x77: {  	_ =	shalt  }
0x78: {  	_ =	shalt  }
0x79: {  	_ =	shalt  }
0x7a: {  	_ =	shalt  }
0x7b: {  	_ =	shalt  }
0x7c: {  	_ =	shalt  }
0x7d: {  	_ =	shalt  }
0x7e: {  	_ =	shalt  }
0x7f: {  	_ =	shalt  }
0x80: {  	_ =	shalt  }
0x81: {  	_ =	shalt  }
0x82: {  	_ =	shalt  }
0x83: {  	_ =	shalt  }
0x84: {  	_ =	shalt  }
0x85: {  	_ =	shalt  }
0x86: {  	_ =	shalt  }
0x87: {  	_ =	shalt  }
.Lfunc_end0:
.L_simem_size_0:
called_computation.1_lowered:
.L_overlay_start_0:
0x88: {  	s2 =	sld [smem:$0x3FD9]  }
0x89: {  	s3 =	sld [smem:$0x3FFE];
	_ =	sdelay $0x1  }
0x8a: {  	s1 =	srdreg.scid  }
0x8b: {  	s0 =	sand.u32 $0x1, s1  }
0x8c: {  	s16 =	sshll.u32 s0, $0xA;
	s2 =	sadd.s32 s3, s2  }
0x8d: {  	s2 =	sadd.s32 s2, s16  }
0x8e: {  	[smem:$0x3FAB] =	sst s2  }
0x8f: {  	_ = 	snop  }
0x90: {  	(tm) =	ssettm $0x1  }
0x91: {  	s17 =	sld [smem:$0x3FFB];
	_ =	sdelay $0x3  }
0x92: {  	_ =	strace s17  }
0x93: {  	s2 =	sld [smem:$0x3FFC];
	_ =	sdelay $0x3  }
0x94: {  	_ =	strace s2  }
0x95: {  	s2 =	sld [smem:$0x3FFD];
	_ =	sdelay $0x3  }
0x96: {  	_ =	strace s2  }
0x97: {  	_ =	strace $0x8FFFFFFF  }
0x98: {  	s18 =	sld [smem:$0x3FDB];
	_ =	sdelay $0x1  }
0x99: {  	s19 =	simm.s32 $_scs_section_size  }
0x9a: {  	s4 =	simm.s32 $_size__tile_overlayer_lowered;
	s5 =	simm.s32 $_tile_overlayer_lowered  }
0x9b: {  	s22 =	simm.s32 $0x1BFF;
	s21 =	sshll.u32 s5, $0x1;
	s2 =	sadd.s32 s19, s18  }
0x9c: {  	s6 =	simm.s32 $0x0;
	s20 =	sshll.u32 s4, $0x1;
	s4 =	sadd.s32 s21, s2  }
0x9d: {  	[timem:s6], [sflag:s22] =	dma.local [hbm:s4], s20  }
0x9e: {  	_ =	swait.ge [sflag:s22], s20  }
0x9f: {  	s3 =	ssub.s32 $0x0, s20;
	[sflag:s22] =	ssyncset.done $0x0  }
0xa0: {  	[sflag:s22] =	ssyncadd.s32 s3;
	_ =	sdelay $0x1  }
0xa1: {  	s23 =	simm.s32 $0x1B8B  }
0xa2: {  	_ =	swait.ge [sflag:s23], $0x1  }
0xa3: {  	[sflag:s23] =	ssyncset.done $0x0  }
0xa4: {  	s25 =	simm.s32 $0x1B8E;
	s24 =	sld [smem:$0x3FFE];
	[sflag:s23] =	ssyncadd.s32 $0xFFFFFFFF  }
0xa5: {  	s26 =	simm.s32 $execute0_lowered;
	[smem:$0x3FD2] =	sst s25  }
0xa6: {  	s4 =	sshll.u32 s26, $0x1;
	_ =	strace $0x80000046;
	[dreg:$0x1] =	wrdreg $0xFFFFFFFF  }
0xa7: {  	s28 =	simm.s32 $_size_execute0_lowered;
	s2 =	sadd.s32 s2, s4;
	[dreg:$0x0] =	wrdreg $0x0  }
0xa8: {  	s4 =	sshll.u32 s28, $0x1;
	[dreg:$0x2] =	wrdreg s2  }
0xa9: {  	[dreg:$0x3] =	wrdreg s4  }
0xaa: {  	[dreg:$0x4] =	wrdreg $0xC0  }
0xab: {  	_ =	task [dreg:s6], $0x5FFFF  }
0xac: {  	[dreg:$0x1] =	wrdreg $0xFFFFFFFF  }
0xad: {  	[dreg:$0x0] =	wrdreg $0x60  }
0xae: {  	[dreg:$0x2] =	wrdreg s24  }
0xaf: {  	[dreg:$0x3] =	wrdreg $0xB  }
0xb0: {  	_ =	task.clear_ibuf [dreg:s6], $0x4FFFF;
	_ =	strace $0x90000046  }
0xb1: {  	s29 =	simm.s32 $0xB;
	_ =	strace $0x80000048  }
0xb2: {  	_ =	swait.ge [sflag:s29], $0x1  }
0xb3: {  	[sflag:s29] =	ssyncadd.s32 $0xFFFFFFFF  }
0xb4: {  	_ =	strace $0x90000048  }
0xb5: {  	_ =	sfence  }
0xb6: {  	s30 =	sld [smem:$0x0];
	_ =	sdelay $0x2  }
0xb7: {  	s31 =	sshll.u32 s1, $0xD;
	s1 =	sshrl.u32 s1, $0x2  }
0xb8: {  	s3 =	sand.u32 $0x4000, s31;
	s1 =	sadd.s32 s1, s30  }
0xb9: {  	s0 =	sor.u32 s3, s0;
	s1 =	sshll.u32 s1, $0x11  }
0xba: {  	s0 =	sor.u32 s1, s0  }
0xbb: {  	s0 =	sadd.s32 $0x8F2B, s0  }
0xbc: {  	[sflag:s0] =	ssyncadd.remote.s32 $0x1  }
0xbd: {  	_ =	sfence.sel $0xFFFF  }
0xbe: {  	[dreg:$0x0] =	wrdreg $0xFFFFFFFF;
	(pc) =	sbr.abs _section_cstart, $3  }
0xbf: {  	[dreg:$0x1] =	wrdreg $0xFFFFFFFF  }
0xc0: {  	_ =	task.clear_ibuf [dreg:s6], $0x2FFFF;
	_ =	strace $0x9FFFFFFF  }
0xc1: {  	(tm) =	ssettm $0x7FFFFFFF  }
tec
execute0_lowered:
.L_overlay_start_1:
0x0: {  	(tag) =	ssettag $0x1  }
0x1: {  	s8 =	rddreg [dreg:$0x0]  }
0x2: {  	s0 =	rddreg [dreg:$0x1];
	_ =	strace $0x80000047;
	s1 =	stileid.u32  }
0x3: {  	s3 =	srdreg.scid;
	s4 =	simm.s32 $0x1;
	s7 =	simm.s32 $0x1  }
0x4: {  	s9 =	simm.s32 $0x1;
	s10 =	simm.s32 $0x3;
	s13 =	simm.s32 $0x0  }
0x5: {  	s12 =	simm.s32 $0x0;
	s5 =	sand.u32 $0x1, s3;
	s6 =	sshll.u32 s1, $0x1  }
0x6: {  	s2 =	sadd.s32 $0x16200, s8;
	s3 =	sadd.s32 $0x29E00, s8;
	s5 =	sor.u32 s6, s5  }
.Ltmp0:
0x7: {  	[sflag:s4] =	ssyncpa.u1 $0x0;
	p0 =	slt.u32 s5, $0x9;
	(pc) =	sbr.rel .LBB2_1-.Ltmp0, $4  }
0x8: {  	s6 =	simm.s32 $0x2;
	s7 =	simm.s32 @!p0 $0x0;
	p0 =	sne.s32 s5, $0x8  }
0x9: {  	[sflag:s6] =	ssyncpa.u1 $0x0;
	s5 =	smul.u32 $0x1F40, s5;
	s9 =	simm.s32 @!p0 $0x0  }
0xa: {  	s8 =	sadd.s32 $0x3DC00, s8;
	[sflag:s10] =	ssyncpa.u1 $0x0;
	s7 =	sadd.s32 s9, s7  }
0xb: {  	vm0 =	vmmov $0xffff;
	s10 =	simm.s32 $0x0;
	s11 =	smov.u32 s5;
	s9 =	sadd.s32 $0x1, s7  }
.LBB2_4:
0xc: {  	v2 =	vnsel vm1, $0x0, v2  }
0xd: {  	vm1 =	vgt.s32 v0, $0x0;
	v2 =	vmin.u32 v2, $0x4E1FF  }
0xe: {  	v0 =	vnsel vm1, $0x0, v0  }
0xf: {  	v0 =	vmin.u32 v0, $0x4E1FF  }
0x10: {  	[tilespmem:s18], [sflag:$0x1] =	stream.indirect_vreg.gather [hbm4b:s2+s10], $0x1, v1, vm0, $0x4038;
	[tilespmem:$0x7D00] =	vst v63  }
0x11: {  	(ifvalue) =	ssetifvalue $0x7FFFFFFF  }
0x12: {  	[tilespmem:s15], [sflag:$0x1] =	stream.indirect_vreg.gather [hbm4b:s2+s10], $0x1, v2, vm0, $0x4038;
	[tilespmem:$0x7D00] =	vst v63  }
0x13: {  	s29 =	sadd.s32 $0x10, s15;
	(ifvalue) =	ssetifvalue $0x7FFFFFFF  }
0x14: {  	[tilespmem:s29], [sflag:$0x1] =	stream.indirect_vreg.gather [hbm4b:s2+s10], $0x1, v0, vm0, $0x4038;
	[tilespmem:$0x7D00] =	vst v63  }
0x15: {  	_ =	swait.ge [sflag:s4], $0x1F40  }
0x16: {  	s30 =	sshrl.u32 s13, $0x3;
	[sflag:s4] =	ssyncset.done $0x0  }
0x17: {  	s31 =	sand.u32 $0x7, s13;
	s15 =	sadd.s32 s8, s30;
	[sflag:s4] =	ssyncadd.s32 $0xFFFFE0C0  }
0x18: {  	[hbm4b:s15+s31] =	stream.linear.scatter [tilespmem:s14], [sflag:$0x3], $0x1F40, $0x38;
	[tilespmem:$0x7D00] =	vst v63  }
.LBB2_5:
0x19: {  	s15 =	sadd.s32 $0x3E800, s11  }
0x1a: {  	p1 =	sgt.s32 s15, $0x4E1FF  }
0x1b: {  	s15 =	smov.u32 @p1 s5;
	p1 =	sne.s32 s12, s9  }
.Ltmp1:
0x1c: {  	p0 =	slt.u32 s12, $0x2;
	(pc) =	sbr.rel @!p1 .LBB2_6-.Ltmp1, $4  }
0x1d: {  	s14 =	simm.s32 @!p0 $0x3  }
0x1e: {  	_ =	swait.ge @!p0 [sflag:s14], $0x1F40  }
0x1f: {  	s16 =	sadd.s32 $0x1, s12;
	s13 =	smov.u32 s11;
	[sflag:s14] =	ssyncset.done @!p0 $0x0  }
0x20: {  	s12 =	smov.u32 s16;
	s11 =	smov.u32 s15;
	[sflag:s14] =	ssyncadd.s32 @!p0 $0xFFFFE0C0  }
.LBB2_1:
0x21: {  	p0 =	sge.u32 s12, s7  }
0x22: {  	s14 =	sxor.u32 @!p0 $0x1, s12  }
0x23: {  	s14 =	smul.u32 @!p0 $0x7D00, s14  }
0x24: {  	s31 =	sadd.s32 $0xFFFFFFFF, s12;
	s15 =	sshrl.u32 @!p0 s11, $0x3  }
0x25: {  	s16 =	sand.u32 @!p0 $0x7, s11;
	s15 =	sadd.s32 @!p0 s3, s15;
	s14 =	sshra.s32 @!p0 s14, $0x2  }
0x26: {  	[tilespmem:s14], [sflag:$0x2] =	stream.linear.gather @!p0 [hbm4b:s15+s16], $0x1F40, $0x38;
	[tilespmem:$0x7D00] =	vst v63  }
0x27: {  	p0 =	sge.u32 s31, s7  }
.Ltmp2:
0x28: {  	_ = 	snop;
	(pc) =	sbr.rel @p0 .LBB2_5-.Ltmp2, $1  }
0x29: {  	_ =	sdelay $0x3  }
0x2a: {  	s14 =	sand.u32 $0x1, s12  }
0x2b: {  	_ =	swait.ge [sflag:s6], $0x1F40;
	p0 =	seq.s32 s14, $0x1;
	s14 =	simm.s32 $0x1F40  }
0x2c: {  	[sflag:s6] =	ssyncset.done $0x0;
	s14 =	simm.s32 @!p0 $0x0  }
0x2d: {  	[sflag:s6] =	ssyncadd.s32 $0xFFFFE0C0;
	(ifvalue) =	ssetifvalue $0x7FFFFFFF;
	v0 =	vld.msk [tilespmem:s14+$0x0 ss:$0x1], $0xffff;
	_ =	sdelay $0x4  }
0x2e: {  	s15 =	sadd.s32 $0x10, s14;
	vm1 =	vgt.s32 v0, $0x0  }
0x2f: {  	v2 =	vld.msk [tilespmem:s15+$0x0 ss:$0x1], $0xffff;
	v1 =	vnsel vm1, $0x0, v0  }
0x30: {  	v1 =	vmin.u32 v1, $0x4E1FF;
	_ =	sdelay $0x2  }
0x31: {  	s17 =	simm.s32 $0x20;
	s14 =	sadd.s32 $0x3E80, s14;
	s16 =	sadd.s32 $0x10, s15  }
0x32: {  	s15 =	sadd.s32 $0x10, s14;
	s18 =	smov.u32 s14;
	v0 =	vld.msk [tilespmem:s16+$0x0 ss:$0x1], $0xffff;
	vm1 =	vgt.s32 v2, $0x0;
	(ifvalue) =	ssetifvalue $0x7FFFFFFF  }
.LBB2_3:
0x33: {  	[tilespmem:s18], [sflag:$0x1] =	stream.indirect_vreg.gather [hbm4b:s2+s10], $0x1, v1, vm0, $0x4038;
	[tilespmem:$0x7D00] =	vst v63  }
0x34: {  	s17 =	sadd.s32 $0x10, s17  }
0x35: {  	v2 =	vnsel vm1, $0x0, v2;
	p0 =	slt.u32 s17, $0x1F30  }
.Ltmp3:
0x36: {  	s18 =	smov.u32 s15;
	v1 =	vmin.u32 v2, $0x4E1FF;
	(pc) =	sbr.rel @p0 .LBB2_3-.Ltmp3, $3  }
0x37: {  	_ =	sdelay $0x1  }
0x38: {  	s16 =	sadd.s32 $0x10, s16  }
0x39: {  	vm1 =	vgt.s32 v0, $0x0;
	s15 =	sadd.s32 $0x10, s15;
	v2 =	vmov v0;
	(ifvalue) =	ssetifvalue $0x7FFFFFFF;
	v0 =	vld.msk [tilespmem:s16+$0x0 ss:$0x1], $0xffff  }
.Ltmp4:
0x3a: {  	_ = 	snop;
	(pc) =	sbr.rel .LBB2_4-.Ltmp4, $1  }
0x3b: {  	_ =	sdelay $0x3  }
.LBB2_6:
0x3c: {  	_ =	sfence.sel $0x180000  }
0x3d: {  	s2 =	simm.s32 $0x2;
	[bflag:$0x0] =	sbarrier.arrive $0xFFFF  }
0x3e: {  	s30 =	simm.s32 $0x3;
	[sflag:s2] =	ssyncpa.u1 $0x1  }
0x3f: {  	s31 =	simm.s32 $0x1;
	[sflag:s30] =	ssyncpa.u1 $0x1  }
0x40: {  	[sflag:s31] =	ssyncpa.u1 $0x1  }
0x41: {  	p0 =	sne.s32 s1, $0x0;
	_ =	strace $0x90000047  }
0x42: {  	s0 =	sadd.s32 @!p0 $0x100000, s0;
	[bflag:$0x2] =	sbarrier.arrive $0xFFFF  }
0x43: {  	[sflag:s0] =	ssyncadd.tile.s32 @!p0 $0x1;
	_ =	shalt  }
.Lfunc_end2:
_tile_overlayer_lowered:
.L_overlay_start_2:
0x44: {  	(tag) =	ssettag $0x2  }
0x45: {  	s0 =	rddreg [dreg:$0x0];
	s2 =	stileid.u32  }
0x46: {  	s1 =	rddreg [dreg:$0x1];
	p0 =	sne.s32 s2, $0x0  }
0x47: {  	s3 =	rddreg [dreg:$0x2];
	[bflag:$0x3] =	sbarrier.arrive $0xFFFF;
	s2 =	simm.s32 @!p0 $0x1C01  }
0x48: {  	[timem:s3], [sflag:s2] =	dma.local @!p0 [hbm:s0], s1  }
0x49: {  	s0 =	simm.s32 @!p0 $0x1  }
0x4a: {  	_ =	swait.ge @!p0 [sflag:s0], s1  }
0x4b: {  	s1 =	ssub.s32 @!p0 $0x0, s1;
	[sflag:s0] =	ssyncset.done @!p0 $0x0  }
0x4c: {  	[sflag:s0] =	ssyncadd.s32 @!p0 s1  }
0x4d: {  	[bflag:$0x3] =	sbarrier.arrive $0xFFFF  }
0x4e: {  	_ =	shalt  }

// kernel: gather_offload_async_start
scs
__scs_entry_jumppad:
0x0: {  	(pc) =	sbr.rel $0x88, $3  }
0x1: {  	(tag) =	ssettag $0x0;
	lr =	simm.s32 $0x1  }
0x2: {  	[smem:$0x3F84] =	sst lr;
	_ =	strace $0xD0000000  }
0x3: {  	_ = 	snop  }
0x4: {  	_ = 	snop  }
0x5: {  	_ = 	snop  }
0x6: {  	_ = 	snop  }
0x7: {  	_ = 	snop  }
__scs_overlays_trampoline_lowered:
0x8: {  	[smem:$0x3F93] =	sst s0  }
0x9: {  	[smem:$0x3F94] =	sst s1  }
0xa: {  	[smem:$0x3F95] =	sst s2  }
0xb: {  	[smem:$0x3F96] =	sst s3  }
0xc: {  	[smem:$0x3F97] =	sst s4  }
0xd: {  	[smem:$0x3F98] =	sst s5  }
0xe: {  	[smem:$0x3F99] =	sst s6  }
0xf: {  	[smem:$0x3F9A] =	sst s7  }
0x10: {  	[smem:$0x3F9B] =	sst s8  }
0x11: {  	[smem:$0x3F9C] =	sst s9;
	s0 =	simm.s32 @!p0 $0x0  }
0x12: {  	s1 =	sld [smem:$0x3F82];
	s0 =	simm.s32 @p0 $0x1  }
0x13: {  	[smem:$0x3F9D] =	sst s0;
	s0 =	simm.s32 @!p1 $0x0  }
0x14: {  	s2 =	sld [smem:$0x3F81];
	s0 =	simm.s32 @p1 $0x1  }
0x15: {  	[smem:$0x3F9E] =	sst s0;
	s0 =	simm.s32 @!p2 $0x0  }
0x16: {  	s3 =	sld [smem:$0x3FDB];
	s0 =	simm.s32 @p2 $0x1  }
0x17: {  	s4 =	simm.s32 $0x1BF5;
	[smem:$0x3FA0] =	sst s0  }
0x18: {  	s0 =	sld [smem:$0x3F83];
	_ =	swait.ge [sflag:s4], $0x0  }
0x19: {  	s7 =	sld [smem:$0x3F84]  }
0x1a: {  	s8 =	sadd.s32 $0xFFFFE003, lr  }
0x1b: {  	s9 =	sadd.s32 $0xFFFFFEF7, lr;
	s5 =	simm.s32 $0xFFFFFFFF;
	p2 =	slt.u32 s8, $0xFFFFF086  }
0x1c: {  	p1 =	slt.u32 s9, $0xF7A;
	s5 =	simm.s32 @!p2 $0x0  }
0x1d: {  	s5 =	simm.s32 @p1 $0x1;
	p0 =	seq.s32 s7, s2  }
0x1e: {  	s7 =	smul.u32 @!p0 $0xF7A, s2;
	p2 =	seq.s32 @!p0 s5, $0x0  }
0x1f: {  	s9 =	smul.u32 $0xF7A, s1;
	s8 =	simm.s32 @!p0 $0x1BF5;
	p2 =	por !p2, p0  }
0x20: {  	[sflag:s8] =	ssyncset.s32 @!p0 $0xFFFFF086;
	s6 =	sadd.s32 @!p0 s3, s7;
	s7 =	simm.s32 @!p0 $0x108  }
0x21: {  	s3 =	sadd.s32 s3, s9;
	s6 =	sadd.s32 @!p0 $0x88, s6;
	s7 =	simm.s32 @p2 $0x1082  }
0x22: {  	[simem:s7], [sflag:s8] =	dma.local @!p0 [hbm:s6], $0xF7A  }
0x23: {  	s9 =	sor.u32 $0xD0000000, s2;
	s6 =	simm.s32 $0x108;
	_ =	swait.ge @!p0 [sflag:s8], $0x0  }
0x24: {  	s3 =	sadd.s32 $0x88, s3;
	s6 =	simm.s32 @!p1 $0x1082;
	[sflag:s4] =	ssyncset.s32 $0xFFFFF086  }
0x25: {  	[simem:s6], [sflag:s4] =	dma.local [hbm:s3], $0xF7A  }
0x26: {  	[smem:$0x3F84] =	sst s1;
	(tag) =	ssettag s2;
	_ =	strace s9  }
0x27: {  	s1 =	sld [smem:$0x3F94]  }
0x28: {  	s2 =	sld [smem:$0x3F95]  }
0x29: {  	s4 =	sld [smem:$0x3F97]  }
0x2a: {  	p0 =	seq.s32 s5, $0x0;
	s5 =	sld [smem:$0x3F98]  }
0x2b: {  	s6 =	sld [smem:$0x3F99]  }
0x2c: {  	s7 =	sld [smem:$0x3F9A]  }
0x2d: {  	s3 =	simm.s32 $0x108;
	s8 =	sld [smem:$0x3F9B]  }
0x2e: {  	s3 =	simm.s32 @!p0 $0x1082;
	s9 =	sld [smem:$0x3F9C]  }
0x2f: {  	lr =	sadd.s32 s0, s3;
	s0 =	sld [smem:$0x3F93]  }
0x30: {  	s3 =	sld [smem:$0x3F96]  }
0x31: {  	[smem:$0x3F9F] =	sst s10  }
0x32: {  	s10 =	sld [smem:$0x3F9D];
	_ =	sdelay $0x3  }
0x33: {  	p0 =	seq.s32 s10, $0x1;
	s10 =	sld [smem:$0x3F9F];
	_ =	sdelay $0x3  }
0x34: {  	[smem:$0x3F9F] =	sst s10  }
0x35: {  	s10 =	sld [smem:$0x3F9E];
	_ =	sdelay $0x3  }
0x36: {  	p1 =	seq.s32 s10, $0x1;
	s10 =	sld [smem:$0x3F9F];
	_ =	sdelay $0x3  }
0x37: {  	[smem:$0x3F9F] =	sst s10  }
0x38: {  	s10 =	sld [smem:$0x3FA0]  }
0x39: {  	_ = 	snop;
	(pc) =	sbr.ind lr, $3  }
0x3a: {  	_ = 	snop  }
0x3b: {  	_ = 	snop  }
0x3c: {  	p2 =	seq.s32 s10, $0x1;
	s10 =	sld [smem:$0x3F9F]  }
0x3d: {  	_ =	shalt  }
0x3e: {  	_ =	shalt  }
0x3f: {  	_ =	shalt  }
0x40: {  	_ =	shalt  }
0x41: {  	_ =	shalt  }
0x42: {  	_ =	shalt  }
0x43: {  	_ =	shalt  }
0x44: {  	_ =	shalt  }
0x45: {  	_ =	shalt  }
0x46: {  	_ =	shalt  }
0x47: {  	_ =	shalt  }
0x48: {  	_ =	shalt  }
0x49: {  	_ =	shalt  }
0x4a: {  	_ =	shalt  }
0x4b: {  	_ =	shalt  }
0x4c: {  	_ =	shalt  }
0x4d: {  	_ =	shalt  }
0x4e: {  	_ =	shalt  }
0x4f: {  	_ =	shalt  }
0x50: {  	_ =	shalt  }
0x51: {  	_ =	shalt  }
0x52: {  	_ =	shalt  }
0x53: {  	_ =	shalt  }
0x54: {  	_ =	shalt  }
0x55: {  	_ =	shalt  }
0x56: {  	_ =	shalt  }
0x57: {  	_ =	shalt  }
0x58: {  	_ =	shalt  }
0x59: {  	_ =	shalt  }
0x5a: {  	_ =	shalt  }
0x5b: {  	_ =	shalt  }
0x5c: {  	_ =	shalt  }
0x5d: {  	_ =	shalt  }
0x5e: {  	_ =	shalt  }
0x5f: {  	_ =	shalt  }
0x60: {  	_ =	shalt  }
0x61: {  	_ =	shalt  }
0x62: {  	_ =	shalt  }
0x63: {  	_ =	shalt  }
0x64: {  	_ =	shalt  }
0x65: {  	_ =	shalt  }
0x66: {  	_ =	shalt  }
0x67: {  	_ =	shalt  }
0x68: {  	_ =	shalt  }
0x69: {  	_ =	shalt  }
0x6a: {  	_ =	shalt  }
0x6b: {  	_ =	shalt  }
0x6c: {  	_ =	shalt  }
0x6d: {  	_ =	shalt  }
0x6e: {  	_ =	shalt  }
0x6f: {  	_ =	shalt  }
0x70: {  	_ =	shalt  }
0x71: {  	_ =	shalt  }
0x72: {  	_ =	shalt  }
0x73: {  	_ =	shalt  }
0x74: {  	_ =	shalt  }
0x75: {  	_ =	shalt  }
0x76: {  	_ =	shalt  }
0x77: {  	_ =	shalt  }
0x78: {  	_ =	shalt  }
0x79: {  	_ =	shalt  }
0x7a: {  	_ =	shalt  }
0x7b: {  	_ =	shalt  }
0x7c: {  	_ =	shalt  }
0x7d: {  	_ =	shalt  }
0x7e: {  	_ =	shalt  }
0x7f: {  	_ =	shalt  }
0x80: {  	_ =	shalt  }
0x81: {  	_ =	shalt  }
0x82: {  	_ =	shalt  }
0x83: {  	_ =	shalt  }
0x84: {  	_ =	shalt  }
0x85: {  	_ =	shalt  }
0x86: {  	_ =	shalt  }
0x87: {  	_ =	shalt  }
.Lfunc_end0:
.L_simem_size_0:
called_computation_lowered:
.L_overlay_start_0:
0x88: {  	s2 =	sld [smem:$0x3FD9]  }
0x89: {  	s3 =	sld [smem:$0x3FFE];
	_ =	sdelay $0x1  }
0x8a: {  	s1 =	srdreg.scid  }
0x8b: {  	s0 =	sand.u32 $0x1, s1  }
0x8c: {  	s17 =	sshll.u32 s0, $0xA;
	s2 =	sadd.s32 s3, s2  }
0x8d: {  	s2 =	sadd.s32 s2, s17  }
0x8e: {  	[smem:$0x3FAB] =	sst s2  }
0x8f: {  	_ = 	snop  }
0x90: {  	(tm) =	ssettm $0x1  }
0x91: {  	s18 =	sld [smem:$0x3FFB];
	_ =	sdelay $0x3  }
0x92: {  	_ =	strace s18  }
0x93: {  	s2 =	sld [smem:$0x3FFC];
	_ =	sdelay $0x3  }
0x94: {  	_ =	strace s2  }
0x95: {  	s2 =	sld [smem:$0x3FFD];
	_ =	sdelay $0x3  }
0x96: {  	_ =	strace s2  }
0x97: {  	_ =	strace $0x8FFFFFFF  }
0x98: {  	s19 =	sld [smem:$0x3FDB];
	_ =	sdelay $0x1  }
0x99: {  	s20 =	simm.s32 $_scs_section_size  }
0x9a: {  	s4 =	simm.s32 $_size__tile_overlayer_lowered;
	s5 =	simm.s32 $_tile_overlayer_lowered  }
0x9b: {  	s6 =	simm.s32 $0x1BFF;
	s21 =	sshll.u32 s5, $0x1;
	s3 =	sadd.s32 s20, s19  }
0x9c: {  	s22 =	simm.s32 $0x0;
	s4 =	sshll.u32 s4, $0x1;
	s5 =	sadd.s32 s21, s3  }
0x9d: {  	[timem:s22], [sflag:s6] =	dma.local [hbm:s5], s4  }
0x9e: {  	_ =	swait.ge [sflag:s6], s4  }
0x9f: {  	s4 =	ssub.s32 $0x0, s4;
	[sflag:s6] =	ssyncset.done $0x0  }
0xa0: {  	[sflag:s6] =	ssyncadd.s32 s4;
	_ =	sdelay $0x1  }
0xa1: {  	s23 =	simm.s32 $0x1B8B  }
0xa2: {  	_ =	swait.ge [sflag:s23], $0x1  }
0xa3: {  	[sflag:s23] =	ssyncset.done $0x0  }
0xa4: {  	[sflag:s23] =	ssyncadd.s32 $0xFFFFFFFF  }
0xa5: {  	s4 =	sld [smem:$0x0]  }
0xa6: {  	s5 =	sand.u32 $0xFFFFFFFE, s1  }
0xa7: {  	p0 =	sne.s32 s1, s5  }
0xa8: {  	s5 =	sshll.u32 @p0 s5, $0xE  }
0xa9: {  	s5 =	sadd.s32 @p0 $0x11B8D, s5;
	s6 =	sshll.u32 @p0 s4, $0x11  }
0xaa: {  	s5 =	sor.u32 @p0 s6, s5  }
0xab: {  	[sflag:s5] =	ssyncadd.remote.s32 @p0 $0x1;
	_ =	sdelay $0x1  }
0xac: {  	s5 =	simm.s32 @p0 $0x1B8D  }
0xad: {  	_ =	swait.eq @p0 [sflag:s5], $0x1  }
0xae: {  	[sflag:s5] =	ssyncadd.s32 @p0 $0xFFFFFFFF  }
0xaf: {  	s6 =	sshll.u32 @!p0 s1, $0xE  }
0xb0: {  	s6 =	sor.u32 @!p0 $0x4000, s6;
	s5 =	simm.s32 @!p0 $0x1B8D  }
0xb1: {  	s4 =	sshll.u32 @!p0 s4, $0x11;
	s6 =	sadd.s32 @!p0 $0x11B8D, s6;
	_ =	swait.eq @!p0 [sflag:s5], $0x1  }
0xb2: {  	s4 =	sor.u32 @!p0 s4, s6;
	[sflag:s5] =	ssyncadd.s32 @!p0 $0xFFFFFFFF  }
0xb3: {  	s25 =	simm.s32 $0x1B8E;
	s24 =	sld [smem:$0x3FFE];
	[sflag:s4] =	ssyncadd.remote.s32 @!p0 $0x1  }
0xb4: {  	s26 =	simm.s32 $execute0_lowered;
	[smem:$0x3FD2] =	sst s25  }
0xb5: {  	s5 =	sshll.u32 s26, $0x1;
	_ =	strace $0x80000049;
	[dreg:$0x1] =	wrdreg $0xFFFFFFFF  }
0xb6: {  	s28 =	simm.s32 $_size_execute0_lowered;
	s3 =	sadd.s32 s3, s5;
	[dreg:$0x0] =	wrdreg $0x0  }
0xb7: {  	s5 =	sshll.u32 s28, $0x1;
	[dreg:$0x2] =	wrdreg s3  }
0xb8: {  	[dreg:$0x3] =	wrdreg s5  }
0xb9: {  	[dreg:$0x4] =	wrdreg $0xC0  }
0xba: {  	_ =	task [dreg:s22], $0x5FFFF  }
0xbb: {  	[dreg:$0x1] =	wrdreg $0xFFFFFFFF  }
0xbc: {  	[dreg:$0x0] =	wrdreg $0x60  }
0xbd: {  	[dreg:$0x2] =	wrdreg s24  }
0xbe: {  	[dreg:$0x3] =	wrdreg $0xA  }
0xbf: {  	_ =	task.clear_ibuf [dreg:s22], $0x4FFFF;
	_ =	strace $0x90000049  }
0xc0: {  	s29 =	simm.s32 $0xA;
	_ =	strace $0x8000004B  }
0xc1: {  	_ =	swait.ge [sflag:s29], $0x1  }
0xc2: {  	[sflag:s29] =	ssyncadd.s32 $0xFFFFFFFF  }
0xc3: {  	_ =	strace $0x9000004B  }
0xc4: {  	_ =	sfence  }
0xc5: {  	s30 =	sld [smem:$0x0];
	_ =	sdelay $0x2  }
0xc6: {  	s31 =	sshll.u32 s1, $0xD;
	s1 =	sshrl.u32 s1, $0x2  }
0xc7: {  	s4 =	sand.u32 $0x4000, s31;
	s1 =	sadd.s32 s1, s30  }
0xc8: {  	s0 =	sor.u32 s4, s0;
	s1 =	sshll.u32 s1, $0x11  }
0xc9: {  	s0 =	sor.u32 s1, s0  }
0xca: {  	s0 =	sadd.s32 $0x8F2B, s0  }
0xcb: {  	[sflag:s0] =	ssyncadd.remote.s32 $0x1  }
0xcc: {  	_ =	sfence.sel $0xFFFF  }
0xcd: {  	[dreg:$0x0] =	wrdreg $0xFFFFFFFF;
	(pc) =	sbr.abs _section_cstart, $3  }
0xce: {  	[dreg:$0x1] =	wrdreg $0xFFFFFFFF  }
0xcf: {  	_ =	task.clear_ibuf [dreg:s22], $0x2FFFF;
	_ =	strace $0x9FFFFFFF  }
0xd0: {  	(tm) =	ssettm $0x7FFFFFFF  }
0xd1: {  	_ =	shalt  }
tec
execute0_lowered:
.L_overlay_start_1:
0x0: {  	(tag) =	ssettag $0x1  }
0x1: {  	s8 =	rddreg [dreg:$0x0]  }
0x2: {  	s0 =	rddreg [dreg:$0x1];
	_ =	strace $0x8000004A;
	s1 =	stileid.u32  }
0x3: {  	s3 =	srdreg.scid;
	s4 =	simm.s32 $0x1;
	s7 =	simm.s32 $0x1  }
0x4: {  	s9 =	simm.s32 $0x1;
	s10 =	simm.s32 $0x3;
	s13 =	simm.s32 $0x0  }
0x5: {  	s12 =	simm.s32 $0x0;
	s5 =	sand.u32 $0x1, s3;
	s6 =	sshll.u32 s1, $0x1  }
0x6: {  	s2 =	sadd.s32 $0xC400, s8;
	s3 =	sadd.s32 $0x29E00, s8;
	s5 =	sor.u32 s6, s5  }
.Ltmp0:
0x7: {  	[sflag:s4] =	ssyncpa.u1 $0x0;
	p0 =	slt.u32 s5, $0x9;
	(pc) =	sbr.rel .LBB2_1-.Ltmp0, $4  }
0x8: {  	s6 =	simm.s32 $0x2;
	s7 =	simm.s32 @!p0 $0x0;
	p0 =	sne.s32 s5, $0x8  }
0x9: {  	[sflag:s6] =	ssyncpa.u1 $0x0;
	s5 =	smul.u32 $0x1F40, s5;
	s9 =	simm.s32 @!p0 $0x0  }
0xa: {  	s8 =	sadd.s32 $0x47A00, s8;
	[sflag:s10] =	ssyncpa.u1 $0x0;
	s7 =	sadd.s32 s9, s7  }
0xb: {  	vm0 =	vmmov $0xffff;
	s10 =	simm.s32 $0x0;
	s11 =	smov.u32 s5;
	s9 =	sadd.s32 $0x1, s7  }
.LBB2_4:
0xc: {  	v2 =	vnsel vm1, $0x0, v2  }
0xd: {  	vm1 =	vgt.s32 v0, $0x0;
	v2 =	vmin.u32 v2, $0x4E1FF  }
0xe: {  	v0 =	vnsel vm1, $0x0, v0  }
0xf: {  	v0 =	vmin.u32 v0, $0x4E1FF  }
0x10: {  	[tilespmem:s18], [sflag:$0x1] =	stream.indirect_vreg.gather [hbm4b:s2+s10], $0x1, v1, vm0, $0x4038;
	[tilespmem:$0x7D00] =	vst v63  }
0x11: {  	(ifvalue) =	ssetifvalue $0x7FFFFFFF  }
0x12: {  	[tilespmem:s15], [sflag:$0x1] =	stream.indirect_vreg.gather [hbm4b:s2+s10], $0x1, v2, vm0, $0x4038;
	[tilespmem:$0x7D00] =	vst v63  }
0x13: {  	s29 =	sadd.s32 $0x10, s15;
	(ifvalue) =	ssetifvalue $0x7FFFFFFF  }
0x14: {  	[tilespmem:s29], [sflag:$0x1] =	stream.indirect_vreg.gather [hbm4b:s2+s10], $0x1, v0, vm0, $0x4038;
	[tilespmem:$0x7D00] =	vst v63  }
0x15: {  	_ =	swait.ge [sflag:s4], $0x1F40  }
0x16: {  	s30 =	sshrl.u32 s13, $0x3;
	[sflag:s4] =	ssyncset.done $0x0  }
0x17: {  	s31 =	sand.u32 $0x7, s13;
	s15 =	sadd.s32 s8, s30;
	[sflag:s4] =	ssyncadd.s32 $0xFFFFE0C0  }
0x18: {  	[hbm4b:s15+s31] =	stream.linear.scatter [tilespmem:s14], [sflag:$0x3], $0x1F40, $0x38;
	[tilespmem:$0x7D00] =	vst v63  }
.LBB2_5:
0x19: {  	s15 =	sadd.s32 $0x3E800, s11  }
0x1a: {  	p1 =	sgt.s32 s15, $0x4E1FF  }
0x1b: {  	s15 =	smov.u32 @p1 s5;
	p1 =	sne.s32 s12, s9  }
.Ltmp1:
0x1c: {  	p0 =	slt.u32 s12, $0x2;
	(pc) =	sbr.rel @!p1 .LBB2_6-.Ltmp1, $4  }
0x1d: {  	s14 =	simm.s32 @!p0 $0x3  }
0x1e: {  	_ =	swait.ge @!p0 [sflag:s14], $0x1F40  }
0x1f: {  	s16 =	sadd.s32 $0x1, s12;
	s13 =	smov.u32 s11;
	[sflag:s14] =	ssyncset.done @!p0 $0x0  }
0x20: {  	s12 =	smov.u32 s16;
	s11 =	smov.u32 s15;
	[sflag:s14] =	ssyncadd.s32 @!p0 $0xFFFFE0C0  }
.LBB2_1:
0x21: {  	p0 =	sge.u32 s12, s7  }
0x22: {  	s14 =	sxor.u32 @!p0 $0x1, s12  }
0x23: {  	s14 =	smul.u32 @!p0 $0x7D00, s14  }
0x24: {  	s31 =	sadd.s32 $0xFFFFFFFF, s12;
	s15 =	sshrl.u32 @!p0 s11, $0x3  }
0x25: {  	s16 =	sand.u32 @!p0 $0x7, s11;
	s15 =	sadd.s32 @!p0 s3, s15;
	s14 =	sshra.s32 @!p0 s14, $0x2  }
0x26: {  	[tilespmem:s14], [sflag:$0x2] =	stream.linear.gather @!p0 [hbm4b:s15+s16], $0x1F40, $0x38;
	[tilespmem:$0x7D00] =	vst v63  }
0x27: {  	p0 =	sge.u32 s31, s7  }
.Ltmp2:
0x28: {  	_ = 	snop;
	(pc) =	sbr.rel @p0 .LBB2_5-.Ltmp2, $1  }
0x29: {  	_ =	sdelay $0x3  }
0x2a: {  	s14 =	sand.u32 $0x1, s12  }
0x2b: {  	_ =	swait.ge [sflag:s6], $0x1F40;
	p0 =	seq.s32 s14, $0x1;
	s14 =	simm.s32 $0x1F40  }
0x2c: {  	[sflag:s6] =	ssyncset.done $0x0;
	s14 =	simm.s32 @!p0 $0x0  }
0x2d: {  	[sflag:s6] =	ssyncadd.s32 $0xFFFFE0C0;
	(ifvalue) =	ssetifvalue $0x7FFFFFFF;
	v0 =	vld.msk [tilespmem:s14+$0x0 ss:$0x1], $0xffff;
	_ =	sdelay $0x4  }
0x2e: {  	s15 =	sadd.s32 $0x10, s14;
	vm1 =	vgt.s32 v0, $0x0  }
0x2f: {  	v2 =	vld.msk [tilespmem:s15+$0x0 ss:$0x1], $0xffff;
	v1 =	vnsel vm1, $0x0, v0  }
0x30: {  	v1 =	vmin.u32 v1, $0x4E1FF;
	_ =	sdelay $0x2  }
0x31: {  	s17 =	simm.s32 $0x20;
	s14 =	sadd.s32 $0x3E80, s14;
	s16 =	sadd.s32 $0x10, s15  }
0x32: {  	s15 =	sadd.s32 $0x10, s14;
	s18 =	smov.u32 s14;
	v0 =	vld.msk [tilespmem:s16+$0x0 ss:$0x1], $0xffff;
	vm1 =	vgt.s32 v2, $0x0;
	(ifvalue) =	ssetifvalue $0x7FFFFFFF  }
.LBB2_3:
0x33: {  	[tilespmem:s18], [sflag:$0x1] =	stream.indirect_vreg.gather [hbm4b:s2+s10], $0x1, v1, vm0, $0x4038;
	[tilespmem:$0x7D00] =	vst v63  }
0x34: {  	s17 =	sadd.s32 $0x10, s17  }
0x35: {  	v2 =	vnsel vm1, $0x0, v2;
	p0 =	slt.u32 s17, $0x1F30  }
.Ltmp3:
0x36: {  	s18 =	smov.u32 s15;
	v1 =	vmin.u32 v2, $0x4E1FF;
	(pc) =	sbr.rel @p0 .LBB2_3-.Ltmp3, $3  }
0x37: {  	_ =	sdelay $0x1  }
0x38: {  	s16 =	sadd.s32 $0x10, s16  }
0x39: {  	vm1 =	vgt.s32 v0, $0x0;
	s15 =	sadd.s32 $0x10, s15;
	v2 =	vmov v0;
	(ifvalue) =	ssetifvalue $0x7FFFFFFF;
	v0 =	vld.msk [tilespmem:s16+$0x0 ss:$0x1], $0xffff  }
.Ltmp4:
0x3a: {  	_ = 	snop;
	(pc) =	sbr.rel .LBB2_4-.Ltmp4, $1  }
0x3b: {  	_ =	sdelay $0x3  }
.LBB2_6:
0x3c: {  	_ =	sfence.sel $0x180000  }
0x3d: {  	s2 =	simm.s32 $0x2;
	[bflag:$0x0] =	sbarrier.arrive $0xFFFF  }
0x3e: {  	s30 =	simm.s32 $0x3;
	[sflag:s2] =	ssyncpa.u1 $0x1  }
0x3f: {  	s31 =	simm.s32 $0x1;
	[sflag:s30] =	ssyncpa.u1 $0x1  }
0x40: {  	[sflag:s31] =	ssyncpa.u1 $0x1  }
0x41: {  	p0 =	sne.s32 s1, $0x0;
	_ =	strace $0x9000004A  }
0x42: {  	s0 =	sadd.s32 @!p0 $0x100000, s0;
	[bflag:$0x2] =	sbarrier.arrive $0xFFFF  }
0x43: {  	[sflag:s0] =	ssyncadd.tile.s32 @!p0 $0x1;
	_ =	shalt  }
.Lfunc_end2:
_tile_overlayer_lowered:
.L_overlay_start_2:
0x44: {  	(tag) =	ssettag $0x2  }
0x45: {  	s0 =	rddreg [dreg:$0x0];
	s2 =	stileid.u32  }
0x46: {  	s1 =	rddreg [dreg:$0x1];
	p0 =	sne.s32 s2, $0x0  }
0x47: {  	s3 =	rddreg [dreg:$0x2];
	[bflag:$0x3] =	sbarrier.arrive $0xFFFF;
	s2 =	simm.s32 @!p0 $0x1C01  }
0x48: {  	[timem:s3], [sflag:s2] =	dma.local @!p0 [hbm:s0], s1  }
0x49: {  	s0 =	simm.s32 @!p0 $0x1  }
0x4a: {  	_ =	swait.ge @!p0 [sflag:s0], s1  }
0x4b: {  	s1 =	ssub.s32 @!p0 $0x0, s1;
	[sflag:s0] =	ssyncset.done @!p0 $0x0  }
0x4c: {  	[sflag:s0] =	ssyncadd.s32 @!p0 s1  }
0x4d: {  	[bflag:$0x3] =	sbarrier.arrive $0xFFFF  }
0x4e: {  	_ =	shalt  }

// kernel: kernel.34.cloned.1.call-start
scs
__scs_entry_jumppad:
0x0: {  	(pc) =	sbr.rel $0x88, $3  }
0x1: {  	(tag) =	ssettag $0x0;
	lr =	simm.s32 $0x1  }
0x2: {  	[smem:$0x3F84] =	sst lr;
	_ =	strace $0xD0000000  }
0x3: {  	_ = 	snop  }
0x4: {  	_ = 	snop  }
0x5: {  	_ = 	snop  }
0x6: {  	_ = 	snop  }
0x7: {  	_ = 	snop  }
__scs_overlays_trampoline_lowered:
0x8: {  	[smem:$0x3F93] =	sst s0  }
0x9: {  	[smem:$0x3F94] =	sst s1  }
0xa: {  	[smem:$0x3F95] =	sst s2  }
0xb: {  	[smem:$0x3F96] =	sst s3  }
0xc: {  	[smem:$0x3F97] =	sst s4  }
0xd: {  	[smem:$0x3F98] =	sst s5  }
0xe: {  	[smem:$0x3F99] =	sst s6  }
0xf: {  	[smem:$0x3F9A] =	sst s7  }
0x10: {  	[smem:$0x3F9B] =	sst s8  }
0x11: {  	[smem:$0x3F9C] =	sst s9;
	s0 =	simm.s32 @!p0 $0x0  }
0x12: {  	s1 =	sld [smem:$0x3F82];
	s0 =	simm.s32 @p0 $0x1  }
0x13: {  	[smem:$0x3F9D] =	sst s0;
	s0 =	simm.s32 @!p1 $0x0  }
0x14: {  	s2 =	sld [smem:$0x3F81];
	s0 =	simm.s32 @p1 $0x1  }
0x15: {  	[smem:$0x3F9E] =	sst s0;
	s0 =	simm.s32 @!p2 $0x0  }
0x16: {  	s3 =	sld [smem:$0x3FDB];
	s0 =	simm.s32 @p2 $0x1  }
0x17: {  	s4 =	simm.s32 $0x1BF5;
	[smem:$0x3FA0] =	sst s0  }
0x18: {  	s0 =	sld [smem:$0x3F83];
	_ =	swait.ge [sflag:s4], $0x0  }
0x19: {  	s7 =	sld [smem:$0x3F84]  }
0x1a: {  	s8 =	sadd.s32 $0xFFFFE003, lr  }
0x1b: {  	s9 =	sadd.s32 $0xFFFFFEF7, lr;
	s5 =	simm.s32 $0xFFFFFFFF;
	p2 =	slt.u32 s8, $0xFFFFF086  }
0x1c: {  	p1 =	slt.u32 s9, $0xF7A;
	s5 =	simm.s32 @!p2 $0x0  }
0x1d: {  	s5 =	simm.s32 @p1 $0x1;
	p0 =	seq.s32 s7, s2  }
0x1e: {  	s7 =	smul.u32 @!p0 $0xF7A, s2;
	p2 =	seq.s32 @!p0 s5, $0x0  }
0x1f: {  	s9 =	smul.u32 $0xF7A, s1;
	s8 =	simm.s32 @!p0 $0x1BF5;
	p2 =	por !p2, p0  }
0x20: {  	[sflag:s8] =	ssyncset.s32 @!p0 $0xFFFFF086;
	s6 =	sadd.s32 @!p0 s3, s7;
	s7 =	simm.s32 @!p0 $0x108  }
0x21: {  	s3 =	sadd.s32 s3, s9;
	s6 =	sadd.s32 @!p0 $0x88, s6;
	s7 =	simm.s32 @p2 $0x1082  }
0x22: {  	[simem:s7], [sflag:s8] =	dma.local @!p0 [hbm:s6], $0xF7A  }
0x23: {  	s9 =	sor.u32 $0xD0000000, s2;
	s6 =	simm.s32 $0x108;
	_ =	swait.ge @!p0 [sflag:s8], $0x0  }
0x24: {  	s3 =	sadd.s32 $0x88, s3;
	s6 =	simm.s32 @!p1 $0x1082;
	[sflag:s4] =	ssyncset.s32 $0xFFFFF086  }
0x25: {  	[simem:s6], [sflag:s4] =	dma.local [hbm:s3], $0xF7A  }
0x26: {  	[smem:$0x3F84] =	sst s1;
	(tag) =	ssettag s2;
	_ =	strace s9  }
0x27: {  	s1 =	sld [smem:$0x3F94]  }
0x28: {  	s2 =	sld [smem:$0x3F95]  }
0x29: {  	s4 =	sld [smem:$0x3F97]  }
0x2a: {  	p0 =	seq.s32 s5, $0x0;
	s5 =	sld [smem:$0x3F98]  }
0x2b: {  	s6 =	sld [smem:$0x3F99]  }
0x2c: {  	s7 =	sld [smem:$0x3F9A]  }
0x2d: {  	s3 =	simm.s32 $0x108;
	s8 =	sld [smem:$0x3F9B]  }
0x2e: {  	s3 =	simm.s32 @!p0 $0x1082;
	s9 =	sld [smem:$0x3F9C]  }
0x2f: {  	lr =	sadd.s32 s0, s3;
	s0 =	sld [smem:$0x3F93]  }
0x30: {  	s3 =	sld [smem:$0x3F96]  }
0x31: {  	[smem:$0x3F9F] =	sst s10  }
0x32: {  	s10 =	sld [smem:$0x3F9D];
	_ =	sdelay $0x3  }
0x33: {  	p0 =	seq.s32 s10, $0x1;
	s10 =	sld [smem:$0x3F9F];
	_ =	sdelay $0x3  }
0x34: {  	[smem:$0x3F9F] =	sst s10  }
0x35: {  	s10 =	sld [smem:$0x3F9E];
	_ =	sdelay $0x3  }
0x36: {  	p1 =	seq.s32 s10, $0x1;
	s10 =	sld [smem:$0x3F9F];
	_ =	sdelay $0x3  }
0x37: {  	[smem:$0x3F9F] =	sst s10  }
0x38: {  	s10 =	sld [smem:$0x3FA0]  }
0x39: {  	_ = 	snop;
	(pc) =	sbr.ind lr, $3  }
0x3a: {  	_ = 	snop  }
0x3b: {  	_ = 	snop  }
0x3c: {  	p2 =	seq.s32 s10, $0x1;
	s10 =	sld [smem:$0x3F9F]  }
0x3d: {  	_ =	shalt  }
0x3e: {  	_ =	shalt  }
0x3f: {  	_ =	shalt  }
0x40: {  	_ =	shalt  }
0x41: {  	_ =	shalt  }
0x42: {  	_ =	shalt  }
0x43: {  	_ =	shalt  }
0x44: {  	_ =	shalt  }
0x45: {  	_ =	shalt  }
0x46: {  	_ =	shalt  }
0x47: {  	_ =	shalt  }
0x48: {  	_ =	shalt  }
0x49: {  	_ =	shalt  }
0x4a: {  	_ =	shalt  }
0x4b: {  	_ =	shalt  }
0x4c: {  	_ =	shalt  }
0x4d: {  	_ =	shalt  }
0x4e: {  	_ =	shalt  }
0x4f: {  	_ =	shalt  }
0x50: {  	_ =	shalt  }
0x51: {  	_ =	shalt  }
0x52: {  	_ =	shalt  }
0x53: {  	_ =	shalt  }
0x54: {  	_ =	shalt  }
0x55: {  	_ =	shalt  }
0x56: {  	_ =	shalt  }
0x57: {  	_ =	shalt  }
0x58: {  	_ =	shalt  }
0x59: {  	_ =	shalt  }
0x5a: {  	_ =	shalt  }
0x5b: {  	_ =	shalt  }
0x5c: {  	_ =	shalt  }
0x5d: {  	_ =	shalt  }
0x5e: {  	_ =	shalt  }
0x5f: {  	_ =	shalt  }
0x60: {  	_ =	shalt  }
0x61: {  	_ =	shalt  }
0x62: {  	_ =	shalt  }
0x63: {  	_ =	shalt  }
0x64: {  	_ =	shalt  }
0x65: {  	_ =	shalt  }
0x66: {  	_ =	shalt  }
0x67: {  	_ =	shalt  }
0x68: {  	_ =	shalt  }
0x69: {  	_ =	shalt  }
0x6a: {  	_ =	shalt  }
0x6b: {  	_ =	shalt  }
0x6c: {  	_ =	shalt  }
0x6d: {  	_ =	shalt  }
0x6e: {  	_ =	shalt  }
0x6f: {  	_ =	shalt  }
0x70: {  	_ =	shalt  }
0x71: {  	_ =	shalt  }
0x72: {  	_ =	shalt  }
0x73: {  	_ =	shalt  }
0x74: {  	_ =	shalt  }
0x75: {  	_ =	shalt  }
0x76: {  	_ =	shalt  }
0x77: {  	_ =	shalt  }
0x78: {  	_ =	shalt  }
0x79: {  	_ =	shalt  }
0x7a: {  	_ =	shalt  }
0x7b: {  	_ =	shalt  }
0x7c: {  	_ =	shalt  }
0x7d: {  	_ =	shalt  }
0x7e: {  	_ =	shalt  }
0x7f: {  	_ =	shalt  }
0x80: {  	_ =	shalt  }
0x81: {  	_ =	shalt  }
0x82: {  	_ =	shalt  }
0x83: {  	_ =	shalt  }
0x84: {  	_ =	shalt  }
0x85: {  	_ =	shalt  }
0x86: {  	_ =	shalt  }
0x87: {  	_ =	shalt  }
.Lfunc_end0:
.L_simem_size_0:
called_computation.2_lowered:
.L_overlay_start_0:
0x88: {  	s2 =	sld [smem:$0x3FD9]  }
0x89: {  	s3 =	sld [smem:$0x3FFE];
	_ =	sdelay $0x1  }
0x8a: {  	s1 =	srdreg.scid  }
0x8b: {  	s0 =	sand.u32 $0x1, s1  }
0x8c: {  	s17 =	sshll.u32 s0, $0xA;
	s2 =	sadd.s32 s3, s2  }
0x8d: {  	s2 =	sadd.s32 s2, s17  }
0x8e: {  	[smem:$0x3FAB] =	sst s2  }
0x8f: {  	_ = 	snop  }
0x90: {  	(tm) =	ssettm $0x1  }
0x91: {  	s18 =	sld [smem:$0x3FFB];
	_ =	sdelay $0x3  }
0x92: {  	_ =	strace s18  }
0x93: {  	s2 =	sld [smem:$0x3FFC];
	_ =	sdelay $0x3  }
0x94: {  	_ =	strace s2  }
0x95: {  	s2 =	sld [smem:$0x3FFD];
	_ =	sdelay $0x3  }
0x96: {  	_ =	strace s2  }
0x97: {  	_ =	strace $0x8FFFFFFF  }
0x98: {  	s19 =	sld [smem:$0x3FDB];
	_ =	sdelay $0x1  }
0x99: {  	s20 =	simm.s32 $_scs_section_size  }
0x9a: {  	s4 =	simm.s32 $_size__tile_overlayer_lowered;
	s5 =	simm.s32 $_tile_overlayer_lowered  }
0x9b: {  	s6 =	simm.s32 $0x1BFF;
	s21 =	sshll.u32 s5, $0x1;
	s3 =	sadd.s32 s20, s19  }
0x9c: {  	s22 =	simm.s32 $0x0;
	s4 =	sshll.u32 s4, $0x1;
	s5 =	sadd.s32 s21, s3  }
0x9d: {  	[timem:s22], [sflag:s6] =	dma.local [hbm:s5], s4  }
0x9e: {  	_ =	swait.ge [sflag:s6], s4  }
0x9f: {  	s4 =	ssub.s32 $0x0, s4;
	[sflag:s6] =	ssyncset.done $0x0  }
0xa0: {  	[sflag:s6] =	ssyncadd.s32 s4;
	_ =	sdelay $0x1  }
0xa1: {  	s23 =	simm.s32 $0x1B8B  }
0xa2: {  	_ =	swait.ge [sflag:s23], $0x1  }
0xa3: {  	[sflag:s23] =	ssyncset.done $0x0  }
0xa4: {  	[sflag:s23] =	ssyncadd.s32 $0xFFFFFFFF  }
0xa5: {  	s4 =	sld [smem:$0x0]  }
0xa6: {  	s5 =	sand.u32 $0xFFFFFFFE, s1  }
0xa7: {  	p0 =	sne.s32 s1, s5  }
0xa8: {  	s5 =	sshll.u32 @p0 s5, $0xE  }
0xa9: {  	s5 =	sadd.s32 @p0 $0x11B8D, s5;
	s6 =	sshll.u32 @p0 s4, $0x11  }
0xaa: {  	s5 =	sor.u32 @p0 s6, s5  }
0xab: {  	[sflag:s5] =	ssyncadd.remote.s32 @p0 $0x1;
	_ =	sdelay $0x1  }
0xac: {  	s5 =	simm.s32 @p0 $0x1B8D  }
0xad: {  	_ =	swait.eq @p0 [sflag:s5], $0x1  }
0xae: {  	[sflag:s5] =	ssyncadd.s32 @p0 $0xFFFFFFFF  }
0xaf: {  	s6 =	sshll.u32 @!p0 s1, $0xE  }
0xb0: {  	s6 =	sor.u32 @!p0 $0x4000, s6;
	s5 =	simm.s32 @!p0 $0x1B8D  }
0xb1: {  	s4 =	sshll.u32 @!p0 s4, $0x11;
	s6 =	sadd.s32 @!p0 $0x11B8D, s6;
	_ =	swait.eq @!p0 [sflag:s5], $0x1  }
0xb2: {  	s4 =	sor.u32 @!p0 s4, s6;
	[sflag:s5] =	ssyncadd.s32 @!p0 $0xFFFFFFFF  }
0xb3: {  	s25 =	simm.s32 $0x1B8E;
	s24 =	sld [smem:$0x3FFE];
	[sflag:s4] =	ssyncadd.remote.s32 @!p0 $0x1  }
0xb4: {  	s26 =	simm.s32 $execute0_lowered;
	[smem:$0x3FD2] =	sst s25  }
0xb5: {  	s5 =	sshll.u32 s26, $0x1;
	_ =	strace $0x8000004C;
	[dreg:$0x1] =	wrdreg $0xFFFFFFFF  }
0xb6: {  	s28 =	simm.s32 $_size_execute0_lowered;
	s3 =	sadd.s32 s3, s5;
	[dreg:$0x0] =	wrdreg $0x0  }
0xb7: {  	s5 =	sshll.u32 s28, $0x1;
	[dreg:$0x2] =	wrdreg s3  }
0xb8: {  	[dreg:$0x3] =	wrdreg s5  }
0xb9: {  	[dreg:$0x4] =	wrdreg $0xC0  }
0xba: {  	_ =	task [dreg:s22], $0x5FFFF  }
0xbb: {  	[dreg:$0x1] =	wrdreg $0xFFFFFFFF  }
0xbc: {  	[dreg:$0x0] =	wrdreg $0x60  }
0xbd: {  	[dreg:$0x2] =	wrdreg s24  }
0xbe: {  	[dreg:$0x3] =	wrdreg $0x9  }
0xbf: {  	_ =	task.clear_ibuf [dreg:s22], $0x4FFFF;
	_ =	strace $0x9000004C  }
0xc0: {  	s29 =	simm.s32 $0x9;
	_ =	strace $0x8000004E  }
0xc1: {  	_ =	swait.ge [sflag:s29], $0x1  }
0xc2: {  	[sflag:s29] =	ssyncadd.s32 $0xFFFFFFFF  }
0xc3: {  	_ =	strace $0x9000004E  }
0xc4: {  	_ =	sfence  }
0xc5: {  	s30 =	sld [smem:$0x0];
	_ =	sdelay $0x2  }
0xc6: {  	s31 =	sshll.u32 s1, $0xD;
	s1 =	sshrl.u32 s1, $0x2  }
0xc7: {  	s4 =	sand.u32 $0x4000, s31;
	s1 =	sadd.s32 s1, s30  }
0xc8: {  	s0 =	sor.u32 s4, s0;
	s1 =	sshll.u32 s1, $0x11  }
0xc9: {  	s0 =	sor.u32 s1, s0  }
0xca: {  	s0 =	sadd.s32 $0x8F2B, s0  }
0xcb: {  	[sflag:s0] =	ssyncadd.remote.s32 $0x1  }
0xcc: {  	_ =	sfence.sel $0xFFFF  }
0xcd: {  	[dreg:$0x0] =	wrdreg $0xFFFFFFFF;
	(pc) =	sbr.abs _section_cstart, $3  }
0xce: {  	[dreg:$0x1] =	wrdreg $0xFFFFFFFF  }
0xcf: {  	_ =	task.clear_ibuf [dreg:s22], $0x2FFFF;
	_ =	strace $0x9FFFFFFF  }
0xd0: {  	(tm) =	ssettm $0x7FFFFFFF  }
0xd1: {  	_ =	shalt  }
tec
execute0_lowered:
.L_overlay_start_1:
0x0: {  	(tag) =	ssettag $0x1  }
0x1: {  	s4 =	rddreg [dreg:$0x0]  }
0x2: {  	s0 =	rddreg [dreg:$0x1]  }
0x3: {  	s3 =	srdreg.scid;
	s1 =	stileid.u32;
	s2 =	simm.s32 $0x0  }
0x4: {  	s11 =	simm.s32 $0x0;
	s5 =	sand.u32 $0x1, s3;
	s28 =	sshll.u32 s1, $0x1  }
0x5: {  	[smem:$0x7FF] =	sst s2;
	s7 =	smul.u32 $0xA000, s1;
	s3 =	sor.u32 s5, s28  }
0x6: {  	_ =	strace $0x8000004D;
	s8 =	ssub.s32 $0x2, s5;
	s10 =	smul.u32 $0x5000, s5  }
0x7: {  	s6 =	smul.u32 $0x2800, s3;
	s3 =	sadd.s32 $0x51FC00, s4;
	s9 =	sshrl.u32 s8, $0x1  }
0x8: {  	s30 =	sadd.s32 s7, s4;
	s7 =	simm.s32 $0x2;
	s31 =	ssub.s32 s8, s9  }
0x9: {  	s8 =	simm.s32 $0x80;
	s9 =	simm.s32 $0x2800;
	s6 =	sshrl.u32 s6, $0x3  }
0xa: {  	s5 =	smax.u32 s31, $0x1;
	s29 =	sadd.s32 s6, s4;
	s6 =	sadd.s32 s10, s30  }
0xb: {  	s10 =	simm.s32 $0x1;
	s4 =	sadd.s32 $0x33C00, s29;
	s6 =	sadd.s32 $0x51800, s6  }
.LBB2_1:
0xc: {  	[tilespmem:s2], [sflag:$0x2] =	stream.linear.gather [hbm4b:s4+s2], $0x2800, $0x38;
	[tilespmem:$0x3000] =	vst v63  }
0xd: {  	_ =	swait.ge [sflag:s7], $0x2800  }
0xe: {  	[sflag:s7] =	ssyncset.done $0x0  }
0xf: {  	[sflag:s7] =	ssyncadd.s32 $0xFFFFD800  }
0x10: {  	[tilespmem:s9], [sflag:$0x1] =	stream.indirect.gather [hbm4b:s3+s8], $0x10, s2, s8, $0xb8;
	[tilespmem:$0x3000] =	vst v63  }
0x11: {  	_ =	swait.ge [sflag:s10], $0x800  }
0x12: {  	[sflag:s10] =	ssyncset.done $0x0  }
0x13: {  	s12 =	sadd.s32 $0x0, s6;
	[sflag:s10] =	ssyncadd.s32 $0xFFFFF800  }
0x14: {  	[hbm4b:s12+s2] =	stream.linear.scatter [tilespmem:s9], [sflag:$0x2], $0x800, $0x38;
	[tilespmem:$0x3000] =	vst v63  }
0x15: {  	_ =	swait.ge [sflag:s7], $0x800  }
0x16: {  	s13 =	simm.s32 $0x0;
	s12 =	simm.s32 $0x100;
	[sflag:s7] =	ssyncset.done $0x0  }
.LBB2_2:
0x17: {  	p0 =	sne.s32 s12, $0x4F00;
	[sflag:s7] =	ssyncadd.s32 $0xFFFFF800;
	s13 =	sadd.s32 $0x80, s13  }
0x18: {  	[tilespmem:s9], [sflag:$0x1] =	stream.indirect.gather [hbm4b:s3+s8], $0x10, s13, s8, $0xb8;
	[tilespmem:$0x3000] =	vst v63  }
0x19: {  	s14 =	smov.u32 s12;
	s12 =	sadd.s32 $0x100, s12;
	_ =	swait.ge [sflag:s10], $0x800  }
.Ltmp0:
0x1a: {  	[sflag:s10] =	ssyncset.done $0x0;
	(pc) =	sbr.rel @p0 .LBB2_2-.Ltmp0, $4  }
0x1b: {  	s14 =	sadd.s32 s14, s6;
	[sflag:s10] =	ssyncadd.s32 $0xFFFFF800  }
0x1c: {  	[hbm4b:s14+s2] =	stream.linear.scatter [tilespmem:s9], [sflag:$0x2], $0x800, $0x38;
	[tilespmem:$0x3000] =	vst v63  }
0x1d: {  	_ =	swait.ge [sflag:s7], $0x800  }
0x1e: {  	[sflag:s7] =	ssyncset.done $0x0  }
0x1f: {  	s11 =	sadd.s32 $0x1, s11  }
0x20: {  	p0 =	sne.s32 s11, s5  }
.Ltmp1:
0x21: {  	_ = 	snop;
	(pc) =	sbr.rel @p0 .LBB2_1-.Ltmp1, $2  }
0x22: {  	_ =	sdelay $0x2  }
0x23: {  	[sflag:s7] =	ssyncadd.s32 $0xFFFFF800  }
0x24: {  	_ =	sfence.sel $0x180000  }
0x25: {  	[bflag:$0x0] =	sbarrier.arrive $0xFFFF  }
0x26: {  	p0 =	sne.s32 s1, $0x0;
	_ =	strace $0x9000004D  }
0x27: {  	s0 =	sadd.s32 @!p0 $0x100000, s0;
	[bflag:$0x2] =	sbarrier.arrive $0xFFFF  }
0x28: {  	[sflag:s0] =	ssyncadd.tile.s32 @!p0 $0x1;
	_ =	shalt  }
.Lfunc_end2:
_tile_overlayer_lowered:
.L_overlay_start_2:
0x29: {  	(tag) =	ssettag $0x2  }
0x2a: {  	s0 =	rddreg [dreg:$0x0];
	s2 =	stileid.u32  }
0x2b: {  	s1 =	rddreg [dreg:$0x1];
	p0 =	sne.s32 s2, $0x0  }
0x2c: {  	s3 =	rddreg [dreg:$0x2];
	[bflag:$0x3] =	sbarrier.arrive $0xFFFF;
	s2 =	simm.s32 @!p0 $0x1C02  }
0x2d: {  	[timem:s3], [sflag:s2] =	dma.local @!p0 [hbm:s0], s1  }
0x2e: {  	s0 =	simm.s32 @!p0 $0x2  }
0x2f: {  	_ =	swait.ge @!p0 [sflag:s0], s1  }
0x30: {  	s1 =	ssub.s32 @!p0 $0x0, s1;
	[sflag:s0] =	ssyncset.done @!p0 $0x0  }
0x31: {  	[sflag:s0] =	ssyncadd.s32 @!p0 s1  }
0x32: {  	[bflag:$0x3] =	sbarrier.arrive $0xFFFF  }
0x33: {  	_ =	shalt  }

// kernel: kernel.37.cloned.1.call-start
scs
__scs_entry_jumppad:
0x0: {  	(pc) =	sbr.rel $0x88, $3  }
0x1: {  	(tag) =	ssettag $0x0;
	lr =	simm.s32 $0x1  }
0x2: {  	[smem:$0x3F84] =	sst lr;
	_ =	strace $0xD0000000  }
0x3: {  	_ = 	snop  }
0x4: {  	_ = 	snop  }
0x5: {  	_ = 	snop  }
0x6: {  	_ = 	snop  }
0x7: {  	_ = 	snop  }
__scs_overlays_trampoline_lowered:
0x8: {  	[smem:$0x3F93] =	sst s0  }
0x9: {  	[smem:$0x3F94] =	sst s1  }
0xa: {  	[smem:$0x3F95] =	sst s2  }
0xb: {  	[smem:$0x3F96] =	sst s3  }
0xc: {  	[smem:$0x3F97] =	sst s4  }
0xd: {  	[smem:$0x3F98] =	sst s5  }
0xe: {  	[smem:$0x3F99] =	sst s6  }
0xf: {  	[smem:$0x3F9A] =	sst s7  }
0x10: {  	[smem:$0x3F9B] =	sst s8  }
0x11: {  	[smem:$0x3F9C] =	sst s9;
	s0 =	simm.s32 @!p0 $0x0  }
0x12: {  	s1 =	sld [smem:$0x3F82];
	s0 =	simm.s32 @p0 $0x1  }
0x13: {  	[smem:$0x3F9D] =	sst s0;
	s0 =	simm.s32 @!p1 $0x0  }
0x14: {  	s2 =	sld [smem:$0x3F81];
	s0 =	simm.s32 @p1 $0x1  }
0x15: {  	[smem:$0x3F9E] =	sst s0;
	s0 =	simm.s32 @!p2 $0x0  }
0x16: {  	s3 =	sld [smem:$0x3FDB];
	s0 =	simm.s32 @p2 $0x1  }
0x17: {  	s4 =	simm.s32 $0x1BF5;
	[smem:$0x3FA0] =	sst s0  }
0x18: {  	s0 =	sld [smem:$0x3F83];
	_ =	swait.ge [sflag:s4], $0x0  }
0x19: {  	s7 =	sld [smem:$0x3F84]  }
0x1a: {  	s8 =	sadd.s32 $0xFFFFE003, lr  }
0x1b: {  	s9 =	sadd.s32 $0xFFFFFEF7, lr;
	s5 =	simm.s32 $0xFFFFFFFF;
	p2 =	slt.u32 s8, $0xFFFFF086  }
0x1c: {  	p1 =	slt.u32 s9, $0xF7A;
	s5 =	simm.s32 @!p2 $0x0  }
0x1d: {  	s5 =	simm.s32 @p1 $0x1;
	p0 =	seq.s32 s7, s2  }
0x1e: {  	s7 =	smul.u32 @!p0 $0xF7A, s2;
	p2 =	seq.s32 @!p0 s5, $0x0  }
0x1f: {  	s9 =	smul.u32 $0xF7A, s1;
	s8 =	simm.s32 @!p0 $0x1BF5;
	p2 =	por !p2, p0  }
0x20: {  	[sflag:s8] =	ssyncset.s32 @!p0 $0xFFFFF086;
	s6 =	sadd.s32 @!p0 s3, s7;
	s7 =	simm.s32 @!p0 $0x108  }
0x21: {  	s3 =	sadd.s32 s3, s9;
	s6 =	sadd.s32 @!p0 $0x88, s6;
	s7 =	simm.s32 @p2 $0x1082  }
0x22: {  	[simem:s7], [sflag:s8] =	dma.local @!p0 [hbm:s6], $0xF7A  }
0x23: {  	s9 =	sor.u32 $0xD0000000, s2;
	s6 =	simm.s32 $0x108;
	_ =	swait.ge @!p0 [sflag:s8], $0x0  }
0x24: {  	s3 =	sadd.s32 $0x88, s3;
	s6 =	simm.s32 @!p1 $0x1082;
	[sflag:s4] =	ssyncset.s32 $0xFFFFF086  }
0x25: {  	[simem:s6], [sflag:s4] =	dma.local [hbm:s3], $0xF7A  }
0x26: {  	[smem:$0x3F84] =	sst s1;
	(tag) =	ssettag s2;
	_ =	strace s9  }
0x27: {  	s1 =	sld [smem:$0x3F94]  }
0x28: {  	s2 =	sld [smem:$0x3F95]  }
0x29: {  	s4 =	sld [smem:$0x3F97]  }
0x2a: {  	p0 =	seq.s32 s5, $0x0;
	s5 =	sld [smem:$0x3F98]  }
0x2b: {  	s6 =	sld [smem:$0x3F99]  }
0x2c: {  	s7 =	sld [smem:$0x3F9A]  }
0x2d: {  	s3 =	simm.s32 $0x108;
	s8 =	sld [smem:$0x3F9B]  }
0x2e: {  	s3 =	simm.s32 @!p0 $0x1082;
	s9 =	sld [smem:$0x3F9C]  }
0x2f: {  	lr =	sadd.s32 s0, s3;
	s0 =	sld [smem:$0x3F93]  }
0x30: {  	s3 =	sld [smem:$0x3F96]  }
0x31: {  	[smem:$0x3F9F] =	sst s10  }
0x32: {  	s10 =	sld [smem:$0x3F9D];
	_ =	sdelay $0x3  }
0x33: {  	p0 =	seq.s32 s10, $0x1;
	s10 =	sld [smem:$0x3F9F];
	_ =	sdelay $0x3  }
0x34: {  	[smem:$0x3F9F] =	sst s10  }
0x35: {  	s10 =	sld [smem:$0x3F9E];
	_ =	sdelay $0x3  }
0x36: {  	p1 =	seq.s32 s10, $0x1;
	s10 =	sld [smem:$0x3F9F];
	_ =	sdelay $0x3  }
0x37: {  	[smem:$0x3F9F] =	sst s10  }
0x38: {  	s10 =	sld [smem:$0x3FA0]  }
0x39: {  	_ = 	snop;
	(pc) =	sbr.ind lr, $3  }
0x3a: {  	_ = 	snop  }
0x3b: {  	_ = 	snop  }
0x3c: {  	p2 =	seq.s32 s10, $0x1;
	s10 =	sld [smem:$0x3F9F]  }
0x3d: {  	_ =	shalt  }
0x3e: {  	_ =	shalt  }
0x3f: {  	_ =	shalt  }
0x40: {  	_ =	shalt  }
0x41: {  	_ =	shalt  }
0x42: {  	_ =	shalt  }
0x43: {  	_ =	shalt  }
0x44: {  	_ =	shalt  }
0x45: {  	_ =	shalt  }
0x46: {  	_ =	shalt  }
0x47: {  	_ =	shalt  }
0x48: {  	_ =	shalt  }
0x49: {  	_ =	shalt  }
0x4a: {  	_ =	shalt  }
0x4b: {  	_ =	shalt  }
0x4c: {  	_ =	shalt  }
0x4d: {  	_ =	shalt  }
0x4e: {  	_ =	shalt  }
0x4f: {  	_ =	shalt  }
0x50: {  	_ =	shalt  }
0x51: {  	_ =	shalt  }
0x52: {  	_ =	shalt  }
0x53: {  	_ =	shalt  }
0x54: {  	_ =	shalt  }
0x55: {  	_ =	shalt  }
0x56: {  	_ =	shalt  }
0x57: {  	_ =	shalt  }
0x58: {  	_ =	shalt  }
0x59: {  	_ =	shalt  }
0x5a: {  	_ =	shalt  }
0x5b: {  	_ =	shalt  }
0x5c: {  	_ =	shalt  }
0x5d: {  	_ =	shalt  }
0x5e: {  	_ =	shalt  }
0x5f: {  	_ =	shalt  }
0x60: {  	_ =	shalt  }
0x61: {  	_ =	shalt  }
0x62: {  	_ =	shalt  }
0x63: {  	_ =	shalt  }
0x64: {  	_ =	shalt  }
0x65: {  	_ =	shalt  }
0x66: {  	_ =	shalt  }
0x67: {  	_ =	shalt  }
0x68: {  	_ =	shalt  }
0x69: {  	_ =	shalt  }
0x6a: {  	_ =	shalt  }
0x6b: {  	_ =	shalt  }
0x6c: {  	_ =	shalt  }
0x6d: {  	_ =	shalt  }
0x6e: {  	_ =	shalt  }
0x6f: {  	_ =	shalt  }
0x70: {  	_ =	shalt  }
0x71: {  	_ =	shalt  }
0x72: {  	_ =	shalt  }
0x73: {  	_ =	shalt  }
0x74: {  	_ =	shalt  }
0x75: {  	_ =	shalt  }
0x76: {  	_ =	shalt  }
0x77: {  	_ =	shalt  }
0x78: {  	_ =	shalt  }
0x79: {  	_ =	shalt  }
0x7a: {  	_ =	shalt  }
0x7b: {  	_ =	shalt  }
0x7c: {  	_ =	shalt  }
0x7d: {  	_ =	shalt  }
0x7e: {  	_ =	shalt  }
0x7f: {  	_ =	shalt  }
0x80: {  	_ =	shalt  }
0x81: {  	_ =	shalt  }
0x82: {  	_ =	shalt  }
0x83: {  	_ =	shalt  }
0x84: {  	_ =	shalt  }
0x85: {  	_ =	shalt  }
0x86: {  	_ =	shalt  }
0x87: {  	_ =	shalt  }
.Lfunc_end0:
.L_simem_size_0:
called_computation.3_lowered:
.L_overlay_start_0:
0x88: {  	s2 =	sld [smem:$0x3FD9]  }
0x89: {  	s3 =	sld [smem:$0x3FFE];
	_ =	sdelay $0x1  }
0x8a: {  	s1 =	srdreg.scid  }
0x8b: {  	s0 =	sand.u32 $0x1, s1  }
0x8c: {  	s17 =	sshll.u32 s0, $0xA;
	s2 =	sadd.s32 s3, s2  }
0x8d: {  	s2 =	sadd.s32 s2, s17  }
0x8e: {  	[smem:$0x3FAB] =	sst s2  }
0x8f: {  	_ = 	snop  }
0x90: {  	(tm) =	ssettm $0x1  }
0x91: {  	s18 =	sld [smem:$0x3FFB];
	_ =	sdelay $0x3  }
0x92: {  	_ =	strace s18  }
0x93: {  	s2 =	sld [smem:$0x3FFC];
	_ =	sdelay $0x3  }
0x94: {  	_ =	strace s2  }
0x95: {  	s2 =	sld [smem:$0x3FFD];
	_ =	sdelay $0x3  }
0x96: {  	_ =	strace s2  }
0x97: {  	_ =	strace $0x8FFFFFFF  }
0x98: {  	s19 =	sld [smem:$0x3FDB];
	_ =	sdelay $0x1  }
0x99: {  	s20 =	simm.s32 $_scs_section_size  }
0x9a: {  	s4 =	simm.s32 $_size__tile_overlayer_lowered;
	s5 =	simm.s32 $_tile_overlayer_lowered  }
0x9b: {  	s6 =	simm.s32 $0x1BFF;
	s21 =	sshll.u32 s5, $0x1;
	s3 =	sadd.s32 s20, s19  }
0x9c: {  	s22 =	simm.s32 $0x0;
	s4 =	sshll.u32 s4, $0x1;
	s5 =	sadd.s32 s21, s3  }
0x9d: {  	[timem:s22], [sflag:s6] =	dma.local [hbm:s5], s4  }
0x9e: {  	_ =	swait.ge [sflag:s6], s4  }
0x9f: {  	s4 =	ssub.s32 $0x0, s4;
	[sflag:s6] =	ssyncset.done $0x0  }
0xa0: {  	[sflag:s6] =	ssyncadd.s32 s4;
	_ =	sdelay $0x1  }
0xa1: {  	s23 =	simm.s32 $0x1B8B  }
0xa2: {  	_ =	swait.ge [sflag:s23], $0x1  }
0xa3: {  	[sflag:s23] =	ssyncset.done $0x0  }
0xa4: {  	[sflag:s23] =	ssyncadd.s32 $0xFFFFFFFF  }
0xa5: {  	s4 =	sld [smem:$0x0]  }
0xa6: {  	s5 =	sand.u32 $0xFFFFFFFE, s1  }
0xa7: {  	p0 =	sne.s32 s1, s5  }
0xa8: {  	s5 =	sshll.u32 @p0 s5, $0xE  }
0xa9: {  	s5 =	sadd.s32 @p0 $0x11B8D, s5;
	s6 =	sshll.u32 @p0 s4, $0x11  }
0xaa: {  	s5 =	sor.u32 @p0 s6, s5  }
0xab: {  	[sflag:s5] =	ssyncadd.remote.s32 @p0 $0x1;
	_ =	sdelay $0x1  }
0xac: {  	s5 =	simm.s32 @p0 $0x1B8D  }
0xad: {  	_ =	swait.eq @p0 [sflag:s5], $0x1  }
0xae: {  	[sflag:s5] =	ssyncadd.s32 @p0 $0xFFFFFFFF  }
0xaf: {  	s6 =	sshll.u32 @!p0 s1, $0xE  }
0xb0: {  	s6 =	sor.u32 @!p0 $0x4000, s6;
	s5 =	simm.s32 @!p0 $0x1B8D  }
0xb1: {  	s4 =	sshll.u32 @!p0 s4, $0x11;
	s6 =	sadd.s32 @!p0 $0x11B8D, s6;
	_ =	swait.eq @!p0 [sflag:s5], $0x1  }
0xb2: {  	s4 =	sor.u32 @!p0 s4, s6;
	[sflag:s5] =	ssyncadd.s32 @!p0 $0xFFFFFFFF  }
0xb3: {  	s25 =	simm.s32 $0x1B8E;
	s24 =	sld [smem:$0x3FFE];
	[sflag:s4] =	ssyncadd.remote.s32 @!p0 $0x1  }
0xb4: {  	s26 =	simm.s32 $execute0_lowered;
	[smem:$0x3FD2] =	sst s25  }
0xb5: {  	s5 =	sshll.u32 s26, $0x1;
	_ =	strace $0x8000004F;
	[dreg:$0x1] =	wrdreg $0xFFFFFFFF  }
0xb6: {  	s28 =	simm.s32 $_size_execute0_lowered;
	s3 =	sadd.s32 s3, s5;
	[dreg:$0x0] =	wrdreg $0x0  }
0xb7: {  	s5 =	sshll.u32 s28, $0x1;
	[dreg:$0x2] =	wrdreg s3  }
0xb8: {  	[dreg:$0x3] =	wrdreg s5  }
0xb9: {  	[dreg:$0x4] =	wrdreg $0xC0  }
0xba: {  	_ =	task [dreg:s22], $0x5FFFF  }
0xbb: {  	[dreg:$0x1] =	wrdreg $0xFFFFFFFF  }
0xbc: {  	[dreg:$0x0] =	wrdreg $0x60  }
0xbd: {  	[dreg:$0x2] =	wrdreg s24  }
0xbe: {  	[dreg:$0x3] =	wrdreg $0xA  }
0xbf: {  	_ =	task.clear_ibuf [dreg:s22], $0x4FFFF;
	_ =	strace $0x9000004F  }
0xc0: {  	s29 =	simm.s32 $0xA;
	_ =	strace $0x80000051  }
0xc1: {  	_ =	swait.ge [sflag:s29], $0x1  }
0xc2: {  	[sflag:s29] =	ssyncadd.s32 $0xFFFFFFFF  }
0xc3: {  	_ =	strace $0x90000051  }
0xc4: {  	_ =	sfence  }
0xc5: {  	s30 =	sld [smem:$0x0];
	_ =	sdelay $0x2  }
0xc6: {  	s31 =	sshll.u32 s1, $0xD;
	s1 =	sshrl.u32 s1, $0x2  }
0xc7: {  	s4 =	sand.u32 $0x4000, s31;
	s1 =	sadd.s32 s1, s30  }
0xc8: {  	s0 =	sor.u32 s4, s0;
	s1 =	sshll.u32 s1, $0x11  }
0xc9: {  	s0 =	sor.u32 s1, s0  }
0xca: {  	s0 =	sadd.s32 $0x8F2B, s0  }
0xcb: {  	[sflag:s0] =	ssyncadd.remote.s32 $0x1  }
0xcc: {  	_ =	sfence.sel $0xFFFF  }
0xcd: {  	[dreg:$0x0] =	wrdreg $0xFFFFFFFF;
	(pc) =	sbr.abs _section_cstart, $3  }
0xce: {  	[dreg:$0x1] =	wrdreg $0xFFFFFFFF  }
0xcf: {  	_ =	task.clear_ibuf [dreg:s22], $0x2FFFF;
	_ =	strace $0x9FFFFFFF  }
0xd0: {  	(tm) =	ssettm $0x7FFFFFFF  }
0xd1: {  	_ =	shalt  }
tec
execute0_lowered:
.L_overlay_start_1:
0x0: {  	(tag) =	ssettag $0x1  }
0x1: {  	s4 =	rddreg [dreg:$0x0]  }
0x2: {  	s0 =	rddreg [dreg:$0x1]  }
0x3: {  	s3 =	srdreg.scid;
	s1 =	stileid.u32  }
0x4: {  	s2 =	simm.s32 $0x0;
	s10 =	simm.s32 $0x2800;
	s11 =	simm.s32 $0x80  }
0x5: {  	s12 =	simm.s32 $0x5000;
	s13 =	simm.s32 $0x7000;
	s14 =	simm.s32 $0x1  }
0x6: {  	s15 =	simm.s32 $0x2;
	s5 =	sand.u32 $0x1, s3;
	s30 =	sshll.u32 s1, $0x1  }
0x7: {  	[smem:$0x7FF] =	sst s2;
	s7 =	smul.u32 $0x28000, s1;
	s3 =	sor.u32 s5, s30  }
0x8: {  	s16 =	simm.s32 $0x0;
	_ =	strace $0x80000050;
	s6 =	smul.u32 $0x2800, s3  }
0x9: {  	s8 =	ssub.s32 $0x2, s5;
	s5 =	smul.u32 $0x14000, s5;
	s3 =	sadd.s32 $0x118A00, s4  }
0xa: {  	s7 =	sadd.s32 s7, s4;
	s31 =	sshrl.u32 s8, $0x1;
	s6 =	sshrl.u32 s6, $0x3  }
0xb: {  	s8 =	ssub.s32 s8, s31;
	s9 =	sadd.s32 s5, s7;
	s6 =	sadd.s32 s6, s4  }
0xc: {  	s7 =	sadd.s32 $0x12C400, s9;
	s4 =	sadd.s32 $0x3DC00, s6;
	s5 =	sadd.s32 $0xC400, s6  }
0xd: {  	s6 =	smax.u32 s8, $0x1;
	s8 =	sadd.s32 $0x5BC000, s9;
	s9 =	simm.s32 $0x3  }
.LBB2_1:
0xe: {  	[tilespmem:s2], [sflag:$0x3] =	stream.linear.gather [hbm4b:s4+s2], $0x2800, $0x38;
	[tilespmem:$0x9000] =	vst v63  }
0xf: {  	_ =	swait.ge [sflag:s9], $0x2800  }
0x10: {  	[sflag:s9] =	ssyncset.done $0x0  }
0x11: {  	[sflag:s9] =	ssyncadd.s32 $0xFFFFD800  }
0x12: {  	[tilespmem:s10], [sflag:$0x3] =	stream.linear.gather [hbm4b:s5+s2], $0x2800, $0x38;
	[tilespmem:$0x9000] =	vst v63  }
0x13: {  	_ =	swait.ge [sflag:s9], $0x2800  }
0x14: {  	[sflag:s9] =	ssyncset.done $0x0  }
0x15: {  	s17 =	simm.s32 $0x0;
	[sflag:s9] =	ssyncadd.s32 $0xFFFFD800  }
0x16: {  	[tilespmem:s12], [sflag:$0x1] =	stream.indirect.gather [hbm4b:s3+s11], $0x40, s17, s11, $0xb8;
	[tilespmem:$0x9000] =	vst v63  }
0x17: {  	s31 =	simm.s32 $0x2800  }
0x18: {  	[tilespmem:s13], [sflag:$0x2] =	stream.indirect.gather [hbm4b:s3+s11], $0x40, s31, s11, $0xb8;
	[tilespmem:$0x9000] =	vst v63  }
0x19: {  	_ =	swait.ge [sflag:s14], $0x2000  }
0x1a: {  	[sflag:s14] =	ssyncset.done $0x0  }
0x1b: {  	[sflag:s14] =	ssyncadd.s32 $0xFFFFE000  }
0x1c: {  	_ =	swait.ge [sflag:s15], $0x2000  }
0x1d: {  	[sflag:s15] =	ssyncset.done $0x0  }
0x1e: {  	[sflag:s15] =	ssyncadd.s32 $0xFFFFE000  }
0x1f: {  	[hbm4b:s8+s2] =	stream.linear.scatter [tilespmem:s12], [sflag:$0x3], $0x2000, $0x38;
	[tilespmem:$0x9000] =	vst v63  }
0x20: {  	_ =	swait.ge [sflag:s9], $0x2000  }
0x21: {  	[sflag:s9] =	ssyncset.done $0x0  }
0x22: {  	[sflag:s9] =	ssyncadd.s32 $0xFFFFE000  }
0x23: {  	[hbm4b:s7+s2] =	stream.linear.scatter [tilespmem:s13], [sflag:$0x3], $0x2000, $0x38;
	[tilespmem:$0x9000] =	vst v63  }
0x24: {  	s19 =	simm.s32 $0x200;
	s20 =	simm.s32 $0x400;
	_ =	swait.ge [sflag:s9], $0x2000  }
0x25: {  	s18 =	sadd.s32 $0x400, s8;
	s17 =	sadd.s32 $0x400, s7;
	[sflag:s9] =	ssyncset.done $0x0  }
.LBB2_2:
0x26: {  	s21 =	sshra.s32 s19, $0x2  }
0x27: {  	[sflag:s9] =	ssyncadd.s32 $0xFFFFE000;
	s19 =	smov.u32 s20;
	s22 =	sadd.s32 $0x200, s20  }
0x28: {  	[tilespmem:s12], [sflag:$0x1] =	stream.indirect.gather [hbm4b:s3+s11], $0x40, s21, s11, $0xb8;
	[tilespmem:$0x9000] =	vst v63  }
0x29: {  	p0 =	sne.s32 s20, $0x9E00;
	s20 =	sadd.s32 $0x2800, s21  }
0x2a: {  	[tilespmem:s13], [sflag:$0x2] =	stream.indirect.gather [hbm4b:s3+s11], $0x40, s20, s11, $0xb8;
	[tilespmem:$0x9000] =	vst v63  }
0x2b: {  	_ =	swait.ge [sflag:s14], $0x2000  }
0x2c: {  	[sflag:s14] =	ssyncset.done $0x0  }
0x2d: {  	[sflag:s14] =	ssyncadd.s32 $0xFFFFE000  }
0x2e: {  	_ =	swait.ge [sflag:s15], $0x2000  }
0x2f: {  	[sflag:s15] =	ssyncset.done $0x0  }
0x30: {  	[sflag:s15] =	ssyncadd.s32 $0xFFFFE000  }
0x31: {  	[hbm4b:s18+s2] =	stream.linear.scatter [tilespmem:s12], [sflag:$0x3], $0x2000, $0x38;
	[tilespmem:$0x9000] =	vst v63  }
0x32: {  	_ =	swait.ge [sflag:s9], $0x2000  }
.Ltmp0:
0x33: {  	[sflag:s9] =	ssyncset.done $0x0;
	(pc) =	sbr.rel @p0 .LBB2_2-.Ltmp0, $4  }
0x34: {  	[sflag:s9] =	ssyncadd.s32 $0xFFFFE000  }
0x35: {  	[hbm4b:s17+s2] =	stream.linear.scatter [tilespmem:s13], [sflag:$0x3], $0x2000, $0x38;
	[tilespmem:$0x9000] =	vst v63  }
0x36: {  	s20 =	smov.u32 s22;
	_ =	swait.ge [sflag:s9], $0x2000  }
0x37: {  	s18 =	sadd.s32 $0x400, s18;
	s17 =	sadd.s32 $0x400, s17;
	[sflag:s9] =	ssyncset.done $0x0  }
0x38: {  	s19 =	sshra.s32 s19, $0x2;
	[sflag:s9] =	ssyncadd.s32 $0xFFFFE000  }
0x39: {  	[tilespmem:s12], [sflag:$0x1] =	stream.indirect.gather [hbm4b:s3+s11], $0x40, s19, s11, $0xb8;
	[tilespmem:$0x9000] =	vst v63  }
0x3a: {  	s19 =	sadd.s32 $0x2800, s19  }
0x3b: {  	[tilespmem:s13], [sflag:$0x2] =	stream.indirect.gather [hbm4b:s3+s11], $0x40, s19, s11, $0xb8;
	[tilespmem:$0x9000] =	vst v63  }
0x3c: {  	_ =	swait.ge [sflag:s14], $0x2000  }
0x3d: {  	[sflag:s14] =	ssyncset.done $0x0  }
0x3e: {  	[sflag:s14] =	ssyncadd.s32 $0xFFFFE000  }
0x3f: {  	_ =	swait.ge [sflag:s15], $0x2000  }
0x40: {  	[sflag:s15] =	ssyncset.done $0x0  }
0x41: {  	[sflag:s15] =	ssyncadd.s32 $0xFFFFE000  }
0x42: {  	[hbm4b:s18+s2] =	stream.linear.scatter [tilespmem:s12], [sflag:$0x3], $0x2000, $0x38;
	[tilespmem:$0x9000] =	vst v63  }
0x43: {  	s16 =	sadd.s32 $0x1, s16;
	_ =	swait.ge [sflag:s9], $0x2000  }
0x44: {  	p0 =	sne.s32 s16, s6;
	[sflag:s9] =	ssyncset.done $0x0  }
.Ltmp1:
0x45: {  	[sflag:s9] =	ssyncadd.s32 $0xFFFFE000;
	(pc) =	sbr.rel @p0 .LBB2_1-.Ltmp1, $4  }
0x46: {  	[hbm4b:s17+s2] =	stream.linear.scatter [tilespmem:s13], [sflag:$0x3], $0x2000, $0x38;
	[tilespmem:$0x9000] =	vst v63  }
0x47: {  	_ =	swait.ge [sflag:s9], $0x2000  }
0x48: {  	[sflag:s9] =	ssyncset.done $0x0  }
0x49: {  	[sflag:s9] =	ssyncadd.s32 $0xFFFFE000  }
0x4a: {  	_ =	sfence.sel $0x180000  }
0x4b: {  	[bflag:$0x0] =	sbarrier.arrive $0xFFFF  }
0x4c: {  	p0 =	sne.s32 s1, $0x0;
	_ =	strace $0x90000050  }
0x4d: {  	s0 =	sadd.s32 @!p0 $0x100000, s0;
	[bflag:$0x2] =	sbarrier.arrive $0xFFFF  }
0x4e: {  	[sflag:s0] =	ssyncadd.tile.s32 @!p0 $0x1;
	_ =	shalt  }
.Lfunc_end2:
_tile_overlayer_lowered:
.L_overlay_start_2:
0x4f: {  	(tag) =	ssettag $0x2  }
0x50: {  	s0 =	rddreg [dreg:$0x0];
	s2 =	stileid.u32  }
0x51: {  	s1 =	rddreg [dreg:$0x1];
	p0 =	sne.s32 s2, $0x0  }
0x52: {  	s3 =	rddreg [dreg:$0x2];
	[bflag:$0x3] =	sbarrier.arrive $0xFFFF;
	s2 =	simm.s32 @!p0 $0x1C03  }
0x53: {  	[timem:s3], [sflag:s2] =	dma.local @!p0 [hbm:s0], s1  }
0x54: {  	s0 =	simm.s32 @!p0 $0x3  }
0x55: {  	_ =	swait.ge @!p0 [sflag:s0], s1  }
0x56: {  	s1 =	ssub.s32 @!p0 $0x0, s1;
	[sflag:s0] =	ssyncset.done @!p0 $0x0  }
0x57: {  	[sflag:s0] =	ssyncadd.s32 @!p0 s1  }
0x58: {  	[bflag:$0x3] =	sbarrier.arrive $0xFFFF  }
0x59: {  	_ =	shalt  }

// kernel: kernel.40.cloned.1.call-start
scs
__scs_entry_jumppad:
0x0: {  	(pc) =	sbr.rel $0x88, $3  }
0x1: {  	(tag) =	ssettag $0x0;
	lr =	simm.s32 $0x1  }
0x2: {  	[smem:$0x3F84] =	sst lr;
	_ =	strace $0xD0000000  }
0x3: {  	_ = 	snop  }
0x4: {  	_ = 	snop  }
0x5: {  	_ = 	snop  }
0x6: {  	_ = 	snop  }
0x7: {  	_ = 	snop  }
__scs_overlays_trampoline_lowered:
0x8: {  	[smem:$0x3F93] =	sst s0  }
0x9: {  	[smem:$0x3F94] =	sst s1  }
0xa: {  	[smem:$0x3F95] =	sst s2  }
0xb: {  	[smem:$0x3F96] =	sst s3  }
0xc: {  	[smem:$0x3F97] =	sst s4  }
0xd: {  	[smem:$0x3F98] =	sst s5  }
0xe: {  	[smem:$0x3F99] =	sst s6  }
0xf: {  	[smem:$0x3F9A] =	sst s7  }
0x10: {  	[smem:$0x3F9B] =	sst s8  }
0x11: {  	[smem:$0x3F9C] =	sst s9;
	s0 =	simm.s32 @!p0 $0x0  }
0x12: {  	s1 =	sld [smem:$0x3F82];
	s0 =	simm.s32 @p0 $0x1  }
0x13: {  	[smem:$0x3F9D] =	sst s0;
	s0 =	simm.s32 @!p1 $0x0  }
0x14: {  	s2 =	sld [smem:$0x3F81];
	s0 =	simm.s32 @p1 $0x1  }
0x15: {  	[smem:$0x3F9E] =	sst s0;
	s0 =	simm.s32 @!p2 $0x0  }
0x16: {  	s3 =	sld [smem:$0x3FDB];
	s0 =	simm.s32 @p2 $0x1  }
0x17: {  	s4 =	simm.s32 $0x1BF5;
	[smem:$0x3FA0] =	sst s0  }
0x18: {  	s0 =	sld [smem:$0x3F83];
	_ =	swait.ge [sflag:s4], $0x0  }
0x19: {  	s7 =	sld [smem:$0x3F84]  }
0x1a: {  	s8 =	sadd.s32 $0xFFFFE003, lr  }
0x1b: {  	s9 =	sadd.s32 $0xFFFFFEF7, lr;
	s5 =	simm.s32 $0xFFFFFFFF;
	p2 =	slt.u32 s8, $0xFFFFF086  }
0x1c: {  	p1 =	slt.u32 s9, $0xF7A;
	s5 =	simm.s32 @!p2 $0x0  }
0x1d: {  	s5 =	simm.s32 @p1 $0x1;
	p0 =	seq.s32 s7, s2  }
0x1e: {  	s7 =	smul.u32 @!p0 $0xF7A, s2;
	p2 =	seq.s32 @!p0 s5, $0x0  }
0x1f: {  	s9 =	smul.u32 $0xF7A, s1;
	s8 =	simm.s32 @!p0 $0x1BF5;
	p2 =	por !p2, p0  }
0x20: {  	[sflag:s8] =	ssyncset.s32 @!p0 $0xFFFFF086;
	s6 =	sadd.s32 @!p0 s3, s7;
	s7 =	simm.s32 @!p0 $0x108  }
0x21: {  	s3 =	sadd.s32 s3, s9;
	s6 =	sadd.s32 @!p0 $0x88, s6;
	s7 =	simm.s32 @p2 $0x1082  }
0x22: {  	[simem:s7], [sflag:s8] =	dma.local @!p0 [hbm:s6], $0xF7A  }
0x23: {  	s9 =	sor.u32 $0xD0000000, s2;
	s6 =	simm.s32 $0x108;
	_ =	swait.ge @!p0 [sflag:s8], $0x0  }
0x24: {  	s3 =	sadd.s32 $0x88, s3;
	s6 =	simm.s32 @!p1 $0x1082;
	[sflag:s4] =	ssyncset.s32 $0xFFFFF086  }
0x25: {  	[simem:s6], [sflag:s4] =	dma.local [hbm:s3], $0xF7A  }
0x26: {  	[smem:$0x3F84] =	sst s1;
	(tag) =	ssettag s2;
	_ =	strace s9  }
0x27: {  	s1 =	sld [smem:$0x3F94]  }
0x28: {  	s2 =	sld [smem:$0x3F95]  }
0x29: {  	s4 =	sld [smem:$0x3F97]  }
0x2a: {  	p0 =	seq.s32 s5, $0x0;
	s5 =	sld [smem:$0x3F98]  }
0x2b: {  	s6 =	sld [smem:$0x3F99]  }
0x2c: {  	s7 =	sld [smem:$0x3F9A]  }
0x2d: {  	s3 =	simm.s32 $0x108;
	s8 =	sld [smem:$0x3F9B]  }
0x2e: {  	s3 =	simm.s32 @!p0 $0x1082;
	s9 =	sld [smem:$0x3F9C]  }
0x2f: {  	lr =	sadd.s32 s0, s3;
	s0 =	sld [smem:$0x3F93]  }
0x30: {  	s3 =	sld [smem:$0x3F96]  }
0x31: {  	[smem:$0x3F9F] =	sst s10  }
0x32: {  	s10 =	sld [smem:$0x3F9D];
	_ =	sdelay $0x3  }
0x33: {  	p0 =	seq.s32 s10, $0x1;
	s10 =	sld [smem:$0x3F9F];
	_ =	sdelay $0x3  }
0x34: {  	[smem:$0x3F9F] =	sst s10  }
0x35: {  	s10 =	sld [smem:$0x3F9E];
	_ =	sdelay $0x3  }
0x36: {  	p1 =	seq.s32 s10, $0x1;
	s10 =	sld [smem:$0x3F9F];
	_ =	sdelay $0x3  }
0x37: {  	[smem:$0x3F9F] =	sst s10  }
0x38: {  	s10 =	sld [smem:$0x3FA0]  }
0x39: {  	_ = 	snop;
	(pc) =	sbr.ind lr, $3  }
0x3a: {  	_ = 	snop  }
0x3b: {  	_ = 	snop  }
0x3c: {  	p2 =	seq.s32 s10, $0x1;
	s10 =	sld [smem:$0x3F9F]  }
0x3d: {  	_ =	shalt  }
0x3e: {  	_ =	shalt  }
0x3f: {  	_ =	shalt  }
0x40: {  	_ =	shalt  }
0x41: {  	_ =	shalt  }
0x42: {  	_ =	shalt  }
0x43: {  	_ =	shalt  }
0x44: {  	_ =	shalt  }
0x45: {  	_ =	shalt  }
0x46: {  	_ =	shalt  }
0x47: {  	_ =	shalt  }
0x48: {  	_ =	shalt  }
0x49: {  	_ =	shalt  }
0x4a: {  	_ =	shalt  }
0x4b: {  	_ =	shalt  }
0x4c: {  	_ =	shalt  }
0x4d: {  	_ =	shalt  }
0x4e: {  	_ =	shalt  }
0x4f: {  	_ =	shalt  }
0x50: {  	_ =	shalt  }
0x51: {  	_ =	shalt  }
0x52: {  	_ =	shalt  }
0x53: {  	_ =	shalt  }
0x54: {  	_ =	shalt  }
0x55: {  	_ =	shalt  }
0x56: {  	_ =	shalt  }
0x57: {  	_ =	shalt  }
0x58: {  	_ =	shalt  }
0x59: {  	_ =	shalt  }
0x5a: {  	_ =	shalt  }
0x5b: {  	_ =	shalt  }
0x5c: {  	_ =	shalt  }
0x5d: {  	_ =	shalt  }
0x5e: {  	_ =	shalt  }
0x5f: {  	_ =	shalt  }
0x60: {  	_ =	shalt  }
0x61: {  	_ =	shalt  }
0x62: {  	_ =	shalt  }
0x63: {  	_ =	shalt  }
0x64: {  	_ =	shalt  }
0x65: {  	_ =	shalt  }
0x66: {  	_ =	shalt  }
0x67: {  	_ =	shalt  }
0x68: {  	_ =	shalt  }
0x69: {  	_ =	shalt  }
0x6a: {  	_ =	shalt  }
0x6b: {  	_ =	shalt  }
0x6c: {  	_ =	shalt  }
0x6d: {  	_ =	shalt  }
0x6e: {  	_ =	shalt  }
0x6f: {  	_ =	shalt  }
0x70: {  	_ =	shalt  }
0x71: {  	_ =	shalt  }
0x72: {  	_ =	shalt  }
0x73: {  	_ =	shalt  }
0x74: {  	_ =	shalt  }
0x75: {  	_ =	shalt  }
0x76: {  	_ =	shalt  }
0x77: {  	_ =	shalt  }
0x78: {  	_ =	shalt  }
0x79: {  	_ =	shalt  }
0x7a: {  	_ =	shalt  }
0x7b: {  	_ =	shalt  }
0x7c: {  	_ =	shalt  }
0x7d: {  	_ =	shalt  }
0x7e: {  	_ =	shalt  }
0x7f: {  	_ =	shalt  }
0x80: {  	_ =	shalt  }
0x81: {  	_ =	shalt  }
0x82: {  	_ =	shalt  }
0x83: {  	_ =	shalt  }
0x84: {  	_ =	shalt  }
0x85: {  	_ =	shalt  }
0x86: {  	_ =	shalt  }
0x87: {  	_ =	shalt  }
.Lfunc_end0:
.L_simem_size_0:
called_computation.4_lowered:
.L_overlay_start_0:
0x88: {  	s2 =	sld [smem:$0x3FD9]  }
0x89: {  	s3 =	sld [smem:$0x3FFE];
	_ =	sdelay $0x1  }
0x8a: {  	s1 =	srdreg.scid  }
0x8b: {  	s0 =	sand.u32 $0x1, s1  }
0x8c: {  	s17 =	sshll.u32 s0, $0xA;
	s2 =	sadd.s32 s3, s2  }
0x8d: {  	s2 =	sadd.s32 s2, s17  }
0x8e: {  	[smem:$0x3FAB] =	sst s2  }
0x8f: {  	_ = 	snop  }
0x90: {  	s2 =	sld [smem:$0x3FD0];
	(tm) =	ssettm $0x1  }
0x91: {  	s18 =	sld [smem:$0x3FFB];
	_ =	sdelay $0x3  }
0x92: {  	_ =	strace s18  }
0x93: {  	s3 =	sld [smem:$0x3FFC];
	_ =	sdelay $0x3  }
0x94: {  	_ =	strace s3  }
0x95: {  	s3 =	sld [smem:$0x3FFD];
	_ =	sdelay $0x3  }
0x96: {  	_ =	strace s3  }
0x97: {  	_ =	strace $0x8FFFFFFF  }
0x98: {  	s19 =	sld [smem:$0x3FDB];
	_ =	sdelay $0x1  }
0x99: {  	s4 =	simm.s32 $_scs_section_size  }
0x9a: {  	s5 =	simm.s32 $_size__tile_overlayer_lowered;
	s6 =	simm.s32 $_tile_overlayer_lowered  }
0x9b: {  	s22 =	simm.s32 $0x1BFF;
	s21 =	sshll.u32 s6, $0x1;
	s3 =	sadd.s32 s4, s19  }
0x9c: {  	s7 =	simm.s32 $0x0;
	s20 =	sshll.u32 s5, $0x1;
	s5 =	sadd.s32 s21, s3  }
0x9d: {  	[timem:s7], [sflag:s22] =	dma.local [hbm:s5], s20  }
0x9e: {  	_ =	swait.ge [sflag:s22], s20  }
0x9f: {  	s4 =	ssub.s32 $0x0, s20;
	[sflag:s22] =	ssyncset.done $0x0  }
0xa0: {  	[sflag:s22] =	ssyncadd.s32 s4;
	_ =	sdelay $0x1  }
0xa1: {  	s23 =	simm.s32 $0x1B8B  }
0xa2: {  	_ =	swait.ge [sflag:s23], $0x1  }
0xa3: {  	[sflag:s23] =	ssyncset.done $0x0  }
0xa4: {  	s25 =	simm.s32 $0x1B8E;
	s24 =	sld [smem:$0x3FFE];
	[sflag:s23] =	ssyncadd.s32 $0xFFFFFFFF  }
0xa5: {  	s26 =	simm.s32 $execute0_lowered;
	[smem:$0x3FD2] =	sst s25  }
0xa6: {  	s5 =	sshll.u32 s26, $0x1;
	_ =	strace $0x80000052;
	[dreg:$0x1] =	wrdreg $0xFFFFFFFF  }
0xa7: {  	s28 =	simm.s32 $_size_execute0_lowered;
	s3 =	sadd.s32 s3, s5;
	[dreg:$0x0] =	wrdreg $0x0  }
0xa8: {  	s5 =	sshll.u32 s28, $0x1;
	[dreg:$0x2] =	wrdreg s3  }
0xa9: {  	[dreg:$0x3] =	wrdreg s5  }
0xaa: {  	[dreg:$0x4] =	wrdreg $0xC0  }
0xab: {  	_ =	task [dreg:s7], $0x5FFFF  }
0xac: {  	[dreg:$0x1] =	wrdreg $0xFFFFFFFF  }
0xad: {  	[dreg:$0x0] =	wrdreg $0x60  }
0xae: {  	[dreg:$0x2] =	wrdreg s24  }
0xaf: {  	[dreg:$0x3] =	wrdreg s2  }
0xb0: {  	[dreg:$0x4] =	wrdreg $0x9  }
0xb1: {  	_ =	task.clear_ibuf [dreg:s7], $0x5FFFF;
	_ =	strace $0x90000052  }
0xb2: {  	s29 =	simm.s32 $0x9;
	_ =	strace $0x80000054  }
0xb3: {  	_ =	swait.ge [sflag:s29], $0x1  }
0xb4: {  	[sflag:s29] =	ssyncadd.s32 $0xFFFFFFFF  }
0xb5: {  	_ =	strace $0x90000054  }
0xb6: {  	_ =	sfence  }
0xb7: {  	s30 =	sld [smem:$0x0];
	_ =	sdelay $0x2  }
0xb8: {  	s31 =	sshll.u32 s1, $0xD;
	s1 =	sshrl.u32 s1, $0x2  }
0xb9: {  	s3 =	sand.u32 $0x4000, s31;
	s1 =	sadd.s32 s1, s30  }
0xba: {  	s0 =	sor.u32 s3, s0;
	s1 =	sshll.u32 s1, $0x11  }
0xbb: {  	s0 =	sor.u32 s1, s0  }
0xbc: {  	s0 =	sadd.s32 $0x8F2B, s0  }
0xbd: {  	[sflag:s0] =	ssyncadd.remote.s32 $0x1  }
0xbe: {  	_ =	sfence.sel $0xFFFF  }
0xbf: {  	[dreg:$0x0] =	wrdreg $0xFFFFFFFF;
	(pc) =	sbr.abs _section_cstart, $3  }
0xc0: {  	[dreg:$0x1] =	wrdreg $0xFFFFFFFF  }
0xc1: {  	_ =	task.clear_ibuf [dreg:s7], $0x2FFFF;
	_ =	strace $0x9FFFFFFF  }
0xc2: {  	(tm) =	ssettm $0x7FFFFFFF  }
0xc3: {  	_ =	shalt  }
tec
execute0_lowered:
.L_overlay_start_1:
0x0: {  	(tag) =	ssettag $0x1  }
0x1: {  	s7 =	rddreg [dreg:$0x0]  }
0x2: {  	s2 =	rddreg [dreg:$0x1]  }
0x3: {  	s4 =	srdreg.scid;
	s1 =	stileid.u32  }
0x4: {  	s0 =	rddreg [dreg:$0x2];
	s5 =	sand.u32 $0x1, s4;
	s29 =	sshll.u32 s1, $0x1  }
0x5: {  	s3 =	simm.s32 $0x0;
	s13 =	simm.s32 $0x20C0;
	s8 =	sor.u32 s5, s29  }
0x6: {  	s14 =	simm.s32 $0x0;
	[smem:$0x7FF] =	sst s3;
	s9 =	smul.u32 $0x9C8, s8  }
0x7: {  	s4 =	sadd.s32 $0x618A00, s7;
	s10 =	ssub.s32 $0x2, s5;
	s11 =	smul.u32 $0x139, s8  }
.Ltmp0:
0x8: {  	s6 =	sadd.s32 $0x49000, s7;
	s12 =	sshrl.u32 s10, $0x1;
	(pc) =	sbr.rel .LBB2_1-.Ltmp0, $4  }
0x9: {  	_ =	strace $0x80000053;
	s5 =	sadd.s32 $0x16400, s7;
	s30 =	ssub.s32 s10, s12  }
0xa: {  	v3 =	vimm.f32 $0.0e+00;
	v4 =	vlaneseq.u32;
	s12 =	simm.s32 $0xC0;
	s7 =	sadd.s32 s9, s7;
	s31 =	smin.u32 s11, $0x25D7  }
0xb: {  	v5 =	vor.u32 $0x10, v4;
	v6 =	vor.u32 $0x20, v4;
	v0 =	vmov s8;
	s8 =	smax.u32 s30, $0x1;
	s9 =	simm.s32 $0x80;
	s10 =	sadd.s32 $0x139, s31  }
0xc: {  	v7 =	vor.u32 $0x30, v4;
	v1 =	vmov s11;
	s11 =	simm.s32 $0xA0;
	s7 =	sadd.s32 $0x20200, s7;
	v2 =	vmov s10;
	s10 =	simm.s32 $0x1  }
.LBB2_7:
0xd: {  	s14 =	sadd.s32 $0x1, s14  }
0xe: {  	p0 =	sne.s32 s14, s8  }
.Ltmp1:
0xf: {  	_ = 	snop;
	(pc) =	sbr.rel @!p0 .LBB2_8-.Ltmp1, $4  }
0x10: {  	[hbm4b:s7+s3] =	stream.linear.scatter [tilespmem:s13], [sflag:$0x1], $0x4E40, $0x38;
	[tilespmem:$0x70C0] =	vst v63  }
0x11: {  	_ =	swait.ge [sflag:s10], $0x4E40  }
0x12: {  	[sflag:s10] =	ssyncset.done $0x0  }
0x13: {  	[sflag:s10] =	ssyncadd.s32 $0xFFFFB1C0  }
.LBB2_1:
0x14: {  	s16 =	simm.s32 $0x100;
	s15 =	simm.s32 $0x0  }
.LBB2_2:
0x15: {  	p0 =	sne.s32 s16, $0x13F00;
	[tilespmem:s15+$0x20F0] =	vst v3;
	s17 =	smov.u32 s16;
	s16 =	sadd.s32 $0x100, s16  }
.Ltmp2:
0x16: {  	[tilespmem:s15+$0x20E0] =	vst v3;
	(pc) =	sbr.rel @p0 .LBB2_2-.Ltmp2, $3  }
0x17: {  	[tilespmem:s15+$0x20C0] =	vst v3  }
0x18: {  	[tilespmem:s15+$0x20D0] =	vst v3;
	_ =	sdelay $0x1  }
0x19: {  	s15 =	sshra.s32 s17, $0x2  }
0x1a: {  	[tilespmem:s15+$0x20F0] =	vst v3  }
0x1b: {  	[tilespmem:s15+$0x20E0] =	vst v3  }
0x1c: {  	[tilespmem:s15+$0x20C0] =	vst v3  }
0x1d: {  	[tilespmem:s15+$0x20D0] =	vst v3;
	s15 =	simm.s32 $0x0  }
0x1e: {  	[tilespmem:s9], [sflag:$0x1] =	stream.linear.gather [hbm4b:s6+s15], $0x20, $0x38;
	[tilespmem:$0x70C0] =	vst v63  }
0x1f: {  	_ =	swait.ge [sflag:s10], $0x20  }
0x20: {  	[sflag:s10] =	ssyncset.done $0x0  }
0x21: {  	[sflag:s10] =	ssyncadd.s32 $0xFFFFFFE0  }
0x22: {  	[tilespmem:s11], [sflag:$0x1] =	stream.linear.gather [hbm4b:s2+s15], $0x20, $0x38;
	[tilespmem:$0x70C0] =	vst v63  }
0x23: {  	_ =	swait.ge [sflag:s10], $0x20  }
0x24: {  	[sflag:s10] =	ssyncset.done $0x0  }
0x25: {  	[sflag:s10] =	ssyncadd.s32 $0xFFFFFFE0  }
0x26: {  	v8 =	vld.idx.msk [tilespmem:v0+s9+$0x0], $0xffff  }
0x27: {  	v9 =	vld.idx.msk [tilespmem:v0+s11+$0x0], $0xffff;
	_ =	sdelay $0x3  }
0x28: {  	v8 =	vxor.u32 $0x80000000, v8  }
0x29: {  	(xrf0) =	vmax.scan.msk.u32 $0xffff, v8;
	v8 =	vxor.u32 $0x80000000, v9  }
0x2a: {  	(xrf0) =	vmax.scan.msk.u32 $0xffff, v8;
	_ =	sdelay $0x4  }
0x2b: {  	v8, _, _ =	vpop (xrf0)  }
0x2c: {  	(v2sf) =	vpush v8, $0xF;
	v8, _, _ =	vpop (xrf0)  }
0x2d: {  	(v2sf) =	vpush v8, $0xF;
	_ =	sdelay $0xd  }
0x2e: {  	s16 =	spop (v2sf)  }
0x2f: {  	s17 =	spop (v2sf)  }
0x30: {  	s17 =	sxor.u32 $0x80000000, s17  }
0x31: {  	p0 =	slt.s32 s17, $0x1  }
.Ltmp3:
0x32: {  	_ = 	snop;
	(pc) =	sbr.rel @p0 .LBB2_7-.Ltmp3, $2  }
0x33: {  	_ =	sdelay $0x2  }
0x34: {  	s18 =	simm.s32 $0x0  }
.LBB2_4:
0x35: {  	s19 =	sadd.s32 s16, s18  }
0x36: {  	s20 =	sshll.u32 s19, $0x4  }
0x37: {  	s20 =	sand.u32 $0x1FFFFFF0, s20  }
0x38: {  	s20 =	sadd.s32 s5, s20  }
0x39: {  	[tilespmem:s15], [sflag:$0x1] =	stream.linear.gather [hbm4b:s20+s15], $0x80, $0x38;
	[tilespmem:$0x70C0] =	vst v63  }
0x3a: {  	s19 =	sshll.u32 s19, $0xA;
	_ =	swait.ge [sflag:s10], $0x80  }
0x3b: {  	s19 =	sand.u32 $0x1FFFFC00, s19;
	[sflag:s10] =	ssyncset.done $0x0  }
0x3c: {  	v8 =	vmov s15;
	s19 =	sadd.s32 s4, s19;
	[sflag:s10] =	ssyncadd.s32 $0xFFFFFF80  }
0x3d: {  	[tilespmem:s12], [sflag:$0x1] =	stream.linear.gather [hbm4b:s19+s15], $0x2000, $0x38;
	[tilespmem:$0x70C0] =	vst v63  }
0x3e: {  	_ =	swait.ge [sflag:s10], $0x2000  }
0x3f: {  	[sflag:s10] =	ssyncset.done $0x0  }
0x40: {  	[sflag:s10] =	ssyncadd.s32 $0xFFFFE000  }
0x41: {  	v8 =	vld.idx.msk [tilespmem:v8+s3+$0x0], $0xffff;
	_ =	sdelay $0x4  }
0x42: {  	vm0 =	vge.s32 v8, v1;
	vm1 =	vlt.s32 v8, v2;
	v8 =	vsub.s32 v8, v1  }
0x43: {  	vm0 =	vmand vm0, vm1;
	v8 =	vshll.u32 v8, $0x6  }
0x44: {  	v8 =	vnsel vm0, $0x4F00, v8  }
0x45: {  	v9 =	vor.u32 v4, v8;
	_ =	sdelay $0x2  }
0x46: {  	s19 =	simm.s32 $0xE0  }
0x47: {  	v11 =	vld [tilespmem:s19+$0xFFFFFFE0]  }
0x48: {  	v10 =	vld.idx.msk [tilespmem:v9+s13+$0x0], $0xffff;
	_ =	sdelay $0x2  }
0x49: {  	v12 =	vor.u32 v5, v8;
	_ =	sdelay $0x1  }
0x4a: {  	v10 =	vadd.f32 v10, v11;
	_ =	sdelay $0x1  }
0x4b: {  	[tilespmem:v9+s13+$0x0] =	vst.idx.msk $0xffff, v10  }
0x4c: {  	v9 =	vld.idx.msk [tilespmem:v12+s13+$0x0], $0xffff  }
0x4d: {  	v10 =	vld [tilespmem:s19+$0xFFFFFFF0];
	_ =	sdelay $0x2  }
0x4e: {  	v11 =	vor.u32 v6, v8;
	_ =	sdelay $0x1  }
0x4f: {  	v9 =	vadd.f32 v9, v10;
	_ =	sdelay $0x1  }
0x50: {  	[tilespmem:v12+s13+$0x0] =	vst.idx.msk $0xffff, v9  }
0x51: {  	v9 =	vld.idx.msk [tilespmem:v11+s13+$0x0], $0xffff  }
0x52: {  	v10 =	vld [tilespmem:s19+$0x0];
	_ =	sdelay $0x2  }
0x53: {  	v8 =	vor.u32 v7, v8;
	_ =	sdelay $0x1  }
0x54: {  	v9 =	vadd.f32 v9, v10;
	_ =	sdelay $0x1  }
0x55: {  	[tilespmem:v11+s13+$0x0] =	vst.idx.msk $0xffff, v9  }
0x56: {  	v10 =	vld.idx.msk [tilespmem:v8+s13+$0x0], $0xffff  }
0x57: {  	v11 =	vld [tilespmem:s19+$0x10];
	_ =	sdelay $0x1  }
0x58: {  	s21 =	simm.s32 $0x1  }
0x59: {  	v9 =	vmov s21;
	_ =	sdelay $0x1  }
0x5a: {  	s20 =	simm.s32 $0x2;
	v10 =	vadd.f32 v10, v11  }
.LBB2_5:
0x5b: {  	p0 =	sne.s32 s20, $0x7F  }
0x5c: {  	s19 =	sadd.s32 $0x40, s19;
	s21 =	smov.u32 s20;
	s20 =	sadd.s32 $0x1, s20;
	[tilespmem:v8+s13+$0x0] =	vst.idx.msk $0xffff, v10  }
0x5d: {  	v8 =	vld.idx.msk [tilespmem:v9+s3+$0x0], $0xffff;
	_ =	sdelay $0x5  }
0x5e: {  	vm0 =	vge.s32 v8, v1;
	vm1 =	vlt.s32 v8, v2;
	v8 =	vsub.s32 v8, v1  }
0x5f: {  	vm0 =	vmand vm0, vm1;
	v8 =	vshll.u32 v8, $0x6  }
0x60: {  	v8 =	vnsel vm0, $0x4F00, v8  }
0x61: {  	v9 =	vor.u32 v4, v8;
	_ =	sdelay $0x4  }
0x62: {  	v10 =	vld.idx.msk [tilespmem:v9+s13+$0x0], $0xffff  }
0x63: {  	v11 =	vld [tilespmem:s19+$0xFFFFFFE0];
	_ =	sdelay $0x2  }
0x64: {  	v12 =	vor.u32 v5, v8;
	_ =	sdelay $0x1  }
0x65: {  	v10 =	vadd.f32 v10, v11;
	_ =	sdelay $0x1  }
0x66: {  	[tilespmem:v9+s13+$0x0] =	vst.idx.msk $0xffff, v10  }
0x67: {  	v9 =	vld.idx.msk [tilespmem:v12+s13+$0x0], $0xffff  }
0x68: {  	v10 =	vld [tilespmem:s19+$0xFFFFFFF0];
	_ =	sdelay $0x2  }
0x69: {  	v11 =	vor.u32 v6, v8;
	_ =	sdelay $0x1  }
0x6a: {  	v9 =	vadd.f32 v9, v10;
	_ =	sdelay $0x1  }
0x6b: {  	[tilespmem:v12+s13+$0x0] =	vst.idx.msk $0xffff, v9  }
0x6c: {  	v9 =	vld.idx.msk [tilespmem:v11+s13+$0x0], $0xffff  }
0x6d: {  	v10 =	vld [tilespmem:s19+$0x0];
	_ =	sdelay $0x2  }
0x6e: {  	v8 =	vor.u32 v7, v8;
	_ =	sdelay $0x1  }
0x6f: {  	v9 =	vadd.f32 v9, v10;
	_ =	sdelay $0x1  }
0x70: {  	[tilespmem:v11+s13+$0x0] =	vst.idx.msk $0xffff, v9  }
0x71: {  	v10 =	vld.idx.msk [tilespmem:v8+s13+$0x0], $0xffff  }
0x72: {  	v11 =	vld [tilespmem:s19+$0x10]  }
.Ltmp4:
0x73: {  	(pc) =	sbr.rel @p0 .LBB2_5-.Ltmp4, $3  }
0x74: {  	_ = 	snop  }
0x75: {  	v9 =	vmov s21;
	_ =	sdelay $0x1  }
0x76: {  	v10 =	vadd.f32 v10, v11  }
0x77: {  	_ =	sdelay $0x3  }
0x78: {  	[tilespmem:v8+s13+$0x0] =	vst.idx.msk $0xffff, v10  }
0x79: {  	v8 =	vld.idx.msk [tilespmem:v9+s3+$0x0], $0xffff;
	_ =	sdelay $0x4  }
0x7a: {  	vm0 =	vge.s32 v8, v1;
	vm1 =	vlt.s32 v8, v2;
	v8 =	vsub.s32 v8, v1  }
0x7b: {  	vm0 =	vmand vm0, vm1;
	v8 =	vshll.u32 v8, $0x6  }
0x7c: {  	v8 =	vnsel vm0, $0x4F00, v8  }
0x7d: {  	v60 =	vor.u32 v4, v8;
	_ =	sdelay $0x2  }
0x7e: {  	s19 =	sadd.s32 $0x40, s19  }
0x7f: {  	v11 =	vld [tilespmem:s19+$0xFFFFFFE0]  }
0x80: {  	v10 =	vld.idx.msk [tilespmem:v60+s13+$0x0], $0xffff;
	_ =	sdelay $0x2  }
0x81: {  	v12 =	vor.u32 v5, v8;
	_ =	sdelay $0x1  }
0x82: {  	v10 =	vadd.f32 v10, v11;
	_ =	sdelay $0x1  }
0x83: {  	[tilespmem:v60+s13+$0x0] =	vst.idx.msk $0xffff, v10  }
0x84: {  	v9 =	vld.idx.msk [tilespmem:v12+s13+$0x0], $0xffff  }
0x85: {  	v10 =	vld [tilespmem:s19+$0xFFFFFFF0];
	_ =	sdelay $0x2  }
0x86: {  	v61 =	vor.u32 v6, v8;
	_ =	sdelay $0x1  }
0x87: {  	v9 =	vadd.f32 v9, v10;
	_ =	sdelay $0x1  }
0x88: {  	[tilespmem:v12+s13+$0x0] =	vst.idx.msk $0xffff, v9  }
0x89: {  	v9 =	vld.idx.msk [tilespmem:v61+s13+$0x0], $0xffff  }
0x8a: {  	v62 =	vld [tilespmem:s19+$0x0];
	_ =	sdelay $0x2  }
0x8b: {  	v8 =	vor.u32 v7, v8;
	_ =	sdelay $0x1  }
0x8c: {  	v9 =	vadd.f32 v9, v62;
	_ =	sdelay $0x1  }
0x8d: {  	[tilespmem:v61+s13+$0x0] =	vst.idx.msk $0xffff, v9  }
0x8e: {  	v9 =	vld.idx.msk [tilespmem:v8+s13+$0x0], $0xffff  }
0x8f: {  	v63 =	vld [tilespmem:s19+$0x10]  }
0x90: {  	s18 =	sadd.s32 $0x1, s18  }
0x91: {  	p0 =	sne.s32 s18, s17  }
.Ltmp5:
0x92: {  	_ = 	snop;
	(pc) =	sbr.rel @p0 .LBB2_4-.Ltmp5, $4  }
.Ltmp6:
0x93: {  	_ = 	snop;
	(pc) =	sbr.rel @!p0 .LBB2_7-.Ltmp6, $4  }
0x94: {  	v9 =	vadd.f32 v9, v63  }
0x95: {  	_ = 	snop  }
0x96: {  	[tilespmem:v8+s13+$0x0] =	vst.idx.msk $0xffff, v9  }
0x97: {  	_ = 	snop  }
.LBB2_8:
0x98: {  	_ =	sfence.sel $0x180000  }
0x99: {  	[bflag:$0x0] =	sbarrier.arrive $0xFFFF  }
0x9a: {  	p0 =	sne.s32 s1, $0x0;
	_ =	strace $0x90000053  }
0x9b: {  	s0 =	sadd.s32 @!p0 $0x100000, s0;
	[bflag:$0x2] =	sbarrier.arrive $0xFFFF  }
0x9c: {  	[sflag:s0] =	ssyncadd.tile.s32 @!p0 $0x1;
	_ =	shalt  }
.Lfunc_end2:
_tile_overlayer_lowered:
.L_overlay_start_2:
0x9d: {  	(tag) =	ssettag $0x2  }
0x9e: {  	s0 =	rddreg [dreg:$0x0];
	s2 =	stileid.u32  }
0x9f: {  	s1 =	rddreg [dreg:$0x1];
	p0 =	sne.s32 s2, $0x0  }
0xa0: {  	s3 =	rddreg [dreg:$0x2];
	[bflag:$0x3] =	sbarrier.arrive $0xFFFF;
	s2 =	simm.s32 @!p0 $0x1C01  }
0xa1: {  	[timem:s3], [sflag:s2] =	dma.local @!p0 [hbm:s0], s1  }
0xa2: {  	s0 =	simm.s32 @!p0 $0x1  }
0xa3: {  	_ =	swait.ge @!p0 [sflag:s0], s1  }
0xa4: {  	s1 =	ssub.s32 @!p0 $0x0, s1;
	[sflag:s0] =	ssyncset.done @!p0 $0x0  }
0xa5: {  	[sflag:s0] =	ssyncadd.s32 @!p0 s1  }
0xa6: {  	[bflag:$0x3] =	sbarrier.arrive $0xFFFF  }
0xa7: {  	_ =	shalt  }

// kernel: kernel.43.cloned.1.call-start
scs
__scs_entry_jumppad:
0x0: {  	(pc) =	sbr.rel $0x88, $3  }
0x1: {  	(tag) =	ssettag $0x0;
	lr =	simm.s32 $0x1  }
0x2: {  	[smem:$0x3F84] =	sst lr;
	_ =	strace $0xD0000000  }
0x3: {  	_ = 	snop  }
0x4: {  	_ = 	snop  }
0x5: {  	_ = 	snop  }
0x6: {  	_ = 	snop  }
0x7: {  	_ = 	snop  }
__scs_overlays_trampoline_lowered:
0x8: {  	[smem:$0x3F93] =	sst s0  }
0x9: {  	[smem:$0x3F94] =	sst s1  }
0xa: {  	[smem:$0x3F95] =	sst s2  }
0xb: {  	[smem:$0x3F96] =	sst s3  }
0xc: {  	[smem:$0x3F97] =	sst s4  }
0xd: {  	[smem:$0x3F98] =	sst s5  }
0xe: {  	[smem:$0x3F99] =	sst s6  }
0xf: {  	[smem:$0x3F9A] =	sst s7  }
0x10: {  	[smem:$0x3F9B] =	sst s8  }
0x11: {  	[smem:$0x3F9C] =	sst s9;
	s0 =	simm.s32 @!p0 $0x0  }
0x12: {  	s1 =	sld [smem:$0x3F82];
	s0 =	simm.s32 @p0 $0x1  }
0x13: {  	[smem:$0x3F9D] =	sst s0;
	s0 =	simm.s32 @!p1 $0x0  }
0x14: {  	s2 =	sld [smem:$0x3F81];
	s0 =	simm.s32 @p1 $0x1  }
0x15: {  	[smem:$0x3F9E] =	sst s0;
	s0 =	simm.s32 @!p2 $0x0  }
0x16: {  	s3 =	sld [smem:$0x3FDB];
	s0 =	simm.s32 @p2 $0x1  }
0x17: {  	s4 =	simm.s32 $0x1BF5;
	[smem:$0x3FA0] =	sst s0  }
0x18: {  	s0 =	sld [smem:$0x3F83];
	_ =	swait.ge [sflag:s4], $0x0  }
0x19: {  	s7 =	sld [smem:$0x3F84]  }
0x1a: {  	s8 =	sadd.s32 $0xFFFFE003, lr  }
0x1b: {  	s9 =	sadd.s32 $0xFFFFFEF7, lr;
	s5 =	simm.s32 $0xFFFFFFFF;
	p2 =	slt.u32 s8, $0xFFFFF086  }
0x1c: {  	p1 =	slt.u32 s9, $0xF7A;
	s5 =	simm.s32 @!p2 $0x0  }
0x1d: {  	s5 =	simm.s32 @p1 $0x1;
	p0 =	seq.s32 s7, s2  }
0x1e: {  	s7 =	smul.u32 @!p0 $0xF7A, s2;
	p2 =	seq.s32 @!p0 s5, $0x0  }
0x1f: {  	s9 =	smul.u32 $0xF7A, s1;
	s8 =	simm.s32 @!p0 $0x1BF5;
	p2 =	por !p2, p0  }
0x20: {  	[sflag:s8] =	ssyncset.s32 @!p0 $0xFFFFF086;
	s6 =	sadd.s32 @!p0 s3, s7;
	s7 =	simm.s32 @!p0 $0x108  }
0x21: {  	s3 =	sadd.s32 s3, s9;
	s6 =	sadd.s32 @!p0 $0x88, s6;
	s7 =	simm.s32 @p2 $0x1082  }
0x22: {  	[simem:s7], [sflag:s8] =	dma.local @!p0 [hbm:s6], $0xF7A  }
0x23: {  	s9 =	sor.u32 $0xD0000000, s2;
	s6 =	simm.s32 $0x108;
	_ =	swait.ge @!p0 [sflag:s8], $0x0  }
0x24: {  	s3 =	sadd.s32 $0x88, s3;
	s6 =	simm.s32 @!p1 $0x1082;
	[sflag:s4] =	ssyncset.s32 $0xFFFFF086  }
0x25: {  	[simem:s6], [sflag:s4] =	dma.local [hbm:s3], $0xF7A  }
0x26: {  	[smem:$0x3F84] =	sst s1;
	(tag) =	ssettag s2;
	_ =	strace s9  }
0x27: {  	s1 =	sld [smem:$0x3F94]  }
0x28: {  	s2 =	sld [smem:$0x3F95]  }
0x29: {  	s4 =	sld [smem:$0x3F97]  }
0x2a: {  	p0 =	seq.s32 s5, $0x0;
	s5 =	sld [smem:$0x3F98]  }
0x2b: {  	s6 =	sld [smem:$0x3F99]  }
0x2c: {  	s7 =	sld [smem:$0x3F9A]  }
0x2d: {  	s3 =	simm.s32 $0x108;
	s8 =	sld [smem:$0x3F9B]  }
0x2e: {  	s3 =	simm.s32 @!p0 $0x1082;
	s9 =	sld [smem:$0x3F9C]  }
0x2f: {  	lr =	sadd.s32 s0, s3;
	s0 =	sld [smem:$0x3F93]  }
0x30: {  	s3 =	sld [smem:$0x3F96]  }
0x31: {  	[smem:$0x3F9F] =	sst s10  }
0x32: {  	s10 =	sld [smem:$0x3F9D];
	_ =	sdelay $0x3  }
0x33: {  	p0 =	seq.s32 s10, $0x1;
	s10 =	sld [smem:$0x3F9F];
	_ =	sdelay $0x3  }
0x34: {  	[smem:$0x3F9F] =	sst s10  }
0x35: {  	s10 =	sld [smem:$0x3F9E];
	_ =	sdelay $0x3  }
0x36: {  	p1 =	seq.s32 s10, $0x1;
	s10 =	sld [smem:$0x3F9F];
	_ =	sdelay $0x3  }
0x37: {  	[smem:$0x3F9F] =	sst s10  }
0x38: {  	s10 =	sld [smem:$0x3FA0]  }
0x39: {  	_ = 	snop;
	(pc) =	sbr.ind lr, $3  }
0x3a: {  	_ = 	snop  }
0x3b: {  	_ = 	snop  }
0x3c: {  	p2 =	seq.s32 s10, $0x1;
	s10 =	sld [smem:$0x3F9F]  }
0x3d: {  	_ =	shalt  }
0x3e: {  	_ =	shalt  }
0x3f: {  	_ =	shalt  }
0x40: {  	_ =	shalt  }
0x41: {  	_ =	shalt  }
0x42: {  	_ =	shalt  }
0x43: {  	_ =	shalt  }
0x44: {  	_ =	shalt  }
0x45: {  	_ =	shalt  }
0x46: {  	_ =	shalt  }
0x47: {  	_ =	shalt  }
0x48: {  	_ =	shalt  }
0x49: {  	_ =	shalt  }
0x4a: {  	_ =	shalt  }
0x4b: {  	_ =	shalt  }
0x4c: {  	_ =	shalt  }
0x4d: {  	_ =	shalt  }
0x4e: {  	_ =	shalt  }
0x4f: {  	_ =	shalt  }
0x50: {  	_ =	shalt  }
0x51: {  	_ =	shalt  }
0x52: {  	_ =	shalt  }
0x53: {  	_ =	shalt  }
0x54: {  	_ =	shalt  }
0x55: {  	_ =	shalt  }
0x56: {  	_ =	shalt  }
0x57: {  	_ =	shalt  }
0x58: {  	_ =	shalt  }
0x59: {  	_ =	shalt  }
0x5a: {  	_ =	shalt  }
0x5b: {  	_ =	shalt  }
0x5c: {  	_ =	shalt  }
0x5d: {  	_ =	shalt  }
0x5e: {  	_ =	shalt  }
0x5f: {  	_ =	shalt  }
0x60: {  	_ =	shalt  }
0x61: {  	_ =	shalt  }
0x62: {  	_ =	shalt  }
0x63: {  	_ =	shalt  }
0x64: {  	_ =	shalt  }
0x65: {  	_ =	shalt  }
0x66: {  	_ =	shalt  }
0x67: {  	_ =	shalt  }
0x68: {  	_ =	shalt  }
0x69: {  	_ =	shalt  }
0x6a: {  	_ =	shalt  }
0x6b: {  	_ =	shalt  }
0x6c: {  	_ =	shalt  }
0x6d: {  	_ =	shalt  }
0x6e: {  	_ =	shalt  }
0x6f: {  	_ =	shalt  }
0x70: {  	_ =	shalt  }
0x71: {  	_ =	shalt  }
0x72: {  	_ =	shalt  }
0x73: {  	_ =	shalt  }
0x74: {  	_ =	shalt  }
0x75: {  	_ =	shalt  }
0x76: {  	_ =	shalt  }
0x77: {  	_ =	shalt  }
0x78: {  	_ =	shalt  }
0x79: {  	_ =	shalt  }
0x7a: {  	_ =	shalt  }
0x7b: {  	_ =	shalt  }
0x7c: {  	_ =	shalt  }
0x7d: {  	_ =	shalt  }
0x7e: {  	_ =	shalt  }
0x7f: {  	_ =	shalt  }
0x80: {  	_ =	shalt  }
0x81: {  	_ =	shalt  }
0x82: {  	_ =	shalt  }
0x83: {  	_ =	shalt  }
0x84: {  	_ =	shalt  }
0x85: {  	_ =	shalt  }
0x86: {  	_ =	shalt  }
0x87: {  	_ =	shalt  }
.Lfunc_end0:
.L_simem_size_0:
called_computation.5_lowered:
.L_overlay_start_0:
0x88: {  	s2 =	sld [smem:$0x3FD9]  }
0x89: {  	s3 =	sld [smem:$0x3FFE];
	_ =	sdelay $0x1  }
0x8a: {  	s1 =	srdreg.scid  }
0x8b: {  	s0 =	sand.u32 $0x1, s1  }
0x8c: {  	s16 =	sshll.u32 s0, $0xA;
	s2 =	sadd.s32 s3, s2  }
0x8d: {  	s2 =	sadd.s32 s2, s16  }
0x8e: {  	[smem:$0x3FAB] =	sst s2  }
0x8f: {  	_ = 	snop  }
0x90: {  	(tm) =	ssettm $0x1  }
0x91: {  	s17 =	sld [smem:$0x3FFB];
	_ =	sdelay $0x3  }
0x92: {  	_ =	strace s17  }
0x93: {  	s2 =	sld [smem:$0x3FFC];
	_ =	sdelay $0x3  }
0x94: {  	_ =	strace s2  }
0x95: {  	s2 =	sld [smem:$0x3FFD];
	_ =	sdelay $0x3  }
0x96: {  	_ =	strace s2  }
0x97: {  	_ =	strace $0x8FFFFFFF  }
0x98: {  	s18 =	sld [smem:$0x3FDB];
	_ =	sdelay $0x1  }
0x99: {  	s19 =	simm.s32 $_scs_section_size  }
0x9a: {  	s4 =	simm.s32 $_size__tile_overlayer_lowered;
	s5 =	simm.s32 $_tile_overlayer_lowered  }
0x9b: {  	s22 =	simm.s32 $0x1BFF;
	s21 =	sshll.u32 s5, $0x1;
	s2 =	sadd.s32 s19, s18  }
0x9c: {  	s6 =	simm.s32 $0x0;
	s20 =	sshll.u32 s4, $0x1;
	s4 =	sadd.s32 s21, s2  }
0x9d: {  	[timem:s6], [sflag:s22] =	dma.local [hbm:s4], s20  }
0x9e: {  	_ =	swait.ge [sflag:s22], s20  }
0x9f: {  	s3 =	ssub.s32 $0x0, s20;
	[sflag:s22] =	ssyncset.done $0x0  }
0xa0: {  	[sflag:s22] =	ssyncadd.s32 s3;
	_ =	sdelay $0x1  }
0xa1: {  	s23 =	simm.s32 $0x1B8B  }
0xa2: {  	_ =	swait.ge [sflag:s23], $0x1  }
0xa3: {  	[sflag:s23] =	ssyncset.done $0x0  }
0xa4: {  	s25 =	simm.s32 $0x1B8E;
	s24 =	sld [smem:$0x3FFE];
	[sflag:s23] =	ssyncadd.s32 $0xFFFFFFFF  }
0xa5: {  	s26 =	simm.s32 $execute0_lowered;
	[smem:$0x3FD2] =	sst s25  }
0xa6: {  	s4 =	sshll.u32 s26, $0x1;
	_ =	strace $0x80000055;
	[dreg:$0x1] =	wrdreg $0xFFFFFFFF  }
0xa7: {  	s28 =	simm.s32 $_size_execute0_lowered;
	s2 =	sadd.s32 s2, s4;
	[dreg:$0x0] =	wrdreg $0x0  }
0xa8: {  	s4 =	sshll.u32 s28, $0x1;
	[dreg:$0x2] =	wrdreg s2  }
0xa9: {  	[dreg:$0x3] =	wrdreg s4  }
0xaa: {  	[dreg:$0x4] =	wrdreg $0xC0  }
0xab: {  	_ =	task [dreg:s6], $0x5FFFF  }
0xac: {  	[dreg:$0x1] =	wrdreg $0xFFFFFFFF  }
0xad: {  	[dreg:$0x0] =	wrdreg $0x60  }
0xae: {  	[dreg:$0x2] =	wrdreg s24  }
0xaf: {  	[dreg:$0x3] =	wrdreg $0x9  }
0xb0: {  	_ =	task.clear_ibuf [dreg:s6], $0x4FFFF;
	_ =	strace $0x90000055  }
0xb1: {  	s29 =	simm.s32 $0x9;
	_ =	strace $0x80000057  }
0xb2: {  	_ =	swait.ge [sflag:s29], $0x1  }
0xb3: {  	[sflag:s29] =	ssyncadd.s32 $0xFFFFFFFF  }
0xb4: {  	_ =	strace $0x90000057  }
0xb5: {  	_ =	sfence  }
0xb6: {  	s30 =	sld [smem:$0x0];
	_ =	sdelay $0x2  }
0xb7: {  	s31 =	sshll.u32 s1, $0xD;
	s1 =	sshrl.u32 s1, $0x2  }
0xb8: {  	s3 =	sand.u32 $0x4000, s31;
	s1 =	sadd.s32 s1, s30  }
0xb9: {  	s0 =	sor.u32 s3, s0;
	s1 =	sshll.u32 s1, $0x11  }
0xba: {  	s0 =	sor.u32 s1, s0  }
0xbb: {  	s0 =	sadd.s32 $0x8F2B, s0  }
0xbc: {  	[sflag:s0] =	ssyncadd.remote.s32 $0x1  }
0xbd: {  	_ =	sfence.sel $0xFFFF  }
0xbe: {  	[dreg:$0x0] =	wrdreg $0xFFFFFFFF;
	(pc) =	sbr.abs _section_cstart, $3  }
0xbf: {  	[dreg:$0x1] =	wrdreg $0xFFFFFFFF  }
0xc0: {  	_ =	task.clear_ibuf [dreg:s6], $0x2FFFF;
	_ =	strace $0x9FFFFFFF  }
0xc1: {  	(tm) =	ssettm $0x7FFFFFFF  }
tec
execute0_lowered:
.L_overlay_start_1:
0x0: {  	(tag) =	ssettag $0x1  }
0x1: {  	s1 =	srdreg.scid  }
0x2: {  	s0 =	stileid.u32;
	s3 =	rddreg [dreg:$0x0]  }
0x3: {  	s2 =	simm.s32 $0x0;
	s4 =	sand.u32 $0x1, s1;
	s5 =	sshll.u32 s0, $0x1  }
0x4: {  	s9 =	simm.s32 $0x5140;
	s1 =	rddreg [dreg:$0x1];
	s5 =	sor.u32 s4, s5  }
0x5: {  	s10 =	simm.s32 $0x0;
	[smem:$0x7FF] =	sst s2;
	s6 =	smul.u32 $0xA00, s5  }
0x6: {  	s4 =	ssub.s32 $0x2, s4;
	s7 =	smul.u32 $0x28, s5;
	s5 =	sshll.u32 s5, $0xC  }
0x7: {  	_ =	strace $0x80000056;
	s31 =	sshrl.u32 s4, $0x1;
	s5 =	sadd.s32 s5, s3  }
0x8: {  	s8 =	ssub.s32 s4, s31;
	s6 =	sadd.s32 s6, s3;
	s7 =	sadd.s32 s7, s3  }
0x9: {  	v0 =	vimm.f32 $-Inf;
	v1 =	vlaneseq.u32;
	s5 =	sadd.s32 $0x49200, s5;
	s3 =	sadd.s32 $0x20200, s6;
	s4 =	sadd.s32 $0x48800, s7  }
0xa: {  	v2 =	vor.u32 $0x10, v1;
	v3 =	vor.u32 $0x20, v1;
	v4 =	vor.u32 $0x30, v1;
	s6 =	smax.u32 s8, $0x1;
	s7 =	simm.s32 $0x1;
	s8 =	simm.s32 $0x5000  }
.LBB2_1:
0xb: {  	[tilespmem:s2], [sflag:$0x1] =	stream.linear.gather [hbm4b:s3+s2], $0x5000, $0x38;
	[tilespmem:$0xD340] =	vst v63  }
0xc: {  	_ =	swait.ge [sflag:s7], $0x5000  }
0xd: {  	[sflag:s7] =	ssyncset.done $0x0  }
0xe: {  	[sflag:s7] =	ssyncadd.s32 $0xFFFFB000  }
0xf: {  	[tilespmem:s8], [sflag:$0x1] =	stream.linear.gather [hbm4b:s4+s2], $0x140, $0x38;
	[tilespmem:$0xD340] =	vst v63  }
0x10: {  	_ =	swait.ge [sflag:s7], $0x140  }
0x11: {  	[sflag:s7] =	ssyncset.done $0x0  }
0x12: {  	s11 =	simm.s32 $0x0;
	[sflag:s7] =	ssyncadd.s32 $0xFFFFFEC0  }
.LBB2_2:
0x13: {  	p0 =	sne.s32 s11, $0x20700  }
.Ltmp0:
0x14: {  	s12 =	sshra.s32 s11, $0x2;
	(pc) =	sbr.rel @p0 .LBB2_2-.Ltmp0, $4  }
0x15: {  	[tilespmem:s12+$0x5140] =	vst v0  }
0x16: {  	[tilespmem:s12+$0x5150] =	vst v0  }
0x17: {  	[tilespmem:s12+$0x5160] =	vst v0  }
0x18: {  	s11 =	sadd.s32 $0x100, s11;
	[tilespmem:s12+$0x5170] =	vst v0  }
0x19: {  	s11 =	simm.s32 $0x0  }
0x1a: {  	v5 =	vmov s11;
	_ =	sdelay $0x4  }
0x1b: {  	v5 =	vld.idx.msk [tilespmem:v5+s8+$0x0], $0xffff;
	_ =	sdelay $0x4  }
0x1c: {  	v5 =	vshll.u32 v5, $0x6  }
0x1d: {  	v6 =	vor.u32 v1, v5;
	_ =	sdelay $0x2  }
0x1e: {  	s11 =	simm.s32 $0x20  }
0x1f: {  	v8 =	vld [tilespmem:s11+$0xFFFFFFE0]  }
0x20: {  	v7 =	vld.idx.msk [tilespmem:v6+s9+$0x0], $0xffff;
	_ =	sdelay $0x1  }
0x21: {  	v9 =	vor.u32 v2, v5;
	_ =	sdelay $0x2  }
0x22: {  	v7 =	vmax.f32 v7, v8  }
0x23: {  	[tilespmem:v6+s9+$0x0] =	vst.idx.msk $0xffff, v7  }
0x24: {  	v6 =	vld.idx.msk [tilespmem:v9+s9+$0x0], $0xffff  }
0x25: {  	v7 =	vld [tilespmem:s11+$0xFFFFFFF0];
	_ =	sdelay $0x1  }
0x26: {  	v8 =	vor.u32 v3, v5;
	_ =	sdelay $0x2  }
0x27: {  	v6 =	vmax.f32 v6, v7  }
0x28: {  	[tilespmem:v9+s9+$0x0] =	vst.idx.msk $0xffff, v6  }
0x29: {  	v6 =	vld.idx.msk [tilespmem:v8+s9+$0x0], $0xffff  }
0x2a: {  	v7 =	vld [tilespmem:s11+$0x0];
	_ =	sdelay $0x1  }
0x2b: {  	v5 =	vor.u32 v4, v5;
	_ =	sdelay $0x2  }
0x2c: {  	v6 =	vmax.f32 v6, v7  }
0x2d: {  	[tilespmem:v8+s9+$0x0] =	vst.idx.msk $0xffff, v6  }
0x2e: {  	v7 =	vld.idx.msk [tilespmem:v5+s9+$0x0], $0xffff  }
0x2f: {  	v8 =	vld [tilespmem:s11+$0x10];
	_ =	sdelay $0x1  }
0x30: {  	s13 =	simm.s32 $0x1  }
0x31: {  	v6 =	vmov s13;
	_ =	sdelay $0x1  }
0x32: {  	s12 =	simm.s32 $0x2;
	v7 =	vmax.f32 v7, v8  }
.LBB2_4:
0x33: {  	p0 =	sne.s32 s12, $0x13F  }
0x34: {  	[tilespmem:v5+s9+$0x0] =	vst.idx.msk $0xffff, v7;
	s11 =	sadd.s32 $0x40, s11;
	s13 =	smov.u32 s12;
	s12 =	sadd.s32 $0x1, s12  }
0x35: {  	v5 =	vld.idx.msk [tilespmem:v6+s8+$0x0], $0xffff;
	_ =	sdelay $0x5  }
0x36: {  	v5 =	vshll.u32 v5, $0x6  }
0x37: {  	v6 =	vor.u32 v1, v5;
	_ =	sdelay $0x4  }
0x38: {  	v7 =	vld.idx.msk [tilespmem:v6+s9+$0x0], $0xffff  }
0x39: {  	v8 =	vld [tilespmem:s11+$0xFFFFFFE0];
	_ =	sdelay $0x1  }
0x3a: {  	v9 =	vor.u32 v2, v5;
	_ =	sdelay $0x2  }
0x3b: {  	v7 =	vmax.f32 v7, v8  }
0x3c: {  	[tilespmem:v6+s9+$0x0] =	vst.idx.msk $0xffff, v7  }
0x3d: {  	v6 =	vld.idx.msk [tilespmem:v9+s9+$0x0], $0xffff  }
0x3e: {  	v7 =	vld [tilespmem:s11+$0xFFFFFFF0];
	_ =	sdelay $0x1  }
0x3f: {  	v8 =	vor.u32 v3, v5;
	_ =	sdelay $0x2  }
0x40: {  	v6 =	vmax.f32 v6, v7  }
0x41: {  	[tilespmem:v9+s9+$0x0] =	vst.idx.msk $0xffff, v6  }
0x42: {  	v6 =	vld.idx.msk [tilespmem:v8+s9+$0x0], $0xffff  }
0x43: {  	v7 =	vld [tilespmem:s11+$0x0];
	_ =	sdelay $0x1  }
0x44: {  	v5 =	vor.u32 v4, v5;
	_ =	sdelay $0x2  }
0x45: {  	v6 =	vmax.f32 v6, v7  }
0x46: {  	[tilespmem:v8+s9+$0x0] =	vst.idx.msk $0xffff, v6  }
0x47: {  	v7 =	vld.idx.msk [tilespmem:v5+s9+$0x0], $0xffff  }
0x48: {  	v8 =	vld [tilespmem:s11+$0x10]  }
.Ltmp1:
0x49: {  	(pc) =	sbr.rel @p0 .LBB2_4-.Ltmp1, $2  }
0x4a: {  	v6 =	vmov s13;
	_ =	sdelay $0x2  }
0x4b: {  	v7 =	vmax.f32 v7, v8  }
0x4c: {  	_ =	sdelay $0x3  }
0x4d: {  	[tilespmem:v5+s9+$0x0] =	vst.idx.msk $0xffff, v7  }
0x4e: {  	v5 =	vld.idx.msk [tilespmem:v6+s8+$0x0], $0xffff;
	_ =	sdelay $0x4  }
0x4f: {  	v5 =	vshll.u32 v5, $0x6  }
0x50: {  	v6 =	vor.u32 v1, v5;
	_ =	sdelay $0x2  }
0x51: {  	s11 =	sadd.s32 $0x40, s11  }
0x52: {  	v8 =	vld [tilespmem:s11+$0xFFFFFFE0]  }
0x53: {  	v7 =	vld.idx.msk [tilespmem:v6+s9+$0x0], $0xffff;
	_ =	sdelay $0x1  }
0x54: {  	v9 =	vor.u32 v2, v5;
	_ =	sdelay $0x2  }
0x55: {  	v7 =	vmax.f32 v7, v8  }
0x56: {  	[tilespmem:v6+s9+$0x0] =	vst.idx.msk $0xffff, v7  }
0x57: {  	v6 =	vld.idx.msk [tilespmem:v9+s9+$0x0], $0xffff  }
0x58: {  	v7 =	vld [tilespmem:s11+$0xFFFFFFF0];
	_ =	sdelay $0x1  }
0x59: {  	v63 =	vor.u32 v3, v5;
	_ =	sdelay $0x2  }
0x5a: {  	v6 =	vmax.f32 v6, v7  }
0x5b: {  	[tilespmem:v9+s9+$0x0] =	vst.idx.msk $0xffff, v6  }
0x5c: {  	v6 =	vld.idx.msk [tilespmem:v63+s9+$0x0], $0xffff  }
0x5d: {  	v7 =	vld [tilespmem:s11+$0x0];
	_ =	sdelay $0x1  }
0x5e: {  	v5 =	vor.u32 v4, v5;
	_ =	sdelay $0x2  }
0x5f: {  	v6 =	vmax.f32 v6, v7  }
0x60: {  	[tilespmem:v63+s9+$0x0] =	vst.idx.msk $0xffff, v6  }
0x61: {  	v6 =	vld.idx.msk [tilespmem:v5+s9+$0x0], $0xffff  }
0x62: {  	v7 =	vld [tilespmem:s11+$0x10];
	_ =	sdelay $0x3  }
0x63: {  	s10 =	sadd.s32 $0x1, s10  }
0x64: {  	p0 =	sne.s32 s10, s6;
	v6 =	vmax.f32 v6, v7  }
.Ltmp2:
0x65: {  	[tilespmem:v5+s9+$0x0] =	vst.idx.msk $0xffff, v6;
	(pc) =	sbr.rel @p0 .LBB2_1-.Ltmp2, $4  }
0x66: {  	[hbm4b:s5+s2] =	stream.linear.scatter [tilespmem:s9], [sflag:$0x1], $0x8000, $0x38;
	[tilespmem:$0xD340] =	vst v63  }
0x67: {  	_ =	swait.ge [sflag:s7], $0x8000  }
0x68: {  	[sflag:s7] =	ssyncset.done $0x0  }
0x69: {  	[sflag:s7] =	ssyncadd.s32 $0xFFFF8000  }
0x6a: {  	_ =	sfence.sel $0x180000  }
0x6b: {  	[bflag:$0x0] =	sbarrier.arrive $0xFFFF  }
0x6c: {  	p0 =	sne.s32 s0, $0x0;
	_ =	strace $0x90000056  }
0x6d: {  	s0 =	sadd.s32 @!p0 $0x100000, s1;
	[bflag:$0x2] =	sbarrier.arrive $0xFFFF  }
0x6e: {  	[sflag:s0] =	ssyncadd.tile.s32 @!p0 $0x1;
	_ =	shalt  }
.Lfunc_end2:
_tile_overlayer_lowered:
.L_overlay_start_2:
0x6f: {  	(tag) =	ssettag $0x2  }
0x70: {  	s0 =	rddreg [dreg:$0x0];
	s2 =	stileid.u32  }
0x71: {  	s1 =	rddreg [dreg:$0x1];
	p0 =	sne.s32 s2, $0x0  }
0x72: {  	s3 =	rddreg [dreg:$0x2];
	[bflag:$0x3] =	sbarrier.arrive $0xFFFF;
	s2 =	simm.s32 @!p0 $0x1C01  }
0x73: {  	[timem:s3], [sflag:s2] =	dma.local @!p0 [hbm:s0], s1  }
0x74: {  	s0 =	simm.s32 @!p0 $0x1  }
0x75: {  	_ =	swait.ge @!p0 [sflag:s0], s1  }
0x76: {  	s1 =	ssub.s32 @!p0 $0x0, s1;
	[sflag:s0] =	ssyncset.done @!p0 $0x0  }
0x77: {  	[sflag:s0] =	ssyncadd.s32 @!p0 s1  }
0x78: {  	[bflag:$0x3] =	sbarrier.arrive $0xFFFF  }
0x79: {  	_ =	shalt  }

// kernel: kernel.46.cloned.1.call-start
scs
__scs_entry_jumppad:
0x0: {  	(pc) =	sbr.rel $0x88, $3  }
0x1: {  	(tag) =	ssettag $0x0;
	lr =	simm.s32 $0x1  }
0x2: {  	[smem:$0x3F84] =	sst lr;
	_ =	strace $0xD0000000  }
0x3: {  	_ = 	snop  }
0x4: {  	_ = 	snop  }
0x5: {  	_ = 	snop  }
0x6: {  	_ = 	snop  }
0x7: {  	_ = 	snop  }
__scs_overlays_trampoline_lowered:
0x8: {  	[smem:$0x3F93] =	sst s0  }
0x9: {  	[smem:$0x3F94] =	sst s1  }
0xa: {  	[smem:$0x3F95] =	sst s2  }
0xb: {  	[smem:$0x3F96] =	sst s3  }
0xc: {  	[smem:$0x3F97] =	sst s4  }
0xd: {  	[smem:$0x3F98] =	sst s5  }
0xe: {  	[smem:$0x3F99] =	sst s6  }
0xf: {  	[smem:$0x3F9A] =	sst s7  }
0x10: {  	[smem:$0x3F9B] =	sst s8  }
0x11: {  	[smem:$0x3F9C] =	sst s9;
	s0 =	simm.s32 @!p0 $0x0  }
0x12: {  	s1 =	sld [smem:$0x3F82];
	s0 =	simm.s32 @p0 $0x1  }
0x13: {  	[smem:$0x3F9D] =	sst s0;
	s0 =	simm.s32 @!p1 $0x0  }
0x14: {  	s2 =	sld [smem:$0x3F81];
	s0 =	simm.s32 @p1 $0x1  }
0x15: {  	[smem:$0x3F9E] =	sst s0;
	s0 =	simm.s32 @!p2 $0x0  }
0x16: {  	s3 =	sld [smem:$0x3FDB];
	s0 =	simm.s32 @p2 $0x1  }
0x17: {  	s4 =	simm.s32 $0x1BF5;
	[smem:$0x3FA0] =	sst s0  }
0x18: {  	s0 =	sld [smem:$0x3F83];
	_ =	swait.ge [sflag:s4], $0x0  }
0x19: {  	s7 =	sld [smem:$0x3F84]  }
0x1a: {  	s8 =	sadd.s32 $0xFFFFE003, lr  }
0x1b: {  	s9 =	sadd.s32 $0xFFFFFEF7, lr;
	s5 =	simm.s32 $0xFFFFFFFF;
	p2 =	slt.u32 s8, $0xFFFFF086  }
0x1c: {  	p1 =	slt.u32 s9, $0xF7A;
	s5 =	simm.s32 @!p2 $0x0  }
0x1d: {  	s5 =	simm.s32 @p1 $0x1;
	p0 =	seq.s32 s7, s2  }
0x1e: {  	s7 =	smul.u32 @!p0 $0xF7A, s2;
	p2 =	seq.s32 @!p0 s5, $0x0  }
0x1f: {  	s9 =	smul.u32 $0xF7A, s1;
	s8 =	simm.s32 @!p0 $0x1BF5;
	p2 =	por !p2, p0  }
0x20: {  	[sflag:s8] =	ssyncset.s32 @!p0 $0xFFFFF086;
	s6 =	sadd.s32 @!p0 s3, s7;
	s7 =	simm.s32 @!p0 $0x108  }
0x21: {  	s3 =	sadd.s32 s3, s9;
	s6 =	sadd.s32 @!p0 $0x88, s6;
	s7 =	simm.s32 @p2 $0x1082  }
0x22: {  	[simem:s7], [sflag:s8] =	dma.local @!p0 [hbm:s6], $0xF7A  }
0x23: {  	s9 =	sor.u32 $0xD0000000, s2;
	s6 =	simm.s32 $0x108;
	_ =	swait.ge @!p0 [sflag:s8], $0x0  }
0x24: {  	s3 =	sadd.s32 $0x88, s3;
	s6 =	simm.s32 @!p1 $0x1082;
	[sflag:s4] =	ssyncset.s32 $0xFFFFF086  }
0x25: {  	[simem:s6], [sflag:s4] =	dma.local [hbm:s3], $0xF7A  }
0x26: {  	[smem:$0x3F84] =	sst s1;
	(tag) =	ssettag s2;
	_ =	strace s9  }
0x27: {  	s1 =	sld [smem:$0x3F94]  }
0x28: {  	s2 =	sld [smem:$0x3F95]  }
0x29: {  	s4 =	sld [smem:$0x3F97]  }
0x2a: {  	p0 =	seq.s32 s5, $0x0;
	s5 =	sld [smem:$0x3F98]  }
0x2b: {  	s6 =	sld [smem:$0x3F99]  }
0x2c: {  	s7 =	sld [smem:$0x3F9A]  }
0x2d: {  	s3 =	simm.s32 $0x108;
	s8 =	sld [smem:$0x3F9B]  }
0x2e: {  	s3 =	simm.s32 @!p0 $0x1082;
	s9 =	sld [smem:$0x3F9C]  }
0x2f: {  	lr =	sadd.s32 s0, s3;
	s0 =	sld [smem:$0x3F93]  }
0x30: {  	s3 =	sld [smem:$0x3F96]  }
0x31: {  	[smem:$0x3F9F] =	sst s10  }
0x32: {  	s10 =	sld [smem:$0x3F9D];
	_ =	sdelay $0x3  }
0x33: {  	p0 =	seq.s32 s10, $0x1;
	s10 =	sld [smem:$0x3F9F];
	_ =	sdelay $0x3  }
0x34: {  	[smem:$0x3F9F] =	sst s10  }
0x35: {  	s10 =	sld [smem:$0x3F9E];
	_ =	sdelay $0x3  }
0x36: {  	p1 =	seq.s32 s10, $0x1;
	s10 =	sld [smem:$0x3F9F];
	_ =	sdelay $0x3  }
0x37: {  	[smem:$0x3F9F] =	sst s10  }
0x38: {  	s10 =	sld [smem:$0x3FA0]  }
0x39: {  	_ = 	snop;
	(pc) =	sbr.ind lr, $3  }
0x3a: {  	_ = 	snop  }
0x3b: {  	_ = 	snop  }
0x3c: {  	p2 =	seq.s32 s10, $0x1;
	s10 =	sld [smem:$0x3F9F]  }
0x3d: {  	_ =	shalt  }
0x3e: {  	_ =	shalt  }
0x3f: {  	_ =	shalt  }
0x40: {  	_ =	shalt  }
0x41: {  	_ =	shalt  }
0x42: {  	_ =	shalt  }
0x43: {  	_ =	shalt  }
0x44: {  	_ =	shalt  }
0x45: {  	_ =	shalt  }
0x46: {  	_ =	shalt  }
0x47: {  	_ =	shalt  }
0x48: {  	_ =	shalt  }
0x49: {  	_ =	shalt  }
0x4a: {  	_ =	shalt  }
0x4b: {  	_ =	shalt  }
0x4c: {  	_ =	shalt  }
0x4d: {  	_ =	shalt  }
0x4e: {  	_ =	shalt  }
0x4f: {  	_ =	shalt  }
0x50: {  	_ =	shalt  }
0x51: {  	_ =	shalt  }
0x52: {  	_ =	shalt  }
0x53: {  	_ =	shalt  }
0x54: {  	_ =	shalt  }
0x55: {  	_ =	shalt  }
0x56: {  	_ =	shalt  }
0x57: {  	_ =	shalt  }
0x58: {  	_ =	shalt  }
0x59: {  	_ =	shalt  }
0x5a: {  	_ =	shalt  }
0x5b: {  	_ =	shalt  }
0x5c: {  	_ =	shalt  }
0x5d: {  	_ =	shalt  }
0x5e: {  	_ =	shalt  }
0x5f: {  	_ =	shalt  }
0x60: {  	_ =	shalt  }
0x61: {  	_ =	shalt  }
0x62: {  	_ =	shalt  }
0x63: {  	_ =	shalt  }
0x64: {  	_ =	shalt  }
0x65: {  	_ =	shalt  }
0x66: {  	_ =	shalt  }
0x67: {  	_ =	shalt  }
0x68: {  	_ =	shalt  }
0x69: {  	_ =	shalt  }
0x6a: {  	_ =	shalt  }
0x6b: {  	_ =	shalt  }
0x6c: {  	_ =	shalt  }
0x6d: {  	_ =	shalt  }
0x6e: {  	_ =	shalt  }
0x6f: {  	_ =	shalt  }
0x70: {  	_ =	shalt  }
0x71: {  	_ =	shalt  }
0x72: {  	_ =	shalt  }
0x73: {  	_ =	shalt  }
0x74: {  	_ =	shalt  }
0x75: {  	_ =	shalt  }
0x76: {  	_ =	shalt  }
0x77: {  	_ =	shalt  }
0x78: {  	_ =	shalt  }
0x79: {  	_ =	shalt  }
0x7a: {  	_ =	shalt  }
0x7b: {  	_ =	shalt  }
0x7c: {  	_ =	shalt  }
0x7d: {  	_ =	shalt  }
0x7e: {  	_ =	shalt  }
0x7f: {  	_ =	shalt  }
0x80: {  	_ =	shalt  }
0x81: {  	_ =	shalt  }
0x82: {  	_ =	shalt  }
0x83: {  	_ =	shalt  }
0x84: {  	_ =	shalt  }
0x85: {  	_ =	shalt  }
0x86: {  	_ =	shalt  }
0x87: {  	_ =	shalt  }
.Lfunc_end0:
.L_simem_size_0:
called_computation.6_lowered:
.L_overlay_start_0:
0x88: {  	s2 =	sld [smem:$0x3FD9]  }
0x89: {  	s3 =	sld [smem:$0x3FFE];
	_ =	sdelay $0x1  }
0x8a: {  	s1 =	srdreg.scid  }
0x8b: {  	s0 =	sand.u32 $0x1, s1  }
0x8c: {  	s16 =	sshll.u32 s0, $0xA;
	s2 =	sadd.s32 s3, s2  }
0x8d: {  	s2 =	sadd.s32 s2, s16  }
0x8e: {  	[smem:$0x3FAB] =	sst s2  }
0x8f: {  	_ = 	snop  }
0x90: {  	(tm) =	ssettm $0x1  }
0x91: {  	s17 =	sld [smem:$0x3FFB];
	_ =	sdelay $0x3  }
0x92: {  	_ =	strace s17  }
0x93: {  	s2 =	sld [smem:$0x3FFC];
	_ =	sdelay $0x3  }
0x94: {  	_ =	strace s2  }
0x95: {  	s2 =	sld [smem:$0x3FFD];
	_ =	sdelay $0x3  }
0x96: {  	_ =	strace s2  }
0x97: {  	_ =	strace $0x8FFFFFFF  }
0x98: {  	s18 =	sld [smem:$0x3FDB];
	_ =	sdelay $0x1  }
0x99: {  	s19 =	simm.s32 $_scs_section_size  }
0x9a: {  	s4 =	simm.s32 $_size__tile_overlayer_lowered;
	s5 =	simm.s32 $_tile_overlayer_lowered  }
0x9b: {  	s22 =	simm.s32 $0x1BFF;
	s21 =	sshll.u32 s5, $0x1;
	s2 =	sadd.s32 s19, s18  }
0x9c: {  	s6 =	simm.s32 $0x0;
	s20 =	sshll.u32 s4, $0x1;
	s4 =	sadd.s32 s21, s2  }
0x9d: {  	[timem:s6], [sflag:s22] =	dma.local [hbm:s4], s20  }
0x9e: {  	_ =	swait.ge [sflag:s22], s20  }
0x9f: {  	s3 =	ssub.s32 $0x0, s20;
	[sflag:s22] =	ssyncset.done $0x0  }
0xa0: {  	[sflag:s22] =	ssyncadd.s32 s3;
	_ =	sdelay $0x1  }
0xa1: {  	s23 =	simm.s32 $0x1B8B  }
0xa2: {  	_ =	swait.ge [sflag:s23], $0x1  }
0xa3: {  	[sflag:s23] =	ssyncset.done $0x0  }
0xa4: {  	s25 =	simm.s32 $0x1B8E;
	s24 =	sld [smem:$0x3FFE];
	[sflag:s23] =	ssyncadd.s32 $0xFFFFFFFF  }
0xa5: {  	s26 =	simm.s32 $execute0_lowered;
	[smem:$0x3FD2] =	sst s25  }
0xa6: {  	s4 =	sshll.u32 s26, $0x1;
	_ =	strace $0x80000058;
	[dreg:$0x1] =	wrdreg $0xFFFFFFFF  }
0xa7: {  	s28 =	simm.s32 $_size_execute0_lowered;
	s2 =	sadd.s32 s2, s4;
	[dreg:$0x0] =	wrdreg $0x0  }
0xa8: {  	s4 =	sshll.u32 s28, $0x1;
	[dreg:$0x2] =	wrdreg s2  }
0xa9: {  	[dreg:$0x3] =	wrdreg s4  }
0xaa: {  	[dreg:$0x4] =	wrdreg $0xC0  }
0xab: {  	_ =	task [dreg:s6], $0x5FFFF  }
0xac: {  	[dreg:$0x1] =	wrdreg $0xFFFFFFFF  }
0xad: {  	[dreg:$0x0] =	wrdreg $0x60  }
0xae: {  	[dreg:$0x2] =	wrdreg s24  }
0xaf: {  	[dreg:$0x3] =	wrdreg $0x9  }
0xb0: {  	_ =	task.clear_ibuf [dreg:s6], $0x4FFFF;
	_ =	strace $0x90000058  }
0xb1: {  	s29 =	simm.s32 $0x9;
	_ =	strace $0x8000005A  }
0xb2: {  	_ =	swait.ge [sflag:s29], $0x1  }
0xb3: {  	[sflag:s29] =	ssyncadd.s32 $0xFFFFFFFF  }
0xb4: {  	_ =	strace $0x9000005A  }
0xb5: {  	_ =	sfence  }
0xb6: {  	s30 =	sld [smem:$0x0];
	_ =	sdelay $0x2  }
0xb7: {  	s31 =	sshll.u32 s1, $0xD;
	s1 =	sshrl.u32 s1, $0x2  }
0xb8: {  	s3 =	sand.u32 $0x4000, s31;
	s1 =	sadd.s32 s1, s30  }
0xb9: {  	s0 =	sor.u32 s3, s0;
	s1 =	sshll.u32 s1, $0x11  }
0xba: {  	s0 =	sor.u32 s1, s0  }
0xbb: {  	s0 =	sadd.s32 $0x8F2B, s0  }
0xbc: {  	[sflag:s0] =	ssyncadd.remote.s32 $0x1  }
0xbd: {  	_ =	sfence.sel $0xFFFF  }
0xbe: {  	[dreg:$0x0] =	wrdreg $0xFFFFFFFF;
	(pc) =	sbr.abs _section_cstart, $3  }
0xbf: {  	[dreg:$0x1] =	wrdreg $0xFFFFFFFF  }
0xc0: {  	_ =	task.clear_ibuf [dreg:s6], $0x2FFFF;
	_ =	strace $0x9FFFFFFF  }
0xc1: {  	(tm) =	ssettm $0x7FFFFFFF  }
tec
execute0_lowered:
.L_overlay_start_1:
0x0: {  	(tag) =	ssettag $0x1  }
0x1: {  	s1 =	srdreg.scid  }
0x2: {  	s0 =	stileid.u32;
	s4 =	rddreg [dreg:$0x0];
	s2 =	simm.s32 $0x0  }
0x3: {  	s10 =	simm.s32 $0x2800;
	s11 =	simm.s32 $0x80;
	s12 =	simm.s32 $0x5000  }
0x4: {  	s13 =	simm.s32 $0x7000;
	s14 =	simm.s32 $0x1;
	s15 =	simm.s32 $0x2  }
0x5: {  	s16 =	simm.s32 $0x0;
	s5 =	sand.u32 $0x1, s1;
	s3 =	sshll.u32 s0, $0x1  }
0x6: {  	[smem:$0x7FF] =	sst s2;
	s7 =	smul.u32 $0x28000, s0;
	s3 =	sor.u32 s5, s3  }
0x7: {  	s1 =	rddreg [dreg:$0x1];
	_ =	strace $0x80000059;
	s6 =	smul.u32 $0x2800, s3  }
0x8: {  	s8 =	ssub.s32 $0x2, s5;
	s5 =	smul.u32 $0x14000, s5;
	s3 =	sadd.s32 $0x20200, s4  }
0x9: {  	s7 =	sadd.s32 s7, s4;
	s31 =	sshrl.u32 s8, $0x1;
	s6 =	sshrl.u32 s6, $0x3  }
0xa: {  	s8 =	ssub.s32 s8, s31;
	s9 =	sadd.s32 s5, s7;
	s6 =	sadd.s32 s6, s4  }
0xb: {  	s7 =	sadd.s32 $0xB7600, s9;
	s4 =	sadd.s32 $0x3DC00, s6;
	s5 =	sadd.s32 $0xC400, s6  }
0xc: {  	s6 =	smax.u32 s8, $0x1;
	s8 =	sadd.s32 $0x337600, s9;
	s9 =	simm.s32 $0x3  }
.LBB2_1:
0xd: {  	[tilespmem:s2], [sflag:$0x3] =	stream.linear.gather [hbm4b:s4+s2], $0x2800, $0x38;
	[tilespmem:$0x9000] =	vst v63  }
0xe: {  	_ =	swait.ge [sflag:s9], $0x2800  }
0xf: {  	[sflag:s9] =	ssyncset.done $0x0  }
0x10: {  	[sflag:s9] =	ssyncadd.s32 $0xFFFFD800  }
0x11: {  	[tilespmem:s10], [sflag:$0x3] =	stream.linear.gather [hbm4b:s5+s2], $0x2800, $0x38;
	[tilespmem:$0x9000] =	vst v63  }
0x12: {  	_ =	swait.ge [sflag:s9], $0x2800  }
0x13: {  	[sflag:s9] =	ssyncset.done $0x0  }
0x14: {  	s17 =	simm.s32 $0x0;
	[sflag:s9] =	ssyncadd.s32 $0xFFFFD800  }
0x15: {  	[tilespmem:s12], [sflag:$0x1] =	stream.indirect.gather [hbm4b:s3+s11], $0x40, s17, s11, $0xb8;
	[tilespmem:$0x9000] =	vst v63  }
0x16: {  	s31 =	simm.s32 $0x2800  }
0x17: {  	[tilespmem:s13], [sflag:$0x2] =	stream.indirect.gather [hbm4b:s3+s11], $0x40, s31, s11, $0xb8;
	[tilespmem:$0x9000] =	vst v63  }
0x18: {  	_ =	swait.ge [sflag:s14], $0x2000  }
0x19: {  	[sflag:s14] =	ssyncset.done $0x0  }
0x1a: {  	[sflag:s14] =	ssyncadd.s32 $0xFFFFE000  }
0x1b: {  	_ =	swait.ge [sflag:s15], $0x2000  }
0x1c: {  	[sflag:s15] =	ssyncset.done $0x0  }
0x1d: {  	[sflag:s15] =	ssyncadd.s32 $0xFFFFE000  }
0x1e: {  	[hbm4b:s8+s2] =	stream.linear.scatter [tilespmem:s12], [sflag:$0x3], $0x2000, $0x38;
	[tilespmem:$0x9000] =	vst v63  }
0x1f: {  	_ =	swait.ge [sflag:s9], $0x2000  }
0x20: {  	[sflag:s9] =	ssyncset.done $0x0  }
0x21: {  	[sflag:s9] =	ssyncadd.s32 $0xFFFFE000  }
0x22: {  	[hbm4b:s7+s2] =	stream.linear.scatter [tilespmem:s13], [sflag:$0x3], $0x2000, $0x38;
	[tilespmem:$0x9000] =	vst v63  }
0x23: {  	s19 =	simm.s32 $0x200;
	s20 =	simm.s32 $0x400;
	_ =	swait.ge [sflag:s9], $0x2000  }
0x24: {  	s18 =	sadd.s32 $0x400, s8;
	s17 =	sadd.s32 $0x400, s7;
	[sflag:s9] =	ssyncset.done $0x0  }
.LBB2_2:
0x25: {  	s21 =	sshra.s32 s19, $0x2  }
0x26: {  	[sflag:s9] =	ssyncadd.s32 $0xFFFFE000;
	s19 =	smov.u32 s20;
	s22 =	sadd.s32 $0x200, s20  }
0x27: {  	[tilespmem:s12], [sflag:$0x1] =	stream.indirect.gather [hbm4b:s3+s11], $0x40, s21, s11, $0xb8;
	[tilespmem:$0x9000] =	vst v63  }
0x28: {  	p0 =	sne.s32 s20, $0x9E00;
	s20 =	sadd.s32 $0x2800, s21  }
0x29: {  	[tilespmem:s13], [sflag:$0x2] =	stream.indirect.gather [hbm4b:s3+s11], $0x40, s20, s11, $0xb8;
	[tilespmem:$0x9000] =	vst v63  }
0x2a: {  	_ =	swait.ge [sflag:s14], $0x2000  }
0x2b: {  	[sflag:s14] =	ssyncset.done $0x0  }
0x2c: {  	[sflag:s14] =	ssyncadd.s32 $0xFFFFE000  }
0x2d: {  	_ =	swait.ge [sflag:s15], $0x2000  }
0x2e: {  	[sflag:s15] =	ssyncset.done $0x0  }
0x2f: {  	[sflag:s15] =	ssyncadd.s32 $0xFFFFE000  }
0x30: {  	[hbm4b:s18+s2] =	stream.linear.scatter [tilespmem:s12], [sflag:$0x3], $0x2000, $0x38;
	[tilespmem:$0x9000] =	vst v63  }
0x31: {  	_ =	swait.ge [sflag:s9], $0x2000  }
.Ltmp0:
0x32: {  	[sflag:s9] =	ssyncset.done $0x0;
	(pc) =	sbr.rel @p0 .LBB2_2-.Ltmp0, $4  }
0x33: {  	[sflag:s9] =	ssyncadd.s32 $0xFFFFE000  }
0x34: {  	[hbm4b:s17+s2] =	stream.linear.scatter [tilespmem:s13], [sflag:$0x3], $0x2000, $0x38;
	[tilespmem:$0x9000] =	vst v63  }
0x35: {  	s20 =	smov.u32 s22;
	_ =	swait.ge [sflag:s9], $0x2000  }
0x36: {  	s18 =	sadd.s32 $0x400, s18;
	s17 =	sadd.s32 $0x400, s17;
	[sflag:s9] =	ssyncset.done $0x0  }
0x37: {  	s19 =	sshra.s32 s19, $0x2;
	[sflag:s9] =	ssyncadd.s32 $0xFFFFE000  }
0x38: {  	[tilespmem:s12], [sflag:$0x1] =	stream.indirect.gather [hbm4b:s3+s11], $0x40, s19, s11, $0xb8;
	[tilespmem:$0x9000] =	vst v63  }
0x39: {  	s19 =	sadd.s32 $0x2800, s19  }
0x3a: {  	[tilespmem:s13], [sflag:$0x2] =	stream.indirect.gather [hbm4b:s3+s11], $0x40, s19, s11, $0xb8;
	[tilespmem:$0x9000] =	vst v63  }
0x3b: {  	_ =	swait.ge [sflag:s14], $0x2000  }
0x3c: {  	[sflag:s14] =	ssyncset.done $0x0  }
0x3d: {  	[sflag:s14] =	ssyncadd.s32 $0xFFFFE000  }
0x3e: {  	_ =	swait.ge [sflag:s15], $0x2000  }
0x3f: {  	[sflag:s15] =	ssyncset.done $0x0  }
0x40: {  	[sflag:s15] =	ssyncadd.s32 $0xFFFFE000  }
0x41: {  	[hbm4b:s18+s2] =	stream.linear.scatter [tilespmem:s12], [sflag:$0x3], $0x2000, $0x38;
	[tilespmem:$0x9000] =	vst v63  }
0x42: {  	s16 =	sadd.s32 $0x1, s16;
	_ =	swait.ge [sflag:s9], $0x2000  }
0x43: {  	p0 =	sne.s32 s16, s6;
	[sflag:s9] =	ssyncset.done $0x0  }
.Ltmp1:
0x44: {  	[sflag:s9] =	ssyncadd.s32 $0xFFFFE000;
	(pc) =	sbr.rel @p0 .LBB2_1-.Ltmp1, $4  }
0x45: {  	[hbm4b:s17+s2] =	stream.linear.scatter [tilespmem:s13], [sflag:$0x3], $0x2000, $0x38;
	[tilespmem:$0x9000] =	vst v63  }
0x46: {  	_ =	swait.ge [sflag:s9], $0x2000  }
0x47: {  	[sflag:s9] =	ssyncset.done $0x0  }
0x48: {  	[sflag:s9] =	ssyncadd.s32 $0xFFFFE000  }
0x49: {  	_ =	sfence.sel $0x180000  }
0x4a: {  	[bflag:$0x0] =	sbarrier.arrive $0xFFFF  }
0x4b: {  	p0 =	sne.s32 s0, $0x0;
	_ =	strace $0x90000059  }
0x4c: {  	s0 =	sadd.s32 @!p0 $0x100000, s1;
	[bflag:$0x2] =	sbarrier.arrive $0xFFFF  }
0x4d: {  	[sflag:s0] =	ssyncadd.tile.s32 @!p0 $0x1;
	_ =	shalt  }
.Lfunc_end2:
_tile_overlayer_lowered:
.L_overlay_start_2:
0x4e: {  	(tag) =	ssettag $0x2  }
0x4f: {  	s0 =	rddreg [dreg:$0x0];
	s2 =	stileid.u32  }
0x50: {  	s1 =	rddreg [dreg:$0x1];
	p0 =	sne.s32 s2, $0x0  }
0x51: {  	s3 =	rddreg [dreg:$0x2];
	[bflag:$0x3] =	sbarrier.arrive $0xFFFF;
	s2 =	simm.s32 @!p0 $0x1C03  }
0x52: {  	[timem:s3], [sflag:s2] =	dma.local @!p0 [hbm:s0], s1  }
0x53: {  	s0 =	simm.s32 @!p0 $0x3  }
0x54: {  	_ =	swait.ge @!p0 [sflag:s0], s1  }
0x55: {  	s1 =	ssub.s32 @!p0 $0x0, s1;
	[sflag:s0] =	ssyncset.done @!p0 $0x0  }
0x56: {  	[sflag:s0] =	ssyncadd.s32 @!p0 s1  }
0x57: {  	[bflag:$0x3] =	sbarrier.arrive $0xFFFF  }
0x58: {  	_ =	shalt  }

// kernel: kernel.49.cloned.1.call-start
scs
__scs_entry_jumppad:
0x0: {  	(pc) =	sbr.rel $0x88, $3  }
0x1: {  	(tag) =	ssettag $0x0;
	lr =	simm.s32 $0x1  }
0x2: {  	[smem:$0x3F84] =	sst lr;
	_ =	strace $0xD0000000  }
0x3: {  	_ = 	snop  }
0x4: {  	_ = 	snop  }
0x5: {  	_ = 	snop  }
0x6: {  	_ = 	snop  }
0x7: {  	_ = 	snop  }
__scs_overlays_trampoline_lowered:
0x8: {  	[smem:$0x3F93] =	sst s0  }
0x9: {  	[smem:$0x3F94] =	sst s1  }
0xa: {  	[smem:$0x3F95] =	sst s2  }
0xb: {  	[smem:$0x3F96] =	sst s3  }
0xc: {  	[smem:$0x3F97] =	sst s4  }
0xd: {  	[smem:$0x3F98] =	sst s5  }
0xe: {  	[smem:$0x3F99] =	sst s6  }
0xf: {  	[smem:$0x3F9A] =	sst s7  }
0x10: {  	[smem:$0x3F9B] =	sst s8  }
0x11: {  	[smem:$0x3F9C] =	sst s9;
	s0 =	simm.s32 @!p0 $0x0  }
0x12: {  	s1 =	sld [smem:$0x3F82];
	s0 =	simm.s32 @p0 $0x1  }
0x13: {  	[smem:$0x3F9D] =	sst s0;
	s0 =	simm.s32 @!p1 $0x0  }
0x14: {  	s2 =	sld [smem:$0x3F81];
	s0 =	simm.s32 @p1 $0x1  }
0x15: {  	[smem:$0x3F9E] =	sst s0;
	s0 =	simm.s32 @!p2 $0x0  }
0x16: {  	s3 =	sld [smem:$0x3FDB];
	s0 =	simm.s32 @p2 $0x1  }
0x17: {  	s4 =	simm.s32 $0x1BF5;
	[smem:$0x3FA0] =	sst s0  }
0x18: {  	s0 =	sld [smem:$0x3F83];
	_ =	swait.ge [sflag:s4], $0x0  }
0x19: {  	s7 =	sld [smem:$0x3F84]  }
0x1a: {  	s8 =	sadd.s32 $0xFFFFE003, lr  }
0x1b: {  	s9 =	sadd.s32 $0xFFFFFEF7, lr;
	s5 =	simm.s32 $0xFFFFFFFF;
	p2 =	slt.u32 s8, $0xFFFFF086  }
0x1c: {  	p1 =	slt.u32 s9, $0xF7A;
	s5 =	simm.s32 @!p2 $0x0  }
0x1d: {  	s5 =	simm.s32 @p1 $0x1;
	p0 =	seq.s32 s7, s2  }
0x1e: {  	s7 =	smul.u32 @!p0 $0xF7A, s2;
	p2 =	seq.s32 @!p0 s5, $0x0  }
0x1f: {  	s9 =	smul.u32 $0xF7A, s1;
	s8 =	simm.s32 @!p0 $0x1BF5;
	p2 =	por !p2, p0  }
0x20: {  	[sflag:s8] =	ssyncset.s32 @!p0 $0xFFFFF086;
	s6 =	sadd.s32 @!p0 s3, s7;
	s7 =	simm.s32 @!p0 $0x108  }
0x21: {  	s3 =	sadd.s32 s3, s9;
	s6 =	sadd.s32 @!p0 $0x88, s6;
	s7 =	simm.s32 @p2 $0x1082  }
0x22: {  	[simem:s7], [sflag:s8] =	dma.local @!p0 [hbm:s6], $0xF7A  }
0x23: {  	s9 =	sor.u32 $0xD0000000, s2;
	s6 =	simm.s32 $0x108;
	_ =	swait.ge @!p0 [sflag:s8], $0x0  }
0x24: {  	s3 =	sadd.s32 $0x88, s3;
	s6 =	simm.s32 @!p1 $0x1082;
	[sflag:s4] =	ssyncset.s32 $0xFFFFF086  }
0x25: {  	[simem:s6], [sflag:s4] =	dma.local [hbm:s3], $0xF7A  }
0x26: {  	[smem:$0x3F84] =	sst s1;
	(tag) =	ssettag s2;
	_ =	strace s9  }
0x27: {  	s1 =	sld [smem:$0x3F94]  }
0x28: {  	s2 =	sld [smem:$0x3F95]  }
0x29: {  	s4 =	sld [smem:$0x3F97]  }
0x2a: {  	p0 =	seq.s32 s5, $0x0;
	s5 =	sld [smem:$0x3F98]  }
0x2b: {  	s6 =	sld [smem:$0x3F99]  }
0x2c: {  	s7 =	sld [smem:$0x3F9A]  }
0x2d: {  	s3 =	simm.s32 $0x108;
	s8 =	sld [smem:$0x3F9B]  }
0x2e: {  	s3 =	simm.s32 @!p0 $0x1082;
	s9 =	sld [smem:$0x3F9C]  }
0x2f: {  	lr =	sadd.s32 s0, s3;
	s0 =	sld [smem:$0x3F93]  }
0x30: {  	s3 =	sld [smem:$0x3F96]  }
0x31: {  	[smem:$0x3F9F] =	sst s10  }
0x32: {  	s10 =	sld [smem:$0x3F9D];
	_ =	sdelay $0x3  }
0x33: {  	p0 =	seq.s32 s10, $0x1;
	s10 =	sld [smem:$0x3F9F];
	_ =	sdelay $0x3  }
0x34: {  	[smem:$0x3F9F] =	sst s10  }
0x35: {  	s10 =	sld [smem:$0x3F9E];
	_ =	sdelay $0x3  }
0x36: {  	p1 =	seq.s32 s10, $0x1;
	s10 =	sld [smem:$0x3F9F];
	_ =	sdelay $0x3  }
0x37: {  	[smem:$0x3F9F] =	sst s10  }
0x38: {  	s10 =	sld [smem:$0x3FA0]  }
0x39: {  	_ = 	snop;
	(pc) =	sbr.ind lr, $3  }
0x3a: {  	_ = 	snop  }
0x3b: {  	_ = 	snop  }
0x3c: {  	p2 =	seq.s32 s10, $0x1;
	s10 =	sld [smem:$0x3F9F]  }
0x3d: {  	_ =	shalt  }
0x3e: {  	_ =	shalt  }
0x3f: {  	_ =	shalt  }
0x40: {  	_ =	shalt  }
0x41: {  	_ =	shalt  }
0x42: {  	_ =	shalt  }
0x43: {  	_ =	shalt  }
0x44: {  	_ =	shalt  }
0x45: {  	_ =	shalt  }
0x46: {  	_ =	shalt  }
0x47: {  	_ =	shalt  }
0x48: {  	_ =	shalt  }
0x49: {  	_ =	shalt  }
0x4a: {  	_ =	shalt  }
0x4b: {  	_ =	shalt  }
0x4c: {  	_ =	shalt  }
0x4d: {  	_ =	shalt  }
0x4e: {  	_ =	shalt  }
0x4f: {  	_ =	shalt  }
0x50: {  	_ =	shalt  }
0x51: {  	_ =	shalt  }
0x52: {  	_ =	shalt  }
0x53: {  	_ =	shalt  }
0x54: {  	_ =	shalt  }
0x55: {  	_ =	shalt  }
0x56: {  	_ =	shalt  }
0x57: {  	_ =	shalt  }
0x58: {  	_ =	shalt  }
0x59: {  	_ =	shalt  }
0x5a: {  	_ =	shalt  }
0x5b: {  	_ =	shalt  }
0x5c: {  	_ =	shalt  }
0x5d: {  	_ =	shalt  }
0x5e: {  	_ =	shalt  }
0x5f: {  	_ =	shalt  }
0x60: {  	_ =	shalt  }
0x61: {  	_ =	shalt  }
0x62: {  	_ =	shalt  }
0x63: {  	_ =	shalt  }
0x64: {  	_ =	shalt  }
0x65: {  	_ =	shalt  }
0x66: {  	_ =	shalt  }
0x67: {  	_ =	shalt  }
0x68: {  	_ =	shalt  }
0x69: {  	_ =	shalt  }
0x6a: {  	_ =	shalt  }
0x6b: {  	_ =	shalt  }
0x6c: {  	_ =	shalt  }
0x6d: {  	_ =	shalt  }
0x6e: {  	_ =	shalt  }
0x6f: {  	_ =	shalt  }
0x70: {  	_ =	shalt  }
0x71: {  	_ =	shalt  }
0x72: {  	_ =	shalt  }
0x73: {  	_ =	shalt  }
0x74: {  	_ =	shalt  }
0x75: {  	_ =	shalt  }
0x76: {  	_ =	shalt  }
0x77: {  	_ =	shalt  }
0x78: {  	_ =	shalt  }
0x79: {  	_ =	shalt  }
0x7a: {  	_ =	shalt  }
0x7b: {  	_ =	shalt  }
0x7c: {  	_ =	shalt  }
0x7d: {  	_ =	shalt  }
0x7e: {  	_ =	shalt  }
0x7f: {  	_ =	shalt  }
0x80: {  	_ =	shalt  }
0x81: {  	_ =	shalt  }
0x82: {  	_ =	shalt  }
0x83: {  	_ =	shalt  }
0x84: {  	_ =	shalt  }
0x85: {  	_ =	shalt  }
0x86: {  	_ =	shalt  }
0x87: {  	_ =	shalt  }
.Lfunc_end0:
.L_simem_size_0:
called_computation.7_lowered:
.L_overlay_start_0:
0x88: {  	s2 =	sld [smem:$0x3FD9]  }
0x89: {  	s3 =	sld [smem:$0x3FFE];
	_ =	sdelay $0x1  }
0x8a: {  	s1 =	srdreg.scid  }
0x8b: {  	s0 =	sand.u32 $0x1, s1  }
0x8c: {  	s17 =	sshll.u32 s0, $0xA;
	s2 =	sadd.s32 s3, s2  }
0x8d: {  	s2 =	sadd.s32 s2, s17  }
0x8e: {  	[smem:$0x3FAB] =	sst s2  }
0x8f: {  	_ = 	snop  }
0x90: {  	s2 =	sld [smem:$0x3FD0];
	(tm) =	ssettm $0x1  }
0x91: {  	s18 =	sld [smem:$0x3FFB];
	_ =	sdelay $0x3  }
0x92: {  	_ =	strace s18  }
0x93: {  	s3 =	sld [smem:$0x3FFC];
	_ =	sdelay $0x3  }
0x94: {  	_ =	strace s3  }
0x95: {  	s3 =	sld [smem:$0x3FFD];
	_ =	sdelay $0x3  }
0x96: {  	_ =	strace s3  }
0x97: {  	_ =	strace $0x8FFFFFFF  }
0x98: {  	s19 =	sld [smem:$0x3FDB];
	_ =	sdelay $0x1  }
0x99: {  	s4 =	simm.s32 $_scs_section_size  }
0x9a: {  	s5 =	simm.s32 $_size__tile_overlayer_lowered;
	s6 =	simm.s32 $_tile_overlayer_lowered  }
0x9b: {  	s22 =	simm.s32 $0x1BFF;
	s21 =	sshll.u32 s6, $0x1;
	s3 =	sadd.s32 s4, s19  }
0x9c: {  	s7 =	simm.s32 $0x0;
	s20 =	sshll.u32 s5, $0x1;
	s5 =	sadd.s32 s21, s3  }
0x9d: {  	[timem:s7], [sflag:s22] =	dma.local [hbm:s5], s20  }
0x9e: {  	_ =	swait.ge [sflag:s22], s20  }
0x9f: {  	s4 =	ssub.s32 $0x0, s20;
	[sflag:s22] =	ssyncset.done $0x0  }
0xa0: {  	[sflag:s22] =	ssyncadd.s32 s4;
	_ =	sdelay $0x1  }
0xa1: {  	s23 =	simm.s32 $0x1B8B  }
0xa2: {  	_ =	swait.ge [sflag:s23], $0x1  }
0xa3: {  	[sflag:s23] =	ssyncset.done $0x0  }
0xa4: {  	s25 =	simm.s32 $0x1B8E;
	s24 =	sld [smem:$0x3FFE];
	[sflag:s23] =	ssyncadd.s32 $0xFFFFFFFF  }
0xa5: {  	s26 =	simm.s32 $execute0_lowered;
	[smem:$0x3FD2] =	sst s25  }
0xa6: {  	s5 =	sshll.u32 s26, $0x1;
	_ =	strace $0x8000005B;
	[dreg:$0x1] =	wrdreg $0xFFFFFFFF  }
0xa7: {  	s28 =	simm.s32 $_size_execute0_lowered;
	s3 =	sadd.s32 s3, s5;
	[dreg:$0x0] =	wrdreg $0x0  }
0xa8: {  	s5 =	sshll.u32 s28, $0x1;
	[dreg:$0x2] =	wrdreg s3  }
0xa9: {  	[dreg:$0x3] =	wrdreg s5  }
0xaa: {  	[dreg:$0x4] =	wrdreg $0xC0  }
0xab: {  	_ =	task [dreg:s7], $0x5FFFF  }
0xac: {  	[dreg:$0x1] =	wrdreg $0xFFFFFFFF  }
0xad: {  	[dreg:$0x0] =	wrdreg $0x60  }
0xae: {  	[dreg:$0x2] =	wrdreg s24  }
0xaf: {  	[dreg:$0x3] =	wrdreg s2  }
0xb0: {  	[dreg:$0x4] =	wrdreg $0x9  }
0xb1: {  	_ =	task.clear_ibuf [dreg:s7], $0x5FFFF;
	_ =	strace $0x9000005B  }
0xb2: {  	s29 =	simm.s32 $0x9;
	_ =	strace $0x8000005D  }
0xb3: {  	_ =	swait.ge [sflag:s29], $0x1  }
0xb4: {  	[sflag:s29] =	ssyncadd.s32 $0xFFFFFFFF  }
0xb5: {  	_ =	strace $0x9000005D  }
0xb6: {  	_ =	sfence  }
0xb7: {  	s30 =	sld [smem:$0x0];
	_ =	sdelay $0x2  }
0xb8: {  	s31 =	sshll.u32 s1, $0xD;
	s1 =	sshrl.u32 s1, $0x2  }
0xb9: {  	s3 =	sand.u32 $0x4000, s31;
	s1 =	sadd.s32 s1, s30  }
0xba: {  	s0 =	sor.u32 s3, s0;
	s1 =	sshll.u32 s1, $0x11  }
0xbb: {  	s0 =	sor.u32 s1, s0  }
0xbc: {  	s0 =	sadd.s32 $0x8F2B, s0  }
0xbd: {  	[sflag:s0] =	ssyncadd.remote.s32 $0x1  }
0xbe: {  	_ =	sfence.sel $0xFFFF  }
0xbf: {  	[dreg:$0x0] =	wrdreg $0xFFFFFFFF;
	(pc) =	sbr.abs _section_cstart, $3  }
0xc0: {  	[dreg:$0x1] =	wrdreg $0xFFFFFFFF  }
0xc1: {  	_ =	task.clear_ibuf [dreg:s7], $0x2FFFF;
	_ =	strace $0x9FFFFFFF  }
0xc2: {  	(tm) =	ssettm $0x7FFFFFFF  }
0xc3: {  	_ =	shalt  }
tec
execute0_lowered:
.L_overlay_start_1:
0x0: {  	(tag) =	ssettag $0x1  }
0x1: {  	s7 =	rddreg [dreg:$0x0]  }
0x2: {  	s2 =	rddreg [dreg:$0x1]  }
0x3: {  	s4 =	srdreg.scid;
	s1 =	stileid.u32  }
0x4: {  	s0 =	rddreg [dreg:$0x2];
	s5 =	sand.u32 $0x1, s4;
	s29 =	sshll.u32 s1, $0x1  }
0x5: {  	s3 =	simm.s32 $0x0;
	s13 =	simm.s32 $0x20C0;
	s8 =	sor.u32 s5, s29  }
0x6: {  	s14 =	simm.s32 $0x0;
	[smem:$0x7FF] =	sst s3;
	s9 =	smul.u32 $0x9C8, s8  }
0x7: {  	s4 =	sadd.s32 $0x5B7600, s7;
	s10 =	ssub.s32 $0x2, s5;
	s11 =	smul.u32 $0x139, s8  }
.Ltmp0:
0x8: {  	s6 =	sadd.s32 $0x49000, s7;
	s12 =	sshrl.u32 s10, $0x1;
	(pc) =	sbr.rel .LBB2_1-.Ltmp0, $4  }
0x9: {  	_ =	strace $0x8000005C;
	s5 =	sadd.s32 $0x16400, s7;
	s30 =	ssub.s32 s10, s12  }
0xa: {  	v3 =	vimm.f32 $0.0e+00;
	v4 =	vlaneseq.u32;
	s12 =	simm.s32 $0xC0;
	s7 =	sadd.s32 s9, s7;
	s31 =	smin.u32 s11, $0x25D7  }
0xb: {  	v5 =	vor.u32 $0x10, v4;
	v6 =	vor.u32 $0x20, v4;
	v0 =	vmov s8;
	s8 =	smax.u32 s30, $0x1;
	s9 =	simm.s32 $0x80;
	s10 =	sadd.s32 $0x139, s31  }
0xc: {  	v7 =	vor.u32 $0x30, v4;
	v1 =	vmov s11;
	s11 =	simm.s32 $0xA0;
	s7 =	sadd.s32 $0x20200, s7;
	v2 =	vmov s10;
	s10 =	simm.s32 $0x1  }
.LBB2_7:
0xd: {  	s14 =	sadd.s32 $0x1, s14  }
0xe: {  	p0 =	sne.s32 s14, s8  }
.Ltmp1:
0xf: {  	_ = 	snop;
	(pc) =	sbr.rel @!p0 .LBB2_8-.Ltmp1, $4  }
0x10: {  	[hbm4b:s7+s3] =	stream.linear.scatter [tilespmem:s13], [sflag:$0x1], $0x4E40, $0x38;
	[tilespmem:$0x70C0] =	vst v63  }
0x11: {  	_ =	swait.ge [sflag:s10], $0x4E40  }
0x12: {  	[sflag:s10] =	ssyncset.done $0x0  }
0x13: {  	[sflag:s10] =	ssyncadd.s32 $0xFFFFB1C0  }
.LBB2_1:
0x14: {  	s16 =	simm.s32 $0x100;
	s15 =	simm.s32 $0x0  }
.LBB2_2:
0x15: {  	p0 =	sne.s32 s16, $0x13F00;
	[tilespmem:s15+$0x20F0] =	vst v3;
	s17 =	smov.u32 s16;
	s16 =	sadd.s32 $0x100, s16  }
.Ltmp2:
0x16: {  	[tilespmem:s15+$0x20E0] =	vst v3;
	(pc) =	sbr.rel @p0 .LBB2_2-.Ltmp2, $3  }
0x17: {  	[tilespmem:s15+$0x20C0] =	vst v3  }
0x18: {  	[tilespmem:s15+$0x20D0] =	vst v3;
	_ =	sdelay $0x1  }
0x19: {  	s15 =	sshra.s32 s17, $0x2  }
0x1a: {  	[tilespmem:s15+$0x20F0] =	vst v3  }
0x1b: {  	[tilespmem:s15+$0x20E0] =	vst v3  }
0x1c: {  	[tilespmem:s15+$0x20C0] =	vst v3  }
0x1d: {  	[tilespmem:s15+$0x20D0] =	vst v3;
	s15 =	simm.s32 $0x0  }
0x1e: {  	[tilespmem:s9], [sflag:$0x1] =	stream.linear.gather [hbm4b:s6+s15], $0x20, $0x38;
	[tilespmem:$0x70C0] =	vst v63  }
0x1f: {  	_ =	swait.ge [sflag:s10], $0x20  }
0x20: {  	[sflag:s10] =	ssyncset.done $0x0  }
0x21: {  	[sflag:s10] =	ssyncadd.s32 $0xFFFFFFE0  }
0x22: {  	[tilespmem:s11], [sflag:$0x1] =	stream.linear.gather [hbm4b:s2+s15], $0x20, $0x38;
	[tilespmem:$0x70C0] =	vst v63  }
0x23: {  	_ =	swait.ge [sflag:s10], $0x20  }
0x24: {  	[sflag:s10] =	ssyncset.done $0x0  }
0x25: {  	[sflag:s10] =	ssyncadd.s32 $0xFFFFFFE0  }
0x26: {  	v8 =	vld.idx.msk [tilespmem:v0+s9+$0x0], $0xffff  }
0x27: {  	v9 =	vld.idx.msk [tilespmem:v0+s11+$0x0], $0xffff;
	_ =	sdelay $0x3  }
0x28: {  	v8 =	vxor.u32 $0x80000000, v8  }
0x29: {  	(xrf0) =	vmax.scan.msk.u32 $0xffff, v8;
	v8 =	vxor.u32 $0x80000000, v9  }
0x2a: {  	(xrf0) =	vmax.scan.msk.u32 $0xffff, v8;
	_ =	sdelay $0x4  }
0x2b: {  	v8, _, _ =	vpop (xrf0)  }
0x2c: {  	(v2sf) =	vpush v8, $0xF;
	v8, _, _ =	vpop (xrf0)  }
0x2d: {  	(v2sf) =	vpush v8, $0xF;
	_ =	sdelay $0xd  }
0x2e: {  	s16 =	spop (v2sf)  }
0x2f: {  	s17 =	spop (v2sf)  }
0x30: {  	s17 =	sxor.u32 $0x80000000, s17  }
0x31: {  	p0 =	slt.s32 s17, $0x1  }
.Ltmp3:
0x32: {  	_ = 	snop;
	(pc) =	sbr.rel @p0 .LBB2_7-.Ltmp3, $2  }
0x33: {  	_ =	sdelay $0x2  }
0x34: {  	s18 =	simm.s32 $0x0  }
.LBB2_4:
0x35: {  	s19 =	sadd.s32 s16, s18  }
0x36: {  	s20 =	sshll.u32 s19, $0x4  }
0x37: {  	s20 =	sand.u32 $0x1FFFFFF0, s20  }
0x38: {  	s20 =	sadd.s32 s5, s20  }
0x39: {  	[tilespmem:s15], [sflag:$0x1] =	stream.linear.gather [hbm4b:s20+s15], $0x80, $0x38;
	[tilespmem:$0x70C0] =	vst v63  }
0x3a: {  	s19 =	sshll.u32 s19, $0xA;
	_ =	swait.ge [sflag:s10], $0x80  }
0x3b: {  	s19 =	sand.u32 $0x1FFFFC00, s19;
	[sflag:s10] =	ssyncset.done $0x0  }
0x3c: {  	v8 =	vmov s15;
	s19 =	sadd.s32 s4, s19;
	[sflag:s10] =	ssyncadd.s32 $0xFFFFFF80  }
0x3d: {  	[tilespmem:s12], [sflag:$0x1] =	stream.linear.gather [hbm4b:s19+s15], $0x2000, $0x38;
	[tilespmem:$0x70C0] =	vst v63  }
0x3e: {  	_ =	swait.ge [sflag:s10], $0x2000  }
0x3f: {  	[sflag:s10] =	ssyncset.done $0x0  }
0x40: {  	[sflag:s10] =	ssyncadd.s32 $0xFFFFE000  }
0x41: {  	v8 =	vld.idx.msk [tilespmem:v8+s3+$0x0], $0xffff;
	_ =	sdelay $0x4  }
0x42: {  	vm0 =	vge.s32 v8, v1;
	vm1 =	vlt.s32 v8, v2;
	v8 =	vsub.s32 v8, v1  }
0x43: {  	vm0 =	vmand vm0, vm1;
	v8 =	vshll.u32 v8, $0x6  }
0x44: {  	v8 =	vnsel vm0, $0x4F00, v8  }
0x45: {  	v9 =	vor.u32 v4, v8;
	_ =	sdelay $0x2  }
0x46: {  	s19 =	simm.s32 $0xE0  }
0x47: {  	v11 =	vld [tilespmem:s19+$0xFFFFFFE0]  }
0x48: {  	v10 =	vld.idx.msk [tilespmem:v9+s13+$0x0], $0xffff;
	_ =	sdelay $0x2  }
0x49: {  	v12 =	vor.u32 v5, v8;
	_ =	sdelay $0x1  }
0x4a: {  	v10 =	vadd.f32 v10, v11;
	_ =	sdelay $0x1  }
0x4b: {  	[tilespmem:v9+s13+$0x0] =	vst.idx.msk $0xffff, v10  }
0x4c: {  	v9 =	vld.idx.msk [tilespmem:v12+s13+$0x0], $0xffff  }
0x4d: {  	v10 =	vld [tilespmem:s19+$0xFFFFFFF0];
	_ =	sdelay $0x2  }
0x4e: {  	v11 =	vor.u32 v6, v8;
	_ =	sdelay $0x1  }
0x4f: {  	v9 =	vadd.f32 v9, v10;
	_ =	sdelay $0x1  }
0x50: {  	[tilespmem:v12+s13+$0x0] =	vst.idx.msk $0xffff, v9  }
0x51: {  	v9 =	vld.idx.msk [tilespmem:v11+s13+$0x0], $0xffff  }
0x52: {  	v10 =	vld [tilespmem:s19+$0x0];
	_ =	sdelay $0x2  }
0x53: {  	v8 =	vor.u32 v7, v8;
	_ =	sdelay $0x1  }
0x54: {  	v9 =	vadd.f32 v9, v10;
	_ =	sdelay $0x1  }
0x55: {  	[tilespmem:v11+s13+$0x0] =	vst.idx.msk $0xffff, v9  }
0x56: {  	v10 =	vld.idx.msk [tilespmem:v8+s13+$0x0], $0xffff  }
0x57: {  	v11 =	vld [tilespmem:s19+$0x10];
	_ =	sdelay $0x1  }
0x58: {  	s21 =	simm.s32 $0x1  }
0x59: {  	v9 =	vmov s21;
	_ =	sdelay $0x1  }
0x5a: {  	s20 =	simm.s32 $0x2;
	v10 =	vadd.f32 v10, v11  }
.LBB2_5:
0x5b: {  	p0 =	sne.s32 s20, $0x7F  }
0x5c: {  	s19 =	sadd.s32 $0x40, s19;
	s21 =	smov.u32 s20;
	s20 =	sadd.s32 $0x1, s20;
	[tilespmem:v8+s13+$0x0] =	vst.idx.msk $0xffff, v10  }
0x5d: {  	v8 =	vld.idx.msk [tilespmem:v9+s3+$0x0], $0xffff;
	_ =	sdelay $0x5  }
0x5e: {  	vm0 =	vge.s32 v8, v1;
	vm1 =	vlt.s32 v8, v2;
	v8 =	vsub.s32 v8, v1  }
0x5f: {  	vm0 =	vmand vm0, vm1;
	v8 =	vshll.u32 v8, $0x6  }
0x60: {  	v8 =	vnsel vm0, $0x4F00, v8  }
0x61: {  	v9 =	vor.u32 v4, v8;
	_ =	sdelay $0x4  }
0x62: {  	v10 =	vld.idx.msk [tilespmem:v9+s13+$0x0], $0xffff  }
0x63: {  	v11 =	vld [tilespmem:s19+$0xFFFFFFE0];
	_ =	sdelay $0x2  }
0x64: {  	v12 =	vor.u32 v5, v8;
	_ =	sdelay $0x1  }
0x65: {  	v10 =	vadd.f32 v10, v11;
	_ =	sdelay $0x1  }
0x66: {  	[tilespmem:v9+s13+$0x0] =	vst.idx.msk $0xffff, v10  }
0x67: {  	v9 =	vld.idx.msk [tilespmem:v12+s13+$0x0], $0xffff  }
0x68: {  	v10 =	vld [tilespmem:s19+$0xFFFFFFF0];
	_ =	sdelay $0x2  }
0x69: {  	v11 =	vor.u32 v6, v8;
	_ =	sdelay $0x1  }
0x6a: {  	v9 =	vadd.f32 v9, v10;
	_ =	sdelay $0x1  }
0x6b: {  	[tilespmem:v12+s13+$0x0] =	vst.idx.msk $0xffff, v9  }
0x6c: {  	v9 =	vld.idx.msk [tilespmem:v11+s13+$0x0], $0xffff  }
0x6d: {  	v10 =	vld [tilespmem:s19+$0x0];
	_ =	sdelay $0x2  }
0x6e: {  	v8 =	vor.u32 v7, v8;
	_ =	sdelay $0x1  }
0x6f: {  	v9 =	vadd.f32 v9, v10;
	_ =	sdelay $0x1  }
0x70: {  	[tilespmem:v11+s13+$0x0] =	vst.idx.msk $0xffff, v9  }
0x71: {  	v10 =	vld.idx.msk [tilespmem:v8+s13+$0x0], $0xffff  }
0x72: {  	v11 =	vld [tilespmem:s19+$0x10]  }
.Ltmp4:
0x73: {  	(pc) =	sbr.rel @p0 .LBB2_5-.Ltmp4, $3  }
0x74: {  	_ = 	snop  }
0x75: {  	v9 =	vmov s21;
	_ =	sdelay $0x1  }
0x76: {  	v10 =	vadd.f32 v10, v11  }
0x77: {  	_ =	sdelay $0x3  }
0x78: {  	[tilespmem:v8+s13+$0x0] =	vst.idx.msk $0xffff, v10  }
0x79: {  	v8 =	vld.idx.msk [tilespmem:v9+s3+$0x0], $0xffff;
	_ =	sdelay $0x4  }
0x7a: {  	vm0 =	vge.s32 v8, v1;
	vm1 =	vlt.s32 v8, v2;
	v8 =	vsub.s32 v8, v1  }
0x7b: {  	vm0 =	vmand vm0, vm1;
	v8 =	vshll.u32 v8, $0x6  }
0x7c: {  	v8 =	vnsel vm0, $0x4F00, v8  }
0x7d: {  	v60 =	vor.u32 v4, v8;
	_ =	sdelay $0x2  }
0x7e: {  	s19 =	sadd.s32 $0x40, s19  }
0x7f: {  	v11 =	vld [tilespmem:s19+$0xFFFFFFE0]  }
0x80: {  	v10 =	vld.idx.msk [tilespmem:v60+s13+$0x0], $0xffff;
	_ =	sdelay $0x2  }
0x81: {  	v12 =	vor.u32 v5, v8;
	_ =	sdelay $0x1  }
0x82: {  	v10 =	vadd.f32 v10, v11;
	_ =	sdelay $0x1  }
0x83: {  	[tilespmem:v60+s13+$0x0] =	vst.idx.msk $0xffff, v10  }
0x84: {  	v9 =	vld.idx.msk [tilespmem:v12+s13+$0x0], $0xffff  }
0x85: {  	v10 =	vld [tilespmem:s19+$0xFFFFFFF0];
	_ =	sdelay $0x2  }
0x86: {  	v61 =	vor.u32 v6, v8;
	_ =	sdelay $0x1  }
0x87: {  	v9 =	vadd.f32 v9, v10;
	_ =	sdelay $0x1  }
0x88: {  	[tilespmem:v12+s13+$0x0] =	vst.idx.msk $0xffff, v9  }
0x89: {  	v9 =	vld.idx.msk [tilespmem:v61+s13+$0x0], $0xffff  }
0x8a: {  	v62 =	vld [tilespmem:s19+$0x0];
	_ =	sdelay $0x2  }
0x8b: {  	v8 =	vor.u32 v7, v8;
	_ =	sdelay $0x1  }
0x8c: {  	v9 =	vadd.f32 v9, v62;
	_ =	sdelay $0x1  }
0x8d: {  	[tilespmem:v61+s13+$0x0] =	vst.idx.msk $0xffff, v9  }
0x8e: {  	v9 =	vld.idx.msk [tilespmem:v8+s13+$0x0], $0xffff  }
0x8f: {  	v63 =	vld [tilespmem:s19+$0x10]  }
0x90: {  	s18 =	sadd.s32 $0x1, s18  }
0x91: {  	p0 =	sne.s32 s18, s17  }
.Ltmp5:
0x92: {  	_ = 	snop;
	(pc) =	sbr.rel @p0 .LBB2_4-.Ltmp5, $4  }
.Ltmp6:
0x93: {  	_ = 	snop;
	(pc) =	sbr.rel @!p0 .LBB2_7-.Ltmp6, $4  }
0x94: {  	v9 =	vadd.f32 v9, v63  }
0x95: {  	_ = 	snop  }
0x96: {  	[tilespmem:v8+s13+$0x0] =	vst.idx.msk $0xffff, v9  }
0x97: {  	_ = 	snop  }
.LBB2_8:
0x98: {  	_ =	sfence.sel $0x180000  }
0x99: {  	[bflag:$0x0] =	sbarrier.arrive $0xFFFF  }
0x9a: {  	p0 =	sne.s32 s1, $0x0;
	_ =	strace $0x9000005C  }
0x9b: {  	s0 =	sadd.s32 @!p0 $0x100000, s0;
	[bflag:$0x2] =	sbarrier.arrive $0xFFFF  }
0x9c: {  	[sflag:s0] =	ssyncadd.tile.s32 @!p0 $0x1;
	_ =	shalt  }
.Lfunc_end2:
_tile_overlayer_lowered:
.L_overlay_start_2:
0x9d: {  	(tag) =	ssettag $0x2  }
0x9e: {  	s0 =	rddreg [dreg:$0x0];
	s2 =	stileid.u32  }
0x9f: {  	s1 =	rddreg [dreg:$0x1];
	p0 =	sne.s32 s2, $0x0  }
0xa0: {  	s3 =	rddreg [dreg:$0x2];
	[bflag:$0x3] =	sbarrier.arrive $0xFFFF;
	s2 =	simm.s32 @!p0 $0x1C01  }
0xa1: {  	[timem:s3], [sflag:s2] =	dma.local @!p0 [hbm:s0], s1  }
0xa2: {  	s0 =	simm.s32 @!p0 $0x1  }
0xa3: {  	_ =	swait.ge @!p0 [sflag:s0], s1  }
0xa4: {  	s1 =	ssub.s32 @!p0 $0x0, s1;
	[sflag:s0] =	ssyncset.done @!p0 $0x0  }
0xa5: {  	[sflag:s0] =	ssyncadd.s32 @!p0 s1  }
0xa6: {  	[bflag:$0x3] =	sbarrier.arrive $0xFFFF  }
0xa7: {  	_ =	shalt  }

// kernel: kernel.52.cloned.1.call-start
scs
__scs_entry_jumppad:
0x0: {  	(pc) =	sbr.rel $0x88, $3  }
0x1: {  	(tag) =	ssettag $0x0;
	lr =	simm.s32 $0x1  }
0x2: {  	[smem:$0x3F84] =	sst lr;
	_ =	strace $0xD0000000  }
0x3: {  	_ = 	snop  }
0x4: {  	_ = 	snop  }
0x5: {  	_ = 	snop  }
0x6: {  	_ = 	snop  }
0x7: {  	_ = 	snop  }
__scs_overlays_trampoline_lowered:
0x8: {  	[smem:$0x3F93] =	sst s0  }
0x9: {  	[smem:$0x3F94] =	sst s1  }
0xa: {  	[smem:$0x3F95] =	sst s2  }
0xb: {  	[smem:$0x3F96] =	sst s3  }
0xc: {  	[smem:$0x3F97] =	sst s4  }
0xd: {  	[smem:$0x3F98] =	sst s5  }
0xe: {  	[smem:$0x3F99] =	sst s6  }
0xf: {  	[smem:$0x3F9A] =	sst s7  }
0x10: {  	[smem:$0x3F9B] =	sst s8  }
0x11: {  	[smem:$0x3F9C] =	sst s9;
	s0 =	simm.s32 @!p0 $0x0  }
0x12: {  	s1 =	sld [smem:$0x3F82];
	s0 =	simm.s32 @p0 $0x1  }
0x13: {  	[smem:$0x3F9D] =	sst s0;
	s0 =	simm.s32 @!p1 $0x0  }
0x14: {  	s2 =	sld [smem:$0x3F81];
	s0 =	simm.s32 @p1 $0x1  }
0x15: {  	[smem:$0x3F9E] =	sst s0;
	s0 =	simm.s32 @!p2 $0x0  }
0x16: {  	s3 =	sld [smem:$0x3FDB];
	s0 =	simm.s32 @p2 $0x1  }
0x17: {  	s4 =	simm.s32 $0x1BF5;
	[smem:$0x3FA0] =	sst s0  }
0x18: {  	s0 =	sld [smem:$0x3F83];
	_ =	swait.ge [sflag:s4], $0x0  }
0x19: {  	s7 =	sld [smem:$0x3F84]  }
0x1a: {  	s8 =	sadd.s32 $0xFFFFE003, lr  }
0x1b: {  	s9 =	sadd.s32 $0xFFFFFEF7, lr;
	s5 =	simm.s32 $0xFFFFFFFF;
	p2 =	slt.u32 s8, $0xFFFFF086  }
0x1c: {  	p1 =	slt.u32 s9, $0xF7A;
	s5 =	simm.s32 @!p2 $0x0  }
0x1d: {  	s5 =	simm.s32 @p1 $0x1;
	p0 =	seq.s32 s7, s2  }
0x1e: {  	s7 =	smul.u32 @!p0 $0xF7A, s2;
	p2 =	seq.s32 @!p0 s5, $0x0  }
0x1f: {  	s9 =	smul.u32 $0xF7A, s1;
	s8 =	simm.s32 @!p0 $0x1BF5;
	p2 =	por !p2, p0  }
0x20: {  	[sflag:s8] =	ssyncset.s32 @!p0 $0xFFFFF086;
	s6 =	sadd.s32 @!p0 s3, s7;
	s7 =	simm.s32 @!p0 $0x108  }
0x21: {  	s3 =	sadd.s32 s3, s9;
	s6 =	sadd.s32 @!p0 $0x88, s6;
	s7 =	simm.s32 @p2 $0x1082  }
0x22: {  	[simem:s7], [sflag:s8] =	dma.local @!p0 [hbm:s6], $0xF7A  }
0x23: {  	s9 =	sor.u32 $0xD0000000, s2;
	s6 =	simm.s32 $0x108;
	_ =	swait.ge @!p0 [sflag:s8], $0x0  }
0x24: {  	s3 =	sadd.s32 $0x88, s3;
	s6 =	simm.s32 @!p1 $0x1082;
	[sflag:s4] =	ssyncset.s32 $0xFFFFF086  }
0x25: {  	[simem:s6], [sflag:s4] =	dma.local [hbm:s3], $0xF7A  }
0x26: {  	[smem:$0x3F84] =	sst s1;
	(tag) =	ssettag s2;
	_ =	strace s9  }
0x27: {  	s1 =	sld [smem:$0x3F94]  }
0x28: {  	s2 =	sld [smem:$0x3F95]  }
0x29: {  	s4 =	sld [smem:$0x3F97]  }
0x2a: {  	p0 =	seq.s32 s5, $0x0;
	s5 =	sld [smem:$0x3F98]  }
0x2b: {  	s6 =	sld [smem:$0x3F99]  }
0x2c: {  	s7 =	sld [smem:$0x3F9A]  }
0x2d: {  	s3 =	simm.s32 $0x108;
	s8 =	sld [smem:$0x3F9B]  }
0x2e: {  	s3 =	simm.s32 @!p0 $0x1082;
	s9 =	sld [smem:$0x3F9C]  }
0x2f: {  	lr =	sadd.s32 s0, s3;
	s0 =	sld [smem:$0x3F93]  }
0x30: {  	s3 =	sld [smem:$0x3F96]  }
0x31: {  	[smem:$0x3F9F] =	sst s10  }
0x32: {  	s10 =	sld [smem:$0x3F9D];
	_ =	sdelay $0x3  }
0x33: {  	p0 =	seq.s32 s10, $0x1;
	s10 =	sld [smem:$0x3F9F];
	_ =	sdelay $0x3  }
0x34: {  	[smem:$0x3F9F] =	sst s10  }
0x35: {  	s10 =	sld [smem:$0x3F9E];
	_ =	sdelay $0x3  }
0x36: {  	p1 =	seq.s32 s10, $0x1;
	s10 =	sld [smem:$0x3F9F];
	_ =	sdelay $0x3  }
0x37: {  	[smem:$0x3F9F] =	sst s10  }
0x38: {  	s10 =	sld [smem:$0x3FA0]  }
0x39: {  	_ = 	snop;
	(pc) =	sbr.ind lr, $3  }
0x3a: {  	_ = 	snop  }
0x3b: {  	_ = 	snop  }
0x3c: {  	p2 =	seq.s32 s10, $0x1;
	s10 =	sld [smem:$0x3F9F]  }
0x3d: {  	_ =	shalt  }
0x3e: {  	_ =	shalt  }
0x3f: {  	_ =	shalt  }
0x40: {  	_ =	shalt  }
0x41: {  	_ =	shalt  }
0x42: {  	_ =	shalt  }
0x43: {  	_ =	shalt  }
0x44: {  	_ =	shalt  }
0x45: {  	_ =	shalt  }
0x46: {  	_ =	shalt  }
0x47: {  	_ =	shalt  }
0x48: {  	_ =	shalt  }
0x49: {  	_ =	shalt  }
0x4a: {  	_ =	shalt  }
0x4b: {  	_ =	shalt  }
0x4c: {  	_ =	shalt  }
0x4d: {  	_ =	shalt  }
0x4e: {  	_ =	shalt  }
0x4f: {  	_ =	shalt  }
0x50: {  	_ =	shalt  }
0x51: {  	_ =	shalt  }
0x52: {  	_ =	shalt  }
0x53: {  	_ =	shalt  }
0x54: {  	_ =	shalt  }
0x55: {  	_ =	shalt  }
0x56: {  	_ =	shalt  }
0x57: {  	_ =	shalt  }
0x58: {  	_ =	shalt  }
0x59: {  	_ =	shalt  }
0x5a: {  	_ =	shalt  }
0x5b: {  	_ =	shalt  }
0x5c: {  	_ =	shalt  }
0x5d: {  	_ =	shalt  }
0x5e: {  	_ =	shalt  }
0x5f: {  	_ =	shalt  }
0x60: {  	_ =	shalt  }
0x61: {  	_ =	shalt  }
0x62: {  	_ =	shalt  }
0x63: {  	_ =	shalt  }
0x64: {  	_ =	shalt  }
0x65: {  	_ =	shalt  }
0x66: {  	_ =	shalt  }
0x67: {  	_ =	shalt  }
0x68: {  	_ =	shalt  }
0x69: {  	_ =	shalt  }
0x6a: {  	_ =	shalt  }
0x6b: {  	_ =	shalt  }
0x6c: {  	_ =	shalt  }
0x6d: {  	_ =	shalt  }
0x6e: {  	_ =	shalt  }
0x6f: {  	_ =	shalt  }
0x70: {  	_ =	shalt  }
0x71: {  	_ =	shalt  }
0x72: {  	_ =	shalt  }
0x73: {  	_ =	shalt  }
0x74: {  	_ =	shalt  }
0x75: {  	_ =	shalt  }
0x76: {  	_ =	shalt  }
0x77: {  	_ =	shalt  }
0x78: {  	_ =	shalt  }
0x79: {  	_ =	shalt  }
0x7a: {  	_ =	shalt  }
0x7b: {  	_ =	shalt  }
0x7c: {  	_ =	shalt  }
0x7d: {  	_ =	shalt  }
0x7e: {  	_ =	shalt  }
0x7f: {  	_ =	shalt  }
0x80: {  	_ =	shalt  }
0x81: {  	_ =	shalt  }
0x82: {  	_ =	shalt  }
0x83: {  	_ =	shalt  }
0x84: {  	_ =	shalt  }
0x85: {  	_ =	shalt  }
0x86: {  	_ =	shalt  }
0x87: {  	_ =	shalt  }
.Lfunc_end0:
.L_simem_size_0:
called_computation.8_lowered:
.L_overlay_start_0:
0x88: {  	s2 =	sld [smem:$0x3FD9]  }
0x89: {  	s3 =	sld [smem:$0x3FFE];
	_ =	sdelay $0x1  }
0x8a: {  	s1 =	srdreg.scid  }
0x8b: {  	s0 =	sand.u32 $0x1, s1  }
0x8c: {  	s16 =	sshll.u32 s0, $0xA;
	s2 =	sadd.s32 s3, s2  }
0x8d: {  	s2 =	sadd.s32 s2, s16  }
0x8e: {  	[smem:$0x3FAB] =	sst s2  }
0x8f: {  	_ = 	snop  }
0x90: {  	(tm) =	ssettm $0x1  }
0x91: {  	s17 =	sld [smem:$0x3FFB];
	_ =	sdelay $0x3  }
0x92: {  	_ =	strace s17  }
0x93: {  	s2 =	sld [smem:$0x3FFC];
	_ =	sdelay $0x3  }
0x94: {  	_ =	strace s2  }
0x95: {  	s2 =	sld [smem:$0x3FFD];
	_ =	sdelay $0x3  }
0x96: {  	_ =	strace s2  }
0x97: {  	_ =	strace $0x8FFFFFFF  }
0x98: {  	s18 =	sld [smem:$0x3FDB];
	_ =	sdelay $0x1  }
0x99: {  	s19 =	simm.s32 $_scs_section_size  }
0x9a: {  	s4 =	simm.s32 $_size__tile_overlayer_lowered;
	s5 =	simm.s32 $_tile_overlayer_lowered  }
0x9b: {  	s22 =	simm.s32 $0x1BFF;
	s21 =	sshll.u32 s5, $0x1;
	s2 =	sadd.s32 s19, s18  }
0x9c: {  	s6 =	simm.s32 $0x0;
	s20 =	sshll.u32 s4, $0x1;
	s4 =	sadd.s32 s21, s2  }
0x9d: {  	[timem:s6], [sflag:s22] =	dma.local [hbm:s4], s20  }
0x9e: {  	_ =	swait.ge [sflag:s22], s20  }
0x9f: {  	s3 =	ssub.s32 $0x0, s20;
	[sflag:s22] =	ssyncset.done $0x0  }
0xa0: {  	[sflag:s22] =	ssyncadd.s32 s3;
	_ =	sdelay $0x1  }
0xa1: {  	s23 =	simm.s32 $0x1B8B  }
0xa2: {  	_ =	swait.ge [sflag:s23], $0x1  }
0xa3: {  	[sflag:s23] =	ssyncset.done $0x0  }
0xa4: {  	s25 =	simm.s32 $0x1B8E;
	s24 =	sld [smem:$0x3FFE];
	[sflag:s23] =	ssyncadd.s32 $0xFFFFFFFF  }
0xa5: {  	s26 =	simm.s32 $execute0_lowered;
	[smem:$0x3FD2] =	sst s25  }
0xa6: {  	s4 =	sshll.u32 s26, $0x1;
	_ =	strace $0x8000005E;
	[dreg:$0x1] =	wrdreg $0xFFFFFFFF  }
0xa7: {  	s28 =	simm.s32 $_size_execute0_lowered;
	s2 =	sadd.s32 s2, s4;
	[dreg:$0x0] =	wrdreg $0x0  }
0xa8: {  	s4 =	sshll.u32 s28, $0x1;
	[dreg:$0x2] =	wrdreg s2  }
0xa9: {  	[dreg:$0x3] =	wrdreg s4  }
0xaa: {  	[dreg:$0x4] =	wrdreg $0xC0  }
0xab: {  	_ =	task [dreg:s6], $0x5FFFF  }
0xac: {  	[dreg:$0x1] =	wrdreg $0xFFFFFFFF  }
0xad: {  	[dreg:$0x0] =	wrdreg $0x60  }
0xae: {  	[dreg:$0x2] =	wrdreg s24  }
0xaf: {  	[dreg:$0x3] =	wrdreg $0x9  }
0xb0: {  	_ =	task.clear_ibuf [dreg:s6], $0x4FFFF;
	_ =	strace $0x9000005E  }
0xb1: {  	s29 =	simm.s32 $0x9;
	_ =	strace $0x80000060  }
0xb2: {  	_ =	swait.ge [sflag:s29], $0x1  }
0xb3: {  	[sflag:s29] =	ssyncadd.s32 $0xFFFFFFFF  }
0xb4: {  	_ =	strace $0x90000060  }
0xb5: {  	_ =	sfence  }
0xb6: {  	s30 =	sld [smem:$0x0];
	_ =	sdelay $0x2  }
0xb7: {  	s31 =	sshll.u32 s1, $0xD;
	s1 =	sshrl.u32 s1, $0x2  }
0xb8: {  	s3 =	sand.u32 $0x4000, s31;
	s1 =	sadd.s32 s1, s30  }
0xb9: {  	s0 =	sor.u32 s3, s0;
	s1 =	sshll.u32 s1, $0x11  }
0xba: {  	s0 =	sor.u32 s1, s0  }
0xbb: {  	s0 =	sadd.s32 $0x8F2B, s0  }
0xbc: {  	[sflag:s0] =	ssyncadd.remote.s32 $0x1  }
0xbd: {  	_ =	sfence.sel $0xFFFF  }
0xbe: {  	[dreg:$0x0] =	wrdreg $0xFFFFFFFF;
	(pc) =	sbr.abs _section_cstart, $3  }
0xbf: {  	[dreg:$0x1] =	wrdreg $0xFFFFFFFF  }
0xc0: {  	_ =	task.clear_ibuf [dreg:s6], $0x2FFFF;
	_ =	strace $0x9FFFFFFF  }
0xc1: {  	(tm) =	ssettm $0x7FFFFFFF  }
tec
execute0_lowered:
.L_overlay_start_1:
0x0: {  	(tag) =	ssettag $0x1  }
0x1: {  	s1 =	srdreg.scid  }
0x2: {  	s0 =	stileid.u32;
	s3 =	rddreg [dreg:$0x0]  }
0x3: {  	s2 =	simm.s32 $0x0;
	s4 =	sand.u32 $0x1, s1;
	s5 =	sshll.u32 s0, $0x1  }
0x4: {  	s9 =	simm.s32 $0x5140;
	s1 =	rddreg [dreg:$0x1];
	s5 =	sor.u32 s4, s5  }
0x5: {  	s10 =	simm.s32 $0x0;
	[smem:$0x7FF] =	sst s2;
	s6 =	smul.u32 $0xA00, s5  }
0x6: {  	s4 =	ssub.s32 $0x2, s4;
	s7 =	smul.u32 $0x28, s5;
	s5 =	sshll.u32 s5, $0xC  }
0x7: {  	_ =	strace $0x8000005F;
	s31 =	sshrl.u32 s4, $0x1;
	s5 =	sadd.s32 s5, s3  }
0x8: {  	s8 =	ssub.s32 s4, s31;
	s6 =	sadd.s32 s6, s3;
	s7 =	sadd.s32 s7, s3  }
0x9: {  	v0 =	vimm.f32 $-Inf;
	v1 =	vlaneseq.u32;
	s5 =	sadd.s32 $0x49200, s5;
	s3 =	sadd.s32 $0x20200, s6;
	s4 =	sadd.s32 $0x48800, s7  }
0xa: {  	v2 =	vor.u32 $0x10, v1;
	v3 =	vor.u32 $0x20, v1;
	v4 =	vor.u32 $0x30, v1;
	s6 =	smax.u32 s8, $0x1;
	s7 =	simm.s32 $0x1;
	s8 =	simm.s32 $0x5000  }
.LBB2_1:
0xb: {  	[tilespmem:s2], [sflag:$0x1] =	stream.linear.gather [hbm4b:s3+s2], $0x5000, $0x38;
	[tilespmem:$0xD340] =	vst v63  }
0xc: {  	_ =	swait.ge [sflag:s7], $0x5000  }
0xd: {  	[sflag:s7] =	ssyncset.done $0x0  }
0xe: {  	[sflag:s7] =	ssyncadd.s32 $0xFFFFB000  }
0xf: {  	[tilespmem:s8], [sflag:$0x1] =	stream.linear.gather [hbm4b:s4+s2], $0x140, $0x38;
	[tilespmem:$0xD340] =	vst v63  }
0x10: {  	_ =	swait.ge [sflag:s7], $0x140  }
0x11: {  	[sflag:s7] =	ssyncset.done $0x0  }
0x12: {  	s11 =	simm.s32 $0x0;
	[sflag:s7] =	ssyncadd.s32 $0xFFFFFEC0  }
.LBB2_2:
0x13: {  	p0 =	sne.s32 s11, $0x20700  }
.Ltmp0:
0x14: {  	s12 =	sshra.s32 s11, $0x2;
	(pc) =	sbr.rel @p0 .LBB2_2-.Ltmp0, $4  }
0x15: {  	[tilespmem:s12+$0x5140] =	vst v0  }
0x16: {  	[tilespmem:s12+$0x5150] =	vst v0  }
0x17: {  	[tilespmem:s12+$0x5160] =	vst v0  }
0x18: {  	s11 =	sadd.s32 $0x100, s11;
	[tilespmem:s12+$0x5170] =	vst v0  }
0x19: {  	s11 =	simm.s32 $0x0  }
0x1a: {  	v5 =	vmov s11;
	_ =	sdelay $0x4  }
0x1b: {  	v5 =	vld.idx.msk [tilespmem:v5+s8+$0x0], $0xffff;
	_ =	sdelay $0x4  }
0x1c: {  	v5 =	vshll.u32 v5, $0x6  }
0x1d: {  	v6 =	vor.u32 v1, v5;
	_ =	sdelay $0x2  }
0x1e: {  	s11 =	simm.s32 $0x20  }
0x1f: {  	v8 =	vld [tilespmem:s11+$0xFFFFFFE0]  }
0x20: {  	v7 =	vld.idx.msk [tilespmem:v6+s9+$0x0], $0xffff;
	_ =	sdelay $0x1  }
0x21: {  	v9 =	vor.u32 v2, v5;
	_ =	sdelay $0x2  }
0x22: {  	v7 =	vmax.f32 v7, v8  }
0x23: {  	[tilespmem:v6+s9+$0x0] =	vst.idx.msk $0xffff, v7  }
0x24: {  	v6 =	vld.idx.msk [tilespmem:v9+s9+$0x0], $0xffff  }
0x25: {  	v7 =	vld [tilespmem:s11+$0xFFFFFFF0];
	_ =	sdelay $0x1  }
0x26: {  	v8 =	vor.u32 v3, v5;
	_ =	sdelay $0x2  }
0x27: {  	v6 =	vmax.f32 v6, v7  }
0x28: {  	[tilespmem:v9+s9+$0x0] =	vst.idx.msk $0xffff, v6  }
0x29: {  	v6 =	vld.idx.msk [tilespmem:v8+s9+$0x0], $0xffff  }
0x2a: {  	v7 =	vld [tilespmem:s11+$0x0];
	_ =	sdelay $0x1  }
0x2b: {  	v5 =	vor.u32 v4, v5;
	_ =	sdelay $0x2  }
0x2c: {  	v6 =	vmax.f32 v6, v7  }
0x2d: {  	[tilespmem:v8+s9+$0x0] =	vst.idx.msk $0xffff, v6  }
0x2e: {  	v7 =	vld.idx.msk [tilespmem:v5+s9+$0x0], $0xffff  }
0x2f: {  	v8 =	vld [tilespmem:s11+$0x10];
	_ =	sdelay $0x1  }
0x30: {  	s13 =	simm.s32 $0x1  }
0x31: {  	v6 =	vmov s13;
	_ =	sdelay $0x1  }
0x32: {  	s12 =	simm.s32 $0x2;
	v7 =	vmax.f32 v7, v8  }
.LBB2_4:
0x33: {  	p0 =	sne.s32 s12, $0x13F  }
0x34: {  	[tilespmem:v5+s9+$0x0] =	vst.idx.msk $0xffff, v7;
	s11 =	sadd.s32 $0x40, s11;
	s13 =	smov.u32 s12;
	s12 =	sadd.s32 $0x1, s12  }
0x35: {  	v5 =	vld.idx.msk [tilespmem:v6+s8+$0x0], $0xffff;
	_ =	sdelay $0x5  }
0x36: {  	v5 =	vshll.u32 v5, $0x6  }
0x37: {  	v6 =	vor.u32 v1, v5;
	_ =	sdelay $0x4  }
0x38: {  	v7 =	vld.idx.msk [tilespmem:v6+s9+$0x0], $0xffff  }
0x39: {  	v8 =	vld [tilespmem:s11+$0xFFFFFFE0];
	_ =	sdelay $0x1  }
0x3a: {  	v9 =	vor.u32 v2, v5;
	_ =	sdelay $0x2  }
0x3b: {  	v7 =	vmax.f32 v7, v8  }
0x3c: {  	[tilespmem:v6+s9+$0x0] =	vst.idx.msk $0xffff, v7  }
0x3d: {  	v6 =	vld.idx.msk [tilespmem:v9+s9+$0x0], $0xffff  }
0x3e: {  	v7 =	vld [tilespmem:s11+$0xFFFFFFF0];
	_ =	sdelay $0x1  }
0x3f: {  	v8 =	vor.u32 v3, v5;
	_ =	sdelay $0x2  }
0x40: {  	v6 =	vmax.f32 v6, v7  }
0x41: {  	[tilespmem:v9+s9+$0x0] =	vst.idx.msk $0xffff, v6  }
0x42: {  	v6 =	vld.idx.msk [tilespmem:v8+s9+$0x0], $0xffff  }
0x43: {  	v7 =	vld [tilespmem:s11+$0x0];
	_ =	sdelay $0x1  }
0x44: {  	v5 =	vor.u32 v4, v5;
	_ =	sdelay $0x2  }
0x45: {  	v6 =	vmax.f32 v6, v7  }
0x46: {  	[tilespmem:v8+s9+$0x0] =	vst.idx.msk $0xffff, v6  }
0x47: {  	v7 =	vld.idx.msk [tilespmem:v5+s9+$0x0], $0xffff  }
0x48: {  	v8 =	vld [tilespmem:s11+$0x10]  }
.Ltmp1:
0x49: {  	(pc) =	sbr.rel @p0 .LBB2_4-.Ltmp1, $2  }
0x4a: {  	v6 =	vmov s13;
	_ =	sdelay $0x2  }
0x4b: {  	v7 =	vmax.f32 v7, v8  }
0x4c: {  	_ =	sdelay $0x3  }
0x4d: {  	[tilespmem:v5+s9+$0x0] =	vst.idx.msk $0xffff, v7  }
0x4e: {  	v5 =	vld.idx.msk [tilespmem:v6+s8+$0x0], $0xffff;
	_ =	sdelay $0x4  }
0x4f: {  	v5 =	vshll.u32 v5, $0x6  }
0x50: {  	v6 =	vor.u32 v1, v5;
	_ =	sdelay $0x2  }
0x51: {  	s11 =	sadd.s32 $0x40, s11  }
0x52: {  	v8 =	vld [tilespmem:s11+$0xFFFFFFE0]  }
0x53: {  	v7 =	vld.idx.msk [tilespmem:v6+s9+$0x0], $0xffff;
	_ =	sdelay $0x1  }
0x54: {  	v9 =	vor.u32 v2, v5;
	_ =	sdelay $0x2  }
0x55: {  	v7 =	vmax.f32 v7, v8  }
0x56: {  	[tilespmem:v6+s9+$0x0] =	vst.idx.msk $0xffff, v7  }
0x57: {  	v6 =	vld.idx.msk [tilespmem:v9+s9+$0x0], $0xffff  }
0x58: {  	v7 =	vld [tilespmem:s11+$0xFFFFFFF0];
	_ =	sdelay $0x1  }
0x59: {  	v63 =	vor.u32 v3, v5;
	_ =	sdelay $0x2  }
0x5a: {  	v6 =	vmax.f32 v6, v7  }
0x5b: {  	[tilespmem:v9+s9+$0x0] =	vst.idx.msk $0xffff, v6  }
0x5c: {  	v6 =	vld.idx.msk [tilespmem:v63+s9+$0x0], $0xffff  }
0x5d: {  	v7 =	vld [tilespmem:s11+$0x0];
	_ =	sdelay $0x1  }
0x5e: {  	v5 =	vor.u32 v4, v5;
	_ =	sdelay $0x2  }
0x5f: {  	v6 =	vmax.f32 v6, v7  }
0x60: {  	[tilespmem:v63+s9+$0x0] =	vst.idx.msk $0xffff, v6  }
0x61: {  	v6 =	vld.idx.msk [tilespmem:v5+s9+$0x0], $0xffff  }
0x62: {  	v7 =	vld [tilespmem:s11+$0x10];
	_ =	sdelay $0x3  }
0x63: {  	s10 =	sadd.s32 $0x1, s10  }
0x64: {  	p0 =	sne.s32 s10, s6;
	v6 =	vmax.f32 v6, v7  }
.Ltmp2:
0x65: {  	[tilespmem:v5+s9+$0x0] =	vst.idx.msk $0xffff, v6;
	(pc) =	sbr.rel @p0 .LBB2_1-.Ltmp2, $4  }
0x66: {  	[hbm4b:s5+s2] =	stream.linear.scatter [tilespmem:s9], [sflag:$0x1], $0x8000, $0x38;
	[tilespmem:$0xD340] =	vst v63  }
0x67: {  	_ =	swait.ge [sflag:s7], $0x8000  }
0x68: {  	[sflag:s7] =	ssyncset.done $0x0  }
0x69: {  	[sflag:s7] =	ssyncadd.s32 $0xFFFF8000  }
0x6a: {  	_ =	sfence.sel $0x180000  }
0x6b: {  	[bflag:$0x0] =	sbarrier.arrive $0xFFFF  }
0x6c: {  	p0 =	sne.s32 s0, $0x0;
	_ =	strace $0x9000005F  }
0x6d: {  	s0 =	sadd.s32 @!p0 $0x100000, s1;
	[bflag:$0x2] =	sbarrier.arrive $0xFFFF  }
0x6e: {  	[sflag:s0] =	ssyncadd.tile.s32 @!p0 $0x1;
	_ =	shalt  }
.Lfunc_end2:
_tile_overlayer_lowered:
.L_overlay_start_2:
0x6f: {  	(tag) =	ssettag $0x2  }
0x70: {  	s0 =	rddreg [dreg:$0x0];
	s2 =	stileid.u32  }
0x71: {  	s1 =	rddreg [dreg:$0x1];
	p0 =	sne.s32 s2, $0x0  }
0x72: {  	s3 =	rddreg [dreg:$0x2];
	[bflag:$0x3] =	sbarrier.arrive $0xFFFF;
	s2 =	simm.s32 @!p0 $0x1C01  }
0x73: {  	[timem:s3], [sflag:s2] =	dma.local @!p0 [hbm:s0], s1  }
0x74: {  	s0 =	simm.s32 @!p0 $0x1  }
0x75: {  	_ =	swait.ge @!p0 [sflag:s0], s1  }
0x76: {  	s1 =	ssub.s32 @!p0 $0x0, s1;
	[sflag:s0] =	ssyncset.done @!p0 $0x0  }
0x77: {  	[sflag:s0] =	ssyncadd.s32 @!p0 s1  }
0x78: {  	[bflag:$0x3] =	sbarrier.arrive $0xFFFF  }
0x79: {  	_ =	shalt  }

// kernel: kernel.55.cloned.1.call-start
scs
__scs_entry_jumppad:
0x0: {  	(pc) =	sbr.rel $0x88, $3  }
0x1: {  	(tag) =	ssettag $0x0;
	lr =	simm.s32 $0x1  }
0x2: {  	[smem:$0x3F84] =	sst lr;
	_ =	strace $0xD0000000  }
0x3: {  	_ = 	snop  }
0x4: {  	_ = 	snop  }
0x5: {  	_ = 	snop  }
0x6: {  	_ = 	snop  }
0x7: {  	_ = 	snop  }
__scs_overlays_trampoline_lowered:
0x8: {  	[smem:$0x3F93] =	sst s0  }
0x9: {  	[smem:$0x3F94] =	sst s1  }
0xa: {  	[smem:$0x3F95] =	sst s2  }
0xb: {  	[smem:$0x3F96] =	sst s3  }
0xc: {  	[smem:$0x3F97] =	sst s4  }
0xd: {  	[smem:$0x3F98] =	sst s5  }
0xe: {  	[smem:$0x3F99] =	sst s6  }
0xf: {  	[smem:$0x3F9A] =	sst s7  }
0x10: {  	[smem:$0x3F9B] =	sst s8  }
0x11: {  	[smem:$0x3F9C] =	sst s9;
	s0 =	simm.s32 @!p0 $0x0  }
0x12: {  	s1 =	sld [smem:$0x3F82];
	s0 =	simm.s32 @p0 $0x1  }
0x13: {  	[smem:$0x3F9D] =	sst s0;
	s0 =	simm.s32 @!p1 $0x0  }
0x14: {  	s2 =	sld [smem:$0x3F81];
	s0 =	simm.s32 @p1 $0x1  }
0x15: {  	[smem:$0x3F9E] =	sst s0;
	s0 =	simm.s32 @!p2 $0x0  }
0x16: {  	s3 =	sld [smem:$0x3FDB];
	s0 =	simm.s32 @p2 $0x1  }
0x17: {  	s4 =	simm.s32 $0x1BF5;
	[smem:$0x3FA0] =	sst s0  }
0x18: {  	s0 =	sld [smem:$0x3F83];
	_ =	swait.ge [sflag:s4], $0x0  }
0x19: {  	s7 =	sld [smem:$0x3F84]  }
0x1a: {  	s8 =	sadd.s32 $0xFFFFE003, lr  }
0x1b: {  	s9 =	sadd.s32 $0xFFFFFEF7, lr;
	s5 =	simm.s32 $0xFFFFFFFF;
	p2 =	slt.u32 s8, $0xFFFFF086  }
0x1c: {  	p1 =	slt.u32 s9, $0xF7A;
	s5 =	simm.s32 @!p2 $0x0  }
0x1d: {  	s5 =	simm.s32 @p1 $0x1;
	p0 =	seq.s32 s7, s2  }
0x1e: {  	s7 =	smul.u32 @!p0 $0xF7A, s2;
	p2 =	seq.s32 @!p0 s5, $0x0  }
0x1f: {  	s9 =	smul.u32 $0xF7A, s1;
	s8 =	simm.s32 @!p0 $0x1BF5;
	p2 =	por !p2, p0  }
0x20: {  	[sflag:s8] =	ssyncset.s32 @!p0 $0xFFFFF086;
	s6 =	sadd.s32 @!p0 s3, s7;
	s7 =	simm.s32 @!p0 $0x108  }
0x21: {  	s3 =	sadd.s32 s3, s9;
	s6 =	sadd.s32 @!p0 $0x88, s6;
	s7 =	simm.s32 @p2 $0x1082  }
0x22: {  	[simem:s7], [sflag:s8] =	dma.local @!p0 [hbm:s6], $0xF7A  }
0x23: {  	s9 =	sor.u32 $0xD0000000, s2;
	s6 =	simm.s32 $0x108;
	_ =	swait.ge @!p0 [sflag:s8], $0x0  }
0x24: {  	s3 =	sadd.s32 $0x88, s3;
	s6 =	simm.s32 @!p1 $0x1082;
	[sflag:s4] =	ssyncset.s32 $0xFFFFF086  }
0x25: {  	[simem:s6], [sflag:s4] =	dma.local [hbm:s3], $0xF7A  }
0x26: {  	[smem:$0x3F84] =	sst s1;
	(tag) =	ssettag s2;
	_ =	strace s9  }
0x27: {  	s1 =	sld [smem:$0x3F94]  }
0x28: {  	s2 =	sld [smem:$0x3F95]  }
0x29: {  	s4 =	sld [smem:$0x3F97]  }
0x2a: {  	p0 =	seq.s32 s5, $0x0;
	s5 =	sld [smem:$0x3F98]  }
0x2b: {  	s6 =	sld [smem:$0x3F99]  }
0x2c: {  	s7 =	sld [smem:$0x3F9A]  }
0x2d: {  	s3 =	simm.s32 $0x108;
	s8 =	sld [smem:$0x3F9B]  }
0x2e: {  	s3 =	simm.s32 @!p0 $0x1082;
	s9 =	sld [smem:$0x3F9C]  }
0x2f: {  	lr =	sadd.s32 s0, s3;
	s0 =	sld [smem:$0x3F93]  }
0x30: {  	s3 =	sld [smem:$0x3F96]  }
0x31: {  	[smem:$0x3F9F] =	sst s10  }
0x32: {  	s10 =	sld [smem:$0x3F9D];
	_ =	sdelay $0x3  }
0x33: {  	p0 =	seq.s32 s10, $0x1;
	s10 =	sld [smem:$0x3F9F];
	_ =	sdelay $0x3  }
0x34: {  	[smem:$0x3F9F] =	sst s10  }
0x35: {  	s10 =	sld [smem:$0x3F9E];
	_ =	sdelay $0x3  }
0x36: {  	p1 =	seq.s32 s10, $0x1;
	s10 =	sld [smem:$0x3F9F];
	_ =	sdelay $0x3  }
0x37: {  	[smem:$0x3F9F] =	sst s10  }
0x38: {  	s10 =	sld [smem:$0x3FA0]  }
0x39: {  	_ = 	snop;
	(pc) =	sbr.ind lr, $3  }
0x3a: {  	_ = 	snop  }
0x3b: {  	_ = 	snop  }
0x3c: {  	p2 =	seq.s32 s10, $0x1;
	s10 =	sld [smem:$0x3F9F]  }
0x3d: {  	_ =	shalt  }
0x3e: {  	_ =	shalt  }
0x3f: {  	_ =	shalt  }
0x40: {  	_ =	shalt  }
0x41: {  	_ =	shalt  }
0x42: {  	_ =	shalt  }
0x43: {  	_ =	shalt  }
0x44: {  	_ =	shalt  }
0x45: {  	_ =	shalt  }
0x46: {  	_ =	shalt  }
0x47: {  	_ =	shalt  }
0x48: {  	_ =	shalt  }
0x49: {  	_ =	shalt  }
0x4a: {  	_ =	shalt  }
0x4b: {  	_ =	shalt  }
0x4c: {  	_ =	shalt  }
0x4d: {  	_ =	shalt  }
0x4e: {  	_ =	shalt  }
0x4f: {  	_ =	shalt  }
0x50: {  	_ =	shalt  }
0x51: {  	_ =	shalt  }
0x52: {  	_ =	shalt  }
0x53: {  	_ =	shalt  }
0x54: {  	_ =	shalt  }
0x55: {  	_ =	shalt  }
0x56: {  	_ =	shalt  }
0x57: {  	_ =	shalt  }
0x58: {  	_ =	shalt  }
0x59: {  	_ =	shalt  }
0x5a: {  	_ =	shalt  }
0x5b: {  	_ =	shalt  }
0x5c: {  	_ =	shalt  }
0x5d: {  	_ =	shalt  }
0x5e: {  	_ =	shalt  }
0x5f: {  	_ =	shalt  }
0x60: {  	_ =	shalt  }
0x61: {  	_ =	shalt  }
0x62: {  	_ =	shalt  }
0x63: {  	_ =	shalt  }
0x64: {  	_ =	shalt  }
0x65: {  	_ =	shalt  }
0x66: {  	_ =	shalt  }
0x67: {  	_ =	shalt  }
0x68: {  	_ =	shalt  }
0x69: {  	_ =	shalt  }
0x6a: {  	_ =	shalt  }
0x6b: {  	_ =	shalt  }
0x6c: {  	_ =	shalt  }
0x6d: {  	_ =	shalt  }
0x6e: {  	_ =	shalt  }
0x6f: {  	_ =	shalt  }
0x70: {  	_ =	shalt  }
0x71: {  	_ =	shalt  }
0x72: {  	_ =	shalt  }
0x73: {  	_ =	shalt  }
0x74: {  	_ =	shalt  }
0x75: {  	_ =	shalt  }
0x76: {  	_ =	shalt  }
0x77: {  	_ =	shalt  }
0x78: {  	_ =	shalt  }
0x79: {  	_ =	shalt  }
0x7a: {  	_ =	shalt  }
0x7b: {  	_ =	shalt  }
0x7c: {  	_ =	shalt  }
0x7d: {  	_ =	shalt  }
0x7e: {  	_ =	shalt  }
0x7f: {  	_ =	shalt  }
0x80: {  	_ =	shalt  }
0x81: {  	_ =	shalt  }
0x82: {  	_ =	shalt  }
0x83: {  	_ =	shalt  }
0x84: {  	_ =	shalt  }
0x85: {  	_ =	shalt  }
0x86: {  	_ =	shalt  }
0x87: {  	_ =	shalt  }
.Lfunc_end0:
.L_simem_size_0:
called_computation.9_lowered:
.L_overlay_start_0:
0x88: {  	s2 =	sld [smem:$0x3FD9]  }
0x89: {  	s3 =	sld [smem:$0x3FFE];
	_ =	sdelay $0x1  }
0x8a: {  	s1 =	srdreg.scid  }
0x8b: {  	s0 =	sand.u32 $0x1, s1  }
0x8c: {  	s16 =	sshll.u32 s0, $0xA;
	s2 =	sadd.s32 s3, s2  }
0x8d: {  	s2 =	sadd.s32 s2, s16  }
0x8e: {  	[smem:$0x3FAB] =	sst s2  }
0x8f: {  	_ = 	snop  }
0x90: {  	(tm) =	ssettm $0x1  }
0x91: {  	s17 =	sld [smem:$0x3FFB];
	_ =	sdelay $0x3  }
0x92: {  	_ =	strace s17  }
0x93: {  	s2 =	sld [smem:$0x3FFC];
	_ =	sdelay $0x3  }
0x94: {  	_ =	strace s2  }
0x95: {  	s2 =	sld [smem:$0x3FFD];
	_ =	sdelay $0x3  }
0x96: {  	_ =	strace s2  }
0x97: {  	_ =	strace $0x8FFFFFFF  }
0x98: {  	s18 =	sld [smem:$0x3FDB];
	_ =	sdelay $0x1  }
0x99: {  	s19 =	simm.s32 $_scs_section_size  }
0x9a: {  	s4 =	simm.s32 $_size__tile_overlayer_lowered;
	s5 =	simm.s32 $_tile_overlayer_lowered  }
0x9b: {  	s22 =	simm.s32 $0x1BFF;
	s21 =	sshll.u32 s5, $0x1;
	s2 =	sadd.s32 s19, s18  }
0x9c: {  	s6 =	simm.s32 $0x0;
	s20 =	sshll.u32 s4, $0x1;
	s4 =	sadd.s32 s21, s2  }
0x9d: {  	[timem:s6], [sflag:s22] =	dma.local [hbm:s4], s20  }
0x9e: {  	_ =	swait.ge [sflag:s22], s20  }
0x9f: {  	s3 =	ssub.s32 $0x0, s20;
	[sflag:s22] =	ssyncset.done $0x0  }
0xa0: {  	[sflag:s22] =	ssyncadd.s32 s3;
	_ =	sdelay $0x1  }
0xa1: {  	s23 =	simm.s32 $0x1B8B  }
0xa2: {  	_ =	swait.ge [sflag:s23], $0x1  }
0xa3: {  	[sflag:s23] =	ssyncset.done $0x0  }
0xa4: {  	s25 =	simm.s32 $0x1B8E;
	s24 =	sld [smem:$0x3FFE];
	[sflag:s23] =	ssyncadd.s32 $0xFFFFFFFF  }
0xa5: {  	s26 =	simm.s32 $execute0_lowered;
	[smem:$0x3FD2] =	sst s25  }
0xa6: {  	s4 =	sshll.u32 s26, $0x1;
	_ =	strace $0x80000061;
	[dreg:$0x1] =	wrdreg $0xFFFFFFFF  }
0xa7: {  	s28 =	simm.s32 $_size_execute0_lowered;
	s2 =	sadd.s32 s2, s4;
	[dreg:$0x0] =	wrdreg $0x0  }
0xa8: {  	s4 =	sshll.u32 s28, $0x1;
	[dreg:$0x2] =	wrdreg s2  }
0xa9: {  	[dreg:$0x3] =	wrdreg s4  }
0xaa: {  	[dreg:$0x4] =	wrdreg $0xC0  }
0xab: {  	_ =	task [dreg:s6], $0x5FFFF  }
0xac: {  	[dreg:$0x1] =	wrdreg $0xFFFFFFFF  }
0xad: {  	[dreg:$0x0] =	wrdreg $0x60  }
0xae: {  	[dreg:$0x2] =	wrdreg s24  }
0xaf: {  	[dreg:$0x3] =	wrdreg $0x9  }
0xb0: {  	_ =	task.clear_ibuf [dreg:s6], $0x4FFFF;
	_ =	strace $0x90000061  }
0xb1: {  	s29 =	simm.s32 $0x9;
	_ =	strace $0x80000063  }
0xb2: {  	_ =	swait.ge [sflag:s29], $0x1  }
0xb3: {  	[sflag:s29] =	ssyncadd.s32 $0xFFFFFFFF  }
0xb4: {  	_ =	strace $0x90000063  }
0xb5: {  	_ =	sfence  }
0xb6: {  	s30 =	sld [smem:$0x0];
	_ =	sdelay $0x2  }
0xb7: {  	s31 =	sshll.u32 s1, $0xD;
	s1 =	sshrl.u32 s1, $0x2  }
0xb8: {  	s3 =	sand.u32 $0x4000, s31;
	s1 =	sadd.s32 s1, s30  }
0xb9: {  	s0 =	sor.u32 s3, s0;
	s1 =	sshll.u32 s1, $0x11  }
0xba: {  	s0 =	sor.u32 s1, s0  }
0xbb: {  	s0 =	sadd.s32 $0x8F2B, s0  }
0xbc: {  	[sflag:s0] =	ssyncadd.remote.s32 $0x1  }
0xbd: {  	_ =	sfence.sel $0xFFFF  }
0xbe: {  	[dreg:$0x0] =	wrdreg $0xFFFFFFFF;
	(pc) =	sbr.abs _section_cstart, $3  }
0xbf: {  	[dreg:$0x1] =	wrdreg $0xFFFFFFFF  }
0xc0: {  	_ =	task.clear_ibuf [dreg:s6], $0x2FFFF;
	_ =	strace $0x9FFFFFFF  }
0xc1: {  	(tm) =	ssettm $0x7FFFFFFF  }
tec
execute0_lowered:
.L_overlay_start_1:
0x0: {  	(tag) =	ssettag $0x1  }
0x1: {  	s1 =	srdreg.scid  }
0x2: {  	s0 =	stileid.u32;
	s4 =	rddreg [dreg:$0x0];
	s2 =	simm.s32 $0x0  }
0x3: {  	s10 =	simm.s32 $0x2800;
	s11 =	simm.s32 $0x80;
	s12 =	simm.s32 $0x5000  }
0x4: {  	s13 =	simm.s32 $0x7000;
	s14 =	simm.s32 $0x1;
	s15 =	simm.s32 $0x2  }
0x5: {  	s16 =	simm.s32 $0x0;
	s5 =	sand.u32 $0x1, s1;
	s3 =	sshll.u32 s0, $0x1  }
0x6: {  	[smem:$0x7FF] =	sst s2;
	s7 =	smul.u32 $0x28000, s0;
	s3 =	sor.u32 s5, s3  }
0x7: {  	s1 =	rddreg [dreg:$0x1];
	_ =	strace $0x80000062;
	s6 =	smul.u32 $0x2800, s3  }
0x8: {  	s8 =	ssub.s32 $0x2, s5;
	s5 =	smul.u32 $0x14000, s5;
	s3 =	sadd.s32 $0x20200, s4  }
0x9: {  	s7 =	sadd.s32 s7, s4;
	s31 =	sshrl.u32 s8, $0x1;
	s6 =	sshrl.u32 s6, $0x3  }
0xa: {  	s8 =	ssub.s32 s8, s31;
	s9 =	sadd.s32 s5, s7;
	s6 =	sadd.s32 s6, s4  }
0xb: {  	s7 =	sadd.s32 $0xB7600, s9;
	s4 =	sadd.s32 $0x3DC00, s6;
	s5 =	sadd.s32 $0xC400, s6  }
0xc: {  	s6 =	smax.u32 s8, $0x1;
	s8 =	sadd.s32 $0x337600, s9;
	s9 =	simm.s32 $0x3  }
.LBB2_1:
0xd: {  	[tilespmem:s2], [sflag:$0x3] =	stream.linear.gather [hbm4b:s4+s2], $0x2800, $0x38;
	[tilespmem:$0x9000] =	vst v63  }
0xe: {  	_ =	swait.ge [sflag:s9], $0x2800  }
0xf: {  	[sflag:s9] =	ssyncset.done $0x0  }
0x10: {  	[sflag:s9] =	ssyncadd.s32 $0xFFFFD800  }
0x11: {  	[tilespmem:s10], [sflag:$0x3] =	stream.linear.gather [hbm4b:s5+s2], $0x2800, $0x38;
	[tilespmem:$0x9000] =	vst v63  }
0x12: {  	_ =	swait.ge [sflag:s9], $0x2800  }
0x13: {  	[sflag:s9] =	ssyncset.done $0x0  }
0x14: {  	s17 =	simm.s32 $0x0;
	[sflag:s9] =	ssyncadd.s32 $0xFFFFD800  }
0x15: {  	[tilespmem:s12], [sflag:$0x1] =	stream.indirect.gather [hbm4b:s3+s11], $0x40, s17, s11, $0xb8;
	[tilespmem:$0x9000] =	vst v63  }
0x16: {  	s31 =	simm.s32 $0x2800  }
0x17: {  	[tilespmem:s13], [sflag:$0x2] =	stream.indirect.gather [hbm4b:s3+s11], $0x40, s31, s11, $0xb8;
	[tilespmem:$0x9000] =	vst v63  }
0x18: {  	_ =	swait.ge [sflag:s14], $0x2000  }
0x19: {  	[sflag:s14] =	ssyncset.done $0x0  }
0x1a: {  	[sflag:s14] =	ssyncadd.s32 $0xFFFFE000  }
0x1b: {  	_ =	swait.ge [sflag:s15], $0x2000  }
0x1c: {  	[sflag:s15] =	ssyncset.done $0x0  }
0x1d: {  	[sflag:s15] =	ssyncadd.s32 $0xFFFFE000  }
0x1e: {  	[hbm4b:s8+s2] =	stream.linear.scatter [tilespmem:s12], [sflag:$0x3], $0x2000, $0x38;
	[tilespmem:$0x9000] =	vst v63  }
0x1f: {  	_ =	swait.ge [sflag:s9], $0x2000  }
0x20: {  	[sflag:s9] =	ssyncset.done $0x0  }
0x21: {  	[sflag:s9] =	ssyncadd.s32 $0xFFFFE000  }
0x22: {  	[hbm4b:s7+s2] =	stream.linear.scatter [tilespmem:s13], [sflag:$0x3], $0x2000, $0x38;
	[tilespmem:$0x9000] =	vst v63  }
0x23: {  	s19 =	simm.s32 $0x200;
	s20 =	simm.s32 $0x400;
	_ =	swait.ge [sflag:s9], $0x2000  }
0x24: {  	s18 =	sadd.s32 $0x400, s8;
	s17 =	sadd.s32 $0x400, s7;
	[sflag:s9] =	ssyncset.done $0x0  }
.LBB2_2:
0x25: {  	s21 =	sshra.s32 s19, $0x2  }
0x26: {  	[sflag:s9] =	ssyncadd.s32 $0xFFFFE000;
	s19 =	smov.u32 s20;
	s22 =	sadd.s32 $0x200, s20  }
0x27: {  	[tilespmem:s12], [sflag:$0x1] =	stream.indirect.gather [hbm4b:s3+s11], $0x40, s21, s11, $0xb8;
	[tilespmem:$0x9000] =	vst v63  }
0x28: {  	p0 =	sne.s32 s20, $0x9E00;
	s20 =	sadd.s32 $0x2800, s21  }
0x29: {  	[tilespmem:s13], [sflag:$0x2] =	stream.indirect.gather [hbm4b:s3+s11], $0x40, s20, s11, $0xb8;
	[tilespmem:$0x9000] =	vst v63  }
0x2a: {  	_ =	swait.ge [sflag:s14], $0x2000  }
0x2b: {  	[sflag:s14] =	ssyncset.done $0x0  }
0x2c: {  	[sflag:s14] =	ssyncadd.s32 $0xFFFFE000  }
0x2d: {  	_ =	swait.ge [sflag:s15], $0x2000  }
0x2e: {  	[sflag:s15] =	ssyncset.done $0x0  }
0x2f: {  	[sflag:s15] =	ssyncadd.s32 $0xFFFFE000  }
0x30: {  	[hbm4b:s18+s2] =	stream.linear.scatter [tilespmem:s12], [sflag:$0x3], $0x2000, $0x38;
	[tilespmem:$0x9000] =	vst v63  }
0x31: {  	_ =	swait.ge [sflag:s9], $0x2000  }
.Ltmp0:
0x32: {  	[sflag:s9] =	ssyncset.done $0x0;
	(pc) =	sbr.rel @p0 .LBB2_2-.Ltmp0, $4  }
0x33: {  	[sflag:s9] =	ssyncadd.s32 $0xFFFFE000  }
0x34: {  	[hbm4b:s17+s2] =	stream.linear.scatter [tilespmem:s13], [sflag:$0x3], $0x2000, $0x38;
	[tilespmem:$0x9000] =	vst v63  }
0x35: {  	s20 =	smov.u32 s22;
	_ =	swait.ge [sflag:s9], $0x2000  }
0x36: {  	s18 =	sadd.s32 $0x400, s18;
	s17 =	sadd.s32 $0x400, s17;
	[sflag:s9] =	ssyncset.done $0x0  }
0x37: {  	s19 =	sshra.s32 s19, $0x2;
	[sflag:s9] =	ssyncadd.s32 $0xFFFFE000  }
0x38: {  	[tilespmem:s12], [sflag:$0x1] =	stream.indirect.gather [hbm4b:s3+s11], $0x40, s19, s11, $0xb8;
	[tilespmem:$0x9000] =	vst v63  }
0x39: {  	s19 =	sadd.s32 $0x2800, s19  }
0x3a: {  	[tilespmem:s13], [sflag:$0x2] =	stream.indirect.gather [hbm4b:s3+s11], $0x40, s19, s11, $0xb8;
	[tilespmem:$0x9000] =	vst v63  }
0x3b: {  	_ =	swait.ge [sflag:s14], $0x2000  }
0x3c: {  	[sflag:s14] =	ssyncset.done $0x0  }
0x3d: {  	[sflag:s14] =	ssyncadd.s32 $0xFFFFE000  }
0x3e: {  	_ =	swait.ge [sflag:s15], $0x2000  }
0x3f: {  	[sflag:s15] =	ssyncset.done $0x0  }
0x40: {  	[sflag:s15] =	ssyncadd.s32 $0xFFFFE000  }
0x41: {  	[hbm4b:s18+s2] =	stream.linear.scatter [tilespmem:s12], [sflag:$0x3], $0x2000, $0x38;
	[tilespmem:$0x9000] =	vst v63  }
0x42: {  	s16 =	sadd.s32 $0x1, s16;
	_ =	swait.ge [sflag:s9], $0x2000  }
0x43: {  	p0 =	sne.s32 s16, s6;
	[sflag:s9] =	ssyncset.done $0x0  }
.Ltmp1:
0x44: {  	[sflag:s9] =	ssyncadd.s32 $0xFFFFE000;
	(pc) =	sbr.rel @p0 .LBB2_1-.Ltmp1, $4  }
0x45: {  	[hbm4b:s17+s2] =	stream.linear.scatter [tilespmem:s13], [sflag:$0x3], $0x2000, $0x38;
	[tilespmem:$0x9000] =	vst v63  }
0x46: {  	_ =	swait.ge [sflag:s9], $0x2000  }
0x47: {  	[sflag:s9] =	ssyncset.done $0x0  }
0x48: {  	[sflag:s9] =	ssyncadd.s32 $0xFFFFE000  }
0x49: {  	_ =	sfence.sel $0x180000  }
0x4a: {  	[bflag:$0x0] =	sbarrier.arrive $0xFFFF  }
0x4b: {  	p0 =	sne.s32 s0, $0x0;
	_ =	strace $0x90000062  }
0x4c: {  	s0 =	sadd.s32 @!p0 $0x100000, s1;
	[bflag:$0x2] =	sbarrier.arrive $0xFFFF  }
0x4d: {  	[sflag:s0] =	ssyncadd.tile.s32 @!p0 $0x1;
	_ =	shalt  }
.Lfunc_end2:
_tile_overlayer_lowered:
.L_overlay_start_2:
0x4e: {  	(tag) =	ssettag $0x2  }
0x4f: {  	s0 =	rddreg [dreg:$0x0];
	s2 =	stileid.u32  }
0x50: {  	s1 =	rddreg [dreg:$0x1];
	p0 =	sne.s32 s2, $0x0  }
0x51: {  	s3 =	rddreg [dreg:$0x2];
	[bflag:$0x3] =	sbarrier.arrive $0xFFFF;
	s2 =	simm.s32 @!p0 $0x1C03  }
0x52: {  	[timem:s3], [sflag:s2] =	dma.local @!p0 [hbm:s0], s1  }
0x53: {  	s0 =	simm.s32 @!p0 $0x3  }
0x54: {  	_ =	swait.ge @!p0 [sflag:s0], s1  }
0x55: {  	s1 =	ssub.s32 @!p0 $0x0, s1;
	[sflag:s0] =	ssyncset.done @!p0 $0x0  }
0x56: {  	[sflag:s0] =	ssyncadd.s32 @!p0 s1  }
0x57: {  	[bflag:$0x3] =	sbarrier.arrive $0xFFFF  }
0x58: {  	_ =	shalt  }

// kernel: kernel.58.cloned.1.call-start
scs
__scs_entry_jumppad:
0x0: {  	(pc) =	sbr.rel $0x88, $3  }
0x1: {  	(tag) =	ssettag $0x0;
	lr =	simm.s32 $0x1  }
0x2: {  	[smem:$0x3F84] =	sst lr;
	_ =	strace $0xD0000000  }
0x3: {  	_ = 	snop  }
0x4: {  	_ = 	snop  }
0x5: {  	_ = 	snop  }
0x6: {  	_ = 	snop  }
0x7: {  	_ = 	snop  }
__scs_overlays_trampoline_lowered:
0x8: {  	[smem:$0x3F93] =	sst s0  }
0x9: {  	[smem:$0x3F94] =	sst s1  }
0xa: {  	[smem:$0x3F95] =	sst s2  }
0xb: {  	[smem:$0x3F96] =	sst s3  }
0xc: {  	[smem:$0x3F97] =	sst s4  }
0xd: {  	[smem:$0x3F98] =	sst s5  }
0xe: {  	[smem:$0x3F99] =	sst s6  }
0xf: {  	[smem:$0x3F9A] =	sst s7  }
0x10: {  	[smem:$0x3F9B] =	sst s8  }
0x11: {  	[smem:$0x3F9C] =	sst s9;
	s0 =	simm.s32 @!p0 $0x0  }
0x12: {  	s1 =	sld [smem:$0x3F82];
	s0 =	simm.s32 @p0 $0x1  }
0x13: {  	[smem:$0x3F9D] =	sst s0;
	s0 =	simm.s32 @!p1 $0x0  }
0x14: {  	s2 =	sld [smem:$0x3F81];
	s0 =	simm.s32 @p1 $0x1  }
0x15: {  	[smem:$0x3F9E] =	sst s0;
	s0 =	simm.s32 @!p2 $0x0  }
0x16: {  	s3 =	sld [smem:$0x3FDB];
	s0 =	simm.s32 @p2 $0x1  }
0x17: {  	s4 =	simm.s32 $0x1BF5;
	[smem:$0x3FA0] =	sst s0  }
0x18: {  	s0 =	sld [smem:$0x3F83];
	_ =	swait.ge [sflag:s4], $0x0  }
0x19: {  	s7 =	sld [smem:$0x3F84]  }
0x1a: {  	s8 =	sadd.s32 $0xFFFFE003, lr  }
0x1b: {  	s9 =	sadd.s32 $0xFFFFFEF7, lr;
	s5 =	simm.s32 $0xFFFFFFFF;
	p2 =	slt.u32 s8, $0xFFFFF086  }
0x1c: {  	p1 =	slt.u32 s9, $0xF7A;
	s5 =	simm.s32 @!p2 $0x0  }
0x1d: {  	s5 =	simm.s32 @p1 $0x1;
	p0 =	seq.s32 s7, s2  }
0x1e: {  	s7 =	smul.u32 @!p0 $0xF7A, s2;
	p2 =	seq.s32 @!p0 s5, $0x0  }
0x1f: {  	s9 =	smul.u32 $0xF7A, s1;
	s8 =	simm.s32 @!p0 $0x1BF5;
	p2 =	por !p2, p0  }
0x20: {  	[sflag:s8] =	ssyncset.s32 @!p0 $0xFFFFF086;
	s6 =	sadd.s32 @!p0 s3, s7;
	s7 =	simm.s32 @!p0 $0x108  }
0x21: {  	s3 =	sadd.s32 s3, s9;
	s6 =	sadd.s32 @!p0 $0x88, s6;
	s7 =	simm.s32 @p2 $0x1082  }
0x22: {  	[simem:s7], [sflag:s8] =	dma.local @!p0 [hbm:s6], $0xF7A  }
0x23: {  	s9 =	sor.u32 $0xD0000000, s2;
	s6 =	simm.s32 $0x108;
	_ =	swait.ge @!p0 [sflag:s8], $0x0  }
0x24: {  	s3 =	sadd.s32 $0x88, s3;
	s6 =	simm.s32 @!p1 $0x1082;
	[sflag:s4] =	ssyncset.s32 $0xFFFFF086  }
0x25: {  	[simem:s6], [sflag:s4] =	dma.local [hbm:s3], $0xF7A  }
0x26: {  	[smem:$0x3F84] =	sst s1;
	(tag) =	ssettag s2;
	_ =	strace s9  }
0x27: {  	s1 =	sld [smem:$0x3F94]  }
0x28: {  	s2 =	sld [smem:$0x3F95]  }
0x29: {  	s4 =	sld [smem:$0x3F97]  }
0x2a: {  	p0 =	seq.s32 s5, $0x0;
	s5 =	sld [smem:$0x3F98]  }
0x2b: {  	s6 =	sld [smem:$0x3F99]  }
0x2c: {  	s7 =	sld [smem:$0x3F9A]  }
0x2d: {  	s3 =	simm.s32 $0x108;
	s8 =	sld [smem:$0x3F9B]  }
0x2e: {  	s3 =	simm.s32 @!p0 $0x1082;
	s9 =	sld [smem:$0x3F9C]  }
0x2f: {  	lr =	sadd.s32 s0, s3;
	s0 =	sld [smem:$0x3F93]  }
0x30: {  	s3 =	sld [smem:$0x3F96]  }
0x31: {  	[smem:$0x3F9F] =	sst s10  }
0x32: {  	s10 =	sld [smem:$0x3F9D];
	_ =	sdelay $0x3  }
0x33: {  	p0 =	seq.s32 s10, $0x1;
	s10 =	sld [smem:$0x3F9F];
	_ =	sdelay $0x3  }
0x34: {  	[smem:$0x3F9F] =	sst s10  }
0x35: {  	s10 =	sld [smem:$0x3F9E];
	_ =	sdelay $0x3  }
0x36: {  	p1 =	seq.s32 s10, $0x1;
	s10 =	sld [smem:$0x3F9F];
	_ =	sdelay $0x3  }
0x37: {  	[smem:$0x3F9F] =	sst s10  }
0x38: {  	s10 =	sld [smem:$0x3FA0]  }
0x39: {  	_ = 	snop;
	(pc) =	sbr.ind lr, $3  }
0x3a: {  	_ = 	snop  }
0x3b: {  	_ = 	snop  }
0x3c: {  	p2 =	seq.s32 s10, $0x1;
	s10 =	sld [smem:$0x3F9F]  }
0x3d: {  	_ =	shalt  }
0x3e: {  	_ =	shalt  }
0x3f: {  	_ =	shalt  }
0x40: {  	_ =	shalt  }
0x41: {  	_ =	shalt  }
0x42: {  	_ =	shalt  }
0x43: {  	_ =	shalt  }
0x44: {  	_ =	shalt  }
0x45: {  	_ =	shalt  }
0x46: {  	_ =	shalt  }
0x47: {  	_ =	shalt  }
0x48: {  	_ =	shalt  }
0x49: {  	_ =	shalt  }
0x4a: {  	_ =	shalt  }
0x4b: {  	_ =	shalt  }
0x4c: {  	_ =	shalt  }
0x4d: {  	_ =	shalt  }
0x4e: {  	_ =	shalt  }
0x4f: {  	_ =	shalt  }
0x50: {  	_ =	shalt  }
0x51: {  	_ =	shalt  }
0x52: {  	_ =	shalt  }
0x53: {  	_ =	shalt  }
0x54: {  	_ =	shalt  }
0x55: {  	_ =	shalt  }
0x56: {  	_ =	shalt  }
0x57: {  	_ =	shalt  }
0x58: {  	_ =	shalt  }
0x59: {  	_ =	shalt  }
0x5a: {  	_ =	shalt  }
0x5b: {  	_ =	shalt  }
0x5c: {  	_ =	shalt  }
0x5d: {  	_ =	shalt  }
0x5e: {  	_ =	shalt  }
0x5f: {  	_ =	shalt  }
0x60: {  	_ =	shalt  }
0x61: {  	_ =	shalt  }
0x62: {  	_ =	shalt  }
0x63: {  	_ =	shalt  }
0x64: {  	_ =	shalt  }
0x65: {  	_ =	shalt  }
0x66: {  	_ =	shalt  }
0x67: {  	_ =	shalt  }
0x68: {  	_ =	shalt  }
0x69: {  	_ =	shalt  }
0x6a: {  	_ =	shalt  }
0x6b: {  	_ =	shalt  }
0x6c: {  	_ =	shalt  }
0x6d: {  	_ =	shalt  }
0x6e: {  	_ =	shalt  }
0x6f: {  	_ =	shalt  }
0x70: {  	_ =	shalt  }
0x71: {  	_ =	shalt  }
0x72: {  	_ =	shalt  }
0x73: {  	_ =	shalt  }
0x74: {  	_ =	shalt  }
0x75: {  	_ =	shalt  }
0x76: {  	_ =	shalt  }
0x77: {  	_ =	shalt  }
0x78: {  	_ =	shalt  }
0x79: {  	_ =	shalt  }
0x7a: {  	_ =	shalt  }
0x7b: {  	_ =	shalt  }
0x7c: {  	_ =	shalt  }
0x7d: {  	_ =	shalt  }
0x7e: {  	_ =	shalt  }
0x7f: {  	_ =	shalt  }
0x80: {  	_ =	shalt  }
0x81: {  	_ =	shalt  }
0x82: {  	_ =	shalt  }
0x83: {  	_ =	shalt  }
0x84: {  	_ =	shalt  }
0x85: {  	_ =	shalt  }
0x86: {  	_ =	shalt  }
0x87: {  	_ =	shalt  }
.Lfunc_end0:
.L_simem_size_0:
called_computation.10_lowered:
.L_overlay_start_0:
0x88: {  	s2 =	sld [smem:$0x3FD9]  }
0x89: {  	s3 =	sld [smem:$0x3FFE];
	_ =	sdelay $0x1  }
0x8a: {  	s1 =	srdreg.scid  }
0x8b: {  	s0 =	sand.u32 $0x1, s1  }
0x8c: {  	s17 =	sshll.u32 s0, $0xA;
	s2 =	sadd.s32 s3, s2  }
0x8d: {  	s2 =	sadd.s32 s2, s17  }
0x8e: {  	[smem:$0x3FAB] =	sst s2  }
0x8f: {  	_ = 	snop  }
0x90: {  	s2 =	sld [smem:$0x3FD0];
	(tm) =	ssettm $0x1  }
0x91: {  	s18 =	sld [smem:$0x3FFB];
	_ =	sdelay $0x3  }
0x92: {  	_ =	strace s18  }
0x93: {  	s3 =	sld [smem:$0x3FFC];
	_ =	sdelay $0x3  }
0x94: {  	_ =	strace s3  }
0x95: {  	s3 =	sld [smem:$0x3FFD];
	_ =	sdelay $0x3  }
0x96: {  	_ =	strace s3  }
0x97: {  	_ =	strace $0x8FFFFFFF  }
0x98: {  	s19 =	sld [smem:$0x3FDB];
	_ =	sdelay $0x1  }
0x99: {  	s4 =	simm.s32 $_scs_section_size  }
0x9a: {  	s5 =	simm.s32 $_size__tile_overlayer_lowered;
	s6 =	simm.s32 $_tile_overlayer_lowered  }
0x9b: {  	s22 =	simm.s32 $0x1BFF;
	s21 =	sshll.u32 s6, $0x1;
	s3 =	sadd.s32 s4, s19  }
0x9c: {  	s7 =	simm.s32 $0x0;
	s20 =	sshll.u32 s5, $0x1;
	s5 =	sadd.s32 s21, s3  }
0x9d: {  	[timem:s7], [sflag:s22] =	dma.local [hbm:s5], s20  }
0x9e: {  	_ =	swait.ge [sflag:s22], s20  }
0x9f: {  	s4 =	ssub.s32 $0x0, s20;
	[sflag:s22] =	ssyncset.done $0x0  }
0xa0: {  	[sflag:s22] =	ssyncadd.s32 s4;
	_ =	sdelay $0x1  }
0xa1: {  	s23 =	simm.s32 $0x1B8B  }
0xa2: {  	_ =	swait.ge [sflag:s23], $0x1  }
0xa3: {  	[sflag:s23] =	ssyncset.done $0x0  }
0xa4: {  	s25 =	simm.s32 $0x1B8E;
	s24 =	sld [smem:$0x3FFE];
	[sflag:s23] =	ssyncadd.s32 $0xFFFFFFFF  }
0xa5: {  	s26 =	simm.s32 $execute0_lowered;
	[smem:$0x3FD2] =	sst s25  }
0xa6: {  	s5 =	sshll.u32 s26, $0x1;
	_ =	strace $0x80000064;
	[dreg:$0x1] =	wrdreg $0xFFFFFFFF  }
0xa7: {  	s28 =	simm.s32 $_size_execute0_lowered;
	s3 =	sadd.s32 s3, s5;
	[dreg:$0x0] =	wrdreg $0x0  }
0xa8: {  	s5 =	sshll.u32 s28, $0x1;
	[dreg:$0x2] =	wrdreg s3  }
0xa9: {  	[dreg:$0x3] =	wrdreg s5  }
0xaa: {  	[dreg:$0x4] =	wrdreg $0xC0  }
0xab: {  	_ =	task [dreg:s7], $0x5FFFF  }
0xac: {  	[dreg:$0x1] =	wrdreg $0xFFFFFFFF  }
0xad: {  	[dreg:$0x0] =	wrdreg $0x60  }
0xae: {  	[dreg:$0x2] =	wrdreg s24  }
0xaf: {  	[dreg:$0x3] =	wrdreg s2  }
0xb0: {  	[dreg:$0x4] =	wrdreg $0x9  }
0xb1: {  	_ =	task.clear_ibuf [dreg:s7], $0x5FFFF;
	_ =	strace $0x90000064  }
0xb2: {  	s29 =	simm.s32 $0x9;
	_ =	strace $0x80000066  }
0xb3: {  	_ =	swait.ge [sflag:s29], $0x1  }
0xb4: {  	[sflag:s29] =	ssyncadd.s32 $0xFFFFFFFF  }
0xb5: {  	_ =	strace $0x90000066  }
0xb6: {  	_ =	sfence  }
0xb7: {  	s30 =	sld [smem:$0x0];
	_ =	sdelay $0x2  }
0xb8: {  	s31 =	sshll.u32 s1, $0xD;
	s1 =	sshrl.u32 s1, $0x2  }
0xb9: {  	s3 =	sand.u32 $0x4000, s31;
	s1 =	sadd.s32 s1, s30  }
0xba: {  	s0 =	sor.u32 s3, s0;
	s1 =	sshll.u32 s1, $0x11  }
0xbb: {  	s0 =	sor.u32 s1, s0  }
0xbc: {  	s0 =	sadd.s32 $0x8F2B, s0  }
0xbd: {  	[sflag:s0] =	ssyncadd.remote.s32 $0x1  }
0xbe: {  	_ =	sfence.sel $0xFFFF  }
0xbf: {  	[dreg:$0x0] =	wrdreg $0xFFFFFFFF;
	(pc) =	sbr.abs _section_cstart, $3  }
0xc0: {  	[dreg:$0x1] =	wrdreg $0xFFFFFFFF  }
0xc1: {  	_ =	task.clear_ibuf [dreg:s7], $0x2FFFF;
	_ =	strace $0x9FFFFFFF  }
0xc2: {  	(tm) =	ssettm $0x7FFFFFFF  }
0xc3: {  	_ =	shalt  }
tec
execute0_lowered:
.L_overlay_start_1:
0x0: {  	(tag) =	ssettag $0x1  }
0x1: {  	s7 =	rddreg [dreg:$0x0]  }
0x2: {  	s2 =	rddreg [dreg:$0x1]  }
0x3: {  	s4 =	srdreg.scid;
	s1 =	stileid.u32  }
0x4: {  	s0 =	rddreg [dreg:$0x2];
	s5 =	sand.u32 $0x1, s4;
	s29 =	sshll.u32 s1, $0x1  }
0x5: {  	s3 =	simm.s32 $0x0;
	s13 =	simm.s32 $0x20C0;
	s8 =	sor.u32 s5, s29  }
0x6: {  	s14 =	simm.s32 $0x0;
	[smem:$0x7FF] =	sst s3;
	s9 =	smul.u32 $0x9C8, s8  }
0x7: {  	s4 =	sadd.s32 $0x5B7600, s7;
	s10 =	ssub.s32 $0x2, s5;
	s11 =	smul.u32 $0x139, s8  }
.Ltmp0:
0x8: {  	s6 =	sadd.s32 $0x49000, s7;
	s12 =	sshrl.u32 s10, $0x1;
	(pc) =	sbr.rel .LBB2_1-.Ltmp0, $4  }
0x9: {  	_ =	strace $0x80000065;
	s5 =	sadd.s32 $0x16400, s7;
	s30 =	ssub.s32 s10, s12  }
0xa: {  	v3 =	vimm.f32 $0.0e+00;
	v4 =	vlaneseq.u32;
	s12 =	simm.s32 $0xC0;
	s7 =	sadd.s32 s9, s7;
	s31 =	smin.u32 s11, $0x25D7  }
0xb: {  	v5 =	vor.u32 $0x10, v4;
	v6 =	vor.u32 $0x20, v4;
	v0 =	vmov s8;
	s8 =	smax.u32 s30, $0x1;
	s9 =	simm.s32 $0x80;
	s10 =	sadd.s32 $0x139, s31  }
0xc: {  	v7 =	vor.u32 $0x30, v4;
	v1 =	vmov s11;
	s11 =	simm.s32 $0xA0;
	s7 =	sadd.s32 $0x20200, s7;
	v2 =	vmov s10;
	s10 =	simm.s32 $0x1  }
.LBB2_7:
0xd: {  	s14 =	sadd.s32 $0x1, s14  }
0xe: {  	p0 =	sne.s32 s14, s8  }
.Ltmp1:
0xf: {  	_ = 	snop;
	(pc) =	sbr.rel @!p0 .LBB2_8-.Ltmp1, $4  }
0x10: {  	[hbm4b:s7+s3] =	stream.linear.scatter [tilespmem:s13], [sflag:$0x1], $0x4E40, $0x38;
	[tilespmem:$0x70C0] =	vst v63  }
0x11: {  	_ =	swait.ge [sflag:s10], $0x4E40  }
0x12: {  	[sflag:s10] =	ssyncset.done $0x0  }
0x13: {  	[sflag:s10] =	ssyncadd.s32 $0xFFFFB1C0  }
.LBB2_1:
0x14: {  	s16 =	simm.s32 $0x100;
	s15 =	simm.s32 $0x0  }
.LBB2_2:
0x15: {  	p0 =	sne.s32 s16, $0x13F00;
	[tilespmem:s15+$0x20F0] =	vst v3;
	s17 =	smov.u32 s16;
	s16 =	sadd.s32 $0x100, s16  }
.Ltmp2:
0x16: {  	[tilespmem:s15+$0x20E0] =	vst v3;
	(pc) =	sbr.rel @p0 .LBB2_2-.Ltmp2, $3  }
0x17: {  	[tilespmem:s15+$0x20C0] =	vst v3  }
0x18: {  	[tilespmem:s15+$0x20D0] =	vst v3;
	_ =	sdelay $0x1  }
0x19: {  	s15 =	sshra.s32 s17, $0x2  }
0x1a: {  	[tilespmem:s15+$0x20F0] =	vst v3  }
0x1b: {  	[tilespmem:s15+$0x20E0] =	vst v3  }
0x1c: {  	[tilespmem:s15+$0x20C0] =	vst v3  }
0x1d: {  	[tilespmem:s15+$0x20D0] =	vst v3;
	s15 =	simm.s32 $0x0  }
0x1e: {  	[tilespmem:s9], [sflag:$0x1] =	stream.linear.gather [hbm4b:s6+s15], $0x20, $0x38;
	[tilespmem:$0x70C0] =	vst v63  }
0x1f: {  	_ =	swait.ge [sflag:s10], $0x20  }
0x20: {  	[sflag:s10] =	ssyncset.done $0x0  }
0x21: {  	[sflag:s10] =	ssyncadd.s32 $0xFFFFFFE0  }
0x22: {  	[tilespmem:s11], [sflag:$0x1] =	stream.linear.gather [hbm4b:s2+s15], $0x20, $0x38;
	[tilespmem:$0x70C0] =	vst v63  }
0x23: {  	_ =	swait.ge [sflag:s10], $0x20  }
0x24: {  	[sflag:s10] =	ssyncset.done $0x0  }
0x25: {  	[sflag:s10] =	ssyncadd.s32 $0xFFFFFFE0  }
0x26: {  	v8 =	vld.idx.msk [tilespmem:v0+s9+$0x0], $0xffff  }
0x27: {  	v9 =	vld.idx.msk [tilespmem:v0+s11+$0x0], $0xffff;
	_ =	sdelay $0x3  }
0x28: {  	v8 =	vxor.u32 $0x80000000, v8  }
0x29: {  	(xrf0) =	vmax.scan.msk.u32 $0xffff, v8;
	v8 =	vxor.u32 $0x80000000, v9  }
0x2a: {  	(xrf0) =	vmax.scan.msk.u32 $0xffff, v8;
	_ =	sdelay $0x4  }
0x2b: {  	v8, _, _ =	vpop (xrf0)  }
0x2c: {  	(v2sf) =	vpush v8, $0xF;
	v8, _, _ =	vpop (xrf0)  }
0x2d: {  	(v2sf) =	vpush v8, $0xF;
	_ =	sdelay $0xd  }
0x2e: {  	s16 =	spop (v2sf)  }
0x2f: {  	s17 =	spop (v2sf)  }
0x30: {  	s17 =	sxor.u32 $0x80000000, s17  }
0x31: {  	p0 =	slt.s32 s17, $0x1  }
.Ltmp3:
0x32: {  	_ = 	snop;
	(pc) =	sbr.rel @p0 .LBB2_7-.Ltmp3, $2  }
0x33: {  	_ =	sdelay $0x2  }
0x34: {  	s18 =	simm.s32 $0x0  }
.LBB2_4:
0x35: {  	s19 =	sadd.s32 s16, s18  }
0x36: {  	s20 =	sshll.u32 s19, $0x4  }
0x37: {  	s20 =	sand.u32 $0x1FFFFFF0, s20  }
0x38: {  	s20 =	sadd.s32 s5, s20  }
0x39: {  	[tilespmem:s15], [sflag:$0x1] =	stream.linear.gather [hbm4b:s20+s15], $0x80, $0x38;
	[tilespmem:$0x70C0] =	vst v63  }
0x3a: {  	s19 =	sshll.u32 s19, $0xA;
	_ =	swait.ge [sflag:s10], $0x80  }
0x3b: {  	s19 =	sand.u32 $0x1FFFFC00, s19;
	[sflag:s10] =	ssyncset.done $0x0  }
0x3c: {  	v8 =	vmov s15;
	s19 =	sadd.s32 s4, s19;
	[sflag:s10] =	ssyncadd.s32 $0xFFFFFF80  }
0x3d: {  	[tilespmem:s12], [sflag:$0x1] =	stream.linear.gather [hbm4b:s19+s15], $0x2000, $0x38;
	[tilespmem:$0x70C0] =	vst v63  }
0x3e: {  	_ =	swait.ge [sflag:s10], $0x2000  }
0x3f: {  	[sflag:s10] =	ssyncset.done $0x0  }
0x40: {  	[sflag:s10] =	ssyncadd.s32 $0xFFFFE000  }
0x41: {  	v8 =	vld.idx.msk [tilespmem:v8+s3+$0x0], $0xffff;
	_ =	sdelay $0x4  }
0x42: {  	vm0 =	vge.s32 v8, v1;
	vm1 =	vlt.s32 v8, v2;
	v8 =	vsub.s32 v8, v1  }
0x43: {  	vm0 =	vmand vm0, vm1;
	v8 =	vshll.u32 v8, $0x6  }
0x44: {  	v8 =	vnsel vm0, $0x4F00, v8  }
0x45: {  	v9 =	vor.u32 v4, v8;
	_ =	sdelay $0x2  }
0x46: {  	s19 =	simm.s32 $0xE0  }
0x47: {  	v11 =	vld [tilespmem:s19+$0xFFFFFFE0]  }
0x48: {  	v10 =	vld.idx.msk [tilespmem:v9+s13+$0x0], $0xffff;
	_ =	sdelay $0x2  }
0x49: {  	v12 =	vor.u32 v5, v8;
	_ =	sdelay $0x1  }
0x4a: {  	v10 =	vadd.f32 v10, v11;
	_ =	sdelay $0x1  }
0x4b: {  	[tilespmem:v9+s13+$0x0] =	vst.idx.msk $0xffff, v10  }
0x4c: {  	v9 =	vld.idx.msk [tilespmem:v12+s13+$0x0], $0xffff  }
0x4d: {  	v10 =	vld [tilespmem:s19+$0xFFFFFFF0];
	_ =	sdelay $0x2  }
0x4e: {  	v11 =	vor.u32 v6, v8;
	_ =	sdelay $0x1  }
0x4f: {  	v9 =	vadd.f32 v9, v10;
	_ =	sdelay $0x1  }
0x50: {  	[tilespmem:v12+s13+$0x0] =	vst.idx.msk $0xffff, v9  }
0x51: {  	v9 =	vld.idx.msk [tilespmem:v11+s13+$0x0], $0xffff  }
0x52: {  	v10 =	vld [tilespmem:s19+$0x0];
	_ =	sdelay $0x2  }
0x53: {  	v8 =	vor.u32 v7, v8;
	_ =	sdelay $0x1  }
0x54: {  	v9 =	vadd.f32 v9, v10;
	_ =	sdelay $0x1  }
0x55: {  	[tilespmem:v11+s13+$0x0] =	vst.idx.msk $0xffff, v9  }
0x56: {  	v10 =	vld.idx.msk [tilespmem:v8+s13+$0x0], $0xffff  }
0x57: {  	v11 =	vld [tilespmem:s19+$0x10];
	_ =	sdelay $0x1  }
0x58: {  	s21 =	simm.s32 $0x1  }
0x59: {  	v9 =	vmov s21;
	_ =	sdelay $0x1  }
0x5a: {  	s20 =	simm.s32 $0x2;
	v10 =	vadd.f32 v10, v11  }
.LBB2_5:
0x5b: {  	p0 =	sne.s32 s20, $0x7F  }
0x5c: {  	s19 =	sadd.s32 $0x40, s19;
	s21 =	smov.u32 s20;
	s20 =	sadd.s32 $0x1, s20;
	[tilespmem:v8+s13+$0x0] =	vst.idx.msk $0xffff, v10  }
0x5d: {  	v8 =	vld.idx.msk [tilespmem:v9+s3+$0x0], $0xffff;
	_ =	sdelay $0x5  }
0x5e: {  	vm0 =	vge.s32 v8, v1;
	vm1 =	vlt.s32 v8, v2;
	v8 =	vsub.s32 v8, v1  }
0x5f: {  	vm0 =	vmand vm0, vm1;
	v8 =	vshll.u32 v8, $0x6  }
0x60: {  	v8 =	vnsel vm0, $0x4F00, v8  }
0x61: {  	v9 =	vor.u32 v4, v8;
	_ =	sdelay $0x4  }
0x62: {  	v10 =	vld.idx.msk [tilespmem:v9+s13+$0x0], $0xffff  }
0x63: {  	v11 =	vld [tilespmem:s19+$0xFFFFFFE0];
	_ =	sdelay $0x2  }
0x64: {  	v12 =	vor.u32 v5, v8;
	_ =	sdelay $0x1  }
0x65: {  	v10 =	vadd.f32 v10, v11;
	_ =	sdelay $0x1  }
0x66: {  	[tilespmem:v9+s13+$0x0] =	vst.idx.msk $0xffff, v10  }
0x67: {  	v9 =	vld.idx.msk [tilespmem:v12+s13+$0x0], $0xffff  }
0x68: {  	v10 =	vld [tilespmem:s19+$0xFFFFFFF0];
	_ =	sdelay $0x2  }
0x69: {  	v11 =	vor.u32 v6, v8;
	_ =	sdelay $0x1  }
0x6a: {  	v9 =	vadd.f32 v9, v10;
	_ =	sdelay $0x1  }
0x6b: {  	[tilespmem:v12+s13+$0x0] =	vst.idx.msk $0xffff, v9  }
0x6c: {  	v9 =	vld.idx.msk [tilespmem:v11+s13+$0x0], $0xffff  }
0x6d: {  	v10 =	vld [tilespmem:s19+$0x0];
	_ =	sdelay $0x2  }
0x6e: {  	v8 =	vor.u32 v7, v8;
	_ =	sdelay $0x1  }
0x6f: {  	v9 =	vadd.f32 v9, v10;
	_ =	sdelay $0x1  }
0x70: {  	[tilespmem:v11+s13+$0x0] =	vst.idx.msk $0xffff, v9  }
0x71: {  	v10 =	vld.idx.msk [tilespmem:v8+s13+$0x0], $0xffff  }
0x72: {  	v11 =	vld [tilespmem:s19+$0x10]  }
.Ltmp4:
0x73: {  	(pc) =	sbr.rel @p0 .LBB2_5-.Ltmp4, $3  }
0x74: {  	_ = 	snop  }
0x75: {  	v9 =	vmov s21;
	_ =	sdelay $0x1  }
0x76: {  	v10 =	vadd.f32 v10, v11  }
0x77: {  	_ =	sdelay $0x3  }
0x78: {  	[tilespmem:v8+s13+$0x0] =	vst.idx.msk $0xffff, v10  }
0x79: {  	v8 =	vld.idx.msk [tilespmem:v9+s3+$0x0], $0xffff;
	_ =	sdelay $0x4  }
0x7a: {  	vm0 =	vge.s32 v8, v1;
	vm1 =	vlt.s32 v8, v2;
	v8 =	vsub.s32 v8, v1  }
0x7b: {  	vm0 =	vmand vm0, vm1;
	v8 =	vshll.u32 v8, $0x6  }
0x7c: {  	v8 =	vnsel vm0, $0x4F00, v8  }
0x7d: {  	v60 =	vor.u32 v4, v8;
	_ =	sdelay $0x2  }
0x7e: {  	s19 =	sadd.s32 $0x40, s19  }
0x7f: {  	v11 =	vld [tilespmem:s19+$0xFFFFFFE0]  }
0x80: {  	v10 =	vld.idx.msk [tilespmem:v60+s13+$0x0], $0xffff;
	_ =	sdelay $0x2  }
0x81: {  	v12 =	vor.u32 v5, v8;
	_ =	sdelay $0x1  }
0x82: {  	v10 =	vadd.f32 v10, v11;
	_ =	sdelay $0x1  }
0x83: {  	[tilespmem:v60+s13+$0x0] =	vst.idx.msk $0xffff, v10  }
0x84: {  	v9 =	vld.idx.msk [tilespmem:v12+s13+$0x0], $0xffff  }
0x85: {  	v10 =	vld [tilespmem:s19+$0xFFFFFFF0];
	_ =	sdelay $0x2  }
0x86: {  	v61 =	vor.u32 v6, v8;
	_ =	sdelay $0x1  }
0x87: {  	v9 =	vadd.f32 v9, v10;
	_ =	sdelay $0x1  }
0x88: {  	[tilespmem:v12+s13+$0x0] =	vst.idx.msk $0xffff, v9  }
0x89: {  	v9 =	vld.idx.msk [tilespmem:v61+s13+$0x0], $0xffff  }
0x8a: {  	v62 =	vld [tilespmem:s19+$0x0];
	_ =	sdelay $0x2  }
0x8b: {  	v8 =	vor.u32 v7, v8;
	_ =	sdelay $0x1  }
0x8c: {  	v9 =	vadd.f32 v9, v62;
	_ =	sdelay $0x1  }
0x8d: {  	[tilespmem:v61+s13+$0x0] =	vst.idx.msk $0xffff, v9  }
0x8e: {  	v9 =	vld.idx.msk [tilespmem:v8+s13+$0x0], $0xffff  }
0x8f: {  	v63 =	vld [tilespmem:s19+$0x10]  }
0x90: {  	s18 =	sadd.s32 $0x1, s18  }
0x91: {  	p0 =	sne.s32 s18, s17  }
.Ltmp5:
0x92: {  	_ = 	snop;
	(pc) =	sbr.rel @p0 .LBB2_4-.Ltmp5, $4  }
.Ltmp6:
0x93: {  	_ = 	snop;
	(pc) =	sbr.rel @!p0 .LBB2_7-.Ltmp6, $4  }
0x94: {  	v9 =	vadd.f32 v9, v63  }
0x95: {  	_ = 	snop  }
0x96: {  	[tilespmem:v8+s13+$0x0] =	vst.idx.msk $0xffff, v9  }
0x97: {  	_ = 	snop  }
.LBB2_8:
0x98: {  	_ =	sfence.sel $0x180000  }
0x99: {  	[bflag:$0x0] =	sbarrier.arrive $0xFFFF  }
0x9a: {  	p0 =	sne.s32 s1, $0x0;
	_ =	strace $0x90000065  }
0x9b: {  	s0 =	sadd.s32 @!p0 $0x100000, s0;
	[bflag:$0x2] =	sbarrier.arrive $0xFFFF  }
0x9c: {  	[sflag:s0] =	ssyncadd.tile.s32 @!p0 $0x1;
	_ =	shalt  }
.Lfunc_end2:
_tile_overlayer_lowered:
.L_overlay_start_2:
0x9d: {  	(tag) =	ssettag $0x2  }
0x9e: {  	s0 =	rddreg [dreg:$0x0];
	s2 =	stileid.u32  }
0x9f: {  	s1 =	rddreg [dreg:$0x1];
	p0 =	sne.s32 s2, $0x0  }
0xa0: {  	s3 =	rddreg [dreg:$0x2];
	[bflag:$0x3] =	sbarrier.arrive $0xFFFF;
	s2 =	simm.s32 @!p0 $0x1C01  }
0xa1: {  	[timem:s3], [sflag:s2] =	dma.local @!p0 [hbm:s0], s1  }
0xa2: {  	s0 =	simm.s32 @!p0 $0x1  }
0xa3: {  	_ =	swait.ge @!p0 [sflag:s0], s1  }
0xa4: {  	s1 =	ssub.s32 @!p0 $0x0, s1;
	[sflag:s0] =	ssyncset.done @!p0 $0x0  }
0xa5: {  	[sflag:s0] =	ssyncadd.s32 @!p0 s1  }
0xa6: {  	[bflag:$0x3] =	sbarrier.arrive $0xFFFF  }
0xa7: {  	_ =	shalt  }

// kernel: kernel.61.cloned.1.call-start
scs
__scs_entry_jumppad:
0x0: {  	(pc) =	sbr.rel $0x88, $3  }
0x1: {  	(tag) =	ssettag $0x0;
	lr =	simm.s32 $0x1  }
0x2: {  	[smem:$0x3F84] =	sst lr;
	_ =	strace $0xD0000000  }
0x3: {  	_ = 	snop  }
0x4: {  	_ = 	snop  }
0x5: {  	_ = 	snop  }
0x6: {  	_ = 	snop  }
0x7: {  	_ = 	snop  }
__scs_overlays_trampoline_lowered:
0x8: {  	[smem:$0x3F93] =	sst s0  }
0x9: {  	[smem:$0x3F94] =	sst s1  }
0xa: {  	[smem:$0x3F95] =	sst s2  }
0xb: {  	[smem:$0x3F96] =	sst s3  }
0xc: {  	[smem:$0x3F97] =	sst s4  }
0xd: {  	[smem:$0x3F98] =	sst s5  }
0xe: {  	[smem:$0x3F99] =	sst s6  }
0xf: {  	[smem:$0x3F9A] =	sst s7  }
0x10: {  	[smem:$0x3F9B] =	sst s8  }
0x11: {  	[smem:$0x3F9C] =	sst s9;
	s0 =	simm.s32 @!p0 $0x0  }
0x12: {  	s1 =	sld [smem:$0x3F82];
	s0 =	simm.s32 @p0 $0x1  }
0x13: {  	[smem:$0x3F9D] =	sst s0;
	s0 =	simm.s32 @!p1 $0x0  }
0x14: {  	s2 =	sld [smem:$0x3F81];
	s0 =	simm.s32 @p1 $0x1  }
0x15: {  	[smem:$0x3F9E] =	sst s0;
	s0 =	simm.s32 @!p2 $0x0  }
0x16: {  	s3 =	sld [smem:$0x3FDB];
	s0 =	simm.s32 @p2 $0x1  }
0x17: {  	s4 =	simm.s32 $0x1BF5;
	[smem:$0x3FA0] =	sst s0  }
0x18: {  	s0 =	sld [smem:$0x3F83];
	_ =	swait.ge [sflag:s4], $0x0  }
0x19: {  	s7 =	sld [smem:$0x3F84]  }
0x1a: {  	s8 =	sadd.s32 $0xFFFFE003, lr  }
0x1b: {  	s9 =	sadd.s32 $0xFFFFFEF7, lr;
	s5 =	simm.s32 $0xFFFFFFFF;
	p2 =	slt.u32 s8, $0xFFFFF086  }
0x1c: {  	p1 =	slt.u32 s9, $0xF7A;
	s5 =	simm.s32 @!p2 $0x0  }
0x1d: {  	s5 =	simm.s32 @p1 $0x1;
	p0 =	seq.s32 s7, s2  }
0x1e: {  	s7 =	smul.u32 @!p0 $0xF7A, s2;
	p2 =	seq.s32 @!p0 s5, $0x0  }
0x1f: {  	s9 =	smul.u32 $0xF7A, s1;
	s8 =	simm.s32 @!p0 $0x1BF5;
	p2 =	por !p2, p0  }
0x20: {  	[sflag:s8] =	ssyncset.s32 @!p0 $0xFFFFF086;
	s6 =	sadd.s32 @!p0 s3, s7;
	s7 =	simm.s32 @!p0 $0x108  }
0x21: {  	s3 =	sadd.s32 s3, s9;
	s6 =	sadd.s32 @!p0 $0x88, s6;
	s7 =	simm.s32 @p2 $0x1082  }
0x22: {  	[simem:s7], [sflag:s8] =	dma.local @!p0 [hbm:s6], $0xF7A  }
0x23: {  	s9 =	sor.u32 $0xD0000000, s2;
	s6 =	simm.s32 $0x108;
	_ =	swait.ge @!p0 [sflag:s8], $0x0  }
0x24: {  	s3 =	sadd.s32 $0x88, s3;
	s6 =	simm.s32 @!p1 $0x1082;
	[sflag:s4] =	ssyncset.s32 $0xFFFFF086  }
0x25: {  	[simem:s6], [sflag:s4] =	dma.local [hbm:s3], $0xF7A  }
0x26: {  	[smem:$0x3F84] =	sst s1;
	(tag) =	ssettag s2;
	_ =	strace s9  }
0x27: {  	s1 =	sld [smem:$0x3F94]  }
0x28: {  	s2 =	sld [smem:$0x3F95]  }
0x29: {  	s4 =	sld [smem:$0x3F97]  }
0x2a: {  	p0 =	seq.s32 s5, $0x0;
	s5 =	sld [smem:$0x3F98]  }
0x2b: {  	s6 =	sld [smem:$0x3F99]  }
0x2c: {  	s7 =	sld [smem:$0x3F9A]  }
0x2d: {  	s3 =	simm.s32 $0x108;
	s8 =	sld [smem:$0x3F9B]  }
0x2e: {  	s3 =	simm.s32 @!p0 $0x1082;
	s9 =	sld [smem:$0x3F9C]  }
0x2f: {  	lr =	sadd.s32 s0, s3;
	s0 =	sld [smem:$0x3F93]  }
0x30: {  	s3 =	sld [smem:$0x3F96]  }
0x31: {  	[smem:$0x3F9F] =	sst s10  }
0x32: {  	s10 =	sld [smem:$0x3F9D];
	_ =	sdelay $0x3  }
0x33: {  	p0 =	seq.s32 s10, $0x1;
	s10 =	sld [smem:$0x3F9F];
	_ =	sdelay $0x3  }
0x34: {  	[smem:$0x3F9F] =	sst s10  }
0x35: {  	s10 =	sld [smem:$0x3F9E];
	_ =	sdelay $0x3  }
0x36: {  	p1 =	seq.s32 s10, $0x1;
	s10 =	sld [smem:$0x3F9F];
	_ =	sdelay $0x3  }
0x37: {  	[smem:$0x3F9F] =	sst s10  }
0x38: {  	s10 =	sld [smem:$0x3FA0]  }
0x39: {  	_ = 	snop;
	(pc) =	sbr.ind lr, $3  }
0x3a: {  	_ = 	snop  }
0x3b: {  	_ = 	snop  }
0x3c: {  	p2 =	seq.s32 s10, $0x1;
	s10 =	sld [smem:$0x3F9F]  }
0x3d: {  	_ =	shalt  }
0x3e: {  	_ =	shalt  }
0x3f: {  	_ =	shalt  }
0x40: {  	_ =	shalt  }
0x41: {  	_ =	shalt  }
0x42: {  	_ =	shalt  }
0x43: {  	_ =	shalt  }
0x44: {  	_ =	shalt  }
0x45: {  	_ =	shalt  }
0x46: {  	_ =	shalt  }
0x47: {  	_ =	shalt  }
0x48: {  	_ =	shalt  }
0x49: {  	_ =	shalt  }
0x4a: {  	_ =	shalt  }
0x4b: {  	_ =	shalt  }
0x4c: {  	_ =	shalt  }
0x4d: {  	_ =	shalt  }
0x4e: {  	_ =	shalt  }
0x4f: {  	_ =	shalt  }
0x50: {  	_ =	shalt  }
0x51: {  	_ =	shalt  }
0x52: {  	_ =	shalt  }
0x53: {  	_ =	shalt  }
0x54: {  	_ =	shalt  }
0x55: {  	_ =	shalt  }
0x56: {  	_ =	shalt  }
0x57: {  	_ =	shalt  }
0x58: {  	_ =	shalt  }
0x59: {  	_ =	shalt  }
0x5a: {  	_ =	shalt  }
0x5b: {  	_ =	shalt  }
0x5c: {  	_ =	shalt  }
0x5d: {  	_ =	shalt  }
0x5e: {  	_ =	shalt  }
0x5f: {  	_ =	shalt  }
0x60: {  	_ =	shalt  }
0x61: {  	_ =	shalt  }
0x62: {  	_ =	shalt  }
0x63: {  	_ =	shalt  }
0x64: {  	_ =	shalt  }
0x65: {  	_ =	shalt  }
0x66: {  	_ =	shalt  }
0x67: {  	_ =	shalt  }
0x68: {  	_ =	shalt  }
0x69: {  	_ =	shalt  }
0x6a: {  	_ =	shalt  }
0x6b: {  	_ =	shalt  }
0x6c: {  	_ =	shalt  }
0x6d: {  	_ =	shalt  }
0x6e: {  	_ =	shalt  }
0x6f: {  	_ =	shalt  }
0x70: {  	_ =	shalt  }
0x71: {  	_ =	shalt  }
0x72: {  	_ =	shalt  }
0x73: {  	_ =	shalt  }
0x74: {  	_ =	shalt  }
0x75: {  	_ =	shalt  }
0x76: {  	_ =	shalt  }
0x77: {  	_ =	shalt  }
0x78: {  	_ =	shalt  }
0x79: {  	_ =	shalt  }
0x7a: {  	_ =	shalt  }
0x7b: {  	_ =	shalt  }
0x7c: {  	_ =	shalt  }
0x7d: {  	_ =	shalt  }
0x7e: {  	_ =	shalt  }
0x7f: {  	_ =	shalt  }
0x80: {  	_ =	shalt  }
0x81: {  	_ =	shalt  }
0x82: {  	_ =	shalt  }
0x83: {  	_ =	shalt  }
0x84: {  	_ =	shalt  }
0x85: {  	_ =	shalt  }
0x86: {  	_ =	shalt  }
0x87: {  	_ =	shalt  }
.Lfunc_end0:
.L_simem_size_0:
called_computation.11_lowered:
.L_overlay_start_0:
0x88: {  	s2 =	sld [smem:$0x3FD9]  }
0x89: {  	s3 =	sld [smem:$0x3FFE];
	_ =	sdelay $0x1  }
0x8a: {  	s1 =	srdreg.scid  }
0x8b: {  	s0 =	sand.u32 $0x1, s1  }
0x8c: {  	s16 =	sshll.u32 s0, $0xA;
	s2 =	sadd.s32 s3, s2  }
0x8d: {  	s2 =	sadd.s32 s2, s16  }
0x8e: {  	[smem:$0x3FAB] =	sst s2  }
0x8f: {  	_ = 	snop  }
0x90: {  	(tm) =	ssettm $0x1  }
0x91: {  	s17 =	sld [smem:$0x3FFB];
	_ =	sdelay $0x3  }
0x92: {  	_ =	strace s17  }
0x93: {  	s2 =	sld [smem:$0x3FFC];
	_ =	sdelay $0x3  }
0x94: {  	_ =	strace s2  }
0x95: {  	s2 =	sld [smem:$0x3FFD];
	_ =	sdelay $0x3  }
0x96: {  	_ =	strace s2  }
0x97: {  	_ =	strace $0x8FFFFFFF  }
0x98: {  	s18 =	sld [smem:$0x3FDB];
	_ =	sdelay $0x1  }
0x99: {  	s19 =	simm.s32 $_scs_section_size  }
0x9a: {  	s4 =	simm.s32 $_size__tile_overlayer_lowered;
	s5 =	simm.s32 $_tile_overlayer_lowered  }
0x9b: {  	s22 =	simm.s32 $0x1BFF;
	s21 =	sshll.u32 s5, $0x1;
	s2 =	sadd.s32 s19, s18  }
0x9c: {  	s6 =	simm.s32 $0x0;
	s20 =	sshll.u32 s4, $0x1;
	s4 =	sadd.s32 s21, s2  }
0x9d: {  	[timem:s6], [sflag:s22] =	dma.local [hbm:s4], s20  }
0x9e: {  	_ =	swait.ge [sflag:s22], s20  }
0x9f: {  	s3 =	ssub.s32 $0x0, s20;
	[sflag:s22] =	ssyncset.done $0x0  }
0xa0: {  	[sflag:s22] =	ssyncadd.s32 s3;
	_ =	sdelay $0x1  }
0xa1: {  	s23 =	simm.s32 $0x1B8B  }
0xa2: {  	_ =	swait.ge [sflag:s23], $0x1  }
0xa3: {  	[sflag:s23] =	ssyncset.done $0x0  }
0xa4: {  	s25 =	simm.s32 $0x1B8E;
	s24 =	sld [smem:$0x3FFE];
	[sflag:s23] =	ssyncadd.s32 $0xFFFFFFFF  }
0xa5: {  	s26 =	simm.s32 $execute0_lowered;
	[smem:$0x3FD2] =	sst s25  }
0xa6: {  	s4 =	sshll.u32 s26, $0x1;
	_ =	strace $0x80000067;
	[dreg:$0x1] =	wrdreg $0xFFFFFFFF  }
0xa7: {  	s28 =	simm.s32 $_size_execute0_lowered;
	s2 =	sadd.s32 s2, s4;
	[dreg:$0x0] =	wrdreg $0x0  }
0xa8: {  	s4 =	sshll.u32 s28, $0x1;
	[dreg:$0x2] =	wrdreg s2  }
0xa9: {  	[dreg:$0x3] =	wrdreg s4  }
0xaa: {  	[dreg:$0x4] =	wrdreg $0xC0  }
0xab: {  	_ =	task [dreg:s6], $0x5FFFF  }
0xac: {  	[dreg:$0x1] =	wrdreg $0xFFFFFFFF  }
0xad: {  	[dreg:$0x0] =	wrdreg $0x60  }
0xae: {  	[dreg:$0x2] =	wrdreg s24  }
0xaf: {  	[dreg:$0x3] =	wrdreg $0x9  }
0xb0: {  	_ =	task.clear_ibuf [dreg:s6], $0x4FFFF;
	_ =	strace $0x90000067  }
0xb1: {  	s29 =	simm.s32 $0x9;
	_ =	strace $0x80000069  }
0xb2: {  	_ =	swait.ge [sflag:s29], $0x1  }
0xb3: {  	[sflag:s29] =	ssyncadd.s32 $0xFFFFFFFF  }
0xb4: {  	_ =	strace $0x90000069  }
0xb5: {  	_ =	sfence  }
0xb6: {  	s30 =	sld [smem:$0x0];
	_ =	sdelay $0x2  }
0xb7: {  	s31 =	sshll.u32 s1, $0xD;
	s1 =	sshrl.u32 s1, $0x2  }
0xb8: {  	s3 =	sand.u32 $0x4000, s31;
	s1 =	sadd.s32 s1, s30  }
0xb9: {  	s0 =	sor.u32 s3, s0;
	s1 =	sshll.u32 s1, $0x11  }
0xba: {  	s0 =	sor.u32 s1, s0  }
0xbb: {  	s0 =	sadd.s32 $0x8F2B, s0  }
0xbc: {  	[sflag:s0] =	ssyncadd.remote.s32 $0x1  }
0xbd: {  	_ =	sfence.sel $0xFFFF  }
0xbe: {  	[dreg:$0x0] =	wrdreg $0xFFFFFFFF;
	(pc) =	sbr.abs _section_cstart, $3  }
0xbf: {  	[dreg:$0x1] =	wrdreg $0xFFFFFFFF  }
0xc0: {  	_ =	task.clear_ibuf [dreg:s6], $0x2FFFF;
	_ =	strace $0x9FFFFFFF  }
0xc1: {  	(tm) =	ssettm $0x7FFFFFFF  }
tec
execute0_lowered:
.L_overlay_start_1:
0x0: {  	(tag) =	ssettag $0x1  }
0x1: {  	s1 =	srdreg.scid  }
0x2: {  	s0 =	stileid.u32;
	s3 =	rddreg [dreg:$0x0]  }
0x3: {  	s2 =	simm.s32 $0x0;
	s4 =	sand.u32 $0x1, s1;
	s5 =	sshll.u32 s0, $0x1  }
0x4: {  	s9 =	simm.s32 $0x5140;
	s1 =	rddreg [dreg:$0x1];
	s5 =	sor.u32 s4, s5  }
0x5: {  	s10 =	simm.s32 $0x0;
	[smem:$0x7FF] =	sst s2;
	s6 =	smul.u32 $0xA00, s5  }
0x6: {  	s4 =	ssub.s32 $0x2, s4;
	s7 =	smul.u32 $0x28, s5;
	s5 =	sshll.u32 s5, $0xC  }
0x7: {  	_ =	strace $0x80000068;
	s31 =	sshrl.u32 s4, $0x1;
	s5 =	sadd.s32 s5, s3  }
0x8: {  	s8 =	ssub.s32 s4, s31;
	s6 =	sadd.s32 s6, s3;
	s7 =	sadd.s32 s7, s3  }
0x9: {  	v0 =	vimm.f32 $-Inf;
	v1 =	vlaneseq.u32;
	s5 =	sadd.s32 $0xC400, s5;
	s3 =	sadd.s32 $0x48E00, s6;
	s4 =	sadd.s32 $0x48800, s7  }
0xa: {  	v2 =	vor.u32 $0x10, v1;
	v3 =	vor.u32 $0x20, v1;
	v4 =	vor.u32 $0x30, v1;
	s6 =	smax.u32 s8, $0x1;
	s7 =	simm.s32 $0x1;
	s8 =	simm.s32 $0x5000  }
.LBB2_1:
0xb: {  	[tilespmem:s2], [sflag:$0x1] =	stream.linear.gather [hbm4b:s3+s2], $0x5000, $0x38;
	[tilespmem:$0xD340] =	vst v63  }
0xc: {  	_ =	swait.ge [sflag:s7], $0x5000  }
0xd: {  	[sflag:s7] =	ssyncset.done $0x0  }
0xe: {  	[sflag:s7] =	ssyncadd.s32 $0xFFFFB000  }
0xf: {  	[tilespmem:s8], [sflag:$0x1] =	stream.linear.gather [hbm4b:s4+s2], $0x140, $0x38;
	[tilespmem:$0xD340] =	vst v63  }
0x10: {  	_ =	swait.ge [sflag:s7], $0x140  }
0x11: {  	[sflag:s7] =	ssyncset.done $0x0  }
0x12: {  	s11 =	simm.s32 $0x0;
	[sflag:s7] =	ssyncadd.s32 $0xFFFFFEC0  }
.LBB2_2:
0x13: {  	p0 =	sne.s32 s11, $0x20700  }
.Ltmp0:
0x14: {  	s12 =	sshra.s32 s11, $0x2;
	(pc) =	sbr.rel @p0 .LBB2_2-.Ltmp0, $4  }
0x15: {  	[tilespmem:s12+$0x5140] =	vst v0  }
0x16: {  	[tilespmem:s12+$0x5150] =	vst v0  }
0x17: {  	[tilespmem:s12+$0x5160] =	vst v0  }
0x18: {  	s11 =	sadd.s32 $0x100, s11;
	[tilespmem:s12+$0x5170] =	vst v0  }
0x19: {  	s11 =	simm.s32 $0x0  }
0x1a: {  	v5 =	vmov s11;
	_ =	sdelay $0x4  }
0x1b: {  	v5 =	vld.idx.msk [tilespmem:v5+s8+$0x0], $0xffff;
	_ =	sdelay $0x4  }
0x1c: {  	v5 =	vshll.u32 v5, $0x6  }
0x1d: {  	v6 =	vor.u32 v1, v5;
	_ =	sdelay $0x2  }
0x1e: {  	s11 =	simm.s32 $0x20  }
0x1f: {  	v8 =	vld [tilespmem:s11+$0xFFFFFFE0]  }
0x20: {  	v7 =	vld.idx.msk [tilespmem:v6+s9+$0x0], $0xffff;
	_ =	sdelay $0x1  }
0x21: {  	v9 =	vor.u32 v2, v5;
	_ =	sdelay $0x2  }
0x22: {  	v7 =	vmax.f32 v7, v8  }
0x23: {  	[tilespmem:v6+s9+$0x0] =	vst.idx.msk $0xffff, v7  }
0x24: {  	v6 =	vld.idx.msk [tilespmem:v9+s9+$0x0], $0xffff  }
0x25: {  	v7 =	vld [tilespmem:s11+$0xFFFFFFF0];
	_ =	sdelay $0x1  }
0x26: {  	v8 =	vor.u32 v3, v5;
	_ =	sdelay $0x2  }
0x27: {  	v6 =	vmax.f32 v6, v7  }
0x28: {  	[tilespmem:v9+s9+$0x0] =	vst.idx.msk $0xffff, v6  }
0x29: {  	v6 =	vld.idx.msk [tilespmem:v8+s9+$0x0], $0xffff  }
0x2a: {  	v7 =	vld [tilespmem:s11+$0x0];
	_ =	sdelay $0x1  }
0x2b: {  	v5 =	vor.u32 v4, v5;
	_ =	sdelay $0x2  }
0x2c: {  	v6 =	vmax.f32 v6, v7  }
0x2d: {  	[tilespmem:v8+s9+$0x0] =	vst.idx.msk $0xffff, v6  }
0x2e: {  	v7 =	vld.idx.msk [tilespmem:v5+s9+$0x0], $0xffff  }
0x2f: {  	v8 =	vld [tilespmem:s11+$0x10];
	_ =	sdelay $0x1  }
0x30: {  	s13 =	simm.s32 $0x1  }
0x31: {  	v6 =	vmov s13;
	_ =	sdelay $0x1  }
0x32: {  	s12 =	simm.s32 $0x2;
	v7 =	vmax.f32 v7, v8  }
.LBB2_4:
0x33: {  	p0 =	sne.s32 s12, $0x13F  }
0x34: {  	[tilespmem:v5+s9+$0x0] =	vst.idx.msk $0xffff, v7;
	s11 =	sadd.s32 $0x40, s11;
	s13 =	smov.u32 s12;
	s12 =	sadd.s32 $0x1, s12  }
0x35: {  	v5 =	vld.idx.msk [tilespmem:v6+s8+$0x0], $0xffff;
	_ =	sdelay $0x5  }
0x36: {  	v5 =	vshll.u32 v5, $0x6  }
0x37: {  	v6 =	vor.u32 v1, v5;
	_ =	sdelay $0x4  }
0x38: {  	v7 =	vld.idx.msk [tilespmem:v6+s9+$0x0], $0xffff  }
0x39: {  	v8 =	vld [tilespmem:s11+$0xFFFFFFE0];
	_ =	sdelay $0x1  }
0x3a: {  	v9 =	vor.u32 v2, v5;
	_ =	sdelay $0x2  }
0x3b: {  	v7 =	vmax.f32 v7, v8  }
0x3c: {  	[tilespmem:v6+s9+$0x0] =	vst.idx.msk $0xffff, v7  }
0x3d: {  	v6 =	vld.idx.msk [tilespmem:v9+s9+$0x0], $0xffff  }
0x3e: {  	v7 =	vld [tilespmem:s11+$0xFFFFFFF0];
	_ =	sdelay $0x1  }
0x3f: {  	v8 =	vor.u32 v3, v5;
	_ =	sdelay $0x2  }
0x40: {  	v6 =	vmax.f32 v6, v7  }
0x41: {  	[tilespmem:v9+s9+$0x0] =	vst.idx.msk $0xffff, v6  }
0x42: {  	v6 =	vld.idx.msk [tilespmem:v8+s9+$0x0], $0xffff  }
0x43: {  	v7 =	vld [tilespmem:s11+$0x0];
	_ =	sdelay $0x1  }
0x44: {  	v5 =	vor.u32 v4, v5;
	_ =	sdelay $0x2  }
0x45: {  	v6 =	vmax.f32 v6, v7  }
0x46: {  	[tilespmem:v8+s9+$0x0] =	vst.idx.msk $0xffff, v6  }
0x47: {  	v7 =	vld.idx.msk [tilespmem:v5+s9+$0x0], $0xffff  }
0x48: {  	v8 =	vld [tilespmem:s11+$0x10]  }
.Ltmp1:
0x49: {  	(pc) =	sbr.rel @p0 .LBB2_4-.Ltmp1, $2  }
0x4a: {  	v6 =	vmov s13;
	_ =	sdelay $0x2  }
0x4b: {  	v7 =	vmax.f32 v7, v8  }
0x4c: {  	_ =	sdelay $0x3  }
0x4d: {  	[tilespmem:v5+s9+$0x0] =	vst.idx.msk $0xffff, v7  }
0x4e: {  	v5 =	vld.idx.msk [tilespmem:v6+s8+$0x0], $0xffff;
	_ =	sdelay $0x4  }
0x4f: {  	v5 =	vshll.u32 v5, $0x6  }
0x50: {  	v6 =	vor.u32 v1, v5;
	_ =	sdelay $0x2  }
0x51: {  	s11 =	sadd.s32 $0x40, s11  }
0x52: {  	v8 =	vld [tilespmem:s11+$0xFFFFFFE0]  }
0x53: {  	v7 =	vld.idx.msk [tilespmem:v6+s9+$0x0], $0xffff;
	_ =	sdelay $0x1  }
0x54: {  	v9 =	vor.u32 v2, v5;
	_ =	sdelay $0x2  }
0x55: {  	v7 =	vmax.f32 v7, v8  }
0x56: {  	[tilespmem:v6+s9+$0x0] =	vst.idx.msk $0xffff, v7  }
0x57: {  	v6 =	vld.idx.msk [tilespmem:v9+s9+$0x0], $0xffff  }
0x58: {  	v7 =	vld [tilespmem:s11+$0xFFFFFFF0];
	_ =	sdelay $0x1  }
0x59: {  	v63 =	vor.u32 v3, v5;
	_ =	sdelay $0x2  }
0x5a: {  	v6 =	vmax.f32 v6, v7  }
0x5b: {  	[tilespmem:v9+s9+$0x0] =	vst.idx.msk $0xffff, v6  }
0x5c: {  	v6 =	vld.idx.msk [tilespmem:v63+s9+$0x0], $0xffff  }
0x5d: {  	v7 =	vld [tilespmem:s11+$0x0];
	_ =	sdelay $0x1  }
0x5e: {  	v5 =	vor.u32 v4, v5;
	_ =	sdelay $0x2  }
0x5f: {  	v6 =	vmax.f32 v6, v7  }
0x60: {  	[tilespmem:v63+s9+$0x0] =	vst.idx.msk $0xffff, v6  }
0x61: {  	v6 =	vld.idx.msk [tilespmem:v5+s9+$0x0], $0xffff  }
0x62: {  	v7 =	vld [tilespmem:s11+$0x10];
	_ =	sdelay $0x3  }
0x63: {  	s10 =	sadd.s32 $0x1, s10  }
0x64: {  	p0 =	sne.s32 s10, s6;
	v6 =	vmax.f32 v6, v7  }
.Ltmp2:
0x65: {  	[tilespmem:v5+s9+$0x0] =	vst.idx.msk $0xffff, v6;
	(pc) =	sbr.rel @p0 .LBB2_1-.Ltmp2, $4  }
0x66: {  	[hbm4b:s5+s2] =	stream.linear.scatter [tilespmem:s9], [sflag:$0x1], $0x8000, $0x38;
	[tilespmem:$0xD340] =	vst v63  }
0x67: {  	_ =	swait.ge [sflag:s7], $0x8000  }
0x68: {  	[sflag:s7] =	ssyncset.done $0x0  }
0x69: {  	[sflag:s7] =	ssyncadd.s32 $0xFFFF8000  }
0x6a: {  	_ =	sfence.sel $0x180000  }
0x6b: {  	[bflag:$0x0] =	sbarrier.arrive $0xFFFF  }
0x6c: {  	p0 =	sne.s32 s0, $0x0;
	_ =	strace $0x90000068  }
0x6d: {  	s0 =	sadd.s32 @!p0 $0x100000, s1;
	[bflag:$0x2] =	sbarrier.arrive $0xFFFF  }
0x6e: {  	[sflag:s0] =	ssyncadd.tile.s32 @!p0 $0x1;
	_ =	shalt  }
.Lfunc_end2:
_tile_overlayer_lowered:
.L_overlay_start_2:
0x6f: {  	(tag) =	ssettag $0x2  }
0x70: {  	s0 =	rddreg [dreg:$0x0];
	s2 =	stileid.u32  }
0x71: {  	s1 =	rddreg [dreg:$0x1];
	p0 =	sne.s32 s2, $0x0  }
0x72: {  	s3 =	rddreg [dreg:$0x2];
	[bflag:$0x3] =	sbarrier.arrive $0xFFFF;
	s2 =	simm.s32 @!p0 $0x1C01  }
0x73: {  	[timem:s3], [sflag:s2] =	dma.local @!p0 [hbm:s0], s1  }
0x74: {  	s0 =	simm.s32 @!p0 $0x1  }
0x75: {  	_ =	swait.ge @!p0 [sflag:s0], s1  }
0x76: {  	s1 =	ssub.s32 @!p0 $0x0, s1;
	[sflag:s0] =	ssyncset.done @!p0 $0x0  }
0x77: {  	[sflag:s0] =	ssyncadd.s32 @!p0 s1  }
0x78: {  	[bflag:$0x3] =	sbarrier.arrive $0xFFFF  }
0x79: {  	_ =	shalt  }

</sc_bundles>
